<compile_context>
chip_gen: v7x
topology: tpu7x:2x2x1
jax: 0.10.2.dev20260603
libtpu: 0.0.44.dev20260713+nightly
codegen_flags: <defaults>
</compile_context>

<pallas_src>
import functools

import jax
import jax.numpy as jnp
from jax import lax
from jax.experimental import pallas as pl
from jax.experimental.pallas import tpu as pltpu
from jax.experimental.pallas import tpu_sc as plsc

_NGRAM_ORDERS = [2, 3]
_NUM_HEADS = 4
_NUM_LOOKUPS = 8
_BUCKET = 100003
_HEAD_DIM = 64
_B, _L = 4, 2048
_TOKENS = _B * _L
_NW = 32
_TPW = _TOKENS // _NW
_ROWS_PW = _TPW * _NUM_LOOKUPS
_GCHUNK = 128
_NCHUNK = _ROWS_PW // _GCHUNK
_POW24_MOD = 76715
_RBM = 512
_RPAD = 100352


def _pad_body(in_ref, out_ref):
    x = in_ref[0]
    out_ref[0] = jnp.concatenate([x, x], axis=-1)


def _pad_tables(tables):
    return pl.pallas_call(
        _pad_body,
        grid=(_NUM_LOOKUPS, _RPAD // _RBM),
        in_specs=[pl.BlockSpec((1, _RBM, 64),
                               lambda i, j: (i, j, jnp.int32(0)))],
        out_specs=pl.BlockSpec((1, _RBM, 128),
                               lambda i, j: (i, j, jnp.int32(0))),
        out_shape=jax.ShapeDtypeStruct((_NUM_LOOKUPS, _RPAD, 128),
                                       jnp.float32),
    )(tables)


def _bf16_rne(xf):
    u = plsc.bitcast(xf, jnp.int32)
    u = (u + 0x7FFF + ((u >> 16) & 1)) & ~jnp.int32(0xFFFF)
    return plsc.bitcast(u, jnp.float32)


def _hash_mod(h):
    a = (h * jnp.float32(1.0 / 16777216.0)).astype(jnp.int32)
    b = (h - a.astype(jnp.float32) * jnp.float32(16777216.0)).astype(jnp.int32)
    v = a * _POW24_MOD + b
    return v % _BUCKET


def _sc_engram_gather(ids_pad, vm, hw_bf, ftab):
    mesh = plsc.VectorSubcoreMesh(core_axis_name="c", subcore_axis_name="s")

    @functools.partial(
        pl.kernel,
        mesh=mesh,
        compiler_params=pltpu.CompilerParams(needs_layout_passes=False,
                                             use_tc_tiling_on_sc=True),
        out_type=jax.ShapeDtypeStruct((_TOKENS * _NUM_LOOKUPS, 128),
                                      jnp.float32),
        scratch_types=[
            pltpu.VMEM((_TPW + 8,), jnp.int32),
            pltpu.VMEM((_TPW + 8,), jnp.int32),
            pltpu.VMEM((128,), jnp.float32),
            pltpu.VMEM((_NCHUNK, _GCHUNK), jnp.int32),
            pltpu.VMEM((_GCHUNK, 128), jnp.float32),
            pltpu.VMEM((_GCHUNK, 128), jnp.float32),
            pltpu.SemaphoreType.DMA,
            pltpu.SemaphoreType.DMA,
            pltpu.SemaphoreType.DMA,
            pltpu.SemaphoreType.DMA,
            pltpu.SemaphoreType.DMA,
        ],
    )
    def k(ids_hbm, vm_hbm, hw_hbm, tab_hbm, out_hbm,
          ids_v, canon_v, hw_v, idx_v, buf0, buf1,
          sem_c, sem_g0, sem_g1, sem_o0, sem_o1):
        wid = lax.axis_index("s") * 2 + lax.axis_index("c")
        tok_base = wid * _TPW

        pltpu.sync_copy(ids_hbm.at[pl.ds(tok_base, _TPW + 8)], ids_v)
        pltpu.sync_copy(hw_hbm, hw_v)
        c0 = pltpu.async_copy(vm_hbm.at[ids_v.at[pl.ds(0, 128)]],
                              canon_v.at[pl.ds(0, 128)], sem_c)
        c1 = pltpu.async_copy(vm_hbm.at[ids_v.at[pl.ds(128, 128)]],
                              canon_v.at[pl.ds(128, 128)], sem_c)
        c2 = pltpu.async_copy(vm_hbm.at[ids_v.at[pl.ds(256, 8)]],
                              canon_v.at[pl.ds(256, 8)], sem_c)
        c0.wait()
        c1.wait()
        c2.wait()

        lane = lax.iota(jnp.int32, 16)
        wv = [plsc.load_gather(hw_v, [jnp.full((16,), j + 8, jnp.int32)])
              for j in range(24)]
        row_off = (wid % (_L // _TPW)) * _TPW

        def hash_group(g, carry):
            goff = jnp.full((16,), g * 16, jnp.int32)
            i2 = lane + goff + 8
            x2 = plsc.load_gather(canon_v, [i2])
            x1 = plsc.load_gather(canon_v, [i2 - 1])
            x0 = plsc.load_gather(canon_v, [i2 - 2])
            tmod = lane + goff + row_off
            zero = jnp.zeros((16,), jnp.int32)
            x1 = jnp.where(tmod >= 1, x1, zero)
            x0 = jnp.where(tmod >= 2, x0, zero)
            xf2 = _bf16_rne(x2.astype(jnp.float32))
            xf1 = _bf16_rne(x1.astype(jnp.float32))
            xf0 = _bf16_rne(x0.astype(jnp.float32))
            grow = jnp.full((16,), g, jnp.int32)
            col = lane * _NUM_LOOKUPS
            ti = 0
            for n in _NGRAM_ORDERS:
                xs = (xf1, xf2) if n == 2 else (xf0, xf1, xf2)
                for _h in range(_NUM_HEADS):
                    w = wv[3 * ti:3 * ti + n]
                    acc_hi = jnp.zeros((16,), jnp.int32)
                    acc_lo = jnp.zeros((16,), jnp.int32)
                    for i in range(n):
                        p = xs[i] * w[i]
                        a = (p * jnp.float32(1.0 / 65536.0)).astype(jnp.int32)
                        bl = (p - a.astype(jnp.float32)
                              * jnp.float32(65536.0)).astype(jnp.int32)
                        acc_hi = acc_hi + a
                        acc_lo = acc_lo + bl
                    h = (acc_hi.astype(jnp.float32) * jnp.float32(65536.0)
                         + acc_lo.astype(jnp.float32))
                    bidx = _hash_mod(h) + ti * _RPAD
                    plsc.store_scatter(idx_v, [grow, col + ti], bidx)
                    ti += 1
            return carry

        lax.fori_loop(jnp.int32(0), jnp.int32(_TPW // 16), hash_group,
                      jnp.int32(0))

        out_base = wid * _ROWS_PW
        bufs = (buf0, buf1)
        gsems = (sem_g0, sem_g1)
        osems = (sem_o0, sem_o1)
        gcopies = [None, None]
        ocopies = [None, None]
        gcopies[0] = pltpu.async_copy(tab_hbm.at[idx_v.at[jnp.int32(0)]],
                                      bufs[0], gsems[0])
        for c in range(_NCHUNK):
            b = c & 1
            nb = 1 - b
            if c + 1 < _NCHUNK:
                if ocopies[nb] is not None:
                    ocopies[nb].wait()
                gcopies[nb] = pltpu.async_copy(
                    tab_hbm.at[idx_v.at[jnp.int32(c + 1)]], bufs[nb],
                    gsems[nb])
            gcopies[b].wait()
            ocopies[b] = pltpu.async_copy(
                bufs[b], out_hbm.at[pl.ds(out_base + c * _GCHUNK, _GCHUNK)],
                osems[b])
        ocopies[0].wait()
        ocopies[1].wait()

    return k(ids_pad, vm, hw_bf, ftab)


_TL = 512
_NT = _L // _TL


def _tc_body(mr_ref, hs_ref, gw_ref, vw_ref, nw_ref, cw_ref, cb_ref,
             out_ref, tail_ref):
    j = pl.program_id(1)
    mrb = mr_ref[0]
    mr = jnp.concatenate([mrb[:, i, 0:_HEAD_DIM] for i in range(_NUM_LOOKUPS)],
                         axis=-1)
    hs = hs_ref[0]
    nw = nw_ref[...]
    mr16 = mr.astype(jnp.bfloat16)
    key = jnp.dot(mr16, gw_ref[...], preferred_element_type=jnp.float32)
    key = key * lax.rsqrt(jnp.mean(key * key, axis=-1, keepdims=True)
                          + 1e-6) * nw
    q = hs * lax.rsqrt(jnp.mean(hs * hs, axis=-1, keepdims=True) + 1e-6) * nw
    score = jnp.sum(q * key, axis=-1, keepdims=True)
    val = jnp.dot(mr16, vw_ref[...], preferred_element_type=jnp.float32)
    g = jax.nn.sigmoid(score) * val
    prev = jnp.where(j == 0, 0.0, tail_ref[...])
    gext = jnp.concatenate([prev[5:8], g], axis=0)
    co = (cb_ref[...]
          + cw_ref[0:1] * gext[0:_TL]
          + cw_ref[1:2] * gext[1:_TL + 1]
          + cw_ref[2:3] * gext[2:_TL + 2]
          + cw_ref[3:4] * g)
    out_ref[0] = co * jax.nn.sigmoid(co) + g
    tail_ref[...] = g[_TL - 8:_TL]


def _tc_dense(mr2, hs, gw_t, vw_t, nw, cw, cb):
    return pl.pallas_call(
        _tc_body,
        grid=(_B, _NT),
        in_specs=[
            pl.BlockSpec((1, _TL, _NUM_LOOKUPS, 128),
                         lambda b, j: (b, j, jnp.int32(0), jnp.int32(0))),
            pl.BlockSpec((1, _TL, 1024), lambda b, j: (b, j, jnp.int32(0))),
            pl.BlockSpec((512, 1024), lambda b, j: (jnp.int32(0), jnp.int32(0))),
            pl.BlockSpec((512, 1024), lambda b, j: (jnp.int32(0), jnp.int32(0))),
            pl.BlockSpec((1, 1024), lambda b, j: (jnp.int32(0), jnp.int32(0))),
            pl.BlockSpec((4, 1024), lambda b, j: (jnp.int32(0), jnp.int32(0))),
            pl.BlockSpec((1, 1024), lambda b, j: (jnp.int32(0), jnp.int32(0))),
        ],
        out_specs=pl.BlockSpec((1, _TL, 1024), lambda b, j: (b, j, jnp.int32(0))),
        out_shape=jax.ShapeDtypeStruct((_B, _L, 1024), jnp.float32),
        scratch_shapes=[pltpu.VMEM((8, 1024), jnp.float32)],
    )(mr2, hs, gw_t, vw_t, nw, cw, cb)


def kernel(input_ids, hidden_state, vocab_map, hash_weights, tables,
           gate_W, value_W, norm_w, conv_W, conv_b):
    ids = input_ids.reshape(-1).astype(jnp.int32)
    ids_pad = jnp.pad(ids, (8, 0))
    vm = vocab_map.astype(jnp.int32)
    hw_bf = (hash_weights.astype(jnp.float32).astype(jnp.bfloat16)
             .astype(jnp.float32))
    hw_pad = jnp.pad(hw_bf.reshape(-1), (8, 128 - 3 * _NUM_LOOKUPS - 8))
    ftab = _pad_tables(tables).reshape(_NUM_LOOKUPS * _RPAD, 128)

    raw = _sc_engram_gather(ids_pad, vm, hw_pad, ftab)
    mr2 = raw.reshape(_B, _L, _NUM_LOOKUPS, 128)

    gw_t = gate_W.T.astype(jnp.bfloat16)
    vw_t = value_W.T.astype(jnp.bfloat16)
    nw = norm_w.reshape(1, 1024).astype(jnp.float32)
    cw = conv_W[:, 0, :].T.astype(jnp.float32)
    cb = conv_b.reshape(1, 1024).astype(jnp.float32)
    return _tc_dense(mr2, hidden_state, gw_t, vw_t, nw, cw, cb)

# --- scband reference (transcript-rebuilt; emitter-appended) ---
"""Pipeline reference for scband-engram-layer-17093969838521 (READ-ONLY COPY).

The authoritative reference and input builder live on the scoring server;
editing this copy changes nothing except your own understanding.
"""

import jax, jax.numpy as jnp
import numpy as np
jax.config.update("jax_enable_x64", True)

NGRAM_ORDERS = [2, 3]
NUM_HEADS = 4
ENGRAM_DIM = 512
BUCKET_SIZE = 100003
D_MODEL = 1024
VOCAB = 100000
NUM_LOOKUPS = len(NGRAM_ORDERS) * NUM_HEADS
HEAD_DIM = ENGRAM_DIM // NUM_LOOKUPS
MAX_N = max(NGRAM_ORDERS)
B, L = 4, 2048


def setup_inputs(seed: int = 0) -> dict:
    key = jax.random.key(seed)
    ks = jax.random.split(key, 9)
    input_ids = jax.random.randint(ks[0], (B, L), 0, VOCAB, dtype=jnp.int64)
    hidden_state = jax.random.normal(ks[1], (B, L, D_MODEL), dtype=jnp.float32)
    vocab_map = jax.random.randint(ks[2], (VOCAB,), 0, VOCAB, dtype=jnp.int64)
    hash_weights = jax.random.randint(ks[3], (NUM_LOOKUPS, MAX_N), 1, 100000, dtype=jnp.int64)
    tables = jax.random.normal(ks[4], (NUM_LOOKUPS, BUCKET_SIZE, HEAD_DIM), dtype=jnp.float32) * 0.02
    gate_W = jax.random.normal(ks[5], (D_MODEL, ENGRAM_DIM), dtype=jnp.float32) * 0.02
    value_W = jax.random.normal(ks[6], (D_MODEL, ENGRAM_DIM), dtype=jnp.float32) * 0.02
    norm_w = jnp.ones((D_MODEL,), dtype=jnp.float32)
    conv_W = jax.random.normal(ks[7], (D_MODEL, 1, 4), dtype=jnp.float32) * 0.1
    conv_b = jnp.zeros((D_MODEL,), dtype=jnp.float32)
    return {"input_ids": input_ids, "hidden_state": hidden_state, "vocab_map": vocab_map,
            "hash_weights": hash_weights, "tables": tables, "gate_W": gate_W, "value_W": value_W,
            "norm_w": norm_w, "conv_W": conv_W, "conv_b": conv_b}


def _rmsnorm(x, w, eps=1e-6):
    return x * jax.lax.rsqrt(jnp.mean(x * x, axis=-1, keepdims=True) + eps) * w


def _get_ngrams(input_ids, vocab_map, hash_weights, tables, Lq):
    canonical = jnp.take(vocab_map, input_ids, axis=0)
    parts = []
    ti = 0
    for n in NGRAM_ORDERS:
        for _k in range(NUM_HEADS):
            padded = jnp.pad(canonical, ((0, 0), (n - 1, 0)))
            windows = jnp.stack([padded[:, i:i + Lq] for i in range(n)], axis=-1)
            w = hash_weights[ti, :n].astype(jnp.float32)
            hashed = (windows.astype(jnp.float32) @ w).astype(jnp.int64)
            idx = jnp.mod(hashed, BUCKET_SIZE)
            parts.append(jnp.take(tables[ti], idx, axis=0))
            ti += 1
    return jnp.concatenate(parts, axis=-1)


def reference(input_ids, hidden_state, vocab_map, hash_weights, tables, gate_W, value_W, norm_w, conv_W, conv_b):
    Lq = hidden_state.shape[1]
    memory_raw = _get_ngrams(input_ids, vocab_map, hash_weights, tables, Lq)
    key_ = _rmsnorm(memory_raw @ gate_W.T, norm_w)
    query = _rmsnorm(hidden_state, norm_w)
    score = jnp.sum(query * key_, axis=-1, keepdims=True)
    gate_val = jax.nn.sigmoid(score)
    value = memory_raw @ value_W.T
    gated = gate_val * value
    ci = jnp.transpose(gated, (0, 2, 1))
    co = jax.lax.conv_general_dilated(ci, conv_W, window_strides=(1,), padding=[(3, 3)],
                                      dimension_numbers=("NCH", "OIH", "NCH"),
                                      feature_group_count=D_MODEL) + conv_b[None, :, None]
    co = co[:, :, :Lq]
    co = jnp.transpose(co, (0, 2, 1))
    return jax.nn.silu(co) + gated


if False:  # reference __main__ guard neutralized (emitter)
    out = reference(**setup_inputs())
    print(out.shape, out.dtype)

if __name__ == "__main__":
    import jax
    _d = setup_inputs()
    print(jax.jit(kernel)(*tuple(_d.values())))

</pallas_src>

<mosaic_0001>
#map = affine_map<(d0, d1) -> (0)>
#map1 = affine_map<(d0, d1) -> (0, 0)>
module attributes {stable_mosaic.version = 14 : i64} {
  func.func @k(%arg0: i32, %arg1: i32, %arg2: memref<8200xi32, #tpu.memory_space<hbm>>, %arg3: memref<100000xi32, #tpu.memory_space<hbm>>, %arg4: memref<128xf32, #tpu.memory_space<hbm>>, %arg5: memref<802816x128xf32, #tpu.memory_space<hbm>>, %arg6: memref<65536x128xf32, #tpu.memory_space<hbm>>, %arg7: memref<264xi32, #tpu.memory_space<vmem>>, %arg8: memref<264xi32, #tpu.memory_space<vmem>>, %arg9: memref<128xf32, #tpu.memory_space<vmem>>, %arg10: memref<16x128xi32, #tpu.memory_space<vmem>>, %arg11: memref<128x128xf32, #tpu.memory_space<vmem>>, %arg12: memref<128x128xf32, #tpu.memory_space<vmem>>, %arg13: memref<!tpu.dma_semaphore, #tpu.memory_space<semaphore_mem>>, %arg14: memref<!tpu.dma_semaphore, #tpu.memory_space<semaphore_mem>>, %arg15: memref<!tpu.dma_semaphore, #tpu.memory_space<semaphore_mem>>, %arg16: memref<!tpu.dma_semaphore, #tpu.memory_space<semaphore_mem>>, %arg17: memref<!tpu.dma_semaphore, #tpu.memory_space<semaphore_mem>>) attributes {dimension_semantics = [#tpu.dimension_semantics<core_parallel>, #tpu.dimension_semantics<subcore_parallel>], iteration_bounds = array<i64: 2, 16>, scalar_prefetch = 0 : i64, scratch_operands = 11 : i64, tpu.core_type = #tpu.core_type<sc_vector_subcore>, window_params = [{transform_indices = #map}, {transform_indices = #map}, {transform_indices = #map}, {transform_indices = #map1}, {transform_indices = #map1}]} {
    %mul3A = arith.constant 2 : i32
    %mul3A_0 = arith.muli %arg1, %mul3A : i32
    %add3A = arith.addi %mul3A_0, %arg0 : i32
    %mul3A_1 = arith.constant 256 : i32
    %mul3A_2 = arith.muli %add3A, %mul3A_1 : i32
    "tpu.region"() ({
      %run_scoped3A = tpu.sem_alloc : memref<!tpu.dma_semaphore, #tpu.memory_space<semaphore_mem>>
      %dma_start3A_514 = tpu.memref_slice %arg2[%mul3A_2] : memref<8200xi32, #tpu.memory_space<hbm>> -> memref<264xi32, #tpu.memory_space<hbm>>
      %dma_start3A_515 = tpu.memref_slice %arg2[%mul3A_2] : memref<8200xi32, #tpu.memory_space<hbm>> -> memref<264xi32, #tpu.memory_space<hbm>>
      tpu.enqueue_dma source(%dma_start3A_515 : memref<264xi32, #tpu.memory_space<hbm>>) target(%arg7 : memref<264xi32, #tpu.memory_space<vmem>>) target_semaphore(%run_scoped3A : memref<!tpu.dma_semaphore, #tpu.memory_space<semaphore_mem>>)
      %dma_wait3A_516 = tpu.memref_slice %arg2[%mul3A_2] : memref<8200xi32, #tpu.memory_space<hbm>> -> memref<264xi32, #tpu.memory_space<hbm>>
      %dma_wait3A_517 = tpu.memref_slice %arg2[%mul3A_2] : memref<8200xi32, #tpu.memory_space<hbm>> -> memref<264xi32, #tpu.memory_space<hbm>>
      tpu.wait_dma2 semaphore(%run_scoped3A : memref<!tpu.dma_semaphore, #tpu.memory_space<semaphore_mem>>) src(%dma_wait3A_517 : memref<264xi32, #tpu.memory_space<hbm>>) dst(%arg7 : memref<264xi32, #tpu.memory_space<vmem>>)
      tpu.yield
    }) : () -> ()
    "tpu.region"() ({
      %run_scoped3A = tpu.sem_alloc : memref<!tpu.dma_semaphore, #tpu.memory_space<semaphore_mem>>
      tpu.enqueue_dma source(%arg4 : memref<128xf32, #tpu.memory_space<hbm>>) target(%arg9 : memref<128xf32, #tpu.memory_space<vmem>>) target_semaphore(%run_scoped3A : memref<!tpu.dma_semaphore, #tpu.memory_space<semaphore_mem>>)
      tpu.wait_dma2 semaphore(%run_scoped3A : memref<!tpu.dma_semaphore, #tpu.memory_space<semaphore_mem>>) src(%arg4 : memref<128xf32, #tpu.memory_space<hbm>>) dst(%arg9 : memref<128xf32, #tpu.memory_space<vmem>>)
      tpu.yield
    }) : () -> ()
    %dma_start3A = arith.constant 0 : i32
    %dma_start3A_3 = tpu.memref_slice %arg8[%dma_start3A] : memref<264xi32, #tpu.memory_space<vmem>> -> memref<128xi32, #tpu.memory_space<vmem>>
    %dma_start3A_4 = arith.constant 0 : i32
    %dma_start3A_5 = tpu.memref_slice %arg7[%dma_start3A_4] : memref<264xi32, #tpu.memory_space<vmem>> -> memref<128xi32, #tpu.memory_space<vmem>>
    %dma_start3A_6 = arith.constant 0 : i32
    %dma_start3A_7 = tpu.memref_slice %arg3[%dma_start3A_6] : memref<100000xi32, #tpu.memory_space<hbm>> -> memref<100000xi32, #tpu.memory_space<hbm>>
    tpu.enqueue_indirect_dma source(%dma_start3A_7 : memref<100000xi32, #tpu.memory_space<hbm>>) target(%dma_start3A_3 : memref<128xi32, #tpu.memory_space<vmem>>) offsets(%dma_start3A_5 : memref<128xi32, #tpu.memory_space<vmem>>) semaphore(%arg13 : memref<!tpu.dma_semaphore, #tpu.memory_space<semaphore_mem>>)
    %dma_start3A_8 = arith.constant 128 : i32
    %dma_start3A_9 = tpu.memref_slice %arg8[%dma_start3A_8] : memref<264xi32, #tpu.memory_space<vmem>> -> memref<128xi32, #tpu.memory_space<vmem>>
    %dma_start3A_10 = arith.constant 128 : i32
    %dma_start3A_11 = tpu.memref_slice %arg7[%dma_start3A_10] : memref<264xi32, #tpu.memory_space<vmem>> -> memref<128xi32, #tpu.memory_space<vmem>>
    %dma_start3A_12 = arith.constant 0 : i32
    %dma_start3A_13 = tpu.memref_slice %arg3[%dma_start3A_12] : memref<100000xi32, #tpu.memory_space<hbm>> -> memref<100000xi32, #tpu.memory_space<hbm>>
    tpu.enqueue_indirect_dma source(%dma_start3A_13 : memref<100000xi32, #tpu.memory_space<hbm>>) target(%dma_start3A_9 : memref<128xi32, #tpu.memory_space<vmem>>) offsets(%dma_start3A_11 : memref<128xi32, #tpu.memory_space<vmem>>) semaphore(%arg13 : memref<!tpu.dma_semaphore, #tpu.memory_space<semaphore_mem>>)
    %dma_start3A_14 = arith.constant 256 : i32
    %dma_start3A_15 = tpu.memref_slice %arg8[%dma_start3A_14] : memref<264xi32, #tpu.memory_space<vmem>> -> memref<8xi32, #tpu.memory_space<vmem>>
    %dma_start3A_16 = arith.constant 256 : i32
    %dma_start3A_17 = tpu.memref_slice %arg7[%dma_start3A_16] : memref<264xi32, #tpu.memory_space<vmem>> -> memref<8xi32, #tpu.memory_space<vmem>>
    %dma_start3A_18 = arith.constant 0 : i32
    %dma_start3A_19 = tpu.memref_slice %arg3[%dma_start3A_18] : memref<100000xi32, #tpu.memory_space<hbm>> -> memref<100000xi32, #tpu.memory_space<hbm>>
    tpu.enqueue_indirect_dma source(%dma_start3A_19 : memref<100000xi32, #tpu.memory_space<hbm>>) target(%dma_start3A_15 : memref<8xi32, #tpu.memory_space<vmem>>) offsets(%dma_start3A_17 : memref<8xi32, #tpu.memory_space<vmem>>) semaphore(%arg13 : memref<!tpu.dma_semaphore, #tpu.memory_space<semaphore_mem>>)
    %dma_wait3A = arith.constant 0 : i32
    %dma_wait3A_20 = tpu.memref_slice %arg8[%dma_wait3A] : memref<264xi32, #tpu.memory_space<vmem>> -> memref<128xi32, #tpu.memory_space<vmem>>
    %dma_wait3A_21 = arith.constant 0 : i32
    %dma_wait3A_22 = tpu.memref_slice %arg7[%dma_wait3A_21] : memref<264xi32, #tpu.memory_space<vmem>> -> memref<128xi32, #tpu.memory_space<vmem>>
    %dma_wait3A_23 = arith.constant 0 : i32
    %dma_wait3A_24 = tpu.memref_slice %arg3[%dma_wait3A_23] : memref<100000xi32, #tpu.memory_space<hbm>> -> memref<100000xi32, #tpu.memory_space<hbm>>
    tpu.wait_indirect_dma semaphore(%arg13 : memref<!tpu.dma_semaphore, #tpu.memory_space<semaphore_mem>>) src(%dma_wait3A_24 : memref<100000xi32, #tpu.memory_space<hbm>>) dst(%dma_wait3A_20 : memref<128xi32, #tpu.memory_space<vmem>>)
    %dma_wait3A_25 = arith.constant 128 : i32
    %dma_wait3A_26 = tpu.memref_slice %arg8[%dma_wait3A_25] : memref<264xi32, #tpu.memory_space<vmem>> -> memref<128xi32, #tpu.memory_space<vmem>>
    %dma_wait3A_27 = arith.constant 128 : i32
    %dma_wait3A_28 = tpu.memref_slice %arg7[%dma_wait3A_27] : memref<264xi32, #tpu.memory_space<vmem>> -> memref<128xi32, #tpu.memory_space<vmem>>
    %dma_wait3A_29 = arith.constant 0 : i32
    %dma_wait3A_30 = tpu.memref_slice %arg3[%dma_wait3A_29] : memref<100000xi32, #tpu.memory_space<hbm>> -> memref<100000xi32, #tpu.memory_space<hbm>>
    tpu.wait_indirect_dma semaphore(%arg13 : memref<!tpu.dma_semaphore, #tpu.memory_space<semaphore_mem>>) src(%dma_wait3A_30 : memref<100000xi32, #tpu.memory_space<hbm>>) dst(%dma_wait3A_26 : memref<128xi32, #tpu.memory_space<vmem>>)
    %dma_wait3A_31 = arith.constant 256 : i32
    %dma_wait3A_32 = tpu.memref_slice %arg8[%dma_wait3A_31] : memref<264xi32, #tpu.memory_space<vmem>> -> memref<8xi32, #tpu.memory_space<vmem>>
    %dma_wait3A_33 = arith.constant 256 : i32
    %dma_wait3A_34 = tpu.memref_slice %arg7[%dma_wait3A_33] : memref<264xi32, #tpu.memory_space<vmem>> -> memref<8xi32, #tpu.memory_space<vmem>>
    %dma_wait3A_35 = arith.constant 0 : i32
    %dma_wait3A_36 = tpu.memref_slice %arg3[%dma_wait3A_35] : memref<100000xi32, #tpu.memory_space<hbm>> -> memref<100000xi32, #tpu.memory_space<hbm>>
    tpu.wait_indirect_dma semaphore(%arg13 : memref<!tpu.dma_semaphore, #tpu.memory_space<semaphore_mem>>) src(%dma_wait3A_36 : memref<100000xi32, #tpu.memory_space<hbm>>) dst(%dma_wait3A_32 : memref<8xi32, #tpu.memory_space<vmem>>)
    %iota3A = tpu.iota {dimensions = array<i32: 0>} : vector<16xi32>
    %broadcast_in_dim3A = arith.constant 8 : i32
    %broadcast_in_dim3A_37 = vector.broadcast %broadcast_in_dim3A : i32 to vector<16xi32>
    %gather3A = tpu.vector_load_idx %arg9[%broadcast_in_dim3A_37] : memref<128xf32, #tpu.memory_space<vmem>>[vector<16xi32>], vector<16xf32>,
    %broadcast_in_dim3A_38 = arith.constant 9 : i32
    %broadcast_in_dim3A_39 = vector.broadcast %broadcast_in_dim3A_38 : i32 to vector<16xi32>
    %gather3A_40 = tpu.vector_load_idx %arg9[%broadcast_in_dim3A_39] : memref<128xf32, #tpu.memory_space<vmem>>[vector<16xi32>], vector<16xf32>,
    %broadcast_in_dim3A_41 = arith.constant 10 : i32
    %broadcast_in_dim3A_42 = vector.broadcast %broadcast_in_dim3A_41 : i32 to vector<16xi32>
    %gather3A_43 = tpu.vector_load_idx %arg9[%broadcast_in_dim3A_42] : memref<128xf32, #tpu.memory_space<vmem>>[vector<16xi32>], vector<16xf32>,
    %broadcast_in_dim3A_44 = arith.constant 11 : i32
    %broadcast_in_dim3A_45 = vector.broadcast %broadcast_in_dim3A_44 : i32 to vector<16xi32>
    %gather3A_46 = tpu.vector_load_idx %arg9[%broadcast_in_dim3A_45] : memref<128xf32, #tpu.memory_space<vmem>>[vector<16xi32>], vector<16xf32>,
    %broadcast_in_dim3A_47 = arith.constant 12 : i32
    %broadcast_in_dim3A_48 = vector.broadcast %broadcast_in_dim3A_47 : i32 to vector<16xi32>
    %gather3A_49 = tpu.vector_load_idx %arg9[%broadcast_in_dim3A_48] : memref<128xf32, #tpu.memory_space<vmem>>[vector<16xi32>], vector<16xf32>,
    %broadcast_in_dim3A_50 = arith.constant 13 : i32
    %broadcast_in_dim3A_51 = vector.broadcast %broadcast_in_dim3A_50 : i32 to vector<16xi32>
    %gather3A_52 = tpu.vector_load_idx %arg9[%broadcast_in_dim3A_51] : memref<128xf32, #tpu.memory_space<vmem>>[vector<16xi32>], vector<16xf32>,
    %broadcast_in_dim3A_53 = arith.constant 14 : i32
    %broadcast_in_dim3A_54 = vector.broadcast %broadcast_in_dim3A_53 : i32 to vector<16xi32>
    %gather3A_55 = tpu.vector_load_idx %arg9[%broadcast_in_dim3A_54] : memref<128xf32, #tpu.memory_space<vmem>>[vector<16xi32>], vector<16xf32>,
    %broadcast_in_dim3A_56 = arith.constant 15 : i32
    %broadcast_in_dim3A_57 = vector.broadcast %broadcast_in_dim3A_56 : i32 to vector<16xi32>
    %gather3A_58 = tpu.vector_load_idx %arg9[%broadcast_in_dim3A_57] : memref<128xf32, #tpu.memory_space<vmem>>[vector<16xi32>], vector<16xf32>,
    %broadcast_in_dim3A_59 = arith.constant 16 : i32
    %broadcast_in_dim3A_60 = vector.broadcast %broadcast_in_dim3A_59 : i32 to vector<16xi32>
    %gather3A_61 = tpu.vector_load_idx %arg9[%broadcast_in_dim3A_60] : memref<128xf32, #tpu.memory_space<vmem>>[vector<16xi32>], vector<16xf32>,
    %broadcast_in_dim3A_62 = arith.constant 17 : i32
    %broadcast_in_dim3A_63 = vector.broadcast %broadcast_in_dim3A_62 : i32 to vector<16xi32>
    %gather3A_64 = tpu.vector_load_idx %arg9[%broadcast_in_dim3A_63] : memref<128xf32, #tpu.memory_space<vmem>>[vector<16xi32>], vector<16xf32>,
    %broadcast_in_dim3A_65 = arith.constant 18 : i32
    %broadcast_in_dim3A_66 = vector.broadcast %broadcast_in_dim3A_65 : i32 to vector<16xi32>
    %gather3A_67 = tpu.vector_load_idx %arg9[%broadcast_in_dim3A_66] : memref<128xf32, #tpu.memory_space<vmem>>[vector<16xi32>], vector<16xf32>,
    %broadcast_in_dim3A_68 = arith.constant 19 : i32
    %broadcast_in_dim3A_69 = vector.broadcast %broadcast_in_dim3A_68 : i32 to vector<16xi32>
    %gather3A_70 = tpu.vector_load_idx %arg9[%broadcast_in_dim3A_69] : memref<128xf32, #tpu.memory_space<vmem>>[vector<16xi32>], vector<16xf32>,
    %broadcast_in_dim3A_71 = arith.constant 20 : i32
    %broadcast_in_dim3A_72 = vector.broadcast %broadcast_in_dim3A_71 : i32 to vector<16xi32>
    %gather3A_73 = tpu.vector_load_idx %arg9[%broadcast_in_dim3A_72] : memref<128xf32, #tpu.memory_space<vmem>>[vector<16xi32>], vector<16xf32>,
    %broadcast_in_dim3A_74 = arith.constant 21 : i32
    %broadcast_in_dim3A_75 = vector.broadcast %broadcast_in_dim3A_74 : i32 to vector<16xi32>
    %gather3A_76 = tpu.vector_load_idx %arg9[%broadcast_in_dim3A_75] : memref<128xf32, #tpu.memory_space<vmem>>[vector<16xi32>], vector<16xf32>,
    %broadcast_in_dim3A_77 = arith.constant 22 : i32
    %broadcast_in_dim3A_78 = vector.broadcast %broadcast_in_dim3A_77 : i32 to vector<16xi32>
    %gather3A_79 = tpu.vector_load_idx %arg9[%broadcast_in_dim3A_78] : memref<128xf32, #tpu.memory_space<vmem>>[vector<16xi32>], vector<16xf32>,
    %broadcast_in_dim3A_80 = arith.constant 23 : i32
    %broadcast_in_dim3A_81 = vector.broadcast %broadcast_in_dim3A_80 : i32 to vector<16xi32>
    %gather3A_82 = tpu.vector_load_idx %arg9[%broadcast_in_dim3A_81] : memref<128xf32, #tpu.memory_space<vmem>>[vector<16xi32>], vector<16xf32>,
    %broadcast_in_dim3A_83 = arith.constant 24 : i32
    %broadcast_in_dim3A_84 = vector.broadcast %broadcast_in_dim3A_83 : i32 to vector<16xi32>
    %gather3A_85 = tpu.vector_load_idx %arg9[%broadcast_in_dim3A_84] : memref<128xf32, #tpu.memory_space<vmem>>[vector<16xi32>], vector<16xf32>,
    %broadcast_in_dim3A_86 = arith.constant 25 : i32
    %broadcast_in_dim3A_87 = vector.broadcast %broadcast_in_dim3A_86 : i32 to vector<16xi32>
    %gather3A_88 = tpu.vector_load_idx %arg9[%broadcast_in_dim3A_87] : memref<128xf32, #tpu.memory_space<vmem>>[vector<16xi32>], vector<16xf32>,
    %broadcast_in_dim3A_89 = arith.constant 26 : i32
    %broadcast_in_dim3A_90 = vector.broadcast %broadcast_in_dim3A_89 : i32 to vector<16xi32>
    %gather3A_91 = tpu.vector_load_idx %arg9[%broadcast_in_dim3A_90] : memref<128xf32, #tpu.memory_space<vmem>>[vector<16xi32>], vector<16xf32>,
    %broadcast_in_dim3A_92 = arith.constant 27 : i32
    %broadcast_in_dim3A_93 = vector.broadcast %broadcast_in_dim3A_92 : i32 to vector<16xi32>
    %gather3A_94 = tpu.vector_load_idx %arg9[%broadcast_in_dim3A_93] : memref<128xf32, #tpu.memory_space<vmem>>[vector<16xi32>], vector<16xf32>,
    %broadcast_in_dim3A_95 = arith.constant 28 : i32
    %broadcast_in_dim3A_96 = vector.broadcast %broadcast_in_dim3A_95 : i32 to vector<16xi32>
    %gather3A_97 = tpu.vector_load_idx %arg9[%broadcast_in_dim3A_96] : memref<128xf32, #tpu.memory_space<vmem>>[vector<16xi32>], vector<16xf32>,
    %broadcast_in_dim3A_98 = arith.constant 29 : i32
    %broadcast_in_dim3A_99 = vector.broadcast %broadcast_in_dim3A_98 : i32 to vector<16xi32>
    %gather3A_100 = tpu.vector_load_idx %arg9[%broadcast_in_dim3A_99] : memref<128xf32, #tpu.memory_space<vmem>>[vector<16xi32>], vector<16xf32>,
    %broadcast_in_dim3A_101 = arith.constant 30 : i32
    %broadcast_in_dim3A_102 = vector.broadcast %broadcast_in_dim3A_101 : i32 to vector<16xi32>
    %gather3A_103 = tpu.vector_load_idx %arg9[%broadcast_in_dim3A_102] : memref<128xf32, #tpu.memory_space<vmem>>[vector<16xi32>], vector<16xf32>,
    %broadcast_in_dim3A_104 = arith.constant 31 : i32
    %broadcast_in_dim3A_105 = vector.broadcast %broadcast_in_dim3A_104 : i32 to vector<16xi32>
    %gather3A_106 = tpu.vector_load_idx %arg9[%broadcast_in_dim3A_105] : memref<128xf32, #tpu.memory_space<vmem>>[vector<16xi32>], vector<16xf32>,
    %jit3A = arith.constant 8 : i64
    %convert_element_type3A = arith.trunci %jit3A : i64 to i32
    %eq3A = arith.constant 0 : i32
    %eq3A_107 = arith.cmpi eq, %convert_element_type3A, %eq3A : i32
    %jit3A_108 = arith.constant 1 : i32
    %select_n3A = arith.select %eq3A_107, %jit3A_108, %convert_element_type3A : i32
    %rem3A = arith.remsi %add3A, %select_n3A : i32
    %ne3A = arith.constant 0 : i32
    %ne3A_109 = arith.cmpi ne, %rem3A, %ne3A : i32
    %lt3A = arith.constant 0 : i32
    %lt3A_110 = arith.cmpi slt, %rem3A, %lt3A : i32
    %lt3A_111 = arith.constant 0 : i32
    %lt3A_112 = arith.cmpi slt, %select_n3A, %lt3A_111 : i32
    %ne3A_113 = arith.xori %lt3A_110, %lt3A_112 : i1
    %and3A = arith.andi %ne3A_113, %ne3A_109 : i1
    %add3A_114 = arith.addi %rem3A, %select_n3A : i32
    %select_n3A_115 = arith.select %and3A, %add3A_114, %rem3A : i32
    %mul3A_116 = arith.constant 256 : i32
    %mul3A_117 = arith.muli %select_n3A_115, %mul3A_116 : i32
    %while3A = arith.constant 0 : i32
    %while3A_118 = arith.constant 0 : i32
    %while3A_119 = arith.constant 16 : i32
    %while3A_120 = arith.subi %while3A_119, %while3A_118 : i32
    %while3A_121 = arith.addi %while3A_118, %while3A_120 : i32
    %while3A_122 = arith.constant 1 : i32
    %while3A_123 = arith.divsi %while3A_120, %while3A_122 : i32
    %while3A_124 = arith.muli %while3A_123, %while3A_122 : i32
    %while3A_125 = arith.addi %while3A_118, %while3A_124 : i32
    %while3A_126 = arith.constant 1 : i32
    scf.for %while3A_514 = %while3A_118 to %while3A_125 step %while3A_126  : i32 {
      %mul3A_515 = arith.constant 16 : i32
      %mul3A_516 = arith.muli %while3A_514, %mul3A_515 : i32
      %broadcast_in_dim3A_517 = vector.broadcast %mul3A_516 : i32 to vector<16xi32>
      %add3A_518 = arith.addi %iota3A, %broadcast_in_dim3A_517 : vector<16xi32>
      %add3A_519 = arith.constant 8 : i32
      %add3A_520 = vector.broadcast %add3A_519 : i32 to vector<16xi32>
      %add3A_521 = arith.addi %add3A_518, %add3A_520 : vector<16xi32>
      %gather3A_522 = tpu.vector_load_idx %arg8[%add3A_521] : memref<264xi32, #tpu.memory_space<vmem>>[vector<16xi32>], vector<16xi32>,
      %sub3A = arith.constant 1 : i32
      %sub3A_523 = vector.broadcast %sub3A : i32 to vector<16xi32>
      %sub3A_524 = arith.subi %add3A_521, %sub3A_523 : vector<16xi32>
      %gather3A_525 = tpu.vector_load_idx %arg8[%sub3A_524] : memref<264xi32, #tpu.memory_space<vmem>>[vector<16xi32>], vector<16xi32>,
      %sub3A_526 = arith.constant 2 : i32
      %sub3A_527 = vector.broadcast %sub3A_526 : i32 to vector<16xi32>
      %sub3A_528 = arith.subi %add3A_521, %sub3A_527 : vector<16xi32>
      %gather3A_529 = tpu.vector_load_idx %arg8[%sub3A_528] : memref<264xi32, #tpu.memory_space<vmem>>[vector<16xi32>], vector<16xi32>,
      %add3A_530 = arith.addi %iota3A, %broadcast_in_dim3A_517 : vector<16xi32>
      %add3A_531 = vector.broadcast %mul3A_117 : i32 to vector<16xi32>
      %add3A_532 = arith.addi %add3A_530, %add3A_531 : vector<16xi32>
      %broadcast_in_dim3A_533 = arith.constant 0 : i32
      %broadcast_in_dim3A_534 = vector.broadcast %broadcast_in_dim3A_533 : i32 to vector<16xi32>
      %ge3A = arith.constant 1 : i32
      %ge3A_535 = vector.broadcast %ge3A : i32 to vector<16xi32>
      %ge3A_536 = arith.cmpi sge, %add3A_532, %ge3A_535 : vector<16xi32>
      %select_n3A_537 = arith.select %ge3A_536, %gather3A_525, %broadcast_in_dim3A_534 : vector<16xi1>, vector<16xi32>
      %ge3A_538 = arith.constant 2 : i32
      %ge3A_539 = vector.broadcast %ge3A_538 : i32 to vector<16xi32>
      %ge3A_540 = arith.cmpi sge, %add3A_532, %ge3A_539 : vector<16xi32>
      %select_n3A_541 = arith.select %ge3A_540, %gather3A_529, %broadcast_in_dim3A_534 : vector<16xi1>, vector<16xi32>
      %convert_element_type3A_542 = arith.sitofp %gather3A_522 : vector<16xi32> to vector<16xf32>
      %bitcast3A = vector.bitcast %convert_element_type3A_542 : vector<16xf32> to vector<16xi32>
      %add3A_543 = arith.constant 32767 : i32
      %add3A_544 = vector.broadcast %add3A_543 : i32 to vector<16xi32>
      %add3A_545 = arith.addi %bitcast3A, %add3A_544 : vector<16xi32>
      %shift_right_arithmetic3A = arith.constant 16 : i32
      %shift_right_arithmetic3A_546 = vector.broadcast %shift_right_arithmetic3A : i32 to vector<16xi32>
      %shift_right_arithmetic3A_547 = arith.shrsi %bitcast3A, %shift_right_arithmetic3A_546 : vector<16xi32>
      %and3A_548 = arith.constant 1 : i32
      %and3A_549 = vector.broadcast %and3A_548 : i32 to vector<16xi32>
      %and3A_550 = arith.andi %shift_right_arithmetic3A_547, %and3A_549 : vector<16xi32>
      %add3A_551 = arith.addi %add3A_545, %and3A_550 : vector<16xi32>
      %not3A = arith.constant 65535 : i32
      %not3A_552 = arith.constant -1 : i32
      %not3A_553 = arith.xori %not3A, %not3A_552 : i32
      %and3A_554 = vector.broadcast %not3A_553 : i32 to vector<16xi32>
      %and3A_555 = arith.andi %add3A_551, %and3A_554 : vector<16xi32>
      %bitcast3A_556 = vector.bitcast %and3A_555 : vector<16xi32> to vector<16xf32>
      %convert_element_type3A_557 = arith.sitofp %select_n3A_537 : vector<16xi32> to vector<16xf32>
      %bitcast3A_558 = vector.bitcast %convert_element_type3A_557 : vector<16xf32> to vector<16xi32>
      %add3A_559 = arith.constant 32767 : i32
      %add3A_560 = vector.broadcast %add3A_559 : i32 to vector<16xi32>
      %add3A_561 = arith.addi %bitcast3A_558, %add3A_560 : vector<16xi32>
      %shift_right_arithmetic3A_562 = arith.constant 16 : i32
      %shift_right_arithmetic3A_563 = vector.broadcast %shift_right_arithmetic3A_562 : i32 to vector<16xi32>
      %shift_right_arithmetic3A_564 = arith.shrsi %bitcast3A_558, %shift_right_arithmetic3A_563 : vector<16xi32>
      %and3A_565 = arith.constant 1 : i32
      %and3A_566 = vector.broadcast %and3A_565 : i32 to vector<16xi32>
      %and3A_567 = arith.andi %shift_right_arithmetic3A_564, %and3A_566 : vector<16xi32>
      %add3A_568 = arith.addi %add3A_561, %and3A_567 : vector<16xi32>
      %not3A_569 = arith.constant 65535 : i32
      %not3A_570 = arith.constant -1 : i32
      %not3A_571 = arith.xori %not3A_569, %not3A_570 : i32
      %and3A_572 = vector.broadcast %not3A_571 : i32 to vector<16xi32>
      %and3A_573 = arith.andi %add3A_568, %and3A_572 : vector<16xi32>
      %bitcast3A_574 = vector.bitcast %and3A_573 : vector<16xi32> to vector<16xf32>
      %convert_element_type3A_575 = arith.sitofp %select_n3A_541 : vector<16xi32> to vector<16xf32>
      %bitcast3A_576 = vector.bitcast %convert_element_type3A_575 : vector<16xf32> to vector<16xi32>
      %add3A_577 = arith.constant 32767 : i32
      %add3A_578 = vector.broadcast %add3A_577 : i32 to vector<16xi32>
      %add3A_579 = arith.addi %bitcast3A_576, %add3A_578 : vector<16xi32>
      %shift_right_arithmetic3A_580 = arith.constant 16 : i32
      %shift_right_arithmetic3A_581 = vector.broadcast %shift_right_arithmetic3A_580 : i32 to vector<16xi32>
      %shift_right_arithmetic3A_582 = arith.shrsi %bitcast3A_576, %shift_right_arithmetic3A_581 : vector<16xi32>
      %and3A_583 = arith.constant 1 : i32
      %and3A_584 = vector.broadcast %and3A_583 : i32 to vector<16xi32>
      %and3A_585 = arith.andi %shift_right_arithmetic3A_582, %and3A_584 : vector<16xi32>
      %add3A_586 = arith.addi %add3A_579, %and3A_585 : vector<16xi32>
      %not3A_587 = arith.constant 65535 : i32
      %not3A_588 = arith.constant -1 : i32
      %not3A_589 = arith.xori %not3A_587, %not3A_588 : i32
      %and3A_590 = vector.broadcast %not3A_589 : i32 to vector<16xi32>
      %and3A_591 = arith.andi %add3A_586, %and3A_590 : vector<16xi32>
      %bitcast3A_592 = vector.bitcast %and3A_591 : vector<16xi32> to vector<16xf32>
      %broadcast_in_dim3A_593 = vector.broadcast %while3A_514 : i32 to vector<16xi32>
      %mul3A_594 = arith.constant 8 : i32
      %mul3A_595 = vector.broadcast %mul3A_594 : i32 to vector<16xi32>
      %mul3A_596 = arith.muli %iota3A, %mul3A_595 : vector<16xi32>
      %broadcast_in_dim3A_597 = arith.constant 0 : i32
      %broadcast_in_dim3A_598 = vector.broadcast %broadcast_in_dim3A_597 : i32 to vector<16xi32>
      %broadcast_in_dim3A_599 = arith.constant 0 : i32
      %broadcast_in_dim3A_600 = vector.broadcast %broadcast_in_dim3A_599 : i32 to vector<16xi32>
      %mul3A_601 = arith.mulf %bitcast3A_574, %gather3A : vector<16xf32>
      %mul3A_602 = arith.constant 1.52587891E-5 : f32
      %mul3A_603 = vector.broadcast %mul3A_602 : f32 to vector<16xf32>
      %mul3A_604 = arith.mulf %mul3A_601, %mul3A_603 : vector<16xf32>
      %convert_element_type3A_605 = arith.fptosi %mul3A_604 : vector<16xf32> to vector<16xi32>
      %convert_element_type3A_606 = arith.sitofp %convert_element_type3A_605 : vector<16xi32> to vector<16xf32>
      %mul3A_607 = arith.constant 6.553600e+04 : f32
      %mul3A_608 = vector.broadcast %mul3A_607 : f32 to vector<16xf32>
      %mul3A_609 = arith.mulf %convert_element_type3A_606, %mul3A_608 : vector<16xf32>
      %sub3A_610 = arith.subf %mul3A_601, %mul3A_609 : vector<16xf32>
      %convert_element_type3A_611 = arith.fptosi %sub3A_610 : vector<16xf32> to vector<16xi32>
      %add3A_612 = arith.addi %broadcast_in_dim3A_598, %convert_element_type3A_605 : vector<16xi32>
      %add3A_613 = arith.addi %broadcast_in_dim3A_600, %convert_element_type3A_611 : vector<16xi32>
      %mul3A_614 = arith.mulf %bitcast3A_556, %gather3A_40 : vector<16xf32>
      %mul3A_615 = arith.constant 1.52587891E-5 : f32
      %mul3A_616 = vector.broadcast %mul3A_615 : f32 to vector<16xf32>
      %mul3A_617 = arith.mulf %mul3A_614, %mul3A_616 : vector<16xf32>
      %convert_element_type3A_618 = arith.fptosi %mul3A_617 : vector<16xf32> to vector<16xi32>
      %convert_element_type3A_619 = arith.sitofp %convert_element_type3A_618 : vector<16xi32> to vector<16xf32>
      %mul3A_620 = arith.constant 6.553600e+04 : f32
      %mul3A_621 = vector.broadcast %mul3A_620 : f32 to vector<16xf32>
      %mul3A_622 = arith.mulf %convert_element_type3A_619, %mul3A_621 : vector<16xf32>
      %sub3A_623 = arith.subf %mul3A_614, %mul3A_622 : vector<16xf32>
      %convert_element_type3A_624 = arith.fptosi %sub3A_623 : vector<16xf32> to vector<16xi32>
      %add3A_625 = arith.addi %add3A_612, %convert_element_type3A_618 : vector<16xi32>
      %add3A_626 = arith.addi %add3A_613, %convert_element_type3A_624 : vector<16xi32>
      %convert_element_type3A_627 = arith.sitofp %add3A_625 : vector<16xi32> to vector<16xf32>
      %mul3A_628 = arith.constant 6.553600e+04 : f32
      %mul3A_629 = vector.broadcast %mul3A_628 : f32 to vector<16xf32>
      %mul3A_630 = arith.mulf %convert_element_type3A_627, %mul3A_629 : vector<16xf32>
      %convert_element_type3A_631 = arith.sitofp %add3A_626 : vector<16xi32> to vector<16xf32>
      %add3A_632 = arith.addf %mul3A_630, %convert_element_type3A_631 : vector<16xf32>
      %mul3A_633 = arith.constant 5.96046448E-8 : f32
      %mul3A_634 = vector.broadcast %mul3A_633 : f32 to vector<16xf32>
      %mul3A_635 = arith.mulf %add3A_632, %mul3A_634 : vector<16xf32>
      %convert_element_type3A_636 = arith.fptosi %mul3A_635 : vector<16xf32> to vector<16xi32>
      %convert_element_type3A_637 = arith.sitofp %convert_element_type3A_636 : vector<16xi32> to vector<16xf32>
      %mul3A_638 = arith.constant 0x4B800000 : f32
      %mul3A_639 = vector.broadcast %mul3A_638 : f32 to vector<16xf32>
      %mul3A_640 = arith.mulf %convert_element_type3A_637, %mul3A_639 : vector<16xf32>
      %sub3A_641 = arith.subf %add3A_632, %mul3A_640 : vector<16xf32>
      %convert_element_type3A_642 = arith.fptosi %sub3A_641 : vector<16xf32> to vector<16xi32>
      %mul3A_643 = arith.constant 76715 : i32
      %mul3A_644 = vector.broadcast %mul3A_643 : i32 to vector<16xi32>
      %mul3A_645 = arith.muli %convert_element_type3A_636, %mul3A_644 : vector<16xi32>
      %add3A_646 = arith.addi %mul3A_645, %convert_element_type3A_642 : vector<16xi32>
      %jit3A_647 = arith.constant 100003 : i64
      %convert_element_type3A_648 = arith.trunci %jit3A_647 : i64 to i32
      %eq3A_649 = arith.constant 0 : i32
      %eq3A_650 = arith.cmpi eq, %convert_element_type3A_648, %eq3A_649 : i32
      %jit3A_651 = arith.constant 1 : i32
      %select_n3A_652 = arith.select %eq3A_650, %jit3A_651, %convert_element_type3A_648 : i32
      %rem3A_653 = vector.broadcast %select_n3A_652 : i32 to vector<16xi32>
      %rem3A_654 = arith.remsi %add3A_646, %rem3A_653 : vector<16xi32>
      %ne3A_655 = arith.constant 0 : i32
      %ne3A_656 = vector.broadcast %ne3A_655 : i32 to vector<16xi32>
      %ne3A_657 = arith.cmpi ne, %rem3A_654, %ne3A_656 : vector<16xi32>
      %lt3A_658 = arith.constant 0 : i32
      %lt3A_659 = vector.broadcast %lt3A_658 : i32 to vector<16xi32>
      %lt3A_660 = arith.cmpi slt, %rem3A_654, %lt3A_659 : vector<16xi32>
      %lt3A_661 = arith.constant 0 : i32
      %lt3A_662 = arith.cmpi slt, %select_n3A_652, %lt3A_661 : i32
      %ne3A_663 = vector.broadcast %lt3A_662 : i1 to vector<16xi1>
      %ne3A_664 = vector.broadcast %ne3A_663 : vector<16xi1> to vector<16xi1>
      %ne3A_665 = arith.xori %lt3A_660, %ne3A_664 : vector<16xi1>
      %and3A_666 = arith.andi %ne3A_665, %ne3A_657 : vector<16xi1>
      %add3A_667 = vector.broadcast %select_n3A_652 : i32 to vector<16xi32>
      %add3A_668 = arith.addi %rem3A_654, %add3A_667 : vector<16xi32>
      %select_n3A_669 = arith.select %and3A_666, %add3A_668, %rem3A_654 : vector<16xi1>, vector<16xi32>
      %add3A_670 = arith.constant 0 : i32
      %add3A_671 = vector.broadcast %add3A_670 : i32 to vector<16xi32>
      %add3A_672 = arith.addi %select_n3A_669, %add3A_671 : vector<16xi32>
      %add3A_673 = arith.constant 0 : i32
      %add3A_674 = vector.broadcast %add3A_673 : i32 to vector<16xi32>
      %add3A_675 = arith.addi %mul3A_596, %add3A_674 : vector<16xi32>
      tpu.vector_store_idx %arg10[%broadcast_in_dim3A_593, %add3A_675], %add3A_672 : memref<16x128xi32, #tpu.memory_space<vmem>>[vector<16xi32>, vector<16xi32>], vector<16xi32>,
      %broadcast_in_dim3A_676 = arith.constant 0 : i32
      %broadcast_in_dim3A_677 = vector.broadcast %broadcast_in_dim3A_676 : i32 to vector<16xi32>
      %broadcast_in_dim3A_678 = arith.constant 0 : i32
      %broadcast_in_dim3A_679 = vector.broadcast %broadcast_in_dim3A_678 : i32 to vector<16xi32>
      %mul3A_680 = arith.mulf %bitcast3A_574, %gather3A_46 : vector<16xf32>
      %mul3A_681 = arith.constant 1.52587891E-5 : f32
      %mul3A_682 = vector.broadcast %mul3A_681 : f32 to vector<16xf32>
      %mul3A_683 = arith.mulf %mul3A_680, %mul3A_682 : vector<16xf32>
      %convert_element_type3A_684 = arith.fptosi %mul3A_683 : vector<16xf32> to vector<16xi32>
      %convert_element_type3A_685 = arith.sitofp %convert_element_type3A_684 : vector<16xi32> to vector<16xf32>
      %mul3A_686 = arith.constant 6.553600e+04 : f32
      %mul3A_687 = vector.broadcast %mul3A_686 : f32 to vector<16xf32>
      %mul3A_688 = arith.mulf %convert_element_type3A_685, %mul3A_687 : vector<16xf32>
      %sub3A_689 = arith.subf %mul3A_680, %mul3A_688 : vector<16xf32>
      %convert_element_type3A_690 = arith.fptosi %sub3A_689 : vector<16xf32> to vector<16xi32>
      %add3A_691 = arith.addi %broadcast_in_dim3A_677, %convert_element_type3A_684 : vector<16xi32>
      %add3A_692 = arith.addi %broadcast_in_dim3A_679, %convert_element_type3A_690 : vector<16xi32>
      %mul3A_693 = arith.mulf %bitcast3A_556, %gather3A_49 : vector<16xf32>
      %mul3A_694 = arith.constant 1.52587891E-5 : f32
      %mul3A_695 = vector.broadcast %mul3A_694 : f32 to vector<16xf32>
      %mul3A_696 = arith.mulf %mul3A_693, %mul3A_695 : vector<16xf32>
      %convert_element_type3A_697 = arith.fptosi %mul3A_696 : vector<16xf32> to vector<16xi32>
      %convert_element_type3A_698 = arith.sitofp %convert_element_type3A_697 : vector<16xi32> to vector<16xf32>
      %mul3A_699 = arith.constant 6.553600e+04 : f32
      %mul3A_700 = vector.broadcast %mul3A_699 : f32 to vector<16xf32>
      %mul3A_701 = arith.mulf %convert_element_type3A_698, %mul3A_700 : vector<16xf32>
      %sub3A_702 = arith.subf %mul3A_693, %mul3A_701 : vector<16xf32>
      %convert_element_type3A_703 = arith.fptosi %sub3A_702 : vector<16xf32> to vector<16xi32>
      %add3A_704 = arith.addi %add3A_691, %convert_element_type3A_697 : vector<16xi32>
      %add3A_705 = arith.addi %add3A_692, %convert_element_type3A_703 : vector<16xi32>
      %convert_element_type3A_706 = arith.sitofp %add3A_704 : vector<16xi32> to vector<16xf32>
      %mul3A_707 = arith.constant 6.553600e+04 : f32
      %mul3A_708 = vector.broadcast %mul3A_707 : f32 to vector<16xf32>
      %mul3A_709 = arith.mulf %convert_element_type3A_706, %mul3A_708 : vector<16xf32>
      %convert_element_type3A_710 = arith.sitofp %add3A_705 : vector<16xi32> to vector<16xf32>
      %add3A_711 = arith.addf %mul3A_709, %convert_element_type3A_710 : vector<16xf32>
      %mul3A_712 = arith.constant 5.96046448E-8 : f32
      %mul3A_713 = vector.broadcast %mul3A_712 : f32 to vector<16xf32>
      %mul3A_714 = arith.mulf %add3A_711, %mul3A_713 : vector<16xf32>
      %convert_element_type3A_715 = arith.fptosi %mul3A_714 : vector<16xf32> to vector<16xi32>
      %convert_element_type3A_716 = arith.sitofp %convert_element_type3A_715 : vector<16xi32> to vector<16xf32>
      %mul3A_717 = arith.constant 0x4B800000 : f32
      %mul3A_718 = vector.broadcast %mul3A_717 : f32 to vector<16xf32>
      %mul3A_719 = arith.mulf %convert_element_type3A_716, %mul3A_718 : vector<16xf32>
      %sub3A_720 = arith.subf %add3A_711, %mul3A_719 : vector<16xf32>
      %convert_element_type3A_721 = arith.fptosi %sub3A_720 : vector<16xf32> to vector<16xi32>
      %mul3A_722 = arith.constant 76715 : i32
      %mul3A_723 = vector.broadcast %mul3A_722 : i32 to vector<16xi32>
      %mul3A_724 = arith.muli %convert_element_type3A_715, %mul3A_723 : vector<16xi32>
      %add3A_725 = arith.addi %mul3A_724, %convert_element_type3A_721 : vector<16xi32>
      %jit3A_726 = arith.constant 100003 : i64
      %convert_element_type3A_727 = arith.trunci %jit3A_726 : i64 to i32
      %eq3A_728 = arith.constant 0 : i32
      %eq3A_729 = arith.cmpi eq, %convert_element_type3A_727, %eq3A_728 : i32
      %jit3A_730 = arith.constant 1 : i32
      %select_n3A_731 = arith.select %eq3A_729, %jit3A_730, %convert_element_type3A_727 : i32
      %rem3A_732 = vector.broadcast %select_n3A_731 : i32 to vector<16xi32>
      %rem3A_733 = arith.remsi %add3A_725, %rem3A_732 : vector<16xi32>
      %ne3A_734 = arith.constant 0 : i32
      %ne3A_735 = vector.broadcast %ne3A_734 : i32 to vector<16xi32>
      %ne3A_736 = arith.cmpi ne, %rem3A_733, %ne3A_735 : vector<16xi32>
      %lt3A_737 = arith.constant 0 : i32
      %lt3A_738 = vector.broadcast %lt3A_737 : i32 to vector<16xi32>
      %lt3A_739 = arith.cmpi slt, %rem3A_733, %lt3A_738 : vector<16xi32>
      %lt3A_740 = arith.constant 0 : i32
      %lt3A_741 = arith.cmpi slt, %select_n3A_731, %lt3A_740 : i32
      %ne3A_742 = vector.broadcast %lt3A_741 : i1 to vector<16xi1>
      %ne3A_743 = vector.broadcast %ne3A_742 : vector<16xi1> to vector<16xi1>
      %ne3A_744 = arith.xori %lt3A_739, %ne3A_743 : vector<16xi1>
      %and3A_745 = arith.andi %ne3A_744, %ne3A_736 : vector<16xi1>
      %add3A_746 = vector.broadcast %select_n3A_731 : i32 to vector<16xi32>
      %add3A_747 = arith.addi %rem3A_733, %add3A_746 : vector<16xi32>
      %select_n3A_748 = arith.select %and3A_745, %add3A_747, %rem3A_733 : vector<16xi1>, vector<16xi32>
      %add3A_749 = arith.constant 100352 : i32
      %add3A_750 = vector.broadcast %add3A_749 : i32 to vector<16xi32>
      %add3A_751 = arith.addi %select_n3A_748, %add3A_750 : vector<16xi32>
      %add3A_752 = arith.constant 1 : i32
      %add3A_753 = vector.broadcast %add3A_752 : i32 to vector<16xi32>
      %add3A_754 = arith.addi %mul3A_596, %add3A_753 : vector<16xi32>
      tpu.vector_store_idx %arg10[%broadcast_in_dim3A_593, %add3A_754], %add3A_751 : memref<16x128xi32, #tpu.memory_space<vmem>>[vector<16xi32>, vector<16xi32>], vector<16xi32>,
      %broadcast_in_dim3A_755 = arith.constant 0 : i32
      %broadcast_in_dim3A_756 = vector.broadcast %broadcast_in_dim3A_755 : i32 to vector<16xi32>
      %broadcast_in_dim3A_757 = arith.constant 0 : i32
      %broadcast_in_dim3A_758 = vector.broadcast %broadcast_in_dim3A_757 : i32 to vector<16xi32>
      %mul3A_759 = arith.mulf %bitcast3A_574, %gather3A_55 : vector<16xf32>
      %mul3A_760 = arith.constant 1.52587891E-5 : f32
      %mul3A_761 = vector.broadcast %mul3A_760 : f32 to vector<16xf32>
      %mul3A_762 = arith.mulf %mul3A_759, %mul3A_761 : vector<16xf32>
      %convert_element_type3A_763 = arith.fptosi %mul3A_762 : vector<16xf32> to vector<16xi32>
      %convert_element_type3A_764 = arith.sitofp %convert_element_type3A_763 : vector<16xi32> to vector<16xf32>
      %mul3A_765 = arith.constant 6.553600e+04 : f32
      %mul3A_766 = vector.broadcast %mul3A_765 : f32 to vector<16xf32>
      %mul3A_767 = arith.mulf %convert_element_type3A_764, %mul3A_766 : vector<16xf32>
      %sub3A_768 = arith.subf %mul3A_759, %mul3A_767 : vector<16xf32>
      %convert_element_type3A_769 = arith.fptosi %sub3A_768 : vector<16xf32> to vector<16xi32>
      %add3A_770 = arith.addi %broadcast_in_dim3A_756, %convert_element_type3A_763 : vector<16xi32>
      %add3A_771 = arith.addi %broadcast_in_dim3A_758, %convert_element_type3A_769 : vector<16xi32>
      %mul3A_772 = arith.mulf %bitcast3A_556, %gather3A_58 : vector<16xf32>
      %mul3A_773 = arith.constant 1.52587891E-5 : f32
      %mul3A_774 = vector.broadcast %mul3A_773 : f32 to vector<16xf32>
      %mul3A_775 = arith.mulf %mul3A_772, %mul3A_774 : vector<16xf32>
      %convert_element_type3A_776 = arith.fptosi %mul3A_775 : vector<16xf32> to vector<16xi32>
      %convert_element_type3A_777 = arith.sitofp %convert_element_type3A_776 : vector<16xi32> to vector<16xf32>
      %mul3A_778 = arith.constant 6.553600e+04 : f32
      %mul3A_779 = vector.broadcast %mul3A_778 : f32 to vector<16xf32>
      %mul3A_780 = arith.mulf %convert_element_type3A_777, %mul3A_779 : vector<16xf32>
      %sub3A_781 = arith.subf %mul3A_772, %mul3A_780 : vector<16xf32>
      %convert_element_type3A_782 = arith.fptosi %sub3A_781 : vector<16xf32> to vector<16xi32>
      %add3A_783 = arith.addi %add3A_770, %convert_element_type3A_776 : vector<16xi32>
      %add3A_784 = arith.addi %add3A_771, %convert_element_type3A_782 : vector<16xi32>
      %convert_element_type3A_785 = arith.sitofp %add3A_783 : vector<16xi32> to vector<16xf32>
      %mul3A_786 = arith.constant 6.553600e+04 : f32
      %mul3A_787 = vector.broadcast %mul3A_786 : f32 to vector<16xf32>
      %mul3A_788 = arith.mulf %convert_element_type3A_785, %mul3A_787 : vector<16xf32>
      %convert_element_type3A_789 = arith.sitofp %add3A_784 : vector<16xi32> to vector<16xf32>
      %add3A_790 = arith.addf %mul3A_788, %convert_element_type3A_789 : vector<16xf32>
      %mul3A_791 = arith.constant 5.96046448E-8 : f32
      %mul3A_792 = vector.broadcast %mul3A_791 : f32 to vector<16xf32>
      %mul3A_793 = arith.mulf %add3A_790, %mul3A_792 : vector<16xf32>
      %convert_element_type3A_794 = arith.fptosi %mul3A_793 : vector<16xf32> to vector<16xi32>
      %convert_element_type3A_795 = arith.sitofp %convert_element_type3A_794 : vector<16xi32> to vector<16xf32>
      %mul3A_796 = arith.constant 0x4B800000 : f32
      %mul3A_797 = vector.broadcast %mul3A_796 : f32 to vector<16xf32>
      %mul3A_798 = arith.mulf %convert_element_type3A_795, %mul3A_797 : vector<16xf32>
      %sub3A_799 = arith.subf %add3A_790, %mul3A_798 : vector<16xf32>
      %convert_element_type3A_800 = arith.fptosi %sub3A_799 : vector<16xf32> to vector<16xi32>
      %mul3A_801 = arith.constant 76715 : i32
      %mul3A_802 = vector.broadcast %mul3A_801 : i32 to vector<16xi32>
      %mul3A_803 = arith.muli %convert_element_type3A_794, %mul3A_802 : vector<16xi32>
      %add3A_804 = arith.addi %mul3A_803, %convert_element_type3A_800 : vector<16xi32>
      %jit3A_805 = arith.constant 100003 : i64
      %convert_element_type3A_806 = arith.trunci %jit3A_805 : i64 to i32
      %eq3A_807 = arith.constant 0 : i32
      %eq3A_808 = arith.cmpi eq, %convert_element_type3A_806, %eq3A_807 : i32
      %jit3A_809 = arith.constant 1 : i32
      %select_n3A_810 = arith.select %eq3A_808, %jit3A_809, %convert_element_type3A_806 : i32
      %rem3A_811 = vector.broadcast %select_n3A_810 : i32 to vector<16xi32>
      %rem3A_812 = arith.remsi %add3A_804, %rem3A_811 : vector<16xi32>
      %ne3A_813 = arith.constant 0 : i32
      %ne3A_814 = vector.broadcast %ne3A_813 : i32 to vector<16xi32>
      %ne3A_815 = arith.cmpi ne, %rem3A_812, %ne3A_814 : vector<16xi32>
      %lt3A_816 = arith.constant 0 : i32
      %lt3A_817 = vector.broadcast %lt3A_816 : i32 to vector<16xi32>
      %lt3A_818 = arith.cmpi slt, %rem3A_812, %lt3A_817 : vector<16xi32>
      %lt3A_819 = arith.constant 0 : i32
      %lt3A_820 = arith.cmpi slt, %select_n3A_810, %lt3A_819 : i32
      %ne3A_821 = vector.broadcast %lt3A_820 : i1 to vector<16xi1>
      %ne3A_822 = vector.broadcast %ne3A_821 : vector<16xi1> to vector<16xi1>
      %ne3A_823 = arith.xori %lt3A_818, %ne3A_822 : vector<16xi1>
      %and3A_824 = arith.andi %ne3A_823, %ne3A_815 : vector<16xi1>
      %add3A_825 = vector.broadcast %select_n3A_810 : i32 to vector<16xi32>
      %add3A_826 = arith.addi %rem3A_812, %add3A_825 : vector<16xi32>
      %select_n3A_827 = arith.select %and3A_824, %add3A_826, %rem3A_812 : vector<16xi1>, vector<16xi32>
      %add3A_828 = arith.constant 200704 : i32
      %add3A_829 = vector.broadcast %add3A_828 : i32 to vector<16xi32>
      %add3A_830 = arith.addi %select_n3A_827, %add3A_829 : vector<16xi32>
      %add3A_831 = arith.constant 2 : i32
      %add3A_832 = vector.broadcast %add3A_831 : i32 to vector<16xi32>
      %add3A_833 = arith.addi %mul3A_596, %add3A_832 : vector<16xi32>
      tpu.vector_store_idx %arg10[%broadcast_in_dim3A_593, %add3A_833], %add3A_830 : memref<16x128xi32, #tpu.memory_space<vmem>>[vector<16xi32>, vector<16xi32>], vector<16xi32>,
      %broadcast_in_dim3A_834 = arith.constant 0 : i32
      %broadcast_in_dim3A_835 = vector.broadcast %broadcast_in_dim3A_834 : i32 to vector<16xi32>
      %broadcast_in_dim3A_836 = arith.constant 0 : i32
      %broadcast_in_dim3A_837 = vector.broadcast %broadcast_in_dim3A_836 : i32 to vector<16xi32>
      %mul3A_838 = arith.mulf %bitcast3A_574, %gather3A_64 : vector<16xf32>
      %mul3A_839 = arith.constant 1.52587891E-5 : f32
      %mul3A_840 = vector.broadcast %mul3A_839 : f32 to vector<16xf32>
      %mul3A_841 = arith.mulf %mul3A_838, %mul3A_840 : vector<16xf32>
      %convert_element_type3A_842 = arith.fptosi %mul3A_841 : vector<16xf32> to vector<16xi32>
      %convert_element_type3A_843 = arith.sitofp %convert_element_type3A_842 : vector<16xi32> to vector<16xf32>
      %mul3A_844 = arith.constant 6.553600e+04 : f32
      %mul3A_845 = vector.broadcast %mul3A_844 : f32 to vector<16xf32>
      %mul3A_846 = arith.mulf %convert_element_type3A_843, %mul3A_845 : vector<16xf32>
      %sub3A_847 = arith.subf %mul3A_838, %mul3A_846 : vector<16xf32>
      %convert_element_type3A_848 = arith.fptosi %sub3A_847 : vector<16xf32> to vector<16xi32>
      %add3A_849 = arith.addi %broadcast_in_dim3A_835, %convert_element_type3A_842 : vector<16xi32>
      %add3A_850 = arith.addi %broadcast_in_dim3A_837, %convert_element_type3A_848 : vector<16xi32>
      %mul3A_851 = arith.mulf %bitcast3A_556, %gather3A_67 : vector<16xf32>
      %mul3A_852 = arith.constant 1.52587891E-5 : f32
      %mul3A_853 = vector.broadcast %mul3A_852 : f32 to vector<16xf32>
      %mul3A_854 = arith.mulf %mul3A_851, %mul3A_853 : vector<16xf32>
      %convert_element_type3A_855 = arith.fptosi %mul3A_854 : vector<16xf32> to vector<16xi32>
      %convert_element_type3A_856 = arith.sitofp %convert_element_type3A_855 : vector<16xi32> to vector<16xf32>
      %mul3A_857 = arith.constant 6.553600e+04 : f32
      %mul3A_858 = vector.broadcast %mul3A_857 : f32 to vector<16xf32>
      %mul3A_859 = arith.mulf %convert_element_type3A_856, %mul3A_858 : vector<16xf32>
      %sub3A_860 = arith.subf %mul3A_851, %mul3A_859 : vector<16xf32>
      %convert_element_type3A_861 = arith.fptosi %sub3A_860 : vector<16xf32> to vector<16xi32>
      %add3A_862 = arith.addi %add3A_849, %convert_element_type3A_855 : vector<16xi32>
      %add3A_863 = arith.addi %add3A_850, %convert_element_type3A_861 : vector<16xi32>
      %convert_element_type3A_864 = arith.sitofp %add3A_862 : vector<16xi32> to vector<16xf32>
      %mul3A_865 = arith.constant 6.553600e+04 : f32
      %mul3A_866 = vector.broadcast %mul3A_865 : f32 to vector<16xf32>
      %mul3A_867 = arith.mulf %convert_element_type3A_864, %mul3A_866 : vector<16xf32>
      %convert_element_type3A_868 = arith.sitofp %add3A_863 : vector<16xi32> to vector<16xf32>
      %add3A_869 = arith.addf %mul3A_867, %convert_element_type3A_868 : vector<16xf32>
      %mul3A_870 = arith.constant 5.96046448E-8 : f32
      %mul3A_871 = vector.broadcast %mul3A_870 : f32 to vector<16xf32>
      %mul3A_872 = arith.mulf %add3A_869, %mul3A_871 : vector<16xf32>
      %convert_element_type3A_873 = arith.fptosi %mul3A_872 : vector<16xf32> to vector<16xi32>
      %convert_element_type3A_874 = arith.sitofp %convert_element_type3A_873 : vector<16xi32> to vector<16xf32>
      %mul3A_875 = arith.constant 0x4B800000 : f32
      %mul3A_876 = vector.broadcast %mul3A_875 : f32 to vector<16xf32>
      %mul3A_877 = arith.mulf %convert_element_type3A_874, %mul3A_876 : vector<16xf32>
      %sub3A_878 = arith.subf %add3A_869, %mul3A_877 : vector<16xf32>
      %convert_element_type3A_879 = arith.fptosi %sub3A_878 : vector<16xf32> to vector<16xi32>
      %mul3A_880 = arith.constant 76715 : i32
      %mul3A_881 = vector.broadcast %mul3A_880 : i32 to vector<16xi32>
      %mul3A_882 = arith.muli %convert_element_type3A_873, %mul3A_881 : vector<16xi32>
      %add3A_883 = arith.addi %mul3A_882, %convert_element_type3A_879 : vector<16xi32>
      %jit3A_884 = arith.constant 100003 : i64
      %convert_element_type3A_885 = arith.trunci %jit3A_884 : i64 to i32
      %eq3A_886 = arith.constant 0 : i32
      %eq3A_887 = arith.cmpi eq, %convert_element_type3A_885, %eq3A_886 : i32
      %jit3A_888 = arith.constant 1 : i32
      %select_n3A_889 = arith.select %eq3A_887, %jit3A_888, %convert_element_type3A_885 : i32
      %rem3A_890 = vector.broadcast %select_n3A_889 : i32 to vector<16xi32>
      %rem3A_891 = arith.remsi %add3A_883, %rem3A_890 : vector<16xi32>
      %ne3A_892 = arith.constant 0 : i32
      %ne3A_893 = vector.broadcast %ne3A_892 : i32 to vector<16xi32>
      %ne3A_894 = arith.cmpi ne, %rem3A_891, %ne3A_893 : vector<16xi32>
      %lt3A_895 = arith.constant 0 : i32
      %lt3A_896 = vector.broadcast %lt3A_895 : i32 to vector<16xi32>
      %lt3A_897 = arith.cmpi slt, %rem3A_891, %lt3A_896 : vector<16xi32>
      %lt3A_898 = arith.constant 0 : i32
      %lt3A_899 = arith.cmpi slt, %select_n3A_889, %lt3A_898 : i32
      %ne3A_900 = vector.broadcast %lt3A_899 : i1 to vector<16xi1>
      %ne3A_901 = vector.broadcast %ne3A_900 : vector<16xi1> to vector<16xi1>
      %ne3A_902 = arith.xori %lt3A_897, %ne3A_901 : vector<16xi1>
      %and3A_903 = arith.andi %ne3A_902, %ne3A_894 : vector<16xi1>
      %add3A_904 = vector.broadcast %select_n3A_889 : i32 to vector<16xi32>
      %add3A_905 = arith.addi %rem3A_891, %add3A_904 : vector<16xi32>
      %select_n3A_906 = arith.select %and3A_903, %add3A_905, %rem3A_891 : vector<16xi1>, vector<16xi32>
      %add3A_907 = arith.constant 301056 : i32
      %add3A_908 = vector.broadcast %add3A_907 : i32 to vector<16xi32>
      %add3A_909 = arith.addi %select_n3A_906, %add3A_908 : vector<16xi32>
      %add3A_910 = arith.constant 3 : i32
      %add3A_911 = vector.broadcast %add3A_910 : i32 to vector<16xi32>
      %add3A_912 = arith.addi %mul3A_596, %add3A_911 : vector<16xi32>
      tpu.vector_store_idx %arg10[%broadcast_in_dim3A_593, %add3A_912], %add3A_909 : memref<16x128xi32, #tpu.memory_space<vmem>>[vector<16xi32>, vector<16xi32>], vector<16xi32>,
      %broadcast_in_dim3A_913 = arith.constant 0 : i32
      %broadcast_in_dim3A_914 = vector.broadcast %broadcast_in_dim3A_913 : i32 to vector<16xi32>
      %broadcast_in_dim3A_915 = arith.constant 0 : i32
      %broadcast_in_dim3A_916 = vector.broadcast %broadcast_in_dim3A_915 : i32 to vector<16xi32>
      %mul3A_917 = arith.mulf %bitcast3A_592, %gather3A_73 : vector<16xf32>
      %mul3A_918 = arith.constant 1.52587891E-5 : f32
      %mul3A_919 = vector.broadcast %mul3A_918 : f32 to vector<16xf32>
      %mul3A_920 = arith.mulf %mul3A_917, %mul3A_919 : vector<16xf32>
      %convert_element_type3A_921 = arith.fptosi %mul3A_920 : vector<16xf32> to vector<16xi32>
      %convert_element_type3A_922 = arith.sitofp %convert_element_type3A_921 : vector<16xi32> to vector<16xf32>
      %mul3A_923 = arith.constant 6.553600e+04 : f32
      %mul3A_924 = vector.broadcast %mul3A_923 : f32 to vector<16xf32>
      %mul3A_925 = arith.mulf %convert_element_type3A_922, %mul3A_924 : vector<16xf32>
      %sub3A_926 = arith.subf %mul3A_917, %mul3A_925 : vector<16xf32>
      %convert_element_type3A_927 = arith.fptosi %sub3A_926 : vector<16xf32> to vector<16xi32>
      %add3A_928 = arith.addi %broadcast_in_dim3A_914, %convert_element_type3A_921 : vector<16xi32>
      %add3A_929 = arith.addi %broadcast_in_dim3A_916, %convert_element_type3A_927 : vector<16xi32>
      %mul3A_930 = arith.mulf %bitcast3A_574, %gather3A_76 : vector<16xf32>
      %mul3A_931 = arith.constant 1.52587891E-5 : f32
      %mul3A_932 = vector.broadcast %mul3A_931 : f32 to vector<16xf32>
      %mul3A_933 = arith.mulf %mul3A_930, %mul3A_932 : vector<16xf32>
      %convert_element_type3A_934 = arith.fptosi %mul3A_933 : vector<16xf32> to vector<16xi32>
      %convert_element_type3A_935 = arith.sitofp %convert_element_type3A_934 : vector<16xi32> to vector<16xf32>
      %mul3A_936 = arith.constant 6.553600e+04 : f32
      %mul3A_937 = vector.broadcast %mul3A_936 : f32 to vector<16xf32>
      %mul3A_938 = arith.mulf %convert_element_type3A_935, %mul3A_937 : vector<16xf32>
      %sub3A_939 = arith.subf %mul3A_930, %mul3A_938 : vector<16xf32>
      %convert_element_type3A_940 = arith.fptosi %sub3A_939 : vector<16xf32> to vector<16xi32>
      %add3A_941 = arith.addi %add3A_928, %convert_element_type3A_934 : vector<16xi32>
      %add3A_942 = arith.addi %add3A_929, %convert_element_type3A_940 : vector<16xi32>
      %mul3A_943 = arith.mulf %bitcast3A_556, %gather3A_79 : vector<16xf32>
      %mul3A_944 = arith.constant 1.52587891E-5 : f32
      %mul3A_945 = vector.broadcast %mul3A_944 : f32 to vector<16xf32>
      %mul3A_946 = arith.mulf %mul3A_943, %mul3A_945 : vector<16xf32>
      %convert_element_type3A_947 = arith.fptosi %mul3A_946 : vector<16xf32> to vector<16xi32>
      %convert_element_type3A_948 = arith.sitofp %convert_element_type3A_947 : vector<16xi32> to vector<16xf32>
      %mul3A_949 = arith.constant 6.553600e+04 : f32
      %mul3A_950 = vector.broadcast %mul3A_949 : f32 to vector<16xf32>
      %mul3A_951 = arith.mulf %convert_element_type3A_948, %mul3A_950 : vector<16xf32>
      %sub3A_952 = arith.subf %mul3A_943, %mul3A_951 : vector<16xf32>
      %convert_element_type3A_953 = arith.fptosi %sub3A_952 : vector<16xf32> to vector<16xi32>
      %add3A_954 = arith.addi %add3A_941, %convert_element_type3A_947 : vector<16xi32>
      %add3A_955 = arith.addi %add3A_942, %convert_element_type3A_953 : vector<16xi32>
      %convert_element_type3A_956 = arith.sitofp %add3A_954 : vector<16xi32> to vector<16xf32>
      %mul3A_957 = arith.constant 6.553600e+04 : f32
      %mul3A_958 = vector.broadcast %mul3A_957 : f32 to vector<16xf32>
      %mul3A_959 = arith.mulf %convert_element_type3A_956, %mul3A_958 : vector<16xf32>
      %convert_element_type3A_960 = arith.sitofp %add3A_955 : vector<16xi32> to vector<16xf32>
      %add3A_961 = arith.addf %mul3A_959, %convert_element_type3A_960 : vector<16xf32>
      %mul3A_962 = arith.constant 5.96046448E-8 : f32
      %mul3A_963 = vector.broadcast %mul3A_962 : f32 to vector<16xf32>
      %mul3A_964 = arith.mulf %add3A_961, %mul3A_963 : vector<16xf32>
      %convert_element_type3A_965 = arith.fptosi %mul3A_964 : vector<16xf32> to vector<16xi32>
      %convert_element_type3A_966 = arith.sitofp %convert_element_type3A_965 : vector<16xi32> to vector<16xf32>
      %mul3A_967 = arith.constant 0x4B800000 : f32
      %mul3A_968 = vector.broadcast %mul3A_967 : f32 to vector<16xf32>
      %mul3A_969 = arith.mulf %convert_element_type3A_966, %mul3A_968 : vector<16xf32>
      %sub3A_970 = arith.subf %add3A_961, %mul3A_969 : vector<16xf32>
      %convert_element_type3A_971 = arith.fptosi %sub3A_970 : vector<16xf32> to vector<16xi32>
      %mul3A_972 = arith.constant 76715 : i32
      %mul3A_973 = vector.broadcast %mul3A_972 : i32 to vector<16xi32>
      %mul3A_974 = arith.muli %convert_element_type3A_965, %mul3A_973 : vector<16xi32>
      %add3A_975 = arith.addi %mul3A_974, %convert_element_type3A_971 : vector<16xi32>
      %jit3A_976 = arith.constant 100003 : i64
      %convert_element_type3A_977 = arith.trunci %jit3A_976 : i64 to i32
      %eq3A_978 = arith.constant 0 : i32
      %eq3A_979 = arith.cmpi eq, %convert_element_type3A_977, %eq3A_978 : i32
      %jit3A_980 = arith.constant 1 : i32
      %select_n3A_981 = arith.select %eq3A_979, %jit3A_980, %convert_element_type3A_977 : i32
      %rem3A_982 = vector.broadcast %select_n3A_981 : i32 to vector<16xi32>
      %rem3A_983 = arith.remsi %add3A_975, %rem3A_982 : vector<16xi32>
      %ne3A_984 = arith.constant 0 : i32
      %ne3A_985 = vector.broadcast %ne3A_984 : i32 to vector<16xi32>
      %ne3A_986 = arith.cmpi ne, %rem3A_983, %ne3A_985 : vector<16xi32>
      %lt3A_987 = arith.constant 0 : i32
      %lt3A_988 = vector.broadcast %lt3A_987 : i32 to vector<16xi32>
      %lt3A_989 = arith.cmpi slt, %rem3A_983, %lt3A_988 : vector<16xi32>
      %lt3A_990 = arith.constant 0 : i32
      %lt3A_991 = arith.cmpi slt, %select_n3A_981, %lt3A_990 : i32
      %ne3A_992 = vector.broadcast %lt3A_991 : i1 to vector<16xi1>
      %ne3A_993 = vector.broadcast %ne3A_992 : vector<16xi1> to vector<16xi1>
      %ne3A_994 = arith.xori %lt3A_989, %ne3A_993 : vector<16xi1>
      %and3A_995 = arith.andi %ne3A_994, %ne3A_986 : vector<16xi1>
      %add3A_996 = vector.broadcast %select_n3A_981 : i32 to vector<16xi32>
      %add3A_997 = arith.addi %rem3A_983, %add3A_996 : vector<16xi32>
      %select_n3A_998 = arith.select %and3A_995, %add3A_997, %rem3A_983 : vector<16xi1>, vector<16xi32>
      %add3A_999 = arith.constant 401408 : i32
      %add3A_1000 = vector.broadcast %add3A_999 : i32 to vector<16xi32>
      %add3A_1001 = arith.addi %select_n3A_998, %add3A_1000 : vector<16xi32>
      %add3A_1002 = arith.constant 4 : i32
      %add3A_1003 = vector.broadcast %add3A_1002 : i32 to vector<16xi32>
      %add3A_1004 = arith.addi %mul3A_596, %add3A_1003 : vector<16xi32>
      tpu.vector_store_idx %arg10[%broadcast_in_dim3A_593, %add3A_1004], %add3A_1001 : memref<16x128xi32, #tpu.memory_space<vmem>>[vector<16xi32>, vector<16xi32>], vector<16xi32>,
      %broadcast_in_dim3A_1005 = arith.constant 0 : i32
      %broadcast_in_dim3A_1006 = vector.broadcast %broadcast_in_dim3A_1005 : i32 to vector<16xi32>
      %broadcast_in_dim3A_1007 = arith.constant 0 : i32
      %broadcast_in_dim3A_1008 = vector.broadcast %broadcast_in_dim3A_1007 : i32 to vector<16xi32>
      %mul3A_1009 = arith.mulf %bitcast3A_592, %gather3A_82 : vector<16xf32>
      %mul3A_1010 = arith.constant 1.52587891E-5 : f32
      %mul3A_1011 = vector.broadcast %mul3A_1010 : f32 to vector<16xf32>
      %mul3A_1012 = arith.mulf %mul3A_1009, %mul3A_1011 : vector<16xf32>
      %convert_element_type3A_1013 = arith.fptosi %mul3A_1012 : vector<16xf32> to vector<16xi32>
      %convert_element_type3A_1014 = arith.sitofp %convert_element_type3A_1013 : vector<16xi32> to vector<16xf32>
      %mul3A_1015 = arith.constant 6.553600e+04 : f32
      %mul3A_1016 = vector.broadcast %mul3A_1015 : f32 to vector<16xf32>
      %mul3A_1017 = arith.mulf %convert_element_type3A_1014, %mul3A_1016 : vector<16xf32>
      %sub3A_1018 = arith.subf %mul3A_1009, %mul3A_1017 : vector<16xf32>
      %convert_element_type3A_1019 = arith.fptosi %sub3A_1018 : vector<16xf32> to vector<16xi32>
      %add3A_1020 = arith.addi %broadcast_in_dim3A_1006, %convert_element_type3A_1013 : vector<16xi32>
      %add3A_1021 = arith.addi %broadcast_in_dim3A_1008, %convert_element_type3A_1019 : vector<16xi32>
      %mul3A_1022 = arith.mulf %bitcast3A_574, %gather3A_85 : vector<16xf32>
      %mul3A_1023 = arith.constant 1.52587891E-5 : f32
      %mul3A_1024 = vector.broadcast %mul3A_1023 : f32 to vector<16xf32>
      %mul3A_1025 = arith.mulf %mul3A_1022, %mul3A_1024 : vector<16xf32>
      %convert_element_type3A_1026 = arith.fptosi %mul3A_1025 : vector<16xf32> to vector<16xi32>
      %convert_element_type3A_1027 = arith.sitofp %convert_element_type3A_1026 : vector<16xi32> to vector<16xf32>
      %mul3A_1028 = arith.constant 6.553600e+04 : f32
      %mul3A_1029 = vector.broadcast %mul3A_1028 : f32 to vector<16xf32>
      %mul3A_1030 = arith.mulf %convert_element_type3A_1027, %mul3A_1029 : vector<16xf32>
      %sub3A_1031 = arith.subf %mul3A_1022, %mul3A_1030 : vector<16xf32>
      %convert_element_type3A_1032 = arith.fptosi %sub3A_1031 : vector<16xf32> to vector<16xi32>
      %add3A_1033 = arith.addi %add3A_1020, %convert_element_type3A_1026 : vector<16xi32>
      %add3A_1034 = arith.addi %add3A_1021, %convert_element_type3A_1032 : vector<16xi32>
      %mul3A_1035 = arith.mulf %bitcast3A_556, %gather3A_88 : vector<16xf32>
      %mul3A_1036 = arith.constant 1.52587891E-5 : f32
      %mul3A_1037 = vector.broadcast %mul3A_1036 : f32 to vector<16xf32>
      %mul3A_1038 = arith.mulf %mul3A_1035, %mul3A_1037 : vector<16xf32>
      %convert_element_type3A_1039 = arith.fptosi %mul3A_1038 : vector<16xf32> to vector<16xi32>
      %convert_element_type3A_1040 = arith.sitofp %convert_element_type3A_1039 : vector<16xi32> to vector<16xf32>
      %mul3A_1041 = arith.constant 6.553600e+04 : f32
      %mul3A_1042 = vector.broadcast %mul3A_1041 : f32 to vector<16xf32>
      %mul3A_1043 = arith.mulf %convert_element_type3A_1040, %mul3A_1042 : vector<16xf32>
      %sub3A_1044 = arith.subf %mul3A_1035, %mul3A_1043 : vector<16xf32>
      %convert_element_type3A_1045 = arith.fptosi %sub3A_1044 : vector<16xf32> to vector<16xi32>
      %add3A_1046 = arith.addi %add3A_1033, %convert_element_type3A_1039 : vector<16xi32>
      %add3A_1047 = arith.addi %add3A_1034, %convert_element_type3A_1045 : vector<16xi32>
      %convert_element_type3A_1048 = arith.sitofp %add3A_1046 : vector<16xi32> to vector<16xf32>
      %mul3A_1049 = arith.constant 6.553600e+04 : f32
      %mul3A_1050 = vector.broadcast %mul3A_1049 : f32 to vector<16xf32>
      %mul3A_1051 = arith.mulf %convert_element_type3A_1048, %mul3A_1050 : vector<16xf32>
      %convert_element_type3A_1052 = arith.sitofp %add3A_1047 : vector<16xi32> to vector<16xf32>
      %add3A_1053 = arith.addf %mul3A_1051, %convert_element_type3A_1052 : vector<16xf32>
      %mul3A_1054 = arith.constant 5.96046448E-8 : f32
      %mul3A_1055 = vector.broadcast %mul3A_1054 : f32 to vector<16xf32>
      %mul3A_1056 = arith.mulf %add3A_1053, %mul3A_1055 : vector<16xf32>
      %convert_element_type3A_1057 = arith.fptosi %mul3A_1056 : vector<16xf32> to vector<16xi32>
      %convert_element_type3A_1058 = arith.sitofp %convert_element_type3A_1057 : vector<16xi32> to vector<16xf32>
      %mul3A_1059 = arith.constant 0x4B800000 : f32
      %mul3A_1060 = vector.broadcast %mul3A_1059 : f32 to vector<16xf32>
      %mul3A_1061 = arith.mulf %convert_element_type3A_1058, %mul3A_1060 : vector<16xf32>
      %sub3A_1062 = arith.subf %add3A_1053, %mul3A_1061 : vector<16xf32>
      %convert_element_type3A_1063 = arith.fptosi %sub3A_1062 : vector<16xf32> to vector<16xi32>
      %mul3A_1064 = arith.constant 76715 : i32
      %mul3A_1065 = vector.broadcast %mul3A_1064 : i32 to vector<16xi32>
      %mul3A_1066 = arith.muli %convert_element_type3A_1057, %mul3A_1065 : vector<16xi32>
      %add3A_1067 = arith.addi %mul3A_1066, %convert_element_type3A_1063 : vector<16xi32>
      %jit3A_1068 = arith.constant 100003 : i64
      %convert_element_type3A_1069 = arith.trunci %jit3A_1068 : i64 to i32
      %eq3A_1070 = arith.constant 0 : i32
      %eq3A_1071 = arith.cmpi eq, %convert_element_type3A_1069, %eq3A_1070 : i32
      %jit3A_1072 = arith.constant 1 : i32
      %select_n3A_1073 = arith.select %eq3A_1071, %jit3A_1072, %convert_element_type3A_1069 : i32
      %rem3A_1074 = vector.broadcast %select_n3A_1073 : i32 to vector<16xi32>
      %rem3A_1075 = arith.remsi %add3A_1067, %rem3A_1074 : vector<16xi32>
      %ne3A_1076 = arith.constant 0 : i32
      %ne3A_1077 = vector.broadcast %ne3A_1076 : i32 to vector<16xi32>
      %ne3A_1078 = arith.cmpi ne, %rem3A_1075, %ne3A_1077 : vector<16xi32>
      %lt3A_1079 = arith.constant 0 : i32
      %lt3A_1080 = vector.broadcast %lt3A_1079 : i32 to vector<16xi32>
      %lt3A_1081 = arith.cmpi slt, %rem3A_1075, %lt3A_1080 : vector<16xi32>
      %lt3A_1082 = arith.constant 0 : i32
      %lt3A_1083 = arith.cmpi slt, %select_n3A_1073, %lt3A_1082 : i32
      %ne3A_1084 = vector.broadcast %lt3A_1083 : i1 to vector<16xi1>
      %ne3A_1085 = vector.broadcast %ne3A_1084 : vector<16xi1> to vector<16xi1>
      %ne3A_1086 = arith.xori %lt3A_1081, %ne3A_1085 : vector<16xi1>
      %and3A_1087 = arith.andi %ne3A_1086, %ne3A_1078 : vector<16xi1>
      %add3A_1088 = vector.broadcast %select_n3A_1073 : i32 to vector<16xi32>
      %add3A_1089 = arith.addi %rem3A_1075, %add3A_1088 : vector<16xi32>
      %select_n3A_1090 = arith.select %and3A_1087, %add3A_1089, %rem3A_1075 : vector<16xi1>, vector<16xi32>
      %add3A_1091 = arith.constant 501760 : i32
      %add3A_1092 = vector.broadcast %add3A_1091 : i32 to vector<16xi32>
      %add3A_1093 = arith.addi %select_n3A_1090, %add3A_1092 : vector<16xi32>
      %add3A_1094 = arith.constant 5 : i32
      %add3A_1095 = vector.broadcast %add3A_1094 : i32 to vector<16xi32>
      %add3A_1096 = arith.addi %mul3A_596, %add3A_1095 : vector<16xi32>
      tpu.vector_store_idx %arg10[%broadcast_in_dim3A_593, %add3A_1096], %add3A_1093 : memref<16x128xi32, #tpu.memory_space<vmem>>[vector<16xi32>, vector<16xi32>], vector<16xi32>,
      %broadcast_in_dim3A_1097 = arith.constant 0 : i32
      %broadcast_in_dim3A_1098 = vector.broadcast %broadcast_in_dim3A_1097 : i32 to vector<16xi32>
      %broadcast_in_dim3A_1099 = arith.constant 0 : i32
      %broadcast_in_dim3A_1100 = vector.broadcast %broadcast_in_dim3A_1099 : i32 to vector<16xi32>
      %mul3A_1101 = arith.mulf %bitcast3A_592, %gather3A_91 : vector<16xf32>
      %mul3A_1102 = arith.constant 1.52587891E-5 : f32
      %mul3A_1103 = vector.broadcast %mul3A_1102 : f32 to vector<16xf32>
      %mul3A_1104 = arith.mulf %mul3A_1101, %mul3A_1103 : vector<16xf32>
      %convert_element_type3A_1105 = arith.fptosi %mul3A_1104 : vector<16xf32> to vector<16xi32>
      %convert_element_type3A_1106 = arith.sitofp %convert_element_type3A_1105 : vector<16xi32> to vector<16xf32>
      %mul3A_1107 = arith.constant 6.553600e+04 : f32
      %mul3A_1108 = vector.broadcast %mul3A_1107 : f32 to vector<16xf32>
      %mul3A_1109 = arith.mulf %convert_element_type3A_1106, %mul3A_1108 : vector<16xf32>
      %sub3A_1110 = arith.subf %mul3A_1101, %mul3A_1109 : vector<16xf32>
      %convert_element_type3A_1111 = arith.fptosi %sub3A_1110 : vector<16xf32> to vector<16xi32>
      %add3A_1112 = arith.addi %broadcast_in_dim3A_1098, %convert_element_type3A_1105 : vector<16xi32>
      %add3A_1113 = arith.addi %broadcast_in_dim3A_1100, %convert_element_type3A_1111 : vector<16xi32>
      %mul3A_1114 = arith.mulf %bitcast3A_574, %gather3A_94 : vector<16xf32>
      %mul3A_1115 = arith.constant 1.52587891E-5 : f32
      %mul3A_1116 = vector.broadcast %mul3A_1115 : f32 to vector<16xf32>
      %mul3A_1117 = arith.mulf %mul3A_1114, %mul3A_1116 : vector<16xf32>
      %convert_element_type3A_1118 = arith.fptosi %mul3A_1117 : vector<16xf32> to vector<16xi32>
      %convert_element_type3A_1119 = arith.sitofp %convert_element_type3A_1118 : vector<16xi32> to vector<16xf32>
      %mul3A_1120 = arith.constant 6.553600e+04 : f32
      %mul3A_1121 = vector.broadcast %mul3A_1120 : f32 to vector<16xf32>
      %mul3A_1122 = arith.mulf %convert_element_type3A_1119, %mul3A_1121 : vector<16xf32>
      %sub3A_1123 = arith.subf %mul3A_1114, %mul3A_1122 : vector<16xf32>
      %convert_element_type3A_1124 = arith.fptosi %sub3A_1123 : vector<16xf32> to vector<16xi32>
      %add3A_1125 = arith.addi %add3A_1112, %convert_element_type3A_1118 : vector<16xi32>
      %add3A_1126 = arith.addi %add3A_1113, %convert_element_type3A_1124 : vector<16xi32>
      %mul3A_1127 = arith.mulf %bitcast3A_556, %gather3A_97 : vector<16xf32>
      %mul3A_1128 = arith.constant 1.52587891E-5 : f32
      %mul3A_1129 = vector.broadcast %mul3A_1128 : f32 to vector<16xf32>
      %mul3A_1130 = arith.mulf %mul3A_1127, %mul3A_1129 : vector<16xf32>
      %convert_element_type3A_1131 = arith.fptosi %mul3A_1130 : vector<16xf32> to vector<16xi32>
      %convert_element_type3A_1132 = arith.sitofp %convert_element_type3A_1131 : vector<16xi32> to vector<16xf32>
      %mul3A_1133 = arith.constant 6.553600e+04 : f32
      %mul3A_1134 = vector.broadcast %mul3A_1133 : f32 to vector<16xf32>
      %mul3A_1135 = arith.mulf %convert_element_type3A_1132, %mul3A_1134 : vector<16xf32>
      %sub3A_1136 = arith.subf %mul3A_1127, %mul3A_1135 : vector<16xf32>
      %convert_element_type3A_1137 = arith.fptosi %sub3A_1136 : vector<16xf32> to vector<16xi32>
      %add3A_1138 = arith.addi %add3A_1125, %convert_element_type3A_1131 : vector<16xi32>
      %add3A_1139 = arith.addi %add3A_1126, %convert_element_type3A_1137 : vector<16xi32>
      %convert_element_type3A_1140 = arith.sitofp %add3A_1138 : vector<16xi32> to vector<16xf32>
      %mul3A_1141 = arith.constant 6.553600e+04 : f32
      %mul3A_1142 = vector.broadcast %mul3A_1141 : f32 to vector<16xf32>
      %mul3A_1143 = arith.mulf %convert_element_type3A_1140, %mul3A_1142 : vector<16xf32>
      %convert_element_type3A_1144 = arith.sitofp %add3A_1139 : vector<16xi32> to vector<16xf32>
      %add3A_1145 = arith.addf %mul3A_1143, %convert_element_type3A_1144 : vector<16xf32>
      %mul3A_1146 = arith.constant 5.96046448E-8 : f32
      %mul3A_1147 = vector.broadcast %mul3A_1146 : f32 to vector<16xf32>
      %mul3A_1148 = arith.mulf %add3A_1145, %mul3A_1147 : vector<16xf32>
      %convert_element_type3A_1149 = arith.fptosi %mul3A_1148 : vector<16xf32> to vector<16xi32>
      %convert_element_type3A_1150 = arith.sitofp %convert_element_type3A_1149 : vector<16xi32> to vector<16xf32>
      %mul3A_1151 = arith.constant 0x4B800000 : f32
      %mul3A_1152 = vector.broadcast %mul3A_1151 : f32 to vector<16xf32>
      %mul3A_1153 = arith.mulf %convert_element_type3A_1150, %mul3A_1152 : vector<16xf32>
      %sub3A_1154 = arith.subf %add3A_1145, %mul3A_1153 : vector<16xf32>
      %convert_element_type3A_1155 = arith.fptosi %sub3A_1154 : vector<16xf32> to vector<16xi32>
      %mul3A_1156 = arith.constant 76715 : i32
      %mul3A_1157 = vector.broadcast %mul3A_1156 : i32 to vector<16xi32>
      %mul3A_1158 = arith.muli %convert_element_type3A_1149, %mul3A_1157 : vector<16xi32>
      %add3A_1159 = arith.addi %mul3A_1158, %convert_element_type3A_1155 : vector<16xi32>
      %jit3A_1160 = arith.constant 100003 : i64
      %convert_element_type3A_1161 = arith.trunci %jit3A_1160 : i64 to i32
      %eq3A_1162 = arith.constant 0 : i32
      %eq3A_1163 = arith.cmpi eq, %convert_element_type3A_1161, %eq3A_1162 : i32
      %jit3A_1164 = arith.constant 1 : i32
      %select_n3A_1165 = arith.select %eq3A_1163, %jit3A_1164, %convert_element_type3A_1161 : i32
      %rem3A_1166 = vector.broadcast %select_n3A_1165 : i32 to vector<16xi32>
      %rem3A_1167 = arith.remsi %add3A_1159, %rem3A_1166 : vector<16xi32>
      %ne3A_1168 = arith.constant 0 : i32
      %ne3A_1169 = vector.broadcast %ne3A_1168 : i32 to vector<16xi32>
      %ne3A_1170 = arith.cmpi ne, %rem3A_1167, %ne3A_1169 : vector<16xi32>
      %lt3A_1171 = arith.constant 0 : i32
      %lt3A_1172 = vector.broadcast %lt3A_1171 : i32 to vector<16xi32>
      %lt3A_1173 = arith.cmpi slt, %rem3A_1167, %lt3A_1172 : vector<16xi32>
      %lt3A_1174 = arith.constant 0 : i32
      %lt3A_1175 = arith.cmpi slt, %select_n3A_1165, %lt3A_1174 : i32
      %ne3A_1176 = vector.broadcast %lt3A_1175 : i1 to vector<16xi1>
      %ne3A_1177 = vector.broadcast %ne3A_1176 : vector<16xi1> to vector<16xi1>
      %ne3A_1178 = arith.xori %lt3A_1173, %ne3A_1177 : vector<16xi1>
      %and3A_1179 = arith.andi %ne3A_1178, %ne3A_1170 : vector<16xi1>
      %add3A_1180 = vector.broadcast %select_n3A_1165 : i32 to vector<16xi32>
      %add3A_1181 = arith.addi %rem3A_1167, %add3A_1180 : vector<16xi32>
      %select_n3A_1182 = arith.select %and3A_1179, %add3A_1181, %rem3A_1167 : vector<16xi1>, vector<16xi32>
      %add3A_1183 = arith.constant 602112 : i32
      %add3A_1184 = vector.broadcast %add3A_1183 : i32 to vector<16xi32>
      %add3A_1185 = arith.addi %select_n3A_1182, %add3A_1184 : vector<16xi32>
      %add3A_1186 = arith.constant 6 : i32
      %add3A_1187 = vector.broadcast %add3A_1186 : i32 to vector<16xi32>
      %add3A_1188 = arith.addi %mul3A_596, %add3A_1187 : vector<16xi32>
      tpu.vector_store_idx %arg10[%broadcast_in_dim3A_593, %add3A_1188], %add3A_1185 : memref<16x128xi32, #tpu.memory_space<vmem>>[vector<16xi32>, vector<16xi32>], vector<16xi32>,
      %broadcast_in_dim3A_1189 = arith.constant 0 : i32
      %broadcast_in_dim3A_1190 = vector.broadcast %broadcast_in_dim3A_1189 : i32 to vector<16xi32>
      %broadcast_in_dim3A_1191 = arith.constant 0 : i32
      %broadcast_in_dim3A_1192 = vector.broadcast %broadcast_in_dim3A_1191 : i32 to vector<16xi32>
      %mul3A_1193 = arith.mulf %bitcast3A_592, %gather3A_100 : vector<16xf32>
      %mul3A_1194 = arith.constant 1.52587891E-5 : f32
      %mul3A_1195 = vector.broadcast %mul3A_1194 : f32 to vector<16xf32>
      %mul3A_1196 = arith.mulf %mul3A_1193, %mul3A_1195 : vector<16xf32>
      %convert_element_type3A_1197 = arith.fptosi %mul3A_1196 : vector<16xf32> to vector<16xi32>
      %convert_element_type3A_1198 = arith.sitofp %convert_element_type3A_1197 : vector<16xi32> to vector<16xf32>
      %mul3A_1199 = arith.constant 6.553600e+04 : f32
      %mul3A_1200 = vector.broadcast %mul3A_1199 : f32 to vector<16xf32>
      %mul3A_1201 = arith.mulf %convert_element_type3A_1198, %mul3A_1200 : vector<16xf32>
      %sub3A_1202 = arith.subf %mul3A_1193, %mul3A_1201 : vector<16xf32>
      %convert_element_type3A_1203 = arith.fptosi %sub3A_1202 : vector<16xf32> to vector<16xi32>
      %add3A_1204 = arith.addi %broadcast_in_dim3A_1190, %convert_element_type3A_1197 : vector<16xi32>
      %add3A_1205 = arith.addi %broadcast_in_dim3A_1192, %convert_element_type3A_1203 : vector<16xi32>
      %mul3A_1206 = arith.mulf %bitcast3A_574, %gather3A_103 : vector<16xf32>
      %mul3A_1207 = arith.constant 1.52587891E-5 : f32
      %mul3A_1208 = vector.broadcast %mul3A_1207 : f32 to vector<16xf32>
      %mul3A_1209 = arith.mulf %mul3A_1206, %mul3A_1208 : vector<16xf32>
      %convert_element_type3A_1210 = arith.fptosi %mul3A_1209 : vector<16xf32> to vector<16xi32>
      %convert_element_type3A_1211 = arith.sitofp %convert_element_type3A_1210 : vector<16xi32> to vector<16xf32>
      %mul3A_1212 = arith.constant 6.553600e+04 : f32
      %mul3A_1213 = vector.broadcast %mul3A_1212 : f32 to vector<16xf32>
      %mul3A_1214 = arith.mulf %convert_element_type3A_1211, %mul3A_1213 : vector<16xf32>
      %sub3A_1215 = arith.subf %mul3A_1206, %mul3A_1214 : vector<16xf32>
      %convert_element_type3A_1216 = arith.fptosi %sub3A_1215 : vector<16xf32> to vector<16xi32>
      %add3A_1217 = arith.addi %add3A_1204, %convert_element_type3A_1210 : vector<16xi32>
      %add3A_1218 = arith.addi %add3A_1205, %convert_element_type3A_1216 : vector<16xi32>
      %mul3A_1219 = arith.mulf %bitcast3A_556, %gather3A_106 : vector<16xf32>
      %mul3A_1220 = arith.constant 1.52587891E-5 : f32
      %mul3A_1221 = vector.broadcast %mul3A_1220 : f32 to vector<16xf32>
      %mul3A_1222 = arith.mulf %mul3A_1219, %mul3A_1221 : vector<16xf32>
      %convert_element_type3A_1223 = arith.fptosi %mul3A_1222 : vector<16xf32> to vector<16xi32>
      %convert_element_type3A_1224 = arith.sitofp %convert_element_type3A_1223 : vector<16xi32> to vector<16xf32>
      %mul3A_1225 = arith.constant 6.553600e+04 : f32
      %mul3A_1226 = vector.broadcast %mul3A_1225 : f32 to vector<16xf32>
      %mul3A_1227 = arith.mulf %convert_element_type3A_1224, %mul3A_1226 : vector<16xf32>
      %sub3A_1228 = arith.subf %mul3A_1219, %mul3A_1227 : vector<16xf32>
      %convert_element_type3A_1229 = arith.fptosi %sub3A_1228 : vector<16xf32> to vector<16xi32>
      %add3A_1230 = arith.addi %add3A_1217, %convert_element_type3A_1223 : vector<16xi32>
      %add3A_1231 = arith.addi %add3A_1218, %convert_element_type3A_1229 : vector<16xi32>
      %convert_element_type3A_1232 = arith.sitofp %add3A_1230 : vector<16xi32> to vector<16xf32>
      %mul3A_1233 = arith.constant 6.553600e+04 : f32
      %mul3A_1234 = vector.broadcast %mul3A_1233 : f32 to vector<16xf32>
      %mul3A_1235 = arith.mulf %convert_element_type3A_1232, %mul3A_1234 : vector<16xf32>
      %convert_element_type3A_1236 = arith.sitofp %add3A_1231 : vector<16xi32> to vector<16xf32>
      %add3A_1237 = arith.addf %mul3A_1235, %convert_element_type3A_1236 : vector<16xf32>
      %mul3A_1238 = arith.constant 5.96046448E-8 : f32
      %mul3A_1239 = vector.broadcast %mul3A_1238 : f32 to vector<16xf32>
      %mul3A_1240 = arith.mulf %add3A_1237, %mul3A_1239 : vector<16xf32>
      %convert_element_type3A_1241 = arith.fptosi %mul3A_1240 : vector<16xf32> to vector<16xi32>
      %convert_element_type3A_1242 = arith.sitofp %convert_element_type3A_1241 : vector<16xi32> to vector<16xf32>
      %mul3A_1243 = arith.constant 0x4B800000 : f32
      %mul3A_1244 = vector.broadcast %mul3A_1243 : f32 to vector<16xf32>
      %mul3A_1245 = arith.mulf %convert_element_type3A_1242, %mul3A_1244 : vector<16xf32>
      %sub3A_1246 = arith.subf %add3A_1237, %mul3A_1245 : vector<16xf32>
      %convert_element_type3A_1247 = arith.fptosi %sub3A_1246 : vector<16xf32> to vector<16xi32>
      %mul3A_1248 = arith.constant 76715 : i32
      %mul3A_1249 = vector.broadcast %mul3A_1248 : i32 to vector<16xi32>
      %mul3A_1250 = arith.muli %convert_element_type3A_1241, %mul3A_1249 : vector<16xi32>
      %add3A_1251 = arith.addi %mul3A_1250, %convert_element_type3A_1247 : vector<16xi32>
      %jit3A_1252 = arith.constant 100003 : i64
      %convert_element_type3A_1253 = arith.trunci %jit3A_1252 : i64 to i32
      %eq3A_1254 = arith.constant 0 : i32
      %eq3A_1255 = arith.cmpi eq, %convert_element_type3A_1253, %eq3A_1254 : i32
      %jit3A_1256 = arith.constant 1 : i32
      %select_n3A_1257 = arith.select %eq3A_1255, %jit3A_1256, %convert_element_type3A_1253 : i32
      %rem3A_1258 = vector.broadcast %select_n3A_1257 : i32 to vector<16xi32>
      %rem3A_1259 = arith.remsi %add3A_1251, %rem3A_1258 : vector<16xi32>
      %ne3A_1260 = arith.constant 0 : i32
      %ne3A_1261 = vector.broadcast %ne3A_1260 : i32 to vector<16xi32>
      %ne3A_1262 = arith.cmpi ne, %rem3A_1259, %ne3A_1261 : vector<16xi32>
      %lt3A_1263 = arith.constant 0 : i32
      %lt3A_1264 = vector.broadcast %lt3A_1263 : i32 to vector<16xi32>
      %lt3A_1265 = arith.cmpi slt, %rem3A_1259, %lt3A_1264 : vector<16xi32>
      %lt3A_1266 = arith.constant 0 : i32
      %lt3A_1267 = arith.cmpi slt, %select_n3A_1257, %lt3A_1266 : i32
      %ne3A_1268 = vector.broadcast %lt3A_1267 : i1 to vector<16xi1>
      %ne3A_1269 = vector.broadcast %ne3A_1268 : vector<16xi1> to vector<16xi1>
      %ne3A_1270 = arith.xori %lt3A_1265, %ne3A_1269 : vector<16xi1>
      %and3A_1271 = arith.andi %ne3A_1270, %ne3A_1262 : vector<16xi1>
      %add3A_1272 = vector.broadcast %select_n3A_1257 : i32 to vector<16xi32>
      %add3A_1273 = arith.addi %rem3A_1259, %add3A_1272 : vector<16xi32>
      %select_n3A_1274 = arith.select %and3A_1271, %add3A_1273, %rem3A_1259 : vector<16xi1>, vector<16xi32>
      %add3A_1275 = arith.constant 702464 : i32
      %add3A_1276 = vector.broadcast %add3A_1275 : i32 to vector<16xi32>
      %add3A_1277 = arith.addi %select_n3A_1274, %add3A_1276 : vector<16xi32>
      %add3A_1278 = arith.constant 7 : i32
      %add3A_1279 = vector.broadcast %add3A_1278 : i32 to vector<16xi32>
      %add3A_1280 = arith.addi %mul3A_596, %add3A_1279 : vector<16xi32>
      tpu.vector_store_idx %arg10[%broadcast_in_dim3A_593, %add3A_1280], %add3A_1277 : memref<16x128xi32, #tpu.memory_space<vmem>>[vector<16xi32>, vector<16xi32>], vector<16xi32>,
    }
    %while3A_127 = arith.constant 1 : i32
    scf.for %while3A_514 = %while3A_125 to %while3A_121 step %while3A_127  : i32 {
      %mul3A_515 = arith.constant 16 : i32
      %mul3A_516 = arith.muli %while3A_514, %mul3A_515 : i32
      %broadcast_in_dim3A_517 = vector.broadcast %mul3A_516 : i32 to vector<16xi32>
      %add3A_518 = arith.addi %iota3A, %broadcast_in_dim3A_517 : vector<16xi32>
      %add3A_519 = arith.constant 8 : i32
      %add3A_520 = vector.broadcast %add3A_519 : i32 to vector<16xi32>
      %add3A_521 = arith.addi %add3A_518, %add3A_520 : vector<16xi32>
      %gather3A_522 = tpu.vector_load_idx %arg8[%add3A_521] : memref<264xi32, #tpu.memory_space<vmem>>[vector<16xi32>], vector<16xi32>,
      %sub3A = arith.constant 1 : i32
      %sub3A_523 = vector.broadcast %sub3A : i32 to vector<16xi32>
      %sub3A_524 = arith.subi %add3A_521, %sub3A_523 : vector<16xi32>
      %gather3A_525 = tpu.vector_load_idx %arg8[%sub3A_524] : memref<264xi32, #tpu.memory_space<vmem>>[vector<16xi32>], vector<16xi32>,
      %sub3A_526 = arith.constant 2 : i32
      %sub3A_527 = vector.broadcast %sub3A_526 : i32 to vector<16xi32>
      %sub3A_528 = arith.subi %add3A_521, %sub3A_527 : vector<16xi32>
      %gather3A_529 = tpu.vector_load_idx %arg8[%sub3A_528] : memref<264xi32, #tpu.memory_space<vmem>>[vector<16xi32>], vector<16xi32>,
      %add3A_530 = arith.addi %iota3A, %broadcast_in_dim3A_517 : vector<16xi32>
      %add3A_531 = vector.broadcast %mul3A_117 : i32 to vector<16xi32>
      %add3A_532 = arith.addi %add3A_530, %add3A_531 : vector<16xi32>
      %broadcast_in_dim3A_533 = arith.constant 0 : i32
      %broadcast_in_dim3A_534 = vector.broadcast %broadcast_in_dim3A_533 : i32 to vector<16xi32>
      %ge3A = arith.constant 1 : i32
      %ge3A_535 = vector.broadcast %ge3A : i32 to vector<16xi32>
      %ge3A_536 = arith.cmpi sge, %add3A_532, %ge3A_535 : vector<16xi32>
      %select_n3A_537 = arith.select %ge3A_536, %gather3A_525, %broadcast_in_dim3A_534 : vector<16xi1>, vector<16xi32>
      %ge3A_538 = arith.constant 2 : i32
      %ge3A_539 = vector.broadcast %ge3A_538 : i32 to vector<16xi32>
      %ge3A_540 = arith.cmpi sge, %add3A_532, %ge3A_539 : vector<16xi32>
      %select_n3A_541 = arith.select %ge3A_540, %gather3A_529, %broadcast_in_dim3A_534 : vector<16xi1>, vector<16xi32>
      %convert_element_type3A_542 = arith.sitofp %gather3A_522 : vector<16xi32> to vector<16xf32>
      %bitcast3A = vector.bitcast %convert_element_type3A_542 : vector<16xf32> to vector<16xi32>
      %add3A_543 = arith.constant 32767 : i32
      %add3A_544 = vector.broadcast %add3A_543 : i32 to vector<16xi32>
      %add3A_545 = arith.addi %bitcast3A, %add3A_544 : vector<16xi32>
      %shift_right_arithmetic3A = arith.constant 16 : i32
      %shift_right_arithmetic3A_546 = vector.broadcast %shift_right_arithmetic3A : i32 to vector<16xi32>
      %shift_right_arithmetic3A_547 = arith.shrsi %bitcast3A, %shift_right_arithmetic3A_546 : vector<16xi32>
      %and3A_548 = arith.constant 1 : i32
      %and3A_549 = vector.broadcast %and3A_548 : i32 to vector<16xi32>
      %and3A_550 = arith.andi %shift_right_arithmetic3A_547, %and3A_549 : vector<16xi32>
      %add3A_551 = arith.addi %add3A_545, %and3A_550 : vector<16xi32>
      %not3A = arith.constant 65535 : i32
      %not3A_552 = arith.constant -1 : i32
      %not3A_553 = arith.xori %not3A, %not3A_552 : i32
      %and3A_554 = vector.broadcast %not3A_553 : i32 to vector<16xi32>
      %and3A_555 = arith.andi %add3A_551, %and3A_554 : vector<16xi32>
      %bitcast3A_556 = vector.bitcast %and3A_555 : vector<16xi32> to vector<16xf32>
      %convert_element_type3A_557 = arith.sitofp %select_n3A_537 : vector<16xi32> to vector<16xf32>
      %bitcast3A_558 = vector.bitcast %convert_element_type3A_557 : vector<16xf32> to vector<16xi32>
      %add3A_559 = arith.constant 32767 : i32
      %add3A_560 = vector.broadcast %add3A_559 : i32 to vector<16xi32>
      %add3A_561 = arith.addi %bitcast3A_558, %add3A_560 : vector<16xi32>
      %shift_right_arithmetic3A_562 = arith.constant 16 : i32
      %shift_right_arithmetic3A_563 = vector.broadcast %shift_right_arithmetic3A_562 : i32 to vector<16xi32>
      %shift_right_arithmetic3A_564 = arith.shrsi %bitcast3A_558, %shift_right_arithmetic3A_563 : vector<16xi32>
      %and3A_565 = arith.constant 1 : i32
      %and3A_566 = vector.broadcast %and3A_565 : i32 to vector<16xi32>
      %and3A_567 = arith.andi %shift_right_arithmetic3A_564, %and3A_566 : vector<16xi32>
      %add3A_568 = arith.addi %add3A_561, %and3A_567 : vector<16xi32>
      %not3A_569 = arith.constant 65535 : i32
      %not3A_570 = arith.constant -1 : i32
      %not3A_571 = arith.xori %not3A_569, %not3A_570 : i32
      %and3A_572 = vector.broadcast %not3A_571 : i32 to vector<16xi32>
      %and3A_573 = arith.andi %add3A_568, %and3A_572 : vector<16xi32>
      %bitcast3A_574 = vector.bitcast %and3A_573 : vector<16xi32> to vector<16xf32>
      %convert_element_type3A_575 = arith.sitofp %select_n3A_541 : vector<16xi32> to vector<16xf32>
      %bitcast3A_576 = vector.bitcast %convert_element_type3A_575 : vector<16xf32> to vector<16xi32>
      %add3A_577 = arith.constant 32767 : i32
      %add3A_578 = vector.broadcast %add3A_577 : i32 to vector<16xi32>
      %add3A_579 = arith.addi %bitcast3A_576, %add3A_578 : vector<16xi32>
      %shift_right_arithmetic3A_580 = arith.constant 16 : i32
      %shift_right_arithmetic3A_581 = vector.broadcast %shift_right_arithmetic3A_580 : i32 to vector<16xi32>
      %shift_right_arithmetic3A_582 = arith.shrsi %bitcast3A_576, %shift_right_arithmetic3A_581 : vector<16xi32>
      %and3A_583 = arith.constant 1 : i32
      %and3A_584 = vector.broadcast %and3A_583 : i32 to vector<16xi32>
      %and3A_585 = arith.andi %shift_right_arithmetic3A_582, %and3A_584 : vector<16xi32>
      %add3A_586 = arith.addi %add3A_579, %and3A_585 : vector<16xi32>
      %not3A_587 = arith.constant 65535 : i32
      %not3A_588 = arith.constant -1 : i32
      %not3A_589 = arith.xori %not3A_587, %not3A_588 : i32
      %and3A_590 = vector.broadcast %not3A_589 : i32 to vector<16xi32>
      %and3A_591 = arith.andi %add3A_586, %and3A_590 : vector<16xi32>
      %bitcast3A_592 = vector.bitcast %and3A_591 : vector<16xi32> to vector<16xf32>
      %broadcast_in_dim3A_593 = vector.broadcast %while3A_514 : i32 to vector<16xi32>
      %mul3A_594 = arith.constant 8 : i32
      %mul3A_595 = vector.broadcast %mul3A_594 : i32 to vector<16xi32>
      %mul3A_596 = arith.muli %iota3A, %mul3A_595 : vector<16xi32>
      %broadcast_in_dim3A_597 = arith.constant 0 : i32
      %broadcast_in_dim3A_598 = vector.broadcast %broadcast_in_dim3A_597 : i32 to vector<16xi32>
      %broadcast_in_dim3A_599 = arith.constant 0 : i32
      %broadcast_in_dim3A_600 = vector.broadcast %broadcast_in_dim3A_599 : i32 to vector<16xi32>
      %mul3A_601 = arith.mulf %bitcast3A_574, %gather3A : vector<16xf32>
      %mul3A_602 = arith.constant 1.52587891E-5 : f32
      %mul3A_603 = vector.broadcast %mul3A_602 : f32 to vector<16xf32>
      %mul3A_604 = arith.mulf %mul3A_601, %mul3A_603 : vector<16xf32>
      %convert_element_type3A_605 = arith.fptosi %mul3A_604 : vector<16xf32> to vector<16xi32>
      %convert_element_type3A_606 = arith.sitofp %convert_element_type3A_605 : vector<16xi32> to vector<16xf32>
      %mul3A_607 = arith.constant 6.553600e+04 : f32
      %mul3A_608 = vector.broadcast %mul3A_607 : f32 to vector<16xf32>
      %mul3A_609 = arith.mulf %convert_element_type3A_606, %mul3A_608 : vector<16xf32>
      %sub3A_610 = arith.subf %mul3A_601, %mul3A_609 : vector<16xf32>
      %convert_element_type3A_611 = arith.fptosi %sub3A_610 : vector<16xf32> to vector<16xi32>
      %add3A_612 = arith.addi %broadcast_in_dim3A_598, %convert_element_type3A_605 : vector<16xi32>
      %add3A_613 = arith.addi %broadcast_in_dim3A_600, %convert_element_type3A_611 : vector<16xi32>
      %mul3A_614 = arith.mulf %bitcast3A_556, %gather3A_40 : vector<16xf32>
      %mul3A_615 = arith.constant 1.52587891E-5 : f32
      %mul3A_616 = vector.broadcast %mul3A_615 : f32 to vector<16xf32>
      %mul3A_617 = arith.mulf %mul3A_614, %mul3A_616 : vector<16xf32>
      %convert_element_type3A_618 = arith.fptosi %mul3A_617 : vector<16xf32> to vector<16xi32>
      %convert_element_type3A_619 = arith.sitofp %convert_element_type3A_618 : vector<16xi32> to vector<16xf32>
      %mul3A_620 = arith.constant 6.553600e+04 : f32
      %mul3A_621 = vector.broadcast %mul3A_620 : f32 to vector<16xf32>
      %mul3A_622 = arith.mulf %convert_element_type3A_619, %mul3A_621 : vector<16xf32>
      %sub3A_623 = arith.subf %mul3A_614, %mul3A_622 : vector<16xf32>
      %convert_element_type3A_624 = arith.fptosi %sub3A_623 : vector<16xf32> to vector<16xi32>
      %add3A_625 = arith.addi %add3A_612, %convert_element_type3A_618 : vector<16xi32>
      %add3A_626 = arith.addi %add3A_613, %convert_element_type3A_624 : vector<16xi32>
      %convert_element_type3A_627 = arith.sitofp %add3A_625 : vector<16xi32> to vector<16xf32>
      %mul3A_628 = arith.constant 6.553600e+04 : f32
      %mul3A_629 = vector.broadcast %mul3A_628 : f32 to vector<16xf32>
      %mul3A_630 = arith.mulf %convert_element_type3A_627, %mul3A_629 : vector<16xf32>
      %convert_element_type3A_631 = arith.sitofp %add3A_626 : vector<16xi32> to vector<16xf32>
      %add3A_632 = arith.addf %mul3A_630, %convert_element_type3A_631 : vector<16xf32>
      %mul3A_633 = arith.constant 5.96046448E-8 : f32
      %mul3A_634 = vector.broadcast %mul3A_633 : f32 to vector<16xf32>
      %mul3A_635 = arith.mulf %add3A_632, %mul3A_634 : vector<16xf32>
      %convert_element_type3A_636 = arith.fptosi %mul3A_635 : vector<16xf32> to vector<16xi32>
      %convert_element_type3A_637 = arith.sitofp %convert_element_type3A_636 : vector<16xi32> to vector<16xf32>
      %mul3A_638 = arith.constant 0x4B800000 : f32
      %mul3A_639 = vector.broadcast %mul3A_638 : f32 to vector<16xf32>
      %mul3A_640 = arith.mulf %convert_element_type3A_637, %mul3A_639 : vector<16xf32>
      %sub3A_641 = arith.subf %add3A_632, %mul3A_640 : vector<16xf32>
      %convert_element_type3A_642 = arith.fptosi %sub3A_641 : vector<16xf32> to vector<16xi32>
      %mul3A_643 = arith.constant 76715 : i32
      %mul3A_644 = vector.broadcast %mul3A_643 : i32 to vector<16xi32>
      %mul3A_645 = arith.muli %convert_element_type3A_636, %mul3A_644 : vector<16xi32>
      %add3A_646 = arith.addi %mul3A_645, %convert_element_type3A_642 : vector<16xi32>
      %jit3A_647 = arith.constant 100003 : i64
      %convert_element_type3A_648 = arith.trunci %jit3A_647 : i64 to i32
      %eq3A_649 = arith.constant 0 : i32
      %eq3A_650 = arith.cmpi eq, %convert_element_type3A_648, %eq3A_649 : i32
      %jit3A_651 = arith.constant 1 : i32
      %select_n3A_652 = arith.select %eq3A_650, %jit3A_651, %convert_element_type3A_648 : i32
      %rem3A_653 = vector.broadcast %select_n3A_652 : i32 to vector<16xi32>
      %rem3A_654 = arith.remsi %add3A_646, %rem3A_653 : vector<16xi32>
      %ne3A_655 = arith.constant 0 : i32
      %ne3A_656 = vector.broadcast %ne3A_655 : i32 to vector<16xi32>
      %ne3A_657 = arith.cmpi ne, %rem3A_654, %ne3A_656 : vector<16xi32>
      %lt3A_658 = arith.constant 0 : i32
      %lt3A_659 = vector.broadcast %lt3A_658 : i32 to vector<16xi32>
      %lt3A_660 = arith.cmpi slt, %rem3A_654, %lt3A_659 : vector<16xi32>
      %lt3A_661 = arith.constant 0 : i32
      %lt3A_662 = arith.cmpi slt, %select_n3A_652, %lt3A_661 : i32
      %ne3A_663 = vector.broadcast %lt3A_662 : i1 to vector<16xi1>
      %ne3A_664 = vector.broadcast %ne3A_663 : vector<16xi1> to vector<16xi1>
      %ne3A_665 = arith.xori %lt3A_660, %ne3A_664 : vector<16xi1>
      %and3A_666 = arith.andi %ne3A_665, %ne3A_657 : vector<16xi1>
      %add3A_667 = vector.broadcast %select_n3A_652 : i32 to vector<16xi32>
      %add3A_668 = arith.addi %rem3A_654, %add3A_667 : vector<16xi32>
      %select_n3A_669 = arith.select %and3A_666, %add3A_668, %rem3A_654 : vector<16xi1>, vector<16xi32>
      %add3A_670 = arith.constant 0 : i32
      %add3A_671 = vector.broadcast %add3A_670 : i32 to vector<16xi32>
      %add3A_672 = arith.addi %select_n3A_669, %add3A_671 : vector<16xi32>
      %add3A_673 = arith.constant 0 : i32
      %add3A_674 = vector.broadcast %add3A_673 : i32 to vector<16xi32>
      %add3A_675 = arith.addi %mul3A_596, %add3A_674 : vector<16xi32>
      tpu.vector_store_idx %arg10[%broadcast_in_dim3A_593, %add3A_675], %add3A_672 : memref<16x128xi32, #tpu.memory_space<vmem>>[vector<16xi32>, vector<16xi32>], vector<16xi32>,
      %broadcast_in_dim3A_676 = arith.constant 0 : i32
      %broadcast_in_dim3A_677 = vector.broadcast %broadcast_in_dim3A_676 : i32 to vector<16xi32>
      %broadcast_in_dim3A_678 = arith.constant 0 : i32
      %broadcast_in_dim3A_679 = vector.broadcast %broadcast_in_dim3A_678 : i32 to vector<16xi32>
      %mul3A_680 = arith.mulf %bitcast3A_574, %gather3A_46 : vector<16xf32>
      %mul3A_681 = arith.constant 1.52587891E-5 : f32
      %mul3A_682 = vector.broadcast %mul3A_681 : f32 to vector<16xf32>
      %mul3A_683 = arith.mulf %mul3A_680, %mul3A_682 : vector<16xf32>
      %convert_element_type3A_684 = arith.fptosi %mul3A_683 : vector<16xf32> to vector<16xi32>
      %convert_element_type3A_685 = arith.sitofp %convert_element_type3A_684 : vector<16xi32> to vector<16xf32>
      %mul3A_686 = arith.constant 6.553600e+04 : f32
      %mul3A_687 = vector.broadcast %mul3A_686 : f32 to vector<16xf32>
      %mul3A_688 = arith.mulf %convert_element_type3A_685, %mul3A_687 : vector<16xf32>
      %sub3A_689 = arith.subf %mul3A_680, %mul3A_688 : vector<16xf32>
      %convert_element_type3A_690 = arith.fptosi %sub3A_689 : vector<16xf32> to vector<16xi32>
      %add3A_691 = arith.addi %broadcast_in_dim3A_677, %convert_element_type3A_684 : vector<16xi32>
      %add3A_692 = arith.addi %broadcast_in_dim3A_679, %convert_element_type3A_690 : vector<16xi32>
      %mul3A_693 = arith.mulf %bitcast3A_556, %gather3A_49 : vector<16xf32>
      %mul3A_694 = arith.constant 1.52587891E-5 : f32
      %mul3A_695 = vector.broadcast %mul3A_694 : f32 to vector<16xf32>
      %mul3A_696 = arith.mulf %mul3A_693, %mul3A_695 : vector<16xf32>
      %convert_element_type3A_697 = arith.fptosi %mul3A_696 : vector<16xf32> to vector<16xi32>
      %convert_element_type3A_698 = arith.sitofp %convert_element_type3A_697 : vector<16xi32> to vector<16xf32>
      %mul3A_699 = arith.constant 6.553600e+04 : f32
      %mul3A_700 = vector.broadcast %mul3A_699 : f32 to vector<16xf32>
      %mul3A_701 = arith.mulf %convert_element_type3A_698, %mul3A_700 : vector<16xf32>
      %sub3A_702 = arith.subf %mul3A_693, %mul3A_701 : vector<16xf32>
      %convert_element_type3A_703 = arith.fptosi %sub3A_702 : vector<16xf32> to vector<16xi32>
      %add3A_704 = arith.addi %add3A_691, %convert_element_type3A_697 : vector<16xi32>
      %add3A_705 = arith.addi %add3A_692, %convert_element_type3A_703 : vector<16xi32>
      %convert_element_type3A_706 = arith.sitofp %add3A_704 : vector<16xi32> to vector<16xf32>
      %mul3A_707 = arith.constant 6.553600e+04 : f32
      %mul3A_708 = vector.broadcast %mul3A_707 : f32 to vector<16xf32>
      %mul3A_709 = arith.mulf %convert_element_type3A_706, %mul3A_708 : vector<16xf32>
      %convert_element_type3A_710 = arith.sitofp %add3A_705 : vector<16xi32> to vector<16xf32>
      %add3A_711 = arith.addf %mul3A_709, %convert_element_type3A_710 : vector<16xf32>
      %mul3A_712 = arith.constant 5.96046448E-8 : f32
      %mul3A_713 = vector.broadcast %mul3A_712 : f32 to vector<16xf32>
      %mul3A_714 = arith.mulf %add3A_711, %mul3A_713 : vector<16xf32>
      %convert_element_type3A_715 = arith.fptosi %mul3A_714 : vector<16xf32> to vector<16xi32>
      %convert_element_type3A_716 = arith.sitofp %convert_element_type3A_715 : vector<16xi32> to vector<16xf32>
      %mul3A_717 = arith.constant 0x4B800000 : f32
      %mul3A_718 = vector.broadcast %mul3A_717 : f32 to vector<16xf32>
      %mul3A_719 = arith.mulf %convert_element_type3A_716, %mul3A_718 : vector<16xf32>
      %sub3A_720 = arith.subf %add3A_711, %mul3A_719 : vector<16xf32>
      %convert_element_type3A_721 = arith.fptosi %sub3A_720 : vector<16xf32> to vector<16xi32>
      %mul3A_722 = arith.constant 76715 : i32
      %mul3A_723 = vector.broadcast %mul3A_722 : i32 to vector<16xi32>
      %mul3A_724 = arith.muli %convert_element_type3A_715, %mul3A_723 : vector<16xi32>
      %add3A_725 = arith.addi %mul3A_724, %convert_element_type3A_721 : vector<16xi32>
      %jit3A_726 = arith.constant 100003 : i64
      %convert_element_type3A_727 = arith.trunci %jit3A_726 : i64 to i32
      %eq3A_728 = arith.constant 0 : i32
      %eq3A_729 = arith.cmpi eq, %convert_element_type3A_727, %eq3A_728 : i32
      %jit3A_730 = arith.constant 1 : i32
      %select_n3A_731 = arith.select %eq3A_729, %jit3A_730, %convert_element_type3A_727 : i32
      %rem3A_732 = vector.broadcast %select_n3A_731 : i32 to vector<16xi32>
      %rem3A_733 = arith.remsi %add3A_725, %rem3A_732 : vector<16xi32>
      %ne3A_734 = arith.constant 0 : i32
      %ne3A_735 = vector.broadcast %ne3A_734 : i32 to vector<16xi32>
      %ne3A_736 = arith.cmpi ne, %rem3A_733, %ne3A_735 : vector<16xi32>
      %lt3A_737 = arith.constant 0 : i32
      %lt3A_738 = vector.broadcast %lt3A_737 : i32 to vector<16xi32>
      %lt3A_739 = arith.cmpi slt, %rem3A_733, %lt3A_738 : vector<16xi32>
      %lt3A_740 = arith.constant 0 : i32
      %lt3A_741 = arith.cmpi slt, %select_n3A_731, %lt3A_740 : i32
      %ne3A_742 = vector.broadcast %lt3A_741 : i1 to vector<16xi1>
      %ne3A_743 = vector.broadcast %ne3A_742 : vector<16xi1> to vector<16xi1>
      %ne3A_744 = arith.xori %lt3A_739, %ne3A_743 : vector<16xi1>
      %and3A_745 = arith.andi %ne3A_744, %ne3A_736 : vector<16xi1>
      %add3A_746 = vector.broadcast %select_n3A_731 : i32 to vector<16xi32>
      %add3A_747 = arith.addi %rem3A_733, %add3A_746 : vector<16xi32>
      %select_n3A_748 = arith.select %and3A_745, %add3A_747, %rem3A_733 : vector<16xi1>, vector<16xi32>
      %add3A_749 = arith.constant 100352 : i32
      %add3A_750 = vector.broadcast %add3A_749 : i32 to vector<16xi32>
      %add3A_751 = arith.addi %select_n3A_748, %add3A_750 : vector<16xi32>
      %add3A_752 = arith.constant 1 : i32
      %add3A_753 = vector.broadcast %add3A_752 : i32 to vector<16xi32>
      %add3A_754 = arith.addi %mul3A_596, %add3A_753 : vector<16xi32>
      tpu.vector_store_idx %arg10[%broadcast_in_dim3A_593, %add3A_754], %add3A_751 : memref<16x128xi32, #tpu.memory_space<vmem>>[vector<16xi32>, vector<16xi32>], vector<16xi32>,
      %broadcast_in_dim3A_755 = arith.constant 0 : i32
      %broadcast_in_dim3A_756 = vector.broadcast %broadcast_in_dim3A_755 : i32 to vector<16xi32>
      %broadcast_in_dim3A_757 = arith.constant 0 : i32
      %broadcast_in_dim3A_758 = vector.broadcast %broadcast_in_dim3A_757 : i32 to vector<16xi32>
      %mul3A_759 = arith.mulf %bitcast3A_574, %gather3A_55 : vector<16xf32>
      %mul3A_760 = arith.constant 1.52587891E-5 : f32
      %mul3A_761 = vector.broadcast %mul3A_760 : f32 to vector<16xf32>
      %mul3A_762 = arith.mulf %mul3A_759, %mul3A_761 : vector<16xf32>
      %convert_element_type3A_763 = arith.fptosi %mul3A_762 : vector<16xf32> to vector<16xi32>
      %convert_element_type3A_764 = arith.sitofp %convert_element_type3A_763 : vector<16xi32> to vector<16xf32>
      %mul3A_765 = arith.constant 6.553600e+04 : f32
      %mul3A_766 = vector.broadcast %mul3A_765 : f32 to vector<16xf32>
      %mul3A_767 = arith.mulf %convert_element_type3A_764, %mul3A_766 : vector<16xf32>
      %sub3A_768 = arith.subf %mul3A_759, %mul3A_767 : vector<16xf32>
      %convert_element_type3A_769 = arith.fptosi %sub3A_768 : vector<16xf32> to vector<16xi32>
      %add3A_770 = arith.addi %broadcast_in_dim3A_756, %convert_element_type3A_763 : vector<16xi32>
      %add3A_771 = arith.addi %broadcast_in_dim3A_758, %convert_element_type3A_769 : vector<16xi32>
      %mul3A_772 = arith.mulf %bitcast3A_556, %gather3A_58 : vector<16xf32>
      %mul3A_773 = arith.constant 1.52587891E-5 : f32
      %mul3A_774 = vector.broadcast %mul3A_773 : f32 to vector<16xf32>
      %mul3A_775 = arith.mulf %mul3A_772, %mul3A_774 : vector<16xf32>
      %convert_element_type3A_776 = arith.fptosi %mul3A_775 : vector<16xf32> to vector<16xi32>
      %convert_element_type3A_777 = arith.sitofp %convert_element_type3A_776 : vector<16xi32> to vector<16xf32>
      %mul3A_778 = arith.constant 6.553600e+04 : f32
      %mul3A_779 = vector.broadcast %mul3A_778 : f32 to vector<16xf32>
      %mul3A_780 = arith.mulf %convert_element_type3A_777, %mul3A_779 : vector<16xf32>
      %sub3A_781 = arith.subf %mul3A_772, %mul3A_780 : vector<16xf32>
      %convert_element_type3A_782 = arith.fptosi %sub3A_781 : vector<16xf32> to vector<16xi32>
      %add3A_783 = arith.addi %add3A_770, %convert_element_type3A_776 : vector<16xi32>
      %add3A_784 = arith.addi %add3A_771, %convert_element_type3A_782 : vector<16xi32>
      %convert_element_type3A_785 = arith.sitofp %add3A_783 : vector<16xi32> to vector<16xf32>
      %mul3A_786 = arith.constant 6.553600e+04 : f32
      %mul3A_787 = vector.broadcast %mul3A_786 : f32 to vector<16xf32>
      %mul3A_788 = arith.mulf %convert_element_type3A_785, %mul3A_787 : vector<16xf32>
      %convert_element_type3A_789 = arith.sitofp %add3A_784 : vector<16xi32> to vector<16xf32>
      %add3A_790 = arith.addf %mul3A_788, %convert_element_type3A_789 : vector<16xf32>
      %mul3A_791 = arith.constant 5.96046448E-8 : f32
      %mul3A_792 = vector.broadcast %mul3A_791 : f32 to vector<16xf32>
      %mul3A_793 = arith.mulf %add3A_790, %mul3A_792 : vector<16xf32>
      %convert_element_type3A_794 = arith.fptosi %mul3A_793 : vector<16xf32> to vector<16xi32>
      %convert_element_type3A_795 = arith.sitofp %convert_element_type3A_794 : vector<16xi32> to vector<16xf32>
      %mul3A_796 = arith.constant 0x4B800000 : f32
      %mul3A_797 = vector.broadcast %mul3A_796 : f32 to vector<16xf32>
      %mul3A_798 = arith.mulf %convert_element_type3A_795, %mul3A_797 : vector<16xf32>
      %sub3A_799 = arith.subf %add3A_790, %mul3A_798 : vector<16xf32>
      %convert_element_type3A_800 = arith.fptosi %sub3A_799 : vector<16xf32> to vector<16xi32>
      %mul3A_801 = arith.constant 76715 : i32
      %mul3A_802 = vector.broadcast %mul3A_801 : i32 to vector<16xi32>
      %mul3A_803 = arith.muli %convert_element_type3A_794, %mul3A_802 : vector<16xi32>
      %add3A_804 = arith.addi %mul3A_803, %convert_element_type3A_800 : vector<16xi32>
      %jit3A_805 = arith.constant 100003 : i64
      %convert_element_type3A_806 = arith.trunci %jit3A_805 : i64 to i32
      %eq3A_807 = arith.constant 0 : i32
      %eq3A_808 = arith.cmpi eq, %convert_element_type3A_806, %eq3A_807 : i32
      %jit3A_809 = arith.constant 1 : i32
      %select_n3A_810 = arith.select %eq3A_808, %jit3A_809, %convert_element_type3A_806 : i32
      %rem3A_811 = vector.broadcast %select_n3A_810 : i32 to vector<16xi32>
      %rem3A_812 = arith.remsi %add3A_804, %rem3A_811 : vector<16xi32>
      %ne3A_813 = arith.constant 0 : i32
      %ne3A_814 = vector.broadcast %ne3A_813 : i32 to vector<16xi32>
      %ne3A_815 = arith.cmpi ne, %rem3A_812, %ne3A_814 : vector<16xi32>
      %lt3A_816 = arith.constant 0 : i32
      %lt3A_817 = vector.broadcast %lt3A_816 : i32 to vector<16xi32>
      %lt3A_818 = arith.cmpi slt, %rem3A_812, %lt3A_817 : vector<16xi32>
      %lt3A_819 = arith.constant 0 : i32
      %lt3A_820 = arith.cmpi slt, %select_n3A_810, %lt3A_819 : i32
      %ne3A_821 = vector.broadcast %lt3A_820 : i1 to vector<16xi1>
      %ne3A_822 = vector.broadcast %ne3A_821 : vector<16xi1> to vector<16xi1>
      %ne3A_823 = arith.xori %lt3A_818, %ne3A_822 : vector<16xi1>
      %and3A_824 = arith.andi %ne3A_823, %ne3A_815 : vector<16xi1>
      %add3A_825 = vector.broadcast %select_n3A_810 : i32 to vector<16xi32>
      %add3A_826 = arith.addi %rem3A_812, %add3A_825 : vector<16xi32>
      %select_n3A_827 = arith.select %and3A_824, %add3A_826, %rem3A_812 : vector<16xi1>, vector<16xi32>
      %add3A_828 = arith.constant 200704 : i32
      %add3A_829 = vector.broadcast %add3A_828 : i32 to vector<16xi32>
      %add3A_830 = arith.addi %select_n3A_827, %add3A_829 : vector<16xi32>
      %add3A_831 = arith.constant 2 : i32
      %add3A_832 = vector.broadcast %add3A_831 : i32 to vector<16xi32>
      %add3A_833 = arith.addi %mul3A_596, %add3A_832 : vector<16xi32>
      tpu.vector_store_idx %arg10[%broadcast_in_dim3A_593, %add3A_833], %add3A_830 : memref<16x128xi32, #tpu.memory_space<vmem>>[vector<16xi32>, vector<16xi32>], vector<16xi32>,
      %broadcast_in_dim3A_834 = arith.constant 0 : i32
      %broadcast_in_dim3A_835 = vector.broadcast %broadcast_in_dim3A_834 : i32 to vector<16xi32>
      %broadcast_in_dim3A_836 = arith.constant 0 : i32
      %broadcast_in_dim3A_837 = vector.broadcast %broadcast_in_dim3A_836 : i32 to vector<16xi32>
      %mul3A_838 = arith.mulf %bitcast3A_574, %gather3A_64 : vector<16xf32>
      %mul3A_839 = arith.constant 1.52587891E-5 : f32
      %mul3A_840 = vector.broadcast %mul3A_839 : f32 to vector<16xf32>
      %mul3A_841 = arith.mulf %mul3A_838, %mul3A_840 : vector<16xf32>
      %convert_element_type3A_842 = arith.fptosi %mul3A_841 : vector<16xf32> to vector<16xi32>
      %convert_element_type3A_843 = arith.sitofp %convert_element_type3A_842 : vector<16xi32> to vector<16xf32>
      %mul3A_844 = arith.constant 6.553600e+04 : f32
      %mul3A_845 = vector.broadcast %mul3A_844 : f32 to vector<16xf32>
      %mul3A_846 = arith.mulf %convert_element_type3A_843, %mul3A_845 : vector<16xf32>
      %sub3A_847 = arith.subf %mul3A_838, %mul3A_846 : vector<16xf32>
      %convert_element_type3A_848 = arith.fptosi %sub3A_847 : vector<16xf32> to vector<16xi32>
      %add3A_849 = arith.addi %broadcast_in_dim3A_835, %convert_element_type3A_842 : vector<16xi32>
      %add3A_850 = arith.addi %broadcast_in_dim3A_837, %convert_element_type3A_848 : vector<16xi32>
      %mul3A_851 = arith.mulf %bitcast3A_556, %gather3A_67 : vector<16xf32>
      %mul3A_852 = arith.constant 1.52587891E-5 : f32
      %mul3A_853 = vector.broadcast %mul3A_852 : f32 to vector<16xf32>
      %mul3A_854 = arith.mulf %mul3A_851, %mul3A_853 : vector<16xf32>
      %convert_element_type3A_855 = arith.fptosi %mul3A_854 : vector<16xf32> to vector<16xi32>
      %convert_element_type3A_856 = arith.sitofp %convert_element_type3A_855 : vector<16xi32> to vector<16xf32>
      %mul3A_857 = arith.constant 6.553600e+04 : f32
      %mul3A_858 = vector.broadcast %mul3A_857 : f32 to vector<16xf32>
      %mul3A_859 = arith.mulf %convert_element_type3A_856, %mul3A_858 : vector<16xf32>
      %sub3A_860 = arith.subf %mul3A_851, %mul3A_859 : vector<16xf32>
      %convert_element_type3A_861 = arith.fptosi %sub3A_860 : vector<16xf32> to vector<16xi32>
      %add3A_862 = arith.addi %add3A_849, %convert_element_type3A_855 : vector<16xi32>
      %add3A_863 = arith.addi %add3A_850, %convert_element_type3A_861 : vector<16xi32>
      %convert_element_type3A_864 = arith.sitofp %add3A_862 : vector<16xi32> to vector<16xf32>
      %mul3A_865 = arith.constant 6.553600e+04 : f32
      %mul3A_866 = vector.broadcast %mul3A_865 : f32 to vector<16xf32>
      %mul3A_867 = arith.mulf %convert_element_type3A_864, %mul3A_866 : vector<16xf32>
      %convert_element_type3A_868 = arith.sitofp %add3A_863 : vector<16xi32> to vector<16xf32>
      %add3A_869 = arith.addf %mul3A_867, %convert_element_type3A_868 : vector<16xf32>
      %mul3A_870 = arith.constant 5.96046448E-8 : f32
      %mul3A_871 = vector.broadcast %mul3A_870 : f32 to vector<16xf32>
      %mul3A_872 = arith.mulf %add3A_869, %mul3A_871 : vector<16xf32>
      %convert_element_type3A_873 = arith.fptosi %mul3A_872 : vector<16xf32> to vector<16xi32>
      %convert_element_type3A_874 = arith.sitofp %convert_element_type3A_873 : vector<16xi32> to vector<16xf32>
      %mul3A_875 = arith.constant 0x4B800000 : f32
      %mul3A_876 = vector.broadcast %mul3A_875 : f32 to vector<16xf32>
      %mul3A_877 = arith.mulf %convert_element_type3A_874, %mul3A_876 : vector<16xf32>
      %sub3A_878 = arith.subf %add3A_869, %mul3A_877 : vector<16xf32>
      %convert_element_type3A_879 = arith.fptosi %sub3A_878 : vector<16xf32> to vector<16xi32>
      %mul3A_880 = arith.constant 76715 : i32
      %mul3A_881 = vector.broadcast %mul3A_880 : i32 to vector<16xi32>
      %mul3A_882 = arith.muli %convert_element_type3A_873, %mul3A_881 : vector<16xi32>
      %add3A_883 = arith.addi %mul3A_882, %convert_element_type3A_879 : vector<16xi32>
      %jit3A_884 = arith.constant 100003 : i64
      %convert_element_type3A_885 = arith.trunci %jit3A_884 : i64 to i32
      %eq3A_886 = arith.constant 0 : i32
      %eq3A_887 = arith.cmpi eq, %convert_element_type3A_885, %eq3A_886 : i32
      %jit3A_888 = arith.constant 1 : i32
      %select_n3A_889 = arith.select %eq3A_887, %jit3A_888, %convert_element_type3A_885 : i32
      %rem3A_890 = vector.broadcast %select_n3A_889 : i32 to vector<16xi32>
      %rem3A_891 = arith.remsi %add3A_883, %rem3A_890 : vector<16xi32>
      %ne3A_892 = arith.constant 0 : i32
      %ne3A_893 = vector.broadcast %ne3A_892 : i32 to vector<16xi32>
      %ne3A_894 = arith.cmpi ne, %rem3A_891, %ne3A_893 : vector<16xi32>
      %lt3A_895 = arith.constant 0 : i32
      %lt3A_896 = vector.broadcast %lt3A_895 : i32 to vector<16xi32>
      %lt3A_897 = arith.cmpi slt, %rem3A_891, %lt3A_896 : vector<16xi32>
      %lt3A_898 = arith.constant 0 : i32
      %lt3A_899 = arith.cmpi slt, %select_n3A_889, %lt3A_898 : i32
      %ne3A_900 = vector.broadcast %lt3A_899 : i1 to vector<16xi1>
      %ne3A_901 = vector.broadcast %ne3A_900 : vector<16xi1> to vector<16xi1>
      %ne3A_902 = arith.xori %lt3A_897, %ne3A_901 : vector<16xi1>
      %and3A_903 = arith.andi %ne3A_902, %ne3A_894 : vector<16xi1>
      %add3A_904 = vector.broadcast %select_n3A_889 : i32 to vector<16xi32>
      %add3A_905 = arith.addi %rem3A_891, %add3A_904 : vector<16xi32>
      %select_n3A_906 = arith.select %and3A_903, %add3A_905, %rem3A_891 : vector<16xi1>, vector<16xi32>
      %add3A_907 = arith.constant 301056 : i32
      %add3A_908 = vector.broadcast %add3A_907 : i32 to vector<16xi32>
      %add3A_909 = arith.addi %select_n3A_906, %add3A_908 : vector<16xi32>
      %add3A_910 = arith.constant 3 : i32
      %add3A_911 = vector.broadcast %add3A_910 : i32 to vector<16xi32>
      %add3A_912 = arith.addi %mul3A_596, %add3A_911 : vector<16xi32>
      tpu.vector_store_idx %arg10[%broadcast_in_dim3A_593, %add3A_912], %add3A_909 : memref<16x128xi32, #tpu.memory_space<vmem>>[vector<16xi32>, vector<16xi32>], vector<16xi32>,
      %broadcast_in_dim3A_913 = arith.constant 0 : i32
      %broadcast_in_dim3A_914 = vector.broadcast %broadcast_in_dim3A_913 : i32 to vector<16xi32>
      %broadcast_in_dim3A_915 = arith.constant 0 : i32
      %broadcast_in_dim3A_916 = vector.broadcast %broadcast_in_dim3A_915 : i32 to vector<16xi32>
      %mul3A_917 = arith.mulf %bitcast3A_592, %gather3A_73 : vector<16xf32>
      %mul3A_918 = arith.constant 1.52587891E-5 : f32
      %mul3A_919 = vector.broadcast %mul3A_918 : f32 to vector<16xf32>
      %mul3A_920 = arith.mulf %mul3A_917, %mul3A_919 : vector<16xf32>
      %convert_element_type3A_921 = arith.fptosi %mul3A_920 : vector<16xf32> to vector<16xi32>
      %convert_element_type3A_922 = arith.sitofp %convert_element_type3A_921 : vector<16xi32> to vector<16xf32>
      %mul3A_923 = arith.constant 6.553600e+04 : f32
      %mul3A_924 = vector.broadcast %mul3A_923 : f32 to vector<16xf32>
      %mul3A_925 = arith.mulf %convert_element_type3A_922, %mul3A_924 : vector<16xf32>
      %sub3A_926 = arith.subf %mul3A_917, %mul3A_925 : vector<16xf32>
      %convert_element_type3A_927 = arith.fptosi %sub3A_926 : vector<16xf32> to vector<16xi32>
      %add3A_928 = arith.addi %broadcast_in_dim3A_914, %convert_element_type3A_921 : vector<16xi32>
      %add3A_929 = arith.addi %broadcast_in_dim3A_916, %convert_element_type3A_927 : vector<16xi32>
      %mul3A_930 = arith.mulf %bitcast3A_574, %gather3A_76 : vector<16xf32>
      %mul3A_931 = arith.constant 1.52587891E-5 : f32
      %mul3A_932 = vector.broadcast %mul3A_931 : f32 to vector<16xf32>
      %mul3A_933 = arith.mulf %mul3A_930, %mul3A_932 : vector<16xf32>
      %convert_element_type3A_934 = arith.fptosi %mul3A_933 : vector<16xf32> to vector<16xi32>
      %convert_element_type3A_935 = arith.sitofp %convert_element_type3A_934 : vector<16xi32> to vector<16xf32>
      %mul3A_936 = arith.constant 6.553600e+04 : f32
      %mul3A_937 = vector.broadcast %mul3A_936 : f32 to vector<16xf32>
      %mul3A_938 = arith.mulf %convert_element_type3A_935, %mul3A_937 : vector<16xf32>
      %sub3A_939 = arith.subf %mul3A_930, %mul3A_938 : vector<16xf32>
      %convert_element_type3A_940 = arith.fptosi %sub3A_939 : vector<16xf32> to vector<16xi32>
      %add3A_941 = arith.addi %add3A_928, %convert_element_type3A_934 : vector<16xi32>
      %add3A_942 = arith.addi %add3A_929, %convert_element_type3A_940 : vector<16xi32>
      %mul3A_943 = arith.mulf %bitcast3A_556, %gather3A_79 : vector<16xf32>
      %mul3A_944 = arith.constant 1.52587891E-5 : f32
      %mul3A_945 = vector.broadcast %mul3A_944 : f32 to vector<16xf32>
      %mul3A_946 = arith.mulf %mul3A_943, %mul3A_945 : vector<16xf32>
      %convert_element_type3A_947 = arith.fptosi %mul3A_946 : vector<16xf32> to vector<16xi32>
      %convert_element_type3A_948 = arith.sitofp %convert_element_type3A_947 : vector<16xi32> to vector<16xf32>
      %mul3A_949 = arith.constant 6.553600e+04 : f32
      %mul3A_950 = vector.broadcast %mul3A_949 : f32 to vector<16xf32>
      %mul3A_951 = arith.mulf %convert_element_type3A_948, %mul3A_950 : vector<16xf32>
      %sub3A_952 = arith.subf %mul3A_943, %mul3A_951 : vector<16xf32>
      %convert_element_type3A_953 = arith.fptosi %sub3A_952 : vector<16xf32> to vector<16xi32>
      %add3A_954 = arith.addi %add3A_941, %convert_element_type3A_947 : vector<16xi32>
      %add3A_955 = arith.addi %add3A_942, %convert_element_type3A_953 : vector<16xi32>
      %convert_element_type3A_956 = arith.sitofp %add3A_954 : vector<16xi32> to vector<16xf32>
      %mul3A_957 = arith.constant 6.553600e+04 : f32
      %mul3A_958 = vector.broadcast %mul3A_957 : f32 to vector<16xf32>
      %mul3A_959 = arith.mulf %convert_element_type3A_956, %mul3A_958 : vector<16xf32>
      %convert_element_type3A_960 = arith.sitofp %add3A_955 : vector<16xi32> to vector<16xf32>
      %add3A_961 = arith.addf %mul3A_959, %convert_element_type3A_960 : vector<16xf32>
      %mul3A_962 = arith.constant 5.96046448E-8 : f32
      %mul3A_963 = vector.broadcast %mul3A_962 : f32 to vector<16xf32>
      %mul3A_964 = arith.mulf %add3A_961, %mul3A_963 : vector<16xf32>
      %convert_element_type3A_965 = arith.fptosi %mul3A_964 : vector<16xf32> to vector<16xi32>
      %convert_element_type3A_966 = arith.sitofp %convert_element_type3A_965 : vector<16xi32> to vector<16xf32>
      %mul3A_967 = arith.constant 0x4B800000 : f32
      %mul3A_968 = vector.broadcast %mul3A_967 : f32 to vector<16xf32>
      %mul3A_969 = arith.mulf %convert_element_type3A_966, %mul3A_968 : vector<16xf32>
      %sub3A_970 = arith.subf %add3A_961, %mul3A_969 : vector<16xf32>
      %convert_element_type3A_971 = arith.fptosi %sub3A_970 : vector<16xf32> to vector<16xi32>
      %mul3A_972 = arith.constant 76715 : i32
      %mul3A_973 = vector.broadcast %mul3A_972 : i32 to vector<16xi32>
      %mul3A_974 = arith.muli %convert_element_type3A_965, %mul3A_973 : vector<16xi32>
      %add3A_975 = arith.addi %mul3A_974, %convert_element_type3A_971 : vector<16xi32>
      %jit3A_976 = arith.constant 100003 : i64
      %convert_element_type3A_977 = arith.trunci %jit3A_976 : i64 to i32
      %eq3A_978 = arith.constant 0 : i32
      %eq3A_979 = arith.cmpi eq, %convert_element_type3A_977, %eq3A_978 : i32
      %jit3A_980 = arith.constant 1 : i32
      %select_n3A_981 = arith.select %eq3A_979, %jit3A_980, %convert_element_type3A_977 : i32
      %rem3A_982 = vector.broadcast %select_n3A_981 : i32 to vector<16xi32>
      %rem3A_983 = arith.remsi %add3A_975, %rem3A_982 : vector<16xi32>
      %ne3A_984 = arith.constant 0 : i32
      %ne3A_985 = vector.broadcast %ne3A_984 : i32 to vector<16xi32>
      %ne3A_986 = arith.cmpi ne, %rem3A_983, %ne3A_985 : vector<16xi32>
      %lt3A_987 = arith.constant 0 : i32
      %lt3A_988 = vector.broadcast %lt3A_987 : i32 to vector<16xi32>
      %lt3A_989 = arith.cmpi slt, %rem3A_983, %lt3A_988 : vector<16xi32>
      %lt3A_990 = arith.constant 0 : i32
      %lt3A_991 = arith.cmpi slt, %select_n3A_981, %lt3A_990 : i32
      %ne3A_992 = vector.broadcast %lt3A_991 : i1 to vector<16xi1>
      %ne3A_993 = vector.broadcast %ne3A_992 : vector<16xi1> to vector<16xi1>
      %ne3A_994 = arith.xori %lt3A_989, %ne3A_993 : vector<16xi1>
      %and3A_995 = arith.andi %ne3A_994, %ne3A_986 : vector<16xi1>
      %add3A_996 = vector.broadcast %select_n3A_981 : i32 to vector<16xi32>
      %add3A_997 = arith.addi %rem3A_983, %add3A_996 : vector<16xi32>
      %select_n3A_998 = arith.select %and3A_995, %add3A_997, %rem3A_983 : vector<16xi1>, vector<16xi32>
      %add3A_999 = arith.constant 401408 : i32
      %add3A_1000 = vector.broadcast %add3A_999 : i32 to vector<16xi32>
      %add3A_1001 = arith.addi %select_n3A_998, %add3A_1000 : vector<16xi32>
      %add3A_1002 = arith.constant 4 : i32
      %add3A_1003 = vector.broadcast %add3A_1002 : i32 to vector<16xi32>
      %add3A_1004 = arith.addi %mul3A_596, %add3A_1003 : vector<16xi32>
      tpu.vector_store_idx %arg10[%broadcast_in_dim3A_593, %add3A_1004], %add3A_1001 : memref<16x128xi32, #tpu.memory_space<vmem>>[vector<16xi32>, vector<16xi32>], vector<16xi32>,
      %broadcast_in_dim3A_1005 = arith.constant 0 : i32
      %broadcast_in_dim3A_1006 = vector.broadcast %broadcast_in_dim3A_1005 : i32 to vector<16xi32>
      %broadcast_in_dim3A_1007 = arith.constant 0 : i32
      %broadcast_in_dim3A_1008 = vector.broadcast %broadcast_in_dim3A_1007 : i32 to vector<16xi32>
      %mul3A_1009 = arith.mulf %bitcast3A_592, %gather3A_82 : vector<16xf32>
      %mul3A_1010 = arith.constant 1.52587891E-5 : f32
      %mul3A_1011 = vector.broadcast %mul3A_1010 : f32 to vector<16xf32>
      %mul3A_1012 = arith.mulf %mul3A_1009, %mul3A_1011 : vector<16xf32>
      %convert_element_type3A_1013 = arith.fptosi %mul3A_1012 : vector<16xf32> to vector<16xi32>
      %convert_element_type3A_1014 = arith.sitofp %convert_element_type3A_1013 : vector<16xi32> to vector<16xf32>
      %mul3A_1015 = arith.constant 6.553600e+04 : f32
      %mul3A_1016 = vector.broadcast %mul3A_1015 : f32 to vector<16xf32>
      %mul3A_1017 = arith.mulf %convert_element_type3A_1014, %mul3A_1016 : vector<16xf32>
      %sub3A_1018 = arith.subf %mul3A_1009, %mul3A_1017 : vector<16xf32>
      %convert_element_type3A_1019 = arith.fptosi %sub3A_1018 : vector<16xf32> to vector<16xi32>
      %add3A_1020 = arith.addi %broadcast_in_dim3A_1006, %convert_element_type3A_1013 : vector<16xi32>
      %add3A_1021 = arith.addi %broadcast_in_dim3A_1008, %convert_element_type3A_1019 : vector<16xi32>
      %mul3A_1022 = arith.mulf %bitcast3A_574, %gather3A_85 : vector<16xf32>
      %mul3A_1023 = arith.constant 1.52587891E-5 : f32
      %mul3A_1024 = vector.broadcast %mul3A_1023 : f32 to vector<16xf32>
      %mul3A_1025 = arith.mulf %mul3A_1022, %mul3A_1024 : vector<16xf32>
      %convert_element_type3A_1026 = arith.fptosi %mul3A_1025 : vector<16xf32> to vector<16xi32>
      %convert_element_type3A_1027 = arith.sitofp %convert_element_type3A_1026 : vector<16xi32> to vector<16xf32>
      %mul3A_1028 = arith.constant 6.553600e+04 : f32
      %mul3A_1029 = vector.broadcast %mul3A_1028 : f32 to vector<16xf32>
      %mul3A_1030 = arith.mulf %convert_element_type3A_1027, %mul3A_1029 : vector<16xf32>
      %sub3A_1031 = arith.subf %mul3A_1022, %mul3A_1030 : vector<16xf32>
      %convert_element_type3A_1032 = arith.fptosi %sub3A_1031 : vector<16xf32> to vector<16xi32>
      %add3A_1033 = arith.addi %add3A_1020, %convert_element_type3A_1026 : vector<16xi32>
      %add3A_1034 = arith.addi %add3A_1021, %convert_element_type3A_1032 : vector<16xi32>
      %mul3A_1035 = arith.mulf %bitcast3A_556, %gather3A_88 : vector<16xf32>
      %mul3A_1036 = arith.constant 1.52587891E-5 : f32
      %mul3A_1037 = vector.broadcast %mul3A_1036 : f32 to vector<16xf32>
      %mul3A_1038 = arith.mulf %mul3A_1035, %mul3A_1037 : vector<16xf32>
      %convert_element_type3A_1039 = arith.fptosi %mul3A_1038 : vector<16xf32> to vector<16xi32>
      %convert_element_type3A_1040 = arith.sitofp %convert_element_type3A_1039 : vector<16xi32> to vector<16xf32>
      %mul3A_1041 = arith.constant 6.553600e+04 : f32
      %mul3A_1042 = vector.broadcast %mul3A_1041 : f32 to vector<16xf32>
      %mul3A_1043 = arith.mulf %convert_element_type3A_1040, %mul3A_1042 : vector<16xf32>
      %sub3A_1044 = arith.subf %mul3A_1035, %mul3A_1043 : vector<16xf32>
      %convert_element_type3A_1045 = arith.fptosi %sub3A_1044 : vector<16xf32> to vector<16xi32>
      %add3A_1046 = arith.addi %add3A_1033, %convert_element_type3A_1039 : vector<16xi32>
      %add3A_1047 = arith.addi %add3A_1034, %convert_element_type3A_1045 : vector<16xi32>
      %convert_element_type3A_1048 = arith.sitofp %add3A_1046 : vector<16xi32> to vector<16xf32>
      %mul3A_1049 = arith.constant 6.553600e+04 : f32
      %mul3A_1050 = vector.broadcast %mul3A_1049 : f32 to vector<16xf32>
      %mul3A_1051 = arith.mulf %convert_element_type3A_1048, %mul3A_1050 : vector<16xf32>
      %convert_element_type3A_1052 = arith.sitofp %add3A_1047 : vector<16xi32> to vector<16xf32>
      %add3A_1053 = arith.addf %mul3A_1051, %convert_element_type3A_1052 : vector<16xf32>
      %mul3A_1054 = arith.constant 5.96046448E-8 : f32
      %mul3A_1055 = vector.broadcast %mul3A_1054 : f32 to vector<16xf32>
      %mul3A_1056 = arith.mulf %add3A_1053, %mul3A_1055 : vector<16xf32>
      %convert_element_type3A_1057 = arith.fptosi %mul3A_1056 : vector<16xf32> to vector<16xi32>
      %convert_element_type3A_1058 = arith.sitofp %convert_element_type3A_1057 : vector<16xi32> to vector<16xf32>
      %mul3A_1059 = arith.constant 0x4B800000 : f32
      %mul3A_1060 = vector.broadcast %mul3A_1059 : f32 to vector<16xf32>
      %mul3A_1061 = arith.mulf %convert_element_type3A_1058, %mul3A_1060 : vector<16xf32>
      %sub3A_1062 = arith.subf %add3A_1053, %mul3A_1061 : vector<16xf32>
      %convert_element_type3A_1063 = arith.fptosi %sub3A_1062 : vector<16xf32> to vector<16xi32>
      %mul3A_1064 = arith.constant 76715 : i32
      %mul3A_1065 = vector.broadcast %mul3A_1064 : i32 to vector<16xi32>
      %mul3A_1066 = arith.muli %convert_element_type3A_1057, %mul3A_1065 : vector<16xi32>
      %add3A_1067 = arith.addi %mul3A_1066, %convert_element_type3A_1063 : vector<16xi32>
      %jit3A_1068 = arith.constant 100003 : i64
      %convert_element_type3A_1069 = arith.trunci %jit3A_1068 : i64 to i32
      %eq3A_1070 = arith.constant 0 : i32
      %eq3A_1071 = arith.cmpi eq, %convert_element_type3A_1069, %eq3A_1070 : i32
      %jit3A_1072 = arith.constant 1 : i32
      %select_n3A_1073 = arith.select %eq3A_1071, %jit3A_1072, %convert_element_type3A_1069 : i32
      %rem3A_1074 = vector.broadcast %select_n3A_1073 : i32 to vector<16xi32>
      %rem3A_1075 = arith.remsi %add3A_1067, %rem3A_1074 : vector<16xi32>
      %ne3A_1076 = arith.constant 0 : i32
      %ne3A_1077 = vector.broadcast %ne3A_1076 : i32 to vector<16xi32>
      %ne3A_1078 = arith.cmpi ne, %rem3A_1075, %ne3A_1077 : vector<16xi32>
      %lt3A_1079 = arith.constant 0 : i32
      %lt3A_1080 = vector.broadcast %lt3A_1079 : i32 to vector<16xi32>
      %lt3A_1081 = arith.cmpi slt, %rem3A_1075, %lt3A_1080 : vector<16xi32>
      %lt3A_1082 = arith.constant 0 : i32
      %lt3A_1083 = arith.cmpi slt, %select_n3A_1073, %lt3A_1082 : i32
      %ne3A_1084 = vector.broadcast %lt3A_1083 : i1 to vector<16xi1>
      %ne3A_1085 = vector.broadcast %ne3A_1084 : vector<16xi1> to vector<16xi1>
      %ne3A_1086 = arith.xori %lt3A_1081, %ne3A_1085 : vector<16xi1>
      %and3A_1087 = arith.andi %ne3A_1086, %ne3A_1078 : vector<16xi1>
      %add3A_1088 = vector.broadcast %select_n3A_1073 : i32 to vector<16xi32>
      %add3A_1089 = arith.addi %rem3A_1075, %add3A_1088 : vector<16xi32>
      %select_n3A_1090 = arith.select %and3A_1087, %add3A_1089, %rem3A_1075 : vector<16xi1>, vector<16xi32>
      %add3A_1091 = arith.constant 501760 : i32
      %add3A_1092 = vector.broadcast %add3A_1091 : i32 to vector<16xi32>
      %add3A_1093 = arith.addi %select_n3A_1090, %add3A_1092 : vector<16xi32>
      %add3A_1094 = arith.constant 5 : i32
      %add3A_1095 = vector.broadcast %add3A_1094 : i32 to vector<16xi32>
      %add3A_1096 = arith.addi %mul3A_596, %add3A_1095 : vector<16xi32>
      tpu.vector_store_idx %arg10[%broadcast_in_dim3A_593, %add3A_1096], %add3A_1093 : memref<16x128xi32, #tpu.memory_space<vmem>>[vector<16xi32>, vector<16xi32>], vector<16xi32>,
      %broadcast_in_dim3A_1097 = arith.constant 0 : i32
      %broadcast_in_dim3A_1098 = vector.broadcast %broadcast_in_dim3A_1097 : i32 to vector<16xi32>
      %broadcast_in_dim3A_1099 = arith.constant 0 : i32
      %broadcast_in_dim3A_1100 = vector.broadcast %broadcast_in_dim3A_1099 : i32 to vector<16xi32>
      %mul3A_1101 = arith.mulf %bitcast3A_592, %gather3A_91 : vector<16xf32>
      %mul3A_1102 = arith.constant 1.52587891E-5 : f32
      %mul3A_1103 = vector.broadcast %mul3A_1102 : f32 to vector<16xf32>
      %mul3A_1104 = arith.mulf %mul3A_1101, %mul3A_1103 : vector<16xf32>
      %convert_element_type3A_1105 = arith.fptosi %mul3A_1104 : vector<16xf32> to vector<16xi32>
      %convert_element_type3A_1106 = arith.sitofp %convert_element_type3A_1105 : vector<16xi32> to vector<16xf32>
      %mul3A_1107 = arith.constant 6.553600e+04 : f32
      %mul3A_1108 = vector.broadcast %mul3A_1107 : f32 to vector<16xf32>
      %mul3A_1109 = arith.mulf %convert_element_type3A_1106, %mul3A_1108 : vector<16xf32>
      %sub3A_1110 = arith.subf %mul3A_1101, %mul3A_1109 : vector<16xf32>
      %convert_element_type3A_1111 = arith.fptosi %sub3A_1110 : vector<16xf32> to vector<16xi32>
      %add3A_1112 = arith.addi %broadcast_in_dim3A_1098, %convert_element_type3A_1105 : vector<16xi32>
      %add3A_1113 = arith.addi %broadcast_in_dim3A_1100, %convert_element_type3A_1111 : vector<16xi32>
      %mul3A_1114 = arith.mulf %bitcast3A_574, %gather3A_94 : vector<16xf32>
      %mul3A_1115 = arith.constant 1.52587891E-5 : f32
      %mul3A_1116 = vector.broadcast %mul3A_1115 : f32 to vector<16xf32>
      %mul3A_1117 = arith.mulf %mul3A_1114, %mul3A_1116 : vector<16xf32>
      %convert_element_type3A_1118 = arith.fptosi %mul3A_1117 : vector<16xf32> to vector<16xi32>
      %convert_element_type3A_1119 = arith.sitofp %convert_element_type3A_1118 : vector<16xi32> to vector<16xf32>
      %mul3A_1120 = arith.constant 6.553600e+04 : f32
      %mul3A_1121 = vector.broadcast %mul3A_1120 : f32 to vector<16xf32>
      %mul3A_1122 = arith.mulf %convert_element_type3A_1119, %mul3A_1121 : vector<16xf32>
      %sub3A_1123 = arith.subf %mul3A_1114, %mul3A_1122 : vector<16xf32>
      %convert_element_type3A_1124 = arith.fptosi %sub3A_1123 : vector<16xf32> to vector<16xi32>
      %add3A_1125 = arith.addi %add3A_1112, %convert_element_type3A_1118 : vector<16xi32>
      %add3A_1126 = arith.addi %add3A_1113, %convert_element_type3A_1124 : vector<16xi32>
      %mul3A_1127 = arith.mulf %bitcast3A_556, %gather3A_97 : vector<16xf32>
      %mul3A_1128 = arith.constant 1.52587891E-5 : f32
      %mul3A_1129 = vector.broadcast %mul3A_1128 : f32 to vector<16xf32>
      %mul3A_1130 = arith.mulf %mul3A_1127, %mul3A_1129 : vector<16xf32>
      %convert_element_type3A_1131 = arith.fptosi %mul3A_1130 : vector<16xf32> to vector<16xi32>
      %convert_element_type3A_1132 = arith.sitofp %convert_element_type3A_1131 : vector<16xi32> to vector<16xf32>
      %mul3A_1133 = arith.constant 6.553600e+04 : f32
      %mul3A_1134 = vector.broadcast %mul3A_1133 : f32 to vector<16xf32>
      %mul3A_1135 = arith.mulf %convert_element_type3A_1132, %mul3A_1134 : vector<16xf32>
      %sub3A_1136 = arith.subf %mul3A_1127, %mul3A_1135 : vector<16xf32>
      %convert_element_type3A_1137 = arith.fptosi %sub3A_1136 : vector<16xf32> to vector<16xi32>
      %add3A_1138 = arith.addi %add3A_1125, %convert_element_type3A_1131 : vector<16xi32>
      %add3A_1139 = arith.addi %add3A_1126, %convert_element_type3A_1137 : vector<16xi32>
      %convert_element_type3A_1140 = arith.sitofp %add3A_1138 : vector<16xi32> to vector<16xf32>
      %mul3A_1141 = arith.constant 6.553600e+04 : f32
      %mul3A_1142 = vector.broadcast %mul3A_1141 : f32 to vector<16xf32>
      %mul3A_1143 = arith.mulf %convert_element_type3A_1140, %mul3A_1142 : vector<16xf32>
      %convert_element_type3A_1144 = arith.sitofp %add3A_1139 : vector<16xi32> to vector<16xf32>
      %add3A_1145 = arith.addf %mul3A_1143, %convert_element_type3A_1144 : vector<16xf32>
      %mul3A_1146 = arith.constant 5.96046448E-8 : f32
      %mul3A_1147 = vector.broadcast %mul3A_1146 : f32 to vector<16xf32>
      %mul3A_1148 = arith.mulf %add3A_1145, %mul3A_1147 : vector<16xf32>
      %convert_element_type3A_1149 = arith.fptosi %mul3A_1148 : vector<16xf32> to vector<16xi32>
      %convert_element_type3A_1150 = arith.sitofp %convert_element_type3A_1149 : vector<16xi32> to vector<16xf32>
      %mul3A_1151 = arith.constant 0x4B800000 : f32
      %mul3A_1152 = vector.broadcast %mul3A_1151 : f32 to vector<16xf32>
      %mul3A_1153 = arith.mulf %convert_element_type3A_1150, %mul3A_1152 : vector<16xf32>
      %sub3A_1154 = arith.subf %add3A_1145, %mul3A_1153 : vector<16xf32>
      %convert_element_type3A_1155 = arith.fptosi %sub3A_1154 : vector<16xf32> to vector<16xi32>
      %mul3A_1156 = arith.constant 76715 : i32
      %mul3A_1157 = vector.broadcast %mul3A_1156 : i32 to vector<16xi32>
      %mul3A_1158 = arith.muli %convert_element_type3A_1149, %mul3A_1157 : vector<16xi32>
      %add3A_1159 = arith.addi %mul3A_1158, %convert_element_type3A_1155 : vector<16xi32>
      %jit3A_1160 = arith.constant 100003 : i64
      %convert_element_type3A_1161 = arith.trunci %jit3A_1160 : i64 to i32
      %eq3A_1162 = arith.constant 0 : i32
      %eq3A_1163 = arith.cmpi eq, %convert_element_type3A_1161, %eq3A_1162 : i32
      %jit3A_1164 = arith.constant 1 : i32
      %select_n3A_1165 = arith.select %eq3A_1163, %jit3A_1164, %convert_element_type3A_1161 : i32
      %rem3A_1166 = vector.broadcast %select_n3A_1165 : i32 to vector<16xi32>
      %rem3A_1167 = arith.remsi %add3A_1159, %rem3A_1166 : vector<16xi32>
      %ne3A_1168 = arith.constant 0 : i32
      %ne3A_1169 = vector.broadcast %ne3A_1168 : i32 to vector<16xi32>
      %ne3A_1170 = arith.cmpi ne, %rem3A_1167, %ne3A_1169 : vector<16xi32>
      %lt3A_1171 = arith.constant 0 : i32
      %lt3A_1172 = vector.broadcast %lt3A_1171 : i32 to vector<16xi32>
      %lt3A_1173 = arith.cmpi slt, %rem3A_1167, %lt3A_1172 : vector<16xi32>
      %lt3A_1174 = arith.constant 0 : i32
      %lt3A_1175 = arith.cmpi slt, %select_n3A_1165, %lt3A_1174 : i32
      %ne3A_1176 = vector.broadcast %lt3A_1175 : i1 to vector<16xi1>
      %ne3A_1177 = vector.broadcast %ne3A_1176 : vector<16xi1> to vector<16xi1>
      %ne3A_1178 = arith.xori %lt3A_1173, %ne3A_1177 : vector<16xi1>
      %and3A_1179 = arith.andi %ne3A_1178, %ne3A_1170 : vector<16xi1>
      %add3A_1180 = vector.broadcast %select_n3A_1165 : i32 to vector<16xi32>
      %add3A_1181 = arith.addi %rem3A_1167, %add3A_1180 : vector<16xi32>
      %select_n3A_1182 = arith.select %and3A_1179, %add3A_1181, %rem3A_1167 : vector<16xi1>, vector<16xi32>
      %add3A_1183 = arith.constant 602112 : i32
      %add3A_1184 = vector.broadcast %add3A_1183 : i32 to vector<16xi32>
      %add3A_1185 = arith.addi %select_n3A_1182, %add3A_1184 : vector<16xi32>
      %add3A_1186 = arith.constant 6 : i32
      %add3A_1187 = vector.broadcast %add3A_1186 : i32 to vector<16xi32>
      %add3A_1188 = arith.addi %mul3A_596, %add3A_1187 : vector<16xi32>
      tpu.vector_store_idx %arg10[%broadcast_in_dim3A_593, %add3A_1188], %add3A_1185 : memref<16x128xi32, #tpu.memory_space<vmem>>[vector<16xi32>, vector<16xi32>], vector<16xi32>,
      %broadcast_in_dim3A_1189 = arith.constant 0 : i32
      %broadcast_in_dim3A_1190 = vector.broadcast %broadcast_in_dim3A_1189 : i32 to vector<16xi32>
      %broadcast_in_dim3A_1191 = arith.constant 0 : i32
      %broadcast_in_dim3A_1192 = vector.broadcast %broadcast_in_dim3A_1191 : i32 to vector<16xi32>
      %mul3A_1193 = arith.mulf %bitcast3A_592, %gather3A_100 : vector<16xf32>
      %mul3A_1194 = arith.constant 1.52587891E-5 : f32
      %mul3A_1195 = vector.broadcast %mul3A_1194 : f32 to vector<16xf32>
      %mul3A_1196 = arith.mulf %mul3A_1193, %mul3A_1195 : vector<16xf32>
      %convert_element_type3A_1197 = arith.fptosi %mul3A_1196 : vector<16xf32> to vector<16xi32>
      %convert_element_type3A_1198 = arith.sitofp %convert_element_type3A_1197 : vector<16xi32> to vector<16xf32>
      %mul3A_1199 = arith.constant 6.553600e+04 : f32
      %mul3A_1200 = vector.broadcast %mul3A_1199 : f32 to vector<16xf32>
      %mul3A_1201 = arith.mulf %convert_element_type3A_1198, %mul3A_1200 : vector<16xf32>
      %sub3A_1202 = arith.subf %mul3A_1193, %mul3A_1201 : vector<16xf32>
      %convert_element_type3A_1203 = arith.fptosi %sub3A_1202 : vector<16xf32> to vector<16xi32>
      %add3A_1204 = arith.addi %broadcast_in_dim3A_1190, %convert_element_type3A_1197 : vector<16xi32>
      %add3A_1205 = arith.addi %broadcast_in_dim3A_1192, %convert_element_type3A_1203 : vector<16xi32>
      %mul3A_1206 = arith.mulf %bitcast3A_574, %gather3A_103 : vector<16xf32>
      %mul3A_1207 = arith.constant 1.52587891E-5 : f32
      %mul3A_1208 = vector.broadcast %mul3A_1207 : f32 to vector<16xf32>
      %mul3A_1209 = arith.mulf %mul3A_1206, %mul3A_1208 : vector<16xf32>
      %convert_element_type3A_1210 = arith.fptosi %mul3A_1209 : vector<16xf32> to vector<16xi32>
      %convert_element_type3A_1211 = arith.sitofp %convert_element_type3A_1210 : vector<16xi32> to vector<16xf32>
      %mul3A_1212 = arith.constant 6.553600e+04 : f32
      %mul3A_1213 = vector.broadcast %mul3A_1212 : f32 to vector<16xf32>
      %mul3A_1214 = arith.mulf %convert_element_type3A_1211, %mul3A_1213 : vector<16xf32>
      %sub3A_1215 = arith.subf %mul3A_1206, %mul3A_1214 : vector<16xf32>
      %convert_element_type3A_1216 = arith.fptosi %sub3A_1215 : vector<16xf32> to vector<16xi32>
      %add3A_1217 = arith.addi %add3A_1204, %convert_element_type3A_1210 : vector<16xi32>
      %add3A_1218 = arith.addi %add3A_1205, %convert_element_type3A_1216 : vector<16xi32>
      %mul3A_1219 = arith.mulf %bitcast3A_556, %gather3A_106 : vector<16xf32>
      %mul3A_1220 = arith.constant 1.52587891E-5 : f32
      %mul3A_1221 = vector.broadcast %mul3A_1220 : f32 to vector<16xf32>
      %mul3A_1222 = arith.mulf %mul3A_1219, %mul3A_1221 : vector<16xf32>
      %convert_element_type3A_1223 = arith.fptosi %mul3A_1222 : vector<16xf32> to vector<16xi32>
      %convert_element_type3A_1224 = arith.sitofp %convert_element_type3A_1223 : vector<16xi32> to vector<16xf32>
      %mul3A_1225 = arith.constant 6.553600e+04 : f32
      %mul3A_1226 = vector.broadcast %mul3A_1225 : f32 to vector<16xf32>
      %mul3A_1227 = arith.mulf %convert_element_type3A_1224, %mul3A_1226 : vector<16xf32>
      %sub3A_1228 = arith.subf %mul3A_1219, %mul3A_1227 : vector<16xf32>
      %convert_element_type3A_1229 = arith.fptosi %sub3A_1228 : vector<16xf32> to vector<16xi32>
      %add3A_1230 = arith.addi %add3A_1217, %convert_element_type3A_1223 : vector<16xi32>
      %add3A_1231 = arith.addi %add3A_1218, %convert_element_type3A_1229 : vector<16xi32>
      %convert_element_type3A_1232 = arith.sitofp %add3A_1230 : vector<16xi32> to vector<16xf32>
      %mul3A_1233 = arith.constant 6.553600e+04 : f32
      %mul3A_1234 = vector.broadcast %mul3A_1233 : f32 to vector<16xf32>
      %mul3A_1235 = arith.mulf %convert_element_type3A_1232, %mul3A_1234 : vector<16xf32>
      %convert_element_type3A_1236 = arith.sitofp %add3A_1231 : vector<16xi32> to vector<16xf32>
      %add3A_1237 = arith.addf %mul3A_1235, %convert_element_type3A_1236 : vector<16xf32>
      %mul3A_1238 = arith.constant 5.96046448E-8 : f32
      %mul3A_1239 = vector.broadcast %mul3A_1238 : f32 to vector<16xf32>
      %mul3A_1240 = arith.mulf %add3A_1237, %mul3A_1239 : vector<16xf32>
      %convert_element_type3A_1241 = arith.fptosi %mul3A_1240 : vector<16xf32> to vector<16xi32>
      %convert_element_type3A_1242 = arith.sitofp %convert_element_type3A_1241 : vector<16xi32> to vector<16xf32>
      %mul3A_1243 = arith.constant 0x4B800000 : f32
      %mul3A_1244 = vector.broadcast %mul3A_1243 : f32 to vector<16xf32>
      %mul3A_1245 = arith.mulf %convert_element_type3A_1242, %mul3A_1244 : vector<16xf32>
      %sub3A_1246 = arith.subf %add3A_1237, %mul3A_1245 : vector<16xf32>
      %convert_element_type3A_1247 = arith.fptosi %sub3A_1246 : vector<16xf32> to vector<16xi32>
      %mul3A_1248 = arith.constant 76715 : i32
      %mul3A_1249 = vector.broadcast %mul3A_1248 : i32 to vector<16xi32>
      %mul3A_1250 = arith.muli %convert_element_type3A_1241, %mul3A_1249 : vector<16xi32>
      %add3A_1251 = arith.addi %mul3A_1250, %convert_element_type3A_1247 : vector<16xi32>
      %jit3A_1252 = arith.constant 100003 : i64
      %convert_element_type3A_1253 = arith.trunci %jit3A_1252 : i64 to i32
      %eq3A_1254 = arith.constant 0 : i32
      %eq3A_1255 = arith.cmpi eq, %convert_element_type3A_1253, %eq3A_1254 : i32
      %jit3A_1256 = arith.constant 1 : i32
      %select_n3A_1257 = arith.select %eq3A_1255, %jit3A_1256, %convert_element_type3A_1253 : i32
      %rem3A_1258 = vector.broadcast %select_n3A_1257 : i32 to vector<16xi32>
      %rem3A_1259 = arith.remsi %add3A_1251, %rem3A_1258 : vector<16xi32>
      %ne3A_1260 = arith.constant 0 : i32
      %ne3A_1261 = vector.broadcast %ne3A_1260 : i32 to vector<16xi32>
      %ne3A_1262 = arith.cmpi ne, %rem3A_1259, %ne3A_1261 : vector<16xi32>
      %lt3A_1263 = arith.constant 0 : i32
      %lt3A_1264 = vector.broadcast %lt3A_1263 : i32 to vector<16xi32>
      %lt3A_1265 = arith.cmpi slt, %rem3A_1259, %lt3A_1264 : vector<16xi32>
      %lt3A_1266 = arith.constant 0 : i32
      %lt3A_1267 = arith.cmpi slt, %select_n3A_1257, %lt3A_1266 : i32
      %ne3A_1268 = vector.broadcast %lt3A_1267 : i1 to vector<16xi1>
      %ne3A_1269 = vector.broadcast %ne3A_1268 : vector<16xi1> to vector<16xi1>
      %ne3A_1270 = arith.xori %lt3A_1265, %ne3A_1269 : vector<16xi1>
      %and3A_1271 = arith.andi %ne3A_1270, %ne3A_1262 : vector<16xi1>
      %add3A_1272 = vector.broadcast %select_n3A_1257 : i32 to vector<16xi32>
      %add3A_1273 = arith.addi %rem3A_1259, %add3A_1272 : vector<16xi32>
      %select_n3A_1274 = arith.select %and3A_1271, %add3A_1273, %rem3A_1259 : vector<16xi1>, vector<16xi32>
      %add3A_1275 = arith.constant 702464 : i32
      %add3A_1276 = vector.broadcast %add3A_1275 : i32 to vector<16xi32>
      %add3A_1277 = arith.addi %select_n3A_1274, %add3A_1276 : vector<16xi32>
      %add3A_1278 = arith.constant 7 : i32
      %add3A_1279 = vector.broadcast %add3A_1278 : i32 to vector<16xi32>
      %add3A_1280 = arith.addi %mul3A_596, %add3A_1279 : vector<16xi32>
      tpu.vector_store_idx %arg10[%broadcast_in_dim3A_593, %add3A_1280], %add3A_1277 : memref<16x128xi32, #tpu.memory_space<vmem>>[vector<16xi32>, vector<16xi32>], vector<16xi32>,
    }
    %mul3A_128 = arith.constant 2048 : i32
    %mul3A_129 = arith.muli %add3A, %mul3A_128 : i32
    %dma_start3A_130 = arith.constant 0 : i32
    %dma_start3A_131 = arith.constant 0 : i32
    %dma_start3A_132 = tpu.memref_slice %arg10[%dma_start3A_130, %dma_start3A_131] : memref<16x128xi32, #tpu.memory_space<vmem>> -> memref<1x128xi32, #tpu.memory_space<vmem>>
    %dma_start3A_133 = tpu.memref_squeeze %dma_start3A_132 : memref<1x128xi32, #tpu.memory_space<vmem>> -> memref<128xi32, #tpu.memory_space<vmem>>
    %dma_start3A_134 = arith.constant 0 : i32
    %dma_start3A_135 = arith.constant 0 : i32
    %dma_start3A_136 = tpu.memref_slice %arg5[%dma_start3A_134, %dma_start3A_135] : memref<802816x128xf32, #tpu.memory_space<hbm>> -> memref<802816x128xf32, #tpu.memory_space<hbm>>
    tpu.enqueue_indirect_dma source(%dma_start3A_136 : memref<802816x128xf32, #tpu.memory_space<hbm>>) target(%arg11 : memref<128x128xf32, #tpu.memory_space<vmem>>) offsets(%dma_start3A_133 : memref<128xi32, #tpu.memory_space<vmem>>) semaphore(%arg14 : memref<!tpu.dma_semaphore, #tpu.memory_space<semaphore_mem>>)
    %dma_start3A_137 = arith.constant 1 : i32
    %dma_start3A_138 = arith.constant 0 : i32
    %dma_start3A_139 = tpu.memref_slice %arg10[%dma_start3A_137, %dma_start3A_138] : memref<16x128xi32, #tpu.memory_space<vmem>> -> memref<1x128xi32, #tpu.memory_space<vmem>>
    %dma_start3A_140 = tpu.memref_squeeze %dma_start3A_139 : memref<1x128xi32, #tpu.memory_space<vmem>> -> memref<128xi32, #tpu.memory_space<vmem>>
    %dma_start3A_141 = arith.constant 0 : i32
    %dma_start3A_142 = arith.constant 0 : i32
    %dma_start3A_143 = tpu.memref_slice %arg5[%dma_start3A_141, %dma_start3A_142] : memref<802816x128xf32, #tpu.memory_space<hbm>> -> memref<802816x128xf32, #tpu.memory_space<hbm>>
    tpu.enqueue_indirect_dma source(%dma_start3A_143 : memref<802816x128xf32, #tpu.memory_space<hbm>>) target(%arg12 : memref<128x128xf32, #tpu.memory_space<vmem>>) offsets(%dma_start3A_140 : memref<128xi32, #tpu.memory_space<vmem>>) semaphore(%arg15 : memref<!tpu.dma_semaphore, #tpu.memory_space<semaphore_mem>>)
    %dma_wait3A_144 = arith.constant 0 : i32
    %dma_wait3A_145 = arith.constant 0 : i32
    %dma_wait3A_146 = tpu.memref_slice %arg10[%dma_wait3A_144, %dma_wait3A_145] : memref<16x128xi32, #tpu.memory_space<vmem>> -> memref<1x128xi32, #tpu.memory_space<vmem>>
    %dma_wait3A_147 = tpu.memref_squeeze %dma_wait3A_146 : memref<1x128xi32, #tpu.memory_space<vmem>> -> memref<128xi32, #tpu.memory_space<vmem>>
    %dma_wait3A_148 = arith.constant 0 : i32
    %dma_wait3A_149 = arith.constant 0 : i32
    %dma_wait3A_150 = tpu.memref_slice %arg5[%dma_wait3A_148, %dma_wait3A_149] : memref<802816x128xf32, #tpu.memory_space<hbm>> -> memref<802816x128xf32, #tpu.memory_space<hbm>>
    tpu.wait_indirect_dma semaphore(%arg14 : memref<!tpu.dma_semaphore, #tpu.memory_space<semaphore_mem>>) src(%dma_wait3A_150 : memref<802816x128xf32, #tpu.memory_space<hbm>>) dst(%arg11 : memref<128x128xf32, #tpu.memory_space<vmem>>)
    %add3A_151 = arith.constant 0 : i32
    %add3A_152 = arith.addi %mul3A_129, %add3A_151 : i32
    %dma_start3A_153 = arith.constant 0 : i32
    %dma_start3A_154 = tpu.memref_slice %arg6[%add3A_152, %dma_start3A_153] : memref<65536x128xf32, #tpu.memory_space<hbm>> -> memref<128x128xf32, #tpu.memory_space<hbm>>
    %dma_start3A_155 = arith.constant 0 : i32
    %dma_start3A_156 = tpu.memref_slice %arg6[%add3A_152, %dma_start3A_155] : memref<65536x128xf32, #tpu.memory_space<hbm>> -> memref<128x128xf32, #tpu.memory_space<hbm>>
    tpu.enqueue_dma source(%arg11 : memref<128x128xf32, #tpu.memory_space<vmem>>) target(%dma_start3A_156 : memref<128x128xf32, #tpu.memory_space<hbm>>) target_semaphore(%arg16 : memref<!tpu.dma_semaphore, #tpu.memory_space<semaphore_mem>>)
    %dma_wait3A_157 = arith.constant 0 : i32
    %dma_wait3A_158 = tpu.memref_slice %arg6[%add3A_152, %dma_wait3A_157] : memref<65536x128xf32, #tpu.memory_space<hbm>> -> memref<128x128xf32, #tpu.memory_space<hbm>>
    %dma_wait3A_159 = arith.constant 0 : i32
    %dma_wait3A_160 = tpu.memref_slice %arg6[%add3A_152, %dma_wait3A_159] : memref<65536x128xf32, #tpu.memory_space<hbm>> -> memref<128x128xf32, #tpu.memory_space<hbm>>
    tpu.wait_dma2 semaphore(%arg16 : memref<!tpu.dma_semaphore, #tpu.memory_space<semaphore_mem>>) src(%arg11 : memref<128x128xf32, #tpu.memory_space<vmem>>) dst(%dma_wait3A_160 : memref<128x128xf32, #tpu.memory_space<hbm>>)
    %dma_start3A_161 = arith.constant 2 : i32
    %dma_start3A_162 = arith.constant 0 : i32
    %dma_start3A_163 = tpu.memref_slice %arg10[%dma_start3A_161, %dma_start3A_162] : memref<16x128xi32, #tpu.memory_space<vmem>> -> memref<1x128xi32, #tpu.memory_space<vmem>>
    %dma_start3A_164 = tpu.memref_squeeze %dma_start3A_163 : memref<1x128xi32, #tpu.memory_space<vmem>> -> memref<128xi32, #tpu.memory_space<vmem>>
    %dma_start3A_165 = arith.constant 0 : i32
    %dma_start3A_166 = arith.constant 0 : i32
    %dma_start3A_167 = tpu.memref_slice %arg5[%dma_start3A_165, %dma_start3A_166] : memref<802816x128xf32, #tpu.memory_space<hbm>> -> memref<802816x128xf32, #tpu.memory_space<hbm>>
    tpu.enqueue_indirect_dma source(%dma_start3A_167 : memref<802816x128xf32, #tpu.memory_space<hbm>>) target(%arg11 : memref<128x128xf32, #tpu.memory_space<vmem>>) offsets(%dma_start3A_164 : memref<128xi32, #tpu.memory_space<vmem>>) semaphore(%arg14 : memref<!tpu.dma_semaphore, #tpu.memory_space<semaphore_mem>>)
    %dma_wait3A_168 = arith.constant 1 : i32
    %dma_wait3A_169 = arith.constant 0 : i32
    %dma_wait3A_170 = tpu.memref_slice %arg10[%dma_wait3A_168, %dma_wait3A_169] : memref<16x128xi32, #tpu.memory_space<vmem>> -> memref<1x128xi32, #tpu.memory_space<vmem>>
    %dma_wait3A_171 = tpu.memref_squeeze %dma_wait3A_170 : memref<1x128xi32, #tpu.memory_space<vmem>> -> memref<128xi32, #tpu.memory_space<vmem>>
    %dma_wait3A_172 = arith.constant 0 : i32
    %dma_wait3A_173 = arith.constant 0 : i32
    %dma_wait3A_174 = tpu.memref_slice %arg5[%dma_wait3A_172, %dma_wait3A_173] : memref<802816x128xf32, #tpu.memory_space<hbm>> -> memref<802816x128xf32, #tpu.memory_space<hbm>>
    tpu.wait_indirect_dma semaphore(%arg15 : memref<!tpu.dma_semaphore, #tpu.memory_space<semaphore_mem>>) src(%dma_wait3A_174 : memref<802816x128xf32, #tpu.memory_space<hbm>>) dst(%arg12 : memref<128x128xf32, #tpu.memory_space<vmem>>)
    %add3A_175 = arith.constant 128 : i32
    %add3A_176 = arith.addi %mul3A_129, %add3A_175 : i32
    %dma_start3A_177 = arith.constant 0 : i32
    %dma_start3A_178 = tpu.memref_slice %arg6[%add3A_176, %dma_start3A_177] : memref<65536x128xf32, #tpu.memory_space<hbm>> -> memref<128x128xf32, #tpu.memory_space<hbm>>
    %dma_start3A_179 = arith.constant 0 : i32
    %dma_start3A_180 = tpu.memref_slice %arg6[%add3A_176, %dma_start3A_179] : memref<65536x128xf32, #tpu.memory_space<hbm>> -> memref<128x128xf32, #tpu.memory_space<hbm>>
    tpu.enqueue_dma source(%arg12 : memref<128x128xf32, #tpu.memory_space<vmem>>) target(%dma_start3A_180 : memref<128x128xf32, #tpu.memory_space<hbm>>) target_semaphore(%arg17 : memref<!tpu.dma_semaphore, #tpu.memory_space<semaphore_mem>>)
    %dma_wait3A_181 = arith.constant 0 : i32
    %dma_wait3A_182 = tpu.memref_slice %arg6[%add3A_176, %dma_wait3A_181] : memref<65536x128xf32, #tpu.memory_space<hbm>> -> memref<128x128xf32, #tpu.memory_space<hbm>>
    %dma_wait3A_183 = arith.constant 0 : i32
    %dma_wait3A_184 = tpu.memref_slice %arg6[%add3A_176, %dma_wait3A_183] : memref<65536x128xf32, #tpu.memory_space<hbm>> -> memref<128x128xf32, #tpu.memory_space<hbm>>
    tpu.wait_dma2 semaphore(%arg17 : memref<!tpu.dma_semaphore, #tpu.memory_space<semaphore_mem>>) src(%arg12 : memref<128x128xf32, #tpu.memory_space<vmem>>) dst(%dma_wait3A_184 : memref<128x128xf32, #tpu.memory_space<hbm>>)
    %dma_start3A_185 = arith.constant 3 : i32
    %dma_start3A_186 = arith.constant 0 : i32
    %dma_start3A_187 = tpu.memref_slice %arg10[%dma_start3A_185, %dma_start3A_186] : memref<16x128xi32, #tpu.memory_space<vmem>> -> memref<1x128xi32, #tpu.memory_space<vmem>>
    %dma_start3A_188 = tpu.memref_squeeze %dma_start3A_187 : memref<1x128xi32, #tpu.memory_space<vmem>> -> memref<128xi32, #tpu.memory_space<vmem>>
    %dma_start3A_189 = arith.constant 0 : i32
    %dma_start3A_190 = arith.constant 0 : i32
    %dma_start3A_191 = tpu.memref_slice %arg5[%dma_start3A_189, %dma_start3A_190] : memref<802816x128xf32, #tpu.memory_space<hbm>> -> memref<802816x128xf32, #tpu.memory_space<hbm>>
    tpu.enqueue_indirect_dma source(%dma_start3A_191 : memref<802816x128xf32, #tpu.memory_space<hbm>>) target(%arg12 : memref<128x128xf32, #tpu.memory_space<vmem>>) offsets(%dma_start3A_188 : memref<128xi32, #tpu.memory_space<vmem>>) semaphore(%arg15 : memref<!tpu.dma_semaphore, #tpu.memory_space<semaphore_mem>>)
    %dma_wait3A_192 = arith.constant 2 : i32
    %dma_wait3A_193 = arith.constant 0 : i32
    %dma_wait3A_194 = tpu.memref_slice %arg10[%dma_wait3A_192, %dma_wait3A_193] : memref<16x128xi32, #tpu.memory_space<vmem>> -> memref<1x128xi32, #tpu.memory_space<vmem>>
    %dma_wait3A_195 = tpu.memref_squeeze %dma_wait3A_194 : memref<1x128xi32, #tpu.memory_space<vmem>> -> memref<128xi32, #tpu.memory_space<vmem>>
    %dma_wait3A_196 = arith.constant 0 : i32
    %dma_wait3A_197 = arith.constant 0 : i32
    %dma_wait3A_198 = tpu.memref_slice %arg5[%dma_wait3A_196, %dma_wait3A_197] : memref<802816x128xf32, #tpu.memory_space<hbm>> -> memref<802816x128xf32, #tpu.memory_space<hbm>>
    tpu.wait_indirect_dma semaphore(%arg14 : memref<!tpu.dma_semaphore, #tpu.memory_space<semaphore_mem>>) src(%dma_wait3A_198 : memref<802816x128xf32, #tpu.memory_space<hbm>>) dst(%arg11 : memref<128x128xf32, #tpu.memory_space<vmem>>)
    %add3A_199 = arith.constant 256 : i32
    %add3A_200 = arith.addi %mul3A_129, %add3A_199 : i32
    %dma_start3A_201 = arith.constant 0 : i32
    %dma_start3A_202 = tpu.memref_slice %arg6[%add3A_200, %dma_start3A_201] : memref<65536x128xf32, #tpu.memory_space<hbm>> -> memref<128x128xf32, #tpu.memory_space<hbm>>
    %dma_start3A_203 = arith.constant 0 : i32
    %dma_start3A_204 = tpu.memref_slice %arg6[%add3A_200, %dma_start3A_203] : memref<65536x128xf32, #tpu.memory_space<hbm>> -> memref<128x128xf32, #tpu.memory_space<hbm>>
    tpu.enqueue_dma source(%arg11 : memref<128x128xf32, #tpu.memory_space<vmem>>) target(%dma_start3A_204 : memref<128x128xf32, #tpu.memory_space<hbm>>) target_semaphore(%arg16 : memref<!tpu.dma_semaphore, #tpu.memory_space<semaphore_mem>>)
    %dma_wait3A_205 = arith.constant 0 : i32
    %dma_wait3A_206 = tpu.memref_slice %arg6[%add3A_200, %dma_wait3A_205] : memref<65536x128xf32, #tpu.memory_space<hbm>> -> memref<128x128xf32, #tpu.memory_space<hbm>>
    %dma_wait3A_207 = arith.constant 0 : i32
    %dma_wait3A_208 = tpu.memref_slice %arg6[%add3A_200, %dma_wait3A_207] : memref<65536x128xf32, #tpu.memory_space<hbm>> -> memref<128x128xf32, #tpu.memory_space<hbm>>
    tpu.wait_dma2 semaphore(%arg16 : memref<!tpu.dma_semaphore, #tpu.memory_space<semaphore_mem>>) src(%arg11 : memref<128x128xf32, #tpu.memory_space<vmem>>) dst(%dma_wait3A_208 : memref<128x128xf32, #tpu.memory_space<hbm>>)
    %dma_start3A_209 = arith.constant 4 : i32
    %dma_start3A_210 = arith.constant 0 : i32
    %dma_start3A_211 = tpu.memref_slice %arg10[%dma_start3A_209, %dma_start3A_210] : memref<16x128xi32, #tpu.memory_space<vmem>> -> memref<1x128xi32, #tpu.memory_space<vmem>>
    %dma_start3A_212 = tpu.memref_squeeze %dma_start3A_211 : memref<1x128xi32, #tpu.memory_space<vmem>> -> memref<128xi32, #tpu.memory_space<vmem>>
    %dma_start3A_213 = arith.constant 0 : i32
    %dma_start3A_214 = arith.constant 0 : i32
    %dma_start3A_215 = tpu.memref_slice %arg5[%dma_start3A_213, %dma_start3A_214] : memref<802816x128xf32, #tpu.memory_space<hbm>> -> memref<802816x128xf32, #tpu.memory_space<hbm>>
    tpu.enqueue_indirect_dma source(%dma_start3A_215 : memref<802816x128xf32, #tpu.memory_space<hbm>>) target(%arg11 : memref<128x128xf32, #tpu.memory_space<vmem>>) offsets(%dma_start3A_212 : memref<128xi32, #tpu.memory_space<vmem>>) semaphore(%arg14 : memref<!tpu.dma_semaphore, #tpu.memory_space<semaphore_mem>>)
    %dma_wait3A_216 = arith.constant 3 : i32
    %dma_wait3A_217 = arith.constant 0 : i32
    %dma_wait3A_218 = tpu.memref_slice %arg10[%dma_wait3A_216, %dma_wait3A_217] : memref<16x128xi32, #tpu.memory_space<vmem>> -> memref<1x128xi32, #tpu.memory_space<vmem>>
    %dma_wait3A_219 = tpu.memref_squeeze %dma_wait3A_218 : memref<1x128xi32, #tpu.memory_space<vmem>> -> memref<128xi32, #tpu.memory_space<vmem>>
    %dma_wait3A_220 = arith.constant 0 : i32
    %dma_wait3A_221 = arith.constant 0 : i32
    %dma_wait3A_222 = tpu.memref_slice %arg5[%dma_wait3A_220, %dma_wait3A_221] : memref<802816x128xf32, #tpu.memory_space<hbm>> -> memref<802816x128xf32, #tpu.memory_space<hbm>>
    tpu.wait_indirect_dma semaphore(%arg15 : memref<!tpu.dma_semaphore, #tpu.memory_space<semaphore_mem>>) src(%dma_wait3A_222 : memref<802816x128xf32, #tpu.memory_space<hbm>>) dst(%arg12 : memref<128x128xf32, #tpu.memory_space<vmem>>)
    %add3A_223 = arith.constant 384 : i32
    %add3A_224 = arith.addi %mul3A_129, %add3A_223 : i32
    %dma_start3A_225 = arith.constant 0 : i32
    %dma_start3A_226 = tpu.memref_slice %arg6[%add3A_224, %dma_start3A_225] : memref<65536x128xf32, #tpu.memory_space<hbm>> -> memref<128x128xf32, #tpu.memory_space<hbm>>
    %dma_start3A_227 = arith.constant 0 : i32
    %dma_start3A_228 = tpu.memref_slice %arg6[%add3A_224, %dma_start3A_227] : memref<65536x128xf32, #tpu.memory_space<hbm>> -> memref<128x128xf32, #tpu.memory_space<hbm>>
    tpu.enqueue_dma source(%arg12 : memref<128x128xf32, #tpu.memory_space<vmem>>) target(%dma_start3A_228 : memref<128x128xf32, #tpu.memory_space<hbm>>) target_semaphore(%arg17 : memref<!tpu.dma_semaphore, #tpu.memory_space<semaphore_mem>>)
    %dma_wait3A_229 = arith.constant 0 : i32
    %dma_wait3A_230 = tpu.memref_slice %arg6[%add3A_224, %dma_wait3A_229] : memref<65536x128xf32, #tpu.memory_space<hbm>> -> memref<128x128xf32, #tpu.memory_space<hbm>>
    %dma_wait3A_231 = arith.constant 0 : i32
    %dma_wait3A_232 = tpu.memref_slice %arg6[%add3A_224, %dma_wait3A_231] : memref<65536x128xf32, #tpu.memory_space<hbm>> -> memref<128x128xf32, #tpu.memory_space<hbm>>
    tpu.wait_dma2 semaphore(%arg17 : memref<!tpu.dma_semaphore, #tpu.memory_space<semaphore_mem>>) src(%arg12 : memref<128x128xf32, #tpu.memory_space<vmem>>) dst(%dma_wait3A_232 : memref<128x128xf32, #tpu.memory_space<hbm>>)
    %dma_start3A_233 = arith.constant 5 : i32
    %dma_start3A_234 = arith.constant 0 : i32
    %dma_start3A_235 = tpu.memref_slice %arg10[%dma_start3A_233, %dma_start3A_234] : memref<16x128xi32, #tpu.memory_space<vmem>> -> memref<1x128xi32, #tpu.memory_space<vmem>>
    %dma_start3A_236 = tpu.memref_squeeze %dma_start3A_235 : memref<1x128xi32, #tpu.memory_space<vmem>> -> memref<128xi32, #tpu.memory_space<vmem>>
    %dma_start3A_237 = arith.constant 0 : i32
    %dma_start3A_238 = arith.constant 0 : i32
    %dma_start3A_239 = tpu.memref_slice %arg5[%dma_start3A_237, %dma_start3A_238] : memref<802816x128xf32, #tpu.memory_space<hbm>> -> memref<802816x128xf32, #tpu.memory_space<hbm>>
    tpu.enqueue_indirect_dma source(%dma_start3A_239 : memref<802816x128xf32, #tpu.memory_space<hbm>>) target(%arg12 : memref<128x128xf32, #tpu.memory_space<vmem>>) offsets(%dma_start3A_236 : memref<128xi32, #tpu.memory_space<vmem>>) semaphore(%arg15 : memref<!tpu.dma_semaphore, #tpu.memory_space<semaphore_mem>>)
    %dma_wait3A_240 = arith.constant 4 : i32
    %dma_wait3A_241 = arith.constant 0 : i32
    %dma_wait3A_242 = tpu.memref_slice %arg10[%dma_wait3A_240, %dma_wait3A_241] : memref<16x128xi32, #tpu.memory_space<vmem>> -> memref<1x128xi32, #tpu.memory_space<vmem>>
    %dma_wait3A_243 = tpu.memref_squeeze %dma_wait3A_242 : memref<1x128xi32, #tpu.memory_space<vmem>> -> memref<128xi32, #tpu.memory_space<vmem>>
    %dma_wait3A_244 = arith.constant 0 : i32
    %dma_wait3A_245 = arith.constant 0 : i32
    %dma_wait3A_246 = tpu.memref_slice %arg5[%dma_wait3A_244, %dma_wait3A_245] : memref<802816x128xf32, #tpu.memory_space<hbm>> -> memref<802816x128xf32, #tpu.memory_space<hbm>>
    tpu.wait_indirect_dma semaphore(%arg14 : memref<!tpu.dma_semaphore, #tpu.memory_space<semaphore_mem>>) src(%dma_wait3A_246 : memref<802816x128xf32, #tpu.memory_space<hbm>>) dst(%arg11 : memref<128x128xf32, #tpu.memory_space<vmem>>)
    %add3A_247 = arith.constant 512 : i32
    %add3A_248 = arith.addi %mul3A_129, %add3A_247 : i32
    %dma_start3A_249 = arith.constant 0 : i32
    %dma_start3A_250 = tpu.memref_slice %arg6[%add3A_248, %dma_start3A_249] : memref<65536x128xf32, #tpu.memory_space<hbm>> -> memref<128x128xf32, #tpu.memory_space<hbm>>
    %dma_start3A_251 = arith.constant 0 : i32
    %dma_start3A_252 = tpu.memref_slice %arg6[%add3A_248, %dma_start3A_251] : memref<65536x128xf32, #tpu.memory_space<hbm>> -> memref<128x128xf32, #tpu.memory_space<hbm>>
    tpu.enqueue_dma source(%arg11 : memref<128x128xf32, #tpu.memory_space<vmem>>) target(%dma_start3A_252 : memref<128x128xf32, #tpu.memory_space<hbm>>) target_semaphore(%arg16 : memref<!tpu.dma_semaphore, #tpu.memory_space<semaphore_mem>>)
    %dma_wait3A_253 = arith.constant 0 : i32
    %dma_wait3A_254 = tpu.memref_slice %arg6[%add3A_248, %dma_wait3A_253] : memref<65536x128xf32, #tpu.memory_space<hbm>> -> memref<128x128xf32, #tpu.memory_space<hbm>>
    %dma_wait3A_255 = arith.constant 0 : i32
    %dma_wait3A_256 = tpu.memref_slice %arg6[%add3A_248, %dma_wait3A_255] : memref<65536x128xf32, #tpu.memory_space<hbm>> -> memref<128x128xf32, #tpu.memory_space<hbm>>
    tpu.wait_dma2 semaphore(%arg16 : memref<!tpu.dma_semaphore, #tpu.memory_space<semaphore_mem>>) src(%arg11 : memref<128x128xf32, #tpu.memory_space<vmem>>) dst(%dma_wait3A_256 : memref<128x128xf32, #tpu.memory_space<hbm>>)
    %dma_start3A_257 = arith.constant 6 : i32
    %dma_start3A_258 = arith.constant 0 : i32
    %dma_start3A_259 = tpu.memref_slice %arg10[%dma_start3A_257, %dma_start3A_258] : memref<16x128xi32, #tpu.memory_space<vmem>> -> memref<1x128xi32, #tpu.memory_space<vmem>>
    %dma_start3A_260 = tpu.memref_squeeze %dma_start3A_259 : memref<1x128xi32, #tpu.memory_space<vmem>> -> memref<128xi32, #tpu.memory_space<vmem>>
    %dma_start3A_261 = arith.constant 0 : i32
    %dma_start3A_262 = arith.constant 0 : i32
    %dma_start3A_263 = tpu.memref_slice %arg5[%dma_start3A_261, %dma_start3A_262] : memref<802816x128xf32, #tpu.memory_space<hbm>> -> memref<802816x128xf32, #tpu.memory_space<hbm>>
    tpu.enqueue_indirect_dma source(%dma_start3A_263 : memref<802816x128xf32, #tpu.memory_space<hbm>>) target(%arg11 : memref<128x128xf32, #tpu.memory_space<vmem>>) offsets(%dma_start3A_260 : memref<128xi32, #tpu.memory_space<vmem>>) semaphore(%arg14 : memref<!tpu.dma_semaphore, #tpu.memory_space<semaphore_mem>>)
    %dma_wait3A_264 = arith.constant 5 : i32
    %dma_wait3A_265 = arith.constant 0 : i32
    %dma_wait3A_266 = tpu.memref_slice %arg10[%dma_wait3A_264, %dma_wait3A_265] : memref<16x128xi32, #tpu.memory_space<vmem>> -> memref<1x128xi32, #tpu.memory_space<vmem>>
    %dma_wait3A_267 = tpu.memref_squeeze %dma_wait3A_266 : memref<1x128xi32, #tpu.memory_space<vmem>> -> memref<128xi32, #tpu.memory_space<vmem>>
    %dma_wait3A_268 = arith.constant 0 : i32
    %dma_wait3A_269 = arith.constant 0 : i32
    %dma_wait3A_270 = tpu.memref_slice %arg5[%dma_wait3A_268, %dma_wait3A_269] : memref<802816x128xf32, #tpu.memory_space<hbm>> -> memref<802816x128xf32, #tpu.memory_space<hbm>>
    tpu.wait_indirect_dma semaphore(%arg15 : memref<!tpu.dma_semaphore, #tpu.memory_space<semaphore_mem>>) src(%dma_wait3A_270 : memref<802816x128xf32, #tpu.memory_space<hbm>>) dst(%arg12 : memref<128x128xf32, #tpu.memory_space<vmem>>)
    %add3A_271 = arith.constant 640 : i32
    %add3A_272 = arith.addi %mul3A_129, %add3A_271 : i32
    %dma_start3A_273 = arith.constant 0 : i32
    %dma_start3A_274 = tpu.memref_slice %arg6[%add3A_272, %dma_start3A_273] : memref<65536x128xf32, #tpu.memory_space<hbm>> -> memref<128x128xf32, #tpu.memory_space<hbm>>
    %dma_start3A_275 = arith.constant 0 : i32
    %dma_start3A_276 = tpu.memref_slice %arg6[%add3A_272, %dma_start3A_275] : memref<65536x128xf32, #tpu.memory_space<hbm>> -> memref<128x128xf32, #tpu.memory_space<hbm>>
    tpu.enqueue_dma source(%arg12 : memref<128x128xf32, #tpu.memory_space<vmem>>) target(%dma_start3A_276 : memref<128x128xf32, #tpu.memory_space<hbm>>) target_semaphore(%arg17 : memref<!tpu.dma_semaphore, #tpu.memory_space<semaphore_mem>>)
    %dma_wait3A_277 = arith.constant 0 : i32
    %dma_wait3A_278 = tpu.memref_slice %arg6[%add3A_272, %dma_wait3A_277] : memref<65536x128xf32, #tpu.memory_space<hbm>> -> memref<128x128xf32, #tpu.memory_space<hbm>>
    %dma_wait3A_279 = arith.constant 0 : i32
    %dma_wait3A_280 = tpu.memref_slice %arg6[%add3A_272, %dma_wait3A_279] : memref<65536x128xf32, #tpu.memory_space<hbm>> -> memref<128x128xf32, #tpu.memory_space<hbm>>
    tpu.wait_dma2 semaphore(%arg17 : memref<!tpu.dma_semaphore, #tpu.memory_space<semaphore_mem>>) src(%arg12 : memref<128x128xf32, #tpu.memory_space<vmem>>) dst(%dma_wait3A_280 : memref<128x128xf32, #tpu.memory_space<hbm>>)
    %dma_start3A_281 = arith.constant 7 : i32
    %dma_start3A_282 = arith.constant 0 : i32
    %dma_start3A_283 = tpu.memref_slice %arg10[%dma_start3A_281, %dma_start3A_282] : memref<16x128xi32, #tpu.memory_space<vmem>> -> memref<1x128xi32, #tpu.memory_space<vmem>>
    %dma_start3A_284 = tpu.memref_squeeze %dma_start3A_283 : memref<1x128xi32, #tpu.memory_space<vmem>> -> memref<128xi32, #tpu.memory_space<vmem>>
    %dma_start3A_285 = arith.constant 0 : i32
    %dma_start3A_286 = arith.constant 0 : i32
    %dma_start3A_287 = tpu.memref_slice %arg5[%dma_start3A_285, %dma_start3A_286] : memref<802816x128xf32, #tpu.memory_space<hbm>> -> memref<802816x128xf32, #tpu.memory_space<hbm>>
    tpu.enqueue_indirect_dma source(%dma_start3A_287 : memref<802816x128xf32, #tpu.memory_space<hbm>>) target(%arg12 : memref<128x128xf32, #tpu.memory_space<vmem>>) offsets(%dma_start3A_284 : memref<128xi32, #tpu.memory_space<vmem>>) semaphore(%arg15 : memref<!tpu.dma_semaphore, #tpu.memory_space<semaphore_mem>>)
    %dma_wait3A_288 = arith.constant 6 : i32
    %dma_wait3A_289 = arith.constant 0 : i32
    %dma_wait3A_290 = tpu.memref_slice %arg10[%dma_wait3A_288, %dma_wait3A_289] : memref<16x128xi32, #tpu.memory_space<vmem>> -> memref<1x128xi32, #tpu.memory_space<vmem>>
    %dma_wait3A_291 = tpu.memref_squeeze %dma_wait3A_290 : memref<1x128xi32, #tpu.memory_space<vmem>> -> memref<128xi32, #tpu.memory_space<vmem>>
    %dma_wait3A_292 = arith.constant 0 : i32
    %dma_wait3A_293 = arith.constant 0 : i32
    %dma_wait3A_294 = tpu.memref_slice %arg5[%dma_wait3A_292, %dma_wait3A_293] : memref<802816x128xf32, #tpu.memory_space<hbm>> -> memref<802816x128xf32, #tpu.memory_space<hbm>>
    tpu.wait_indirect_dma semaphore(%arg14 : memref<!tpu.dma_semaphore, #tpu.memory_space<semaphore_mem>>) src(%dma_wait3A_294 : memref<802816x128xf32, #tpu.memory_space<hbm>>) dst(%arg11 : memref<128x128xf32, #tpu.memory_space<vmem>>)
    %add3A_295 = arith.constant 768 : i32
    %add3A_296 = arith.addi %mul3A_129, %add3A_295 : i32
    %dma_start3A_297 = arith.constant 0 : i32
    %dma_start3A_298 = tpu.memref_slice %arg6[%add3A_296, %dma_start3A_297] : memref<65536x128xf32, #tpu.memory_space<hbm>> -> memref<128x128xf32, #tpu.memory_space<hbm>>
    %dma_start3A_299 = arith.constant 0 : i32
    %dma_start3A_300 = tpu.memref_slice %arg6[%add3A_296, %dma_start3A_299] : memref<65536x128xf32, #tpu.memory_space<hbm>> -> memref<128x128xf32, #tpu.memory_space<hbm>>
    tpu.enqueue_dma source(%arg11 : memref<128x128xf32, #tpu.memory_space<vmem>>) target(%dma_start3A_300 : memref<128x128xf32, #tpu.memory_space<hbm>>) target_semaphore(%arg16 : memref<!tpu.dma_semaphore, #tpu.memory_space<semaphore_mem>>)
    %dma_wait3A_301 = arith.constant 0 : i32
    %dma_wait3A_302 = tpu.memref_slice %arg6[%add3A_296, %dma_wait3A_301] : memref<65536x128xf32, #tpu.memory_space<hbm>> -> memref<128x128xf32, #tpu.memory_space<hbm>>
    %dma_wait3A_303 = arith.constant 0 : i32
    %dma_wait3A_304 = tpu.memref_slice %arg6[%add3A_296, %dma_wait3A_303] : memref<65536x128xf32, #tpu.memory_space<hbm>> -> memref<128x128xf32, #tpu.memory_space<hbm>>
    tpu.wait_dma2 semaphore(%arg16 : memref<!tpu.dma_semaphore, #tpu.memory_space<semaphore_mem>>) src(%arg11 : memref<128x128xf32, #tpu.memory_space<vmem>>) dst(%dma_wait3A_304 : memref<128x128xf32, #tpu.memory_space<hbm>>)
    %dma_start3A_305 = arith.constant 8 : i32
    %dma_start3A_306 = arith.constant 0 : i32
    %dma_start3A_307 = tpu.memref_slice %arg10[%dma_start3A_305, %dma_start3A_306] : memref<16x128xi32, #tpu.memory_space<vmem>> -> memref<1x128xi32, #tpu.memory_space<vmem>>
    %dma_start3A_308 = tpu.memref_squeeze %dma_start3A_307 : memref<1x128xi32, #tpu.memory_space<vmem>> -> memref<128xi32, #tpu.memory_space<vmem>>
    %dma_start3A_309 = arith.constant 0 : i32
    %dma_start3A_310 = arith.constant 0 : i32
    %dma_start3A_311 = tpu.memref_slice %arg5[%dma_start3A_309, %dma_start3A_310] : memref<802816x128xf32, #tpu.memory_space<hbm>> -> memref<802816x128xf32, #tpu.memory_space<hbm>>
    tpu.enqueue_indirect_dma source(%dma_start3A_311 : memref<802816x128xf32, #tpu.memory_space<hbm>>) target(%arg11 : memref<128x128xf32, #tpu.memory_space<vmem>>) offsets(%dma_start3A_308 : memref<128xi32, #tpu.memory_space<vmem>>) semaphore(%arg14 : memref<!tpu.dma_semaphore, #tpu.memory_space<semaphore_mem>>)
    %dma_wait3A_312 = arith.constant 7 : i32
    %dma_wait3A_313 = arith.constant 0 : i32
    %dma_wait3A_314 = tpu.memref_slice %arg10[%dma_wait3A_312, %dma_wait3A_313] : memref<16x128xi32, #tpu.memory_space<vmem>> -> memref<1x128xi32, #tpu.memory_space<vmem>>
    %dma_wait3A_315 = tpu.memref_squeeze %dma_wait3A_314 : memref<1x128xi32, #tpu.memory_space<vmem>> -> memref<128xi32, #tpu.memory_space<vmem>>
    %dma_wait3A_316 = arith.constant 0 : i32
    %dma_wait3A_317 = arith.constant 0 : i32
    %dma_wait3A_318 = tpu.memref_slice %arg5[%dma_wait3A_316, %dma_wait3A_317] : memref<802816x128xf32, #tpu.memory_space<hbm>> -> memref<802816x128xf32, #tpu.memory_space<hbm>>
    tpu.wait_indirect_dma semaphore(%arg15 : memref<!tpu.dma_semaphore, #tpu.memory_space<semaphore_mem>>) src(%dma_wait3A_318 : memref<802816x128xf32, #tpu.memory_space<hbm>>) dst(%arg12 : memref<128x128xf32, #tpu.memory_space<vmem>>)
    %add3A_319 = arith.constant 896 : i32
    %add3A_320 = arith.addi %mul3A_129, %add3A_319 : i32
    %dma_start3A_321 = arith.constant 0 : i32
    %dma_start3A_322 = tpu.memref_slice %arg6[%add3A_320, %dma_start3A_321] : memref<65536x128xf32, #tpu.memory_space<hbm>> -> memref<128x128xf32, #tpu.memory_space<hbm>>
    %dma_start3A_323 = arith.constant 0 : i32
    %dma_start3A_324 = tpu.memref_slice %arg6[%add3A_320, %dma_start3A_323] : memref<65536x128xf32, #tpu.memory_space<hbm>> -> memref<128x128xf32, #tpu.memory_space<hbm>>
    tpu.enqueue_dma source(%arg12 : memref<128x128xf32, #tpu.memory_space<vmem>>) target(%dma_start3A_324 : memref<128x128xf32, #tpu.memory_space<hbm>>) target_semaphore(%arg17 : memref<!tpu.dma_semaphore, #tpu.memory_space<semaphore_mem>>)
    %dma_wait3A_325 = arith.constant 0 : i32
    %dma_wait3A_326 = tpu.memref_slice %arg6[%add3A_320, %dma_wait3A_325] : memref<65536x128xf32, #tpu.memory_space<hbm>> -> memref<128x128xf32, #tpu.memory_space<hbm>>
    %dma_wait3A_327 = arith.constant 0 : i32
    %dma_wait3A_328 = tpu.memref_slice %arg6[%add3A_320, %dma_wait3A_327] : memref<65536x128xf32, #tpu.memory_space<hbm>> -> memref<128x128xf32, #tpu.memory_space<hbm>>
    tpu.wait_dma2 semaphore(%arg17 : memref<!tpu.dma_semaphore, #tpu.memory_space<semaphore_mem>>) src(%arg12 : memref<128x128xf32, #tpu.memory_space<vmem>>) dst(%dma_wait3A_328 : memref<128x128xf32, #tpu.memory_space<hbm>>)
    %dma_start3A_329 = arith.constant 9 : i32
    %dma_start3A_330 = arith.constant 0 : i32
    %dma_start3A_331 = tpu.memref_slice %arg10[%dma_start3A_329, %dma_start3A_330] : memref<16x128xi32, #tpu.memory_space<vmem>> -> memref<1x128xi32, #tpu.memory_space<vmem>>
    %dma_start3A_332 = tpu.memref_squeeze %dma_start3A_331 : memref<1x128xi32, #tpu.memory_space<vmem>> -> memref<128xi32, #tpu.memory_space<vmem>>
    %dma_start3A_333 = arith.constant 0 : i32
    %dma_start3A_334 = arith.constant 0 : i32
    %dma_start3A_335 = tpu.memref_slice %arg5[%dma_start3A_333, %dma_start3A_334] : memref<802816x128xf32, #tpu.memory_space<hbm>> -> memref<802816x128xf32, #tpu.memory_space<hbm>>
    tpu.enqueue_indirect_dma source(%dma_start3A_335 : memref<802816x128xf32, #tpu.memory_space<hbm>>) target(%arg12 : memref<128x128xf32, #tpu.memory_space<vmem>>) offsets(%dma_start3A_332 : memref<128xi32, #tpu.memory_space<vmem>>) semaphore(%arg15 : memref<!tpu.dma_semaphore, #tpu.memory_space<semaphore_mem>>)
    %dma_wait3A_336 = arith.constant 8 : i32
    %dma_wait3A_337 = arith.constant 0 : i32
    %dma_wait3A_338 = tpu.memref_slice %arg10[%dma_wait3A_336, %dma_wait3A_337] : memref<16x128xi32, #tpu.memory_space<vmem>> -> memref<1x128xi32, #tpu.memory_space<vmem>>
    %dma_wait3A_339 = tpu.memref_squeeze %dma_wait3A_338 : memref<1x128xi32, #tpu.memory_space<vmem>> -> memref<128xi32, #tpu.memory_space<vmem>>
    %dma_wait3A_340 = arith.constant 0 : i32
    %dma_wait3A_341 = arith.constant 0 : i32
    %dma_wait3A_342 = tpu.memref_slice %arg5[%dma_wait3A_340, %dma_wait3A_341] : memref<802816x128xf32, #tpu.memory_space<hbm>> -> memref<802816x128xf32, #tpu.memory_space<hbm>>
    tpu.wait_indirect_dma semaphore(%arg14 : memref<!tpu.dma_semaphore, #tpu.memory_space<semaphore_mem>>) src(%dma_wait3A_342 : memref<802816x128xf32, #tpu.memory_space<hbm>>) dst(%arg11 : memref<128x128xf32, #tpu.memory_space<vmem>>)
    %add3A_343 = arith.constant 1024 : i32
    %add3A_344 = arith.addi %mul3A_129, %add3A_343 : i32
    %dma_start3A_345 = arith.constant 0 : i32
    %dma_start3A_346 = tpu.memref_slice %arg6[%add3A_344, %dma_start3A_345] : memref<65536x128xf32, #tpu.memory_space<hbm>> -> memref<128x128xf32, #tpu.memory_space<hbm>>
    %dma_start3A_347 = arith.constant 0 : i32
    %dma_start3A_348 = tpu.memref_slice %arg6[%add3A_344, %dma_start3A_347] : memref<65536x128xf32, #tpu.memory_space<hbm>> -> memref<128x128xf32, #tpu.memory_space<hbm>>
    tpu.enqueue_dma source(%arg11 : memref<128x128xf32, #tpu.memory_space<vmem>>) target(%dma_start3A_348 : memref<128x128xf32, #tpu.memory_space<hbm>>) target_semaphore(%arg16 : memref<!tpu.dma_semaphore, #tpu.memory_space<semaphore_mem>>)
    %dma_wait3A_349 = arith.constant 0 : i32
    %dma_wait3A_350 = tpu.memref_slice %arg6[%add3A_344, %dma_wait3A_349] : memref<65536x128xf32, #tpu.memory_space<hbm>> -> memref<128x128xf32, #tpu.memory_space<hbm>>
    %dma_wait3A_351 = arith.constant 0 : i32
    %dma_wait3A_352 = tpu.memref_slice %arg6[%add3A_344, %dma_wait3A_351] : memref<65536x128xf32, #tpu.memory_space<hbm>> -> memref<128x128xf32, #tpu.memory_space<hbm>>
    tpu.wait_dma2 semaphore(%arg16 : memref<!tpu.dma_semaphore, #tpu.memory_space<semaphore_mem>>) src(%arg11 : memref<128x128xf32, #tpu.memory_space<vmem>>) dst(%dma_wait3A_352 : memref<128x128xf32, #tpu.memory_space<hbm>>)
    %dma_start3A_353 = arith.constant 10 : i32
    %dma_start3A_354 = arith.constant 0 : i32
    %dma_start3A_355 = tpu.memref_slice %arg10[%dma_start3A_353, %dma_start3A_354] : memref<16x128xi32, #tpu.memory_space<vmem>> -> memref<1x128xi32, #tpu.memory_space<vmem>>
    %dma_start3A_356 = tpu.memref_squeeze %dma_start3A_355 : memref<1x128xi32, #tpu.memory_space<vmem>> -> memref<128xi32, #tpu.memory_space<vmem>>
    %dma_start3A_357 = arith.constant 0 : i32
    %dma_start3A_358 = arith.constant 0 : i32
    %dma_start3A_359 = tpu.memref_slice %arg5[%dma_start3A_357, %dma_start3A_358] : memref<802816x128xf32, #tpu.memory_space<hbm>> -> memref<802816x128xf32, #tpu.memory_space<hbm>>
    tpu.enqueue_indirect_dma source(%dma_start3A_359 : memref<802816x128xf32, #tpu.memory_space<hbm>>) target(%arg11 : memref<128x128xf32, #tpu.memory_space<vmem>>) offsets(%dma_start3A_356 : memref<128xi32, #tpu.memory_space<vmem>>) semaphore(%arg14 : memref<!tpu.dma_semaphore, #tpu.memory_space<semaphore_mem>>)
    %dma_wait3A_360 = arith.constant 9 : i32
    %dma_wait3A_361 = arith.constant 0 : i32
    %dma_wait3A_362 = tpu.memref_slice %arg10[%dma_wait3A_360, %dma_wait3A_361] : memref<16x128xi32, #tpu.memory_space<vmem>> -> memref<1x128xi32, #tpu.memory_space<vmem>>
    %dma_wait3A_363 = tpu.memref_squeeze %dma_wait3A_362 : memref<1x128xi32, #tpu.memory_space<vmem>> -> memref<128xi32, #tpu.memory_space<vmem>>
    %dma_wait3A_364 = arith.constant 0 : i32
    %dma_wait3A_365 = arith.constant 0 : i32
    %dma_wait3A_366 = tpu.memref_slice %arg5[%dma_wait3A_364, %dma_wait3A_365] : memref<802816x128xf32, #tpu.memory_space<hbm>> -> memref<802816x128xf32, #tpu.memory_space<hbm>>
    tpu.wait_indirect_dma semaphore(%arg15 : memref<!tpu.dma_semaphore, #tpu.memory_space<semaphore_mem>>) src(%dma_wait3A_366 : memref<802816x128xf32, #tpu.memory_space<hbm>>) dst(%arg12 : memref<128x128xf32, #tpu.memory_space<vmem>>)
    %add3A_367 = arith.constant 1152 : i32
    %add3A_368 = arith.addi %mul3A_129, %add3A_367 : i32
    %dma_start3A_369 = arith.constant 0 : i32
    %dma_start3A_370 = tpu.memref_slice %arg6[%add3A_368, %dma_start3A_369] : memref<65536x128xf32, #tpu.memory_space<hbm>> -> memref<128x128xf32, #tpu.memory_space<hbm>>
    %dma_start3A_371 = arith.constant 0 : i32
    %dma_start3A_372 = tpu.memref_slice %arg6[%add3A_368, %dma_start3A_371] : memref<65536x128xf32, #tpu.memory_space<hbm>> -> memref<128x128xf32, #tpu.memory_space<hbm>>
    tpu.enqueue_dma source(%arg12 : memref<128x128xf32, #tpu.memory_space<vmem>>) target(%dma_start3A_372 : memref<128x128xf32, #tpu.memory_space<hbm>>) target_semaphore(%arg17 : memref<!tpu.dma_semaphore, #tpu.memory_space<semaphore_mem>>)
    %dma_wait3A_373 = arith.constant 0 : i32
    %dma_wait3A_374 = tpu.memref_slice %arg6[%add3A_368, %dma_wait3A_373] : memref<65536x128xf32, #tpu.memory_space<hbm>> -> memref<128x128xf32, #tpu.memory_space<hbm>>
    %dma_wait3A_375 = arith.constant 0 : i32
    %dma_wait3A_376 = tpu.memref_slice %arg6[%add3A_368, %dma_wait3A_375] : memref<65536x128xf32, #tpu.memory_space<hbm>> -> memref<128x128xf32, #tpu.memory_space<hbm>>
    tpu.wait_dma2 semaphore(%arg17 : memref<!tpu.dma_semaphore, #tpu.memory_space<semaphore_mem>>) src(%arg12 : memref<128x128xf32, #tpu.memory_space<vmem>>) dst(%dma_wait3A_376 : memref<128x128xf32, #tpu.memory_space<hbm>>)
    %dma_start3A_377 = arith.constant 11 : i32
    %dma_start3A_378 = arith.constant 0 : i32
    %dma_start3A_379 = tpu.memref_slice %arg10[%dma_start3A_377, %dma_start3A_378] : memref<16x128xi32, #tpu.memory_space<vmem>> -> memref<1x128xi32, #tpu.memory_space<vmem>>
    %dma_start3A_380 = tpu.memref_squeeze %dma_start3A_379 : memref<1x128xi32, #tpu.memory_space<vmem>> -> memref<128xi32, #tpu.memory_space<vmem>>
    %dma_start3A_381 = arith.constant 0 : i32
    %dma_start3A_382 = arith.constant 0 : i32
    %dma_start3A_383 = tpu.memref_slice %arg5[%dma_start3A_381, %dma_start3A_382] : memref<802816x128xf32, #tpu.memory_space<hbm>> -> memref<802816x128xf32, #tpu.memory_space<hbm>>
    tpu.enqueue_indirect_dma source(%dma_start3A_383 : memref<802816x128xf32, #tpu.memory_space<hbm>>) target(%arg12 : memref<128x128xf32, #tpu.memory_space<vmem>>) offsets(%dma_start3A_380 : memref<128xi32, #tpu.memory_space<vmem>>) semaphore(%arg15 : memref<!tpu.dma_semaphore, #tpu.memory_space<semaphore_mem>>)
    %dma_wait3A_384 = arith.constant 10 : i32
    %dma_wait3A_385 = arith.constant 0 : i32
    %dma_wait3A_386 = tpu.memref_slice %arg10[%dma_wait3A_384, %dma_wait3A_385] : memref<16x128xi32, #tpu.memory_space<vmem>> -> memref<1x128xi32, #tpu.memory_space<vmem>>
    %dma_wait3A_387 = tpu.memref_squeeze %dma_wait3A_386 : memref<1x128xi32, #tpu.memory_space<vmem>> -> memref<128xi32, #tpu.memory_space<vmem>>
    %dma_wait3A_388 = arith.constant 0 : i32
    %dma_wait3A_389 = arith.constant 0 : i32
    %dma_wait3A_390 = tpu.memref_slice %arg5[%dma_wait3A_388, %dma_wait3A_389] : memref<802816x128xf32, #tpu.memory_space<hbm>> -> memref<802816x128xf32, #tpu.memory_space<hbm>>
    tpu.wait_indirect_dma semaphore(%arg14 : memref<!tpu.dma_semaphore, #tpu.memory_space<semaphore_mem>>) src(%dma_wait3A_390 : memref<802816x128xf32, #tpu.memory_space<hbm>>) dst(%arg11 : memref<128x128xf32, #tpu.memory_space<vmem>>)
    %add3A_391 = arith.constant 1280 : i32
    %add3A_392 = arith.addi %mul3A_129, %add3A_391 : i32
    %dma_start3A_393 = arith.constant 0 : i32
    %dma_start3A_394 = tpu.memref_slice %arg6[%add3A_392, %dma_start3A_393] : memref<65536x128xf32, #tpu.memory_space<hbm>> -> memref<128x128xf32, #tpu.memory_space<hbm>>
    %dma_start3A_395 = arith.constant 0 : i32
    %dma_start3A_396 = tpu.memref_slice %arg6[%add3A_392, %dma_start3A_395] : memref<65536x128xf32, #tpu.memory_space<hbm>> -> memref<128x128xf32, #tpu.memory_space<hbm>>
    tpu.enqueue_dma source(%arg11 : memref<128x128xf32, #tpu.memory_space<vmem>>) target(%dma_start3A_396 : memref<128x128xf32, #tpu.memory_space<hbm>>) target_semaphore(%arg16 : memref<!tpu.dma_semaphore, #tpu.memory_space<semaphore_mem>>)
    %dma_wait3A_397 = arith.constant 0 : i32
    %dma_wait3A_398 = tpu.memref_slice %arg6[%add3A_392, %dma_wait3A_397] : memref<65536x128xf32, #tpu.memory_space<hbm>> -> memref<128x128xf32, #tpu.memory_space<hbm>>
    %dma_wait3A_399 = arith.constant 0 : i32
    %dma_wait3A_400 = tpu.memref_slice %arg6[%add3A_392, %dma_wait3A_399] : memref<65536x128xf32, #tpu.memory_space<hbm>> -> memref<128x128xf32, #tpu.memory_space<hbm>>
    tpu.wait_dma2 semaphore(%arg16 : memref<!tpu.dma_semaphore, #tpu.memory_space<semaphore_mem>>) src(%arg11 : memref<128x128xf32, #tpu.memory_space<vmem>>) dst(%dma_wait3A_400 : memref<128x128xf32, #tpu.memory_space<hbm>>)
    %dma_start3A_401 = arith.constant 12 : i32
    %dma_start3A_402 = arith.constant 0 : i32
    %dma_start3A_403 = tpu.memref_slice %arg10[%dma_start3A_401, %dma_start3A_402] : memref<16x128xi32, #tpu.memory_space<vmem>> -> memref<1x128xi32, #tpu.memory_space<vmem>>
    %dma_start3A_404 = tpu.memref_squeeze %dma_start3A_403 : memref<1x128xi32, #tpu.memory_space<vmem>> -> memref<128xi32, #tpu.memory_space<vmem>>
    %dma_start3A_405 = arith.constant 0 : i32
    %dma_start3A_406 = arith.constant 0 : i32
    %dma_start3A_407 = tpu.memref_slice %arg5[%dma_start3A_405, %dma_start3A_406] : memref<802816x128xf32, #tpu.memory_space<hbm>> -> memref<802816x128xf32, #tpu.memory_space<hbm>>
    tpu.enqueue_indirect_dma source(%dma_start3A_407 : memref<802816x128xf32, #tpu.memory_space<hbm>>) target(%arg11 : memref<128x128xf32, #tpu.memory_space<vmem>>) offsets(%dma_start3A_404 : memref<128xi32, #tpu.memory_space<vmem>>) semaphore(%arg14 : memref<!tpu.dma_semaphore, #tpu.memory_space<semaphore_mem>>)
    %dma_wait3A_408 = arith.constant 11 : i32
    %dma_wait3A_409 = arith.constant 0 : i32
    %dma_wait3A_410 = tpu.memref_slice %arg10[%dma_wait3A_408, %dma_wait3A_409] : memref<16x128xi32, #tpu.memory_space<vmem>> -> memref<1x128xi32, #tpu.memory_space<vmem>>
    %dma_wait3A_411 = tpu.memref_squeeze %dma_wait3A_410 : memref<1x128xi32, #tpu.memory_space<vmem>> -> memref<128xi32, #tpu.memory_space<vmem>>
    %dma_wait3A_412 = arith.constant 0 : i32
    %dma_wait3A_413 = arith.constant 0 : i32
    %dma_wait3A_414 = tpu.memref_slice %arg5[%dma_wait3A_412, %dma_wait3A_413] : memref<802816x128xf32, #tpu.memory_space<hbm>> -> memref<802816x128xf32, #tpu.memory_space<hbm>>
    tpu.wait_indirect_dma semaphore(%arg15 : memref<!tpu.dma_semaphore, #tpu.memory_space<semaphore_mem>>) src(%dma_wait3A_414 : memref<802816x128xf32, #tpu.memory_space<hbm>>) dst(%arg12 : memref<128x128xf32, #tpu.memory_space<vmem>>)
    %add3A_415 = arith.constant 1408 : i32
    %add3A_416 = arith.addi %mul3A_129, %add3A_415 : i32
    %dma_start3A_417 = arith.constant 0 : i32
    %dma_start3A_418 = tpu.memref_slice %arg6[%add3A_416, %dma_start3A_417] : memref<65536x128xf32, #tpu.memory_space<hbm>> -> memref<128x128xf32, #tpu.memory_space<hbm>>
    %dma_start3A_419 = arith.constant 0 : i32
    %dma_start3A_420 = tpu.memref_slice %arg6[%add3A_416, %dma_start3A_419] : memref<65536x128xf32, #tpu.memory_space<hbm>> -> memref<128x128xf32, #tpu.memory_space<hbm>>
    tpu.enqueue_dma source(%arg12 : memref<128x128xf32, #tpu.memory_space<vmem>>) target(%dma_start3A_420 : memref<128x128xf32, #tpu.memory_space<hbm>>) target_semaphore(%arg17 : memref<!tpu.dma_semaphore, #tpu.memory_space<semaphore_mem>>)
    %dma_wait3A_421 = arith.constant 0 : i32
    %dma_wait3A_422 = tpu.memref_slice %arg6[%add3A_416, %dma_wait3A_421] : memref<65536x128xf32, #tpu.memory_space<hbm>> -> memref<128x128xf32, #tpu.memory_space<hbm>>
    %dma_wait3A_423 = arith.constant 0 : i32
    %dma_wait3A_424 = tpu.memref_slice %arg6[%add3A_416, %dma_wait3A_423] : memref<65536x128xf32, #tpu.memory_space<hbm>> -> memref<128x128xf32, #tpu.memory_space<hbm>>
    tpu.wait_dma2 semaphore(%arg17 : memref<!tpu.dma_semaphore, #tpu.memory_space<semaphore_mem>>) src(%arg12 : memref<128x128xf32, #tpu.memory_space<vmem>>) dst(%dma_wait3A_424 : memref<128x128xf32, #tpu.memory_space<hbm>>)
    %dma_start3A_425 = arith.constant 13 : i32
    %dma_start3A_426 = arith.constant 0 : i32
    %dma_start3A_427 = tpu.memref_slice %arg10[%dma_start3A_425, %dma_start3A_426] : memref<16x128xi32, #tpu.memory_space<vmem>> -> memref<1x128xi32, #tpu.memory_space<vmem>>
    %dma_start3A_428 = tpu.memref_squeeze %dma_start3A_427 : memref<1x128xi32, #tpu.memory_space<vmem>> -> memref<128xi32, #tpu.memory_space<vmem>>
    %dma_start3A_429 = arith.constant 0 : i32
    %dma_start3A_430 = arith.constant 0 : i32
    %dma_start3A_431 = tpu.memref_slice %arg5[%dma_start3A_429, %dma_start3A_430] : memref<802816x128xf32, #tpu.memory_space<hbm>> -> memref<802816x128xf32, #tpu.memory_space<hbm>>
    tpu.enqueue_indirect_dma source(%dma_start3A_431 : memref<802816x128xf32, #tpu.memory_space<hbm>>) target(%arg12 : memref<128x128xf32, #tpu.memory_space<vmem>>) offsets(%dma_start3A_428 : memref<128xi32, #tpu.memory_space<vmem>>) semaphore(%arg15 : memref<!tpu.dma_semaphore, #tpu.memory_space<semaphore_mem>>)
    %dma_wait3A_432 = arith.constant 12 : i32
    %dma_wait3A_433 = arith.constant 0 : i32
    %dma_wait3A_434 = tpu.memref_slice %arg10[%dma_wait3A_432, %dma_wait3A_433] : memref<16x128xi32, #tpu.memory_space<vmem>> -> memref<1x128xi32, #tpu.memory_space<vmem>>
    %dma_wait3A_435 = tpu.memref_squeeze %dma_wait3A_434 : memref<1x128xi32, #tpu.memory_space<vmem>> -> memref<128xi32, #tpu.memory_space<vmem>>
    %dma_wait3A_436 = arith.constant 0 : i32
    %dma_wait3A_437 = arith.constant 0 : i32
    %dma_wait3A_438 = tpu.memref_slice %arg5[%dma_wait3A_436, %dma_wait3A_437] : memref<802816x128xf32, #tpu.memory_space<hbm>> -> memref<802816x128xf32, #tpu.memory_space<hbm>>
    tpu.wait_indirect_dma semaphore(%arg14 : memref<!tpu.dma_semaphore, #tpu.memory_space<semaphore_mem>>) src(%dma_wait3A_438 : memref<802816x128xf32, #tpu.memory_space<hbm>>) dst(%arg11 : memref<128x128xf32, #tpu.memory_space<vmem>>)
    %add3A_439 = arith.constant 1536 : i32
    %add3A_440 = arith.addi %mul3A_129, %add3A_439 : i32
    %dma_start3A_441 = arith.constant 0 : i32
    %dma_start3A_442 = tpu.memref_slice %arg6[%add3A_440, %dma_start3A_441] : memref<65536x128xf32, #tpu.memory_space<hbm>> -> memref<128x128xf32, #tpu.memory_space<hbm>>
    %dma_start3A_443 = arith.constant 0 : i32
    %dma_start3A_444 = tpu.memref_slice %arg6[%add3A_440, %dma_start3A_443] : memref<65536x128xf32, #tpu.memory_space<hbm>> -> memref<128x128xf32, #tpu.memory_space<hbm>>
    tpu.enqueue_dma source(%arg11 : memref<128x128xf32, #tpu.memory_space<vmem>>) target(%dma_start3A_444 : memref<128x128xf32, #tpu.memory_space<hbm>>) target_semaphore(%arg16 : memref<!tpu.dma_semaphore, #tpu.memory_space<semaphore_mem>>)
    %dma_wait3A_445 = arith.constant 0 : i32
    %dma_wait3A_446 = tpu.memref_slice %arg6[%add3A_440, %dma_wait3A_445] : memref<65536x128xf32, #tpu.memory_space<hbm>> -> memref<128x128xf32, #tpu.memory_space<hbm>>
    %dma_wait3A_447 = arith.constant 0 : i32
    %dma_wait3A_448 = tpu.memref_slice %arg6[%add3A_440, %dma_wait3A_447] : memref<65536x128xf32, #tpu.memory_space<hbm>> -> memref<128x128xf32, #tpu.memory_space<hbm>>
    tpu.wait_dma2 semaphore(%arg16 : memref<!tpu.dma_semaphore, #tpu.memory_space<semaphore_mem>>) src(%arg11 : memref<128x128xf32, #tpu.memory_space<vmem>>) dst(%dma_wait3A_448 : memref<128x128xf32, #tpu.memory_space<hbm>>)
    %dma_start3A_449 = arith.constant 14 : i32
    %dma_start3A_450 = arith.constant 0 : i32
    %dma_start3A_451 = tpu.memref_slice %arg10[%dma_start3A_449, %dma_start3A_450] : memref<16x128xi32, #tpu.memory_space<vmem>> -> memref<1x128xi32, #tpu.memory_space<vmem>>
    %dma_start3A_452 = tpu.memref_squeeze %dma_start3A_451 : memref<1x128xi32, #tpu.memory_space<vmem>> -> memref<128xi32, #tpu.memory_space<vmem>>
    %dma_start3A_453 = arith.constant 0 : i32
    %dma_start3A_454 = arith.constant 0 : i32
    %dma_start3A_455 = tpu.memref_slice %arg5[%dma_start3A_453, %dma_start3A_454] : memref<802816x128xf32, #tpu.memory_space<hbm>> -> memref<802816x128xf32, #tpu.memory_space<hbm>>
    tpu.enqueue_indirect_dma source(%dma_start3A_455 : memref<802816x128xf32, #tpu.memory_space<hbm>>) target(%arg11 : memref<128x128xf32, #tpu.memory_space<vmem>>) offsets(%dma_start3A_452 : memref<128xi32, #tpu.memory_space<vmem>>) semaphore(%arg14 : memref<!tpu.dma_semaphore, #tpu.memory_space<semaphore_mem>>)
    %dma_wait3A_456 = arith.constant 13 : i32
    %dma_wait3A_457 = arith.constant 0 : i32
    %dma_wait3A_458 = tpu.memref_slice %arg10[%dma_wait3A_456, %dma_wait3A_457] : memref<16x128xi32, #tpu.memory_space<vmem>> -> memref<1x128xi32, #tpu.memory_space<vmem>>
    %dma_wait3A_459 = tpu.memref_squeeze %dma_wait3A_458 : memref<1x128xi32, #tpu.memory_space<vmem>> -> memref<128xi32, #tpu.memory_space<vmem>>
    %dma_wait3A_460 = arith.constant 0 : i32
    %dma_wait3A_461 = arith.constant 0 : i32
    %dma_wait3A_462 = tpu.memref_slice %arg5[%dma_wait3A_460, %dma_wait3A_461] : memref<802816x128xf32, #tpu.memory_space<hbm>> -> memref<802816x128xf32, #tpu.memory_space<hbm>>
    tpu.wait_indirect_dma semaphore(%arg15 : memref<!tpu.dma_semaphore, #tpu.memory_space<semaphore_mem>>) src(%dma_wait3A_462 : memref<802816x128xf32, #tpu.memory_space<hbm>>) dst(%arg12 : memref<128x128xf32, #tpu.memory_space<vmem>>)
    %add3A_463 = arith.constant 1664 : i32
    %add3A_464 = arith.addi %mul3A_129, %add3A_463 : i32
    %dma_start3A_465 = arith.constant 0 : i32
    %dma_start3A_466 = tpu.memref_slice %arg6[%add3A_464, %dma_start3A_465] : memref<65536x128xf32, #tpu.memory_space<hbm>> -> memref<128x128xf32, #tpu.memory_space<hbm>>
    %dma_start3A_467 = arith.constant 0 : i32
    %dma_start3A_468 = tpu.memref_slice %arg6[%add3A_464, %dma_start3A_467] : memref<65536x128xf32, #tpu.memory_space<hbm>> -> memref<128x128xf32, #tpu.memory_space<hbm>>
    tpu.enqueue_dma source(%arg12 : memref<128x128xf32, #tpu.memory_space<vmem>>) target(%dma_start3A_468 : memref<128x128xf32, #tpu.memory_space<hbm>>) target_semaphore(%arg17 : memref<!tpu.dma_semaphore, #tpu.memory_space<semaphore_mem>>)
    %dma_wait3A_469 = arith.constant 0 : i32
    %dma_wait3A_470 = tpu.memref_slice %arg6[%add3A_464, %dma_wait3A_469] : memref<65536x128xf32, #tpu.memory_space<hbm>> -> memref<128x128xf32, #tpu.memory_space<hbm>>
    %dma_wait3A_471 = arith.constant 0 : i32
    %dma_wait3A_472 = tpu.memref_slice %arg6[%add3A_464, %dma_wait3A_471] : memref<65536x128xf32, #tpu.memory_space<hbm>> -> memref<128x128xf32, #tpu.memory_space<hbm>>
    tpu.wait_dma2 semaphore(%arg17 : memref<!tpu.dma_semaphore, #tpu.memory_space<semaphore_mem>>) src(%arg12 : memref<128x128xf32, #tpu.memory_space<vmem>>) dst(%dma_wait3A_472 : memref<128x128xf32, #tpu.memory_space<hbm>>)
    %dma_start3A_473 = arith.constant 15 : i32
    %dma_start3A_474 = arith.constant 0 : i32
    %dma_start3A_475 = tpu.memref_slice %arg10[%dma_start3A_473, %dma_start3A_474] : memref<16x128xi32, #tpu.memory_space<vmem>> -> memref<1x128xi32, #tpu.memory_space<vmem>>
    %dma_start3A_476 = tpu.memref_squeeze %dma_start3A_475 : memref<1x128xi32, #tpu.memory_space<vmem>> -> memref<128xi32, #tpu.memory_space<vmem>>
    %dma_start3A_477 = arith.constant 0 : i32
    %dma_start3A_478 = arith.constant 0 : i32
    %dma_start3A_479 = tpu.memref_slice %arg5[%dma_start3A_477, %dma_start3A_478] : memref<802816x128xf32, #tpu.memory_space<hbm>> -> memref<802816x128xf32, #tpu.memory_space<hbm>>
    tpu.enqueue_indirect_dma source(%dma_start3A_479 : memref<802816x128xf32, #tpu.memory_space<hbm>>) target(%arg12 : memref<128x128xf32, #tpu.memory_space<vmem>>) offsets(%dma_start3A_476 : memref<128xi32, #tpu.memory_space<vmem>>) semaphore(%arg15 : memref<!tpu.dma_semaphore, #tpu.memory_space<semaphore_mem>>)
    %dma_wait3A_480 = arith.constant 14 : i32
    %dma_wait3A_481 = arith.constant 0 : i32
    %dma_wait3A_482 = tpu.memref_slice %arg10[%dma_wait3A_480, %dma_wait3A_481] : memref<16x128xi32, #tpu.memory_space<vmem>> -> memref<1x128xi32, #tpu.memory_space<vmem>>
    %dma_wait3A_483 = tpu.memref_squeeze %dma_wait3A_482 : memref<1x128xi32, #tpu.memory_space<vmem>> -> memref<128xi32, #tpu.memory_space<vmem>>
    %dma_wait3A_484 = arith.constant 0 : i32
    %dma_wait3A_485 = arith.constant 0 : i32
    %dma_wait3A_486 = tpu.memref_slice %arg5[%dma_wait3A_484, %dma_wait3A_485] : memref<802816x128xf32, #tpu.memory_space<hbm>> -> memref<802816x128xf32, #tpu.memory_space<hbm>>
    tpu.wait_indirect_dma semaphore(%arg14 : memref<!tpu.dma_semaphore, #tpu.memory_space<semaphore_mem>>) src(%dma_wait3A_486 : memref<802816x128xf32, #tpu.memory_space<hbm>>) dst(%arg11 : memref<128x128xf32, #tpu.memory_space<vmem>>)
    %add3A_487 = arith.constant 1792 : i32
    %add3A_488 = arith.addi %mul3A_129, %add3A_487 : i32
    %dma_start3A_489 = arith.constant 0 : i32
    %dma_start3A_490 = tpu.memref_slice %arg6[%add3A_488, %dma_start3A_489] : memref<65536x128xf32, #tpu.memory_space<hbm>> -> memref<128x128xf32, #tpu.memory_space<hbm>>
    %dma_start3A_491 = arith.constant 0 : i32
    %dma_start3A_492 = tpu.memref_slice %arg6[%add3A_488, %dma_start3A_491] : memref<65536x128xf32, #tpu.memory_space<hbm>> -> memref<128x128xf32, #tpu.memory_space<hbm>>
    tpu.enqueue_dma source(%arg11 : memref<128x128xf32, #tpu.memory_space<vmem>>) target(%dma_start3A_492 : memref<128x128xf32, #tpu.memory_space<hbm>>) target_semaphore(%arg16 : memref<!tpu.dma_semaphore, #tpu.memory_space<semaphore_mem>>)
    %dma_wait3A_493 = arith.constant 15 : i32
    %dma_wait3A_494 = arith.constant 0 : i32
    %dma_wait3A_495 = tpu.memref_slice %arg10[%dma_wait3A_493, %dma_wait3A_494] : memref<16x128xi32, #tpu.memory_space<vmem>> -> memref<1x128xi32, #tpu.memory_space<vmem>>
    %dma_wait3A_496 = tpu.memref_squeeze %dma_wait3A_495 : memref<1x128xi32, #tpu.memory_space<vmem>> -> memref<128xi32, #tpu.memory_space<vmem>>
    %dma_wait3A_497 = arith.constant 0 : i32
    %dma_wait3A_498 = arith.constant 0 : i32
    %dma_wait3A_499 = tpu.memref_slice %arg5[%dma_wait3A_497, %dma_wait3A_498] : memref<802816x128xf32, #tpu.memory_space<hbm>> -> memref<802816x128xf32, #tpu.memory_space<hbm>>
    tpu.wait_indirect_dma semaphore(%arg15 : memref<!tpu.dma_semaphore, #tpu.memory_space<semaphore_mem>>) src(%dma_wait3A_499 : memref<802816x128xf32, #tpu.memory_space<hbm>>) dst(%arg12 : memref<128x128xf32, #tpu.memory_space<vmem>>)
    %add3A_500 = arith.constant 1920 : i32
    %add3A_501 = arith.addi %mul3A_129, %add3A_500 : i32
    %dma_start3A_502 = arith.constant 0 : i32
    %dma_start3A_503 = tpu.memref_slice %arg6[%add3A_501, %dma_start3A_502] : memref<65536x128xf32, #tpu.memory_space<hbm>> -> memref<128x128xf32, #tpu.memory_space<hbm>>
    %dma_start3A_504 = arith.constant 0 : i32
    %dma_start3A_505 = tpu.memref_slice %arg6[%add3A_501, %dma_start3A_504] : memref<65536x128xf32, #tpu.memory_space<hbm>> -> memref<128x128xf32, #tpu.memory_space<hbm>>
    tpu.enqueue_dma source(%arg12 : memref<128x128xf32, #tpu.memory_space<vmem>>) target(%dma_start3A_505 : memref<128x128xf32, #tpu.memory_space<hbm>>) target_semaphore(%arg17 : memref<!tpu.dma_semaphore, #tpu.memory_space<semaphore_mem>>)
    %dma_wait3A_506 = arith.constant 0 : i32
    %dma_wait3A_507 = tpu.memref_slice %arg6[%add3A_488, %dma_wait3A_506] : memref<65536x128xf32, #tpu.memory_space<hbm>> -> memref<128x128xf32, #tpu.memory_space<hbm>>
    %dma_wait3A_508 = arith.constant 0 : i32
    %dma_wait3A_509 = tpu.memref_slice %arg6[%add3A_488, %dma_wait3A_508] : memref<65536x128xf32, #tpu.memory_space<hbm>> -> memref<128x128xf32, #tpu.memory_space<hbm>>
    tpu.wait_dma2 semaphore(%arg16 : memref<!tpu.dma_semaphore, #tpu.memory_space<semaphore_mem>>) src(%arg11 : memref<128x128xf32, #tpu.memory_space<vmem>>) dst(%dma_wait3A_509 : memref<128x128xf32, #tpu.memory_space<hbm>>)
    %dma_wait3A_510 = arith.constant 0 : i32
    %dma_wait3A_511 = tpu.memref_slice %arg6[%add3A_501, %dma_wait3A_510] : memref<65536x128xf32, #tpu.memory_space<hbm>> -> memref<128x128xf32, #tpu.memory_space<hbm>>
    %dma_wait3A_512 = arith.constant 0 : i32
    %dma_wait3A_513 = tpu.memref_slice %arg6[%add3A_501, %dma_wait3A_512] : memref<65536x128xf32, #tpu.memory_space<hbm>> -> memref<128x128xf32, #tpu.memory_space<hbm>>
    tpu.wait_dma2 semaphore(%arg17 : memref<!tpu.dma_semaphore, #tpu.memory_space<semaphore_mem>>) src(%arg12 : memref<128x128xf32, #tpu.memory_space<vmem>>) dst(%dma_wait3A_513 : memref<128x128xf32, #tpu.memory_space<hbm>>)
    return
  }
}

module attributes {stable_mosaic.version = 14 : i64} {
  func.func @_pad_body(%arg0: i32, %arg1: i32, %arg2: memref<1x512x64xf32, #tpu.memory_space<vmem>>, %arg3: memref<1x512x128xf32, #tpu.memory_space<vmem>>) attributes {dimension_semantics = [#tpu.dimension_semantics<arbitrary>, #tpu.dimension_semantics<arbitrary>], iteration_bounds = array<i64: 8, 196>, scalar_prefetch = 0 : i64, scratch_operands = 0 : i64, tpu.core_type = #tpu.core_type<tc>, window_params = [{transform_indices = @transform_0, window_bounds = array<i64: 1, 512, 64>}, {transform_indices = @transform_1, window_bounds = array<i64: 1, 512, 128>}]} {
    %get3A = arith.constant 0 : index
    %get3A_0 = arith.constant 0 : index
    %get3A_1 = arith.constant 0 : index
    %get3A_2 = vector.load %arg2[%get3A, %get3A_0, %get3A_1] : memref<1x512x64xf32, #tpu.memory_space<vmem>>, vector<1x512x64xf32>
    %get3A_3 = vector.shape_cast %get3A_2 : vector<1x512x64xf32> to vector<512x64xf32>
    %concatenate3A = tpu.concatenate %get3A_3, %get3A_3 in 1 : vector<512x64xf32>, vector<512x64xf32> -> vector<512x128xf32>
    %swap3A = arith.constant 0 : index
    %swap3A_4 = arith.constant 0 : index
    %swap3A_5 = arith.constant 0 : index
    %swap3A_6 = vector.load %arg3[%swap3A, %swap3A_4, %swap3A_5] : memref<1x512x128xf32, #tpu.memory_space<vmem>>, vector<1x512x128xf32>
    %swap3A_7 = vector.shape_cast %swap3A_6 : vector<1x512x128xf32> to vector<512x128xf32>
    %swap3A_8 = vector.shape_cast %concatenate3A : vector<512x128xf32> to vector<1x512x128xf32>
    tpu.vector_store %arg3[%swap3A, %swap3A_4, %swap3A_5], %swap3A_8 {strides = array<i32>} : memref<1x512x128xf32, #tpu.memory_space<vmem>>, vector<1x512x128xf32>,
    return
  }
  func.func @transform_0(%arg0: i32, %arg1: i32) -> (i32, i32, i32) {
    %c0_i32 = arith.constant 0 : i32
    %c0_i32_0 = arith.constant 0 : i32
    return %arg0, %arg1, %c0_i32 : i32, i32, i32
  }
  func.func @transform_1(%arg0: i32, %arg1: i32) -> (i32, i32, i32) {
    %c0_i32 = arith.constant 0 : i32
    %c0_i32_0 = arith.constant 0 : i32
    return %arg0, %arg1, %c0_i32 : i32, i32, i32
  }
}

module attributes {stable_mosaic.version = 14 : i64} {
  func.func @_tc_body(%arg0: i32, %arg1: i32, %arg2: memref<1x512x8x128xf32, #tpu.memory_space<vmem>>, %arg3: memref<1x512x1024xf32, #tpu.memory_space<vmem>>, %arg4: memref<512x1024xbf16, #tpu.memory_space<vmem>>, %arg5: memref<512x1024xbf16, #tpu.memory_space<vmem>>, %arg6: memref<1x1024xf32, #tpu.memory_space<vmem>>, %arg7: memref<4x1024xf32, #tpu.memory_space<vmem>>, %arg8: memref<1x1024xf32, #tpu.memory_space<vmem>>, %arg9: memref<1x512x1024xf32, #tpu.memory_space<vmem>>, %arg10: memref<8x1024xf32, #tpu.memory_space<vmem>>) attributes {dimension_semantics = [#tpu.dimension_semantics<arbitrary>, #tpu.dimension_semantics<arbitrary>], iteration_bounds = array<i64: 4, 4>, scalar_prefetch = 0 : i64, scratch_operands = 1 : i64, tpu.core_type = #tpu.core_type<tc>, window_params = [{transform_indices = @transform_0, window_bounds = array<i64: 1, 512, 8, 128>}, {transform_indices = @transform_1, window_bounds = array<i64: 1, 512, 1024>}, {pipeline_mode = #tpu.pipeline_mode<synchronous>, transform_indices = @transform_2, window_bounds = array<i64: 512, 1024>}, {pipeline_mode = #tpu.pipeline_mode<synchronous>, transform_indices = @transform_3, window_bounds = array<i64: 512, 1024>}, {pipeline_mode = #tpu.pipeline_mode<synchronous>, transform_indices = @transform_4, window_bounds = array<i64: 1, 1024>}, {pipeline_mode = #tpu.pipeline_mode<synchronous>, transform_indices = @transform_5, window_bounds = array<i64: 4, 1024>}, {pipeline_mode = #tpu.pipeline_mode<synchronous>, transform_indices = @transform_6, window_bounds = array<i64: 1, 1024>}, {transform_indices = @transform_7, window_bounds = array<i64: 1, 512, 1024>}]} {
    %get3A = arith.constant 0 : index
    %get3A_0 = arith.constant 0 : index
    %get3A_1 = arith.constant 0 : index
    %get3A_2 = arith.constant 0 : index
    %get3A_3 = vector.load %arg2[%get3A, %get3A_0, %get3A_1, %get3A_2] : memref<1x512x8x128xf32, #tpu.memory_space<vmem>>, vector<1x512x8x128xf32>
    %get3A_4 = vector.shape_cast %get3A_3 : vector<1x512x8x128xf32> to vector<512x8x128xf32>
    %slice3A = vector.extract_strided_slice %get3A_4 {offsets = [0, 0, 0], sizes = [512, 1, 64], strides = [1, 1, 1]} : vector<512x8x128xf32> to vector<512x1x64xf32>
    %squeeze3A = vector.shape_cast %slice3A : vector<512x1x64xf32> to vector<512x64xf32>
    %slice3A_5 = vector.extract_strided_slice %get3A_4 {offsets = [0, 1, 0], sizes = [512, 1, 64], strides = [1, 1, 1]} : vector<512x8x128xf32> to vector<512x1x64xf32>
    %squeeze3A_6 = vector.shape_cast %slice3A_5 : vector<512x1x64xf32> to vector<512x64xf32>
    %slice3A_7 = vector.extract_strided_slice %get3A_4 {offsets = [0, 2, 0], sizes = [512, 1, 64], strides = [1, 1, 1]} : vector<512x8x128xf32> to vector<512x1x64xf32>
    %squeeze3A_8 = vector.shape_cast %slice3A_7 : vector<512x1x64xf32> to vector<512x64xf32>
    %slice3A_9 = vector.extract_strided_slice %get3A_4 {offsets = [0, 3, 0], sizes = [512, 1, 64], strides = [1, 1, 1]} : vector<512x8x128xf32> to vector<512x1x64xf32>
    %squeeze3A_10 = vector.shape_cast %slice3A_9 : vector<512x1x64xf32> to vector<512x64xf32>
    %slice3A_11 = vector.extract_strided_slice %get3A_4 {offsets = [0, 4, 0], sizes = [512, 1, 64], strides = [1, 1, 1]} : vector<512x8x128xf32> to vector<512x1x64xf32>
    %squeeze3A_12 = vector.shape_cast %slice3A_11 : vector<512x1x64xf32> to vector<512x64xf32>
    %slice3A_13 = vector.extract_strided_slice %get3A_4 {offsets = [0, 5, 0], sizes = [512, 1, 64], strides = [1, 1, 1]} : vector<512x8x128xf32> to vector<512x1x64xf32>
    %squeeze3A_14 = vector.shape_cast %slice3A_13 : vector<512x1x64xf32> to vector<512x64xf32>
    %slice3A_15 = vector.extract_strided_slice %get3A_4 {offsets = [0, 6, 0], sizes = [512, 1, 64], strides = [1, 1, 1]} : vector<512x8x128xf32> to vector<512x1x64xf32>
    %squeeze3A_16 = vector.shape_cast %slice3A_15 : vector<512x1x64xf32> to vector<512x64xf32>
    %slice3A_17 = vector.extract_strided_slice %get3A_4 {offsets = [0, 7, 0], sizes = [512, 1, 64], strides = [1, 1, 1]} : vector<512x8x128xf32> to vector<512x1x64xf32>
    %squeeze3A_18 = vector.shape_cast %slice3A_17 : vector<512x1x64xf32> to vector<512x64xf32>
    %concatenate3A = tpu.concatenate %squeeze3A, %squeeze3A_6, %squeeze3A_8, %squeeze3A_10, %squeeze3A_12, %squeeze3A_14, %squeeze3A_16, %squeeze3A_18 in 1 : vector<512x64xf32>, vector<512x64xf32>, vector<512x64xf32>, vector<512x64xf32>, vector<512x64xf32>, vector<512x64xf32>, vector<512x64xf32>, vector<512x64xf32> -> vector<512x512xf32>
    %get3A_19 = arith.constant 0 : index
    %get3A_20 = arith.constant 0 : index
    %get3A_21 = arith.constant 0 : index
    %get3A_22 = vector.load %arg3[%get3A_19, %get3A_20, %get3A_21] : memref<1x512x1024xf32, #tpu.memory_space<vmem>>, vector<1x512x1024xf32>
    %get3A_23 = vector.shape_cast %get3A_22 : vector<1x512x1024xf32> to vector<512x1024xf32>
    %get3A_24 = arith.constant 0 : index
    %get3A_25 = arith.constant 0 : index
    %get3A_26 = vector.load %arg6[%get3A_24, %get3A_25] : memref<1x1024xf32, #tpu.memory_space<vmem>>, vector<1x1024xf32>
    %convert_element_type3A = arith.truncf %concatenate3A : vector<512x512xf32> to vector<512x512xbf16>
    %get3A_27 = arith.constant 0 : index
    %get3A_28 = arith.constant 0 : index
    %get3A_29 = vector.load %arg4[%get3A_27, %get3A_28] : memref<512x1024xbf16, #tpu.memory_space<vmem>>, vector<512x1024xbf16>
    %dot_general3A = arith.constant dense<0.000000e+00> : vector<512x1024xf32>
    %dot_general3A_30 = tpu.matmul %convert_element_type3A, %get3A_29, %dot_general3A {dimension_numbers = #tpu.dot_dimension_numbers<[1], [0], [0], [1], [0, 0, 1, 1], [], []>, transpose_lhs_hint = false} : vector<512x512xbf16>, vector<512x1024xbf16>, vector<512x1024xf32> -> vector<512x1024xf32>
    %mul3A = arith.mulf %dot_general3A_30, %dot_general3A_30 : vector<512x1024xf32>
    %reduce_sum3A = arith.constant dense<0.000000e+00> : vector<512xf32>
    %reduce_sum3A_31 = vector.multi_reduction <add>, %mul3A, %reduce_sum3A [1] : vector<512x1024xf32> to vector<512xf32>
    %broadcast_in_dim3A = vector.shape_cast %reduce_sum3A_31 : vector<512xf32> to vector<512x1xf32>
    %div3A = arith.constant 1.024000e+03 : f32
    %div3A_32 = vector.broadcast %div3A : f32 to vector<512x1xf32>
    %div3A_33 = arith.divf %broadcast_in_dim3A, %div3A_32 : vector<512x1xf32>
    %add3A = arith.constant 9.99999997E-7 : f32
    %add3A_34 = vector.broadcast %add3A : f32 to vector<512x1xf32>
    %add3A_35 = arith.addf %div3A_33, %add3A_34 : vector<512x1xf32>
    %rsqrt3A = math.rsqrt %add3A_35 : vector<512x1xf32>
    %mul3A_36 = vector.broadcast %rsqrt3A : vector<512x1xf32> to vector<512x1024xf32>
    %mul3A_37 = arith.mulf %dot_general3A_30, %mul3A_36 : vector<512x1024xf32>
    %mul3A_38 = vector.broadcast %get3A_26 : vector<1x1024xf32> to vector<512x1024xf32>
    %mul3A_39 = arith.mulf %mul3A_37, %mul3A_38 : vector<512x1024xf32>
    %mul3A_40 = arith.mulf %get3A_23, %get3A_23 : vector<512x1024xf32>
    %reduce_sum3A_41 = arith.constant dense<0.000000e+00> : vector<512xf32>
    %reduce_sum3A_42 = vector.multi_reduction <add>, %mul3A_40, %reduce_sum3A_41 [1] : vector<512x1024xf32> to vector<512xf32>
    %broadcast_in_dim3A_43 = vector.shape_cast %reduce_sum3A_42 : vector<512xf32> to vector<512x1xf32>
    %div3A_44 = arith.constant 1.024000e+03 : f32
    %div3A_45 = vector.broadcast %div3A_44 : f32 to vector<512x1xf32>
    %div3A_46 = arith.divf %broadcast_in_dim3A_43, %div3A_45 : vector<512x1xf32>
    %add3A_47 = arith.constant 9.99999997E-7 : f32
    %add3A_48 = vector.broadcast %add3A_47 : f32 to vector<512x1xf32>
    %add3A_49 = arith.addf %div3A_46, %add3A_48 : vector<512x1xf32>
    %rsqrt3A_50 = math.rsqrt %add3A_49 : vector<512x1xf32>
    %mul3A_51 = vector.broadcast %rsqrt3A_50 : vector<512x1xf32> to vector<512x1024xf32>
    %mul3A_52 = arith.mulf %get3A_23, %mul3A_51 : vector<512x1024xf32>
    %mul3A_53 = vector.broadcast %get3A_26 : vector<1x1024xf32> to vector<512x1024xf32>
    %mul3A_54 = arith.mulf %mul3A_52, %mul3A_53 : vector<512x1024xf32>
    %mul3A_55 = arith.mulf %mul3A_54, %mul3A_39 : vector<512x1024xf32>
    %reduce_sum3A_56 = arith.constant dense<0.000000e+00> : vector<512xf32>
    %reduce_sum3A_57 = vector.multi_reduction <add>, %mul3A_55, %reduce_sum3A_56 [1] : vector<512x1024xf32> to vector<512xf32>
    %broadcast_in_dim3A_58 = vector.shape_cast %reduce_sum3A_57 : vector<512xf32> to vector<512x1xf32>
    %get3A_59 = arith.constant 0 : index
    %get3A_60 = arith.constant 0 : index
    %get3A_61 = vector.load %arg5[%get3A_59, %get3A_60] : memref<512x1024xbf16, #tpu.memory_space<vmem>>, vector<512x1024xbf16>
    %dot_general3A_62 = arith.constant dense<0.000000e+00> : vector<512x1024xf32>
    %dot_general3A_63 = tpu.matmul %convert_element_type3A, %get3A_61, %dot_general3A_62 {dimension_numbers = #tpu.dot_dimension_numbers<[1], [0], [0], [1], [0, 0, 1, 1], [], []>, transpose_lhs_hint = false} : vector<512x512xbf16>, vector<512x1024xbf16>, vector<512x1024xf32> -> vector<512x1024xf32>
    %logistic3A = arith.negf %broadcast_in_dim3A_58 : vector<512x1xf32>
    %logistic3A_64 = math.exp %logistic3A : vector<512x1xf32>
    %logistic3A_65 = arith.constant 1.000000e+00 : f32
    %logistic3A_66 = vector.broadcast %logistic3A_65 : f32 to vector<512x1xf32>
    %logistic3A_67 = arith.addf %logistic3A_66, %logistic3A_64 : vector<512x1xf32>
    %logistic3A_68 = arith.divf %logistic3A_66, %logistic3A_67 : vector<512x1xf32>
    %mul3A_69 = vector.broadcast %logistic3A_68 : vector<512x1xf32> to vector<512x1024xf32>
    %mul3A_70 = arith.mulf %mul3A_69, %dot_general3A_63 : vector<512x1024xf32>
    %eq3A = arith.constant 0 : i32
    %eq3A_71 = arith.cmpi eq, %arg1, %eq3A : i32
    %get3A_72 = arith.constant 0 : index
    %get3A_73 = arith.constant 0 : index
    %get3A_74 = vector.load %arg10[%get3A_72, %get3A_73] : memref<8x1024xf32, #tpu.memory_space<vmem>>, vector<8x1024xf32>
    %jit3A = arith.constant 0.000000e+00 : f64
    %convert_element_type3A_75 = arith.truncf %jit3A : f64 to f32
    %broadcast_in_dim3A_76 = vector.broadcast %convert_element_type3A_75 : f32 to vector<8x1024xf32>
    %select_n3A = arith.select %eq3A_71, %broadcast_in_dim3A_76, %get3A_74 : vector<8x1024xf32>
    %slice3A_77 = vector.extract_strided_slice %select_n3A {offsets = [5, 0], sizes = [3, 1024], strides = [1, 1]} : vector<8x1024xf32> to vector<3x1024xf32>
    %concatenate3A_78 = tpu.concatenate %slice3A_77, %mul3A_70 in 0 : vector<3x1024xf32>, vector<512x1024xf32> -> vector<515x1024xf32>
    %get3A_79 = arith.constant 0 : index
    %get3A_80 = arith.constant 0 : index
    %get3A_81 = vector.load %arg8[%get3A_79, %get3A_80] : memref<1x1024xf32, #tpu.memory_space<vmem>>, vector<1x1024xf32>
    %get3A_82 = arith.constant 0 : index
    %get3A_83 = arith.constant 0 : index
    %get3A_84 = vector.load %arg7[%get3A_82, %get3A_83] : memref<4x1024xf32, #tpu.memory_space<vmem>>, vector<1x1024xf32>
    %slice3A_85 = vector.extract_strided_slice %concatenate3A_78 {offsets = [0, 0], sizes = [512, 1024], strides = [1, 1]} : vector<515x1024xf32> to vector<512x1024xf32>
    %mul3A_86 = vector.broadcast %get3A_84 : vector<1x1024xf32> to vector<512x1024xf32>
    %mul3A_87 = arith.mulf %mul3A_86, %slice3A_85 : vector<512x1024xf32>
    %add3A_88 = vector.broadcast %get3A_81 : vector<1x1024xf32> to vector<512x1024xf32>
    %add3A_89 = arith.addf %add3A_88, %mul3A_87 : vector<512x1024xf32>
    %get3A_90 = arith.constant 1 : index
    %get3A_91 = arith.constant 0 : index
    %get3A_92 = vector.load %arg7[%get3A_90, %get3A_91] : memref<4x1024xf32, #tpu.memory_space<vmem>>, vector<1x1024xf32>
    %slice3A_93 = vector.extract_strided_slice %concatenate3A_78 {offsets = [1, 0], sizes = [512, 1024], strides = [1, 1]} : vector<515x1024xf32> to vector<512x1024xf32>
    %mul3A_94 = vector.broadcast %get3A_92 : vector<1x1024xf32> to vector<512x1024xf32>
    %mul3A_95 = arith.mulf %mul3A_94, %slice3A_93 : vector<512x1024xf32>
    %add3A_96 = arith.addf %add3A_89, %mul3A_95 : vector<512x1024xf32>
    %get3A_97 = arith.constant 2 : index
    %get3A_98 = arith.constant 0 : index
    %get3A_99 = vector.load %arg7[%get3A_97, %get3A_98] : memref<4x1024xf32, #tpu.memory_space<vmem>>, vector<1x1024xf32>
    %slice3A_100 = vector.extract_strided_slice %concatenate3A_78 {offsets = [2, 0], sizes = [512, 1024], strides = [1, 1]} : vector<515x1024xf32> to vector<512x1024xf32>
    %mul3A_101 = vector.broadcast %get3A_99 : vector<1x1024xf32> to vector<512x1024xf32>
    %mul3A_102 = arith.mulf %mul3A_101, %slice3A_100 : vector<512x1024xf32>
    %add3A_103 = arith.addf %add3A_96, %mul3A_102 : vector<512x1024xf32>
    %get3A_104 = arith.constant 3 : index
    %get3A_105 = arith.constant 0 : index
    %get3A_106 = vector.load %arg7[%get3A_104, %get3A_105] : memref<4x1024xf32, #tpu.memory_space<vmem>>, vector<1x1024xf32>
    %mul3A_107 = vector.broadcast %get3A_106 : vector<1x1024xf32> to vector<512x1024xf32>
    %mul3A_108 = arith.mulf %mul3A_107, %mul3A_70 : vector<512x1024xf32>
    %add3A_109 = arith.addf %add3A_103, %mul3A_108 : vector<512x1024xf32>
    %logistic3A_110 = arith.negf %add3A_109 : vector<512x1024xf32>
    %logistic3A_111 = math.exp %logistic3A_110 : vector<512x1024xf32>
    %logistic3A_112 = arith.constant 1.000000e+00 : f32
    %logistic3A_113 = vector.broadcast %logistic3A_112 : f32 to vector<512x1024xf32>
    %logistic3A_114 = arith.addf %logistic3A_113, %logistic3A_111 : vector<512x1024xf32>
    %logistic3A_115 = arith.divf %logistic3A_113, %logistic3A_114 : vector<512x1024xf32>
    %mul3A_116 = arith.mulf %add3A_109, %logistic3A_115 : vector<512x1024xf32>
    %add3A_117 = arith.addf %mul3A_116, %mul3A_70 : vector<512x1024xf32>
    %swap3A = arith.constant 0 : index
    %swap3A_118 = arith.constant 0 : index
    %swap3A_119 = arith.constant 0 : index
    %swap3A_120 = vector.load %arg9[%swap3A, %swap3A_118, %swap3A_119] : memref<1x512x1024xf32, #tpu.memory_space<vmem>>, vector<1x512x1024xf32>
    %swap3A_121 = vector.shape_cast %swap3A_120 : vector<1x512x1024xf32> to vector<512x1024xf32>
    %swap3A_122 = vector.shape_cast %add3A_117 : vector<512x1024xf32> to vector<1x512x1024xf32>
    tpu.vector_store %arg9[%swap3A, %swap3A_118, %swap3A_119], %swap3A_122 {strides = array<i32>} : memref<1x512x1024xf32, #tpu.memory_space<vmem>>, vector<1x512x1024xf32>,
    %slice3A_123 = vector.extract_strided_slice %mul3A_70 {offsets = [504, 0], sizes = [8, 1024], strides = [1, 1]} : vector<512x1024xf32> to vector<8x1024xf32>
    %swap3A_124 = arith.constant 0 : index
    %swap3A_125 = arith.constant 0 : index
    %swap3A_126 = vector.load %arg10[%swap3A_124, %swap3A_125] : memref<8x1024xf32, #tpu.memory_space<vmem>>, vector<8x1024xf32>
    tpu.vector_store %arg10[%swap3A_124, %swap3A_125], %slice3A_123 {strides = array<i32>} : memref<8x1024xf32, #tpu.memory_space<vmem>>, vector<8x1024xf32>,
    return
  }
  func.func @transform_0(%arg0: i32, %arg1: i32) -> (i32, i32, i32, i32) {
    %c0_i32 = arith.constant 0 : i32
    %c0_i32_0 = arith.constant 0 : i32
    %c0_i32_1 = arith.constant 0 : i32
    return %arg0, %arg1, %c0_i32, %c0_i32_0 : i32, i32, i32, i32
  }
  func.func @transform_1(%arg0: i32, %arg1: i32) -> (i32, i32, i32) {
    %c0_i32 = arith.constant 0 : i32
    %c0_i32_0 = arith.constant 0 : i32
    return %arg0, %arg1, %c0_i32 : i32, i32, i32
  }
  func.func @transform_2(%arg0: i32, %arg1: i32) -> (i32, i32) {
    %c0_i32 = arith.constant 0 : i32
    %c0_i32_0 = arith.constant 0 : i32
    %c0_i32_1 = arith.constant 0 : i32
    return %c0_i32, %c0_i32_0 : i32, i32
  }
  func.func @transform_3(%arg0: i32, %arg1: i32) -> (i32, i32) {
    %c0_i32 = arith.constant 0 : i32
    %c0_i32_0 = arith.constant 0 : i32
    %c0_i32_1 = arith.constant 0 : i32
    return %c0_i32, %c0_i32_0 : i32, i32
  }
  func.func @transform_4(%arg0: i32, %arg1: i32) -> (i32, i32) {
    %c0_i32 = arith.constant 0 : i32
    %c0_i32_0 = arith.constant 0 : i32
    %c0_i32_1 = arith.constant 0 : i32
    return %c0_i32, %c0_i32_0 : i32, i32
  }
  func.func @transform_5(%arg0: i32, %arg1: i32) -> (i32, i32) {
    %c0_i32 = arith.constant 0 : i32
    %c0_i32_0 = arith.constant 0 : i32
    %c0_i32_1 = arith.constant 0 : i32
    return %c0_i32, %c0_i32_0 : i32, i32
  }
  func.func @transform_6(%arg0: i32, %arg1: i32) -> (i32, i32) {
    %c0_i32 = arith.constant 0 : i32
    %c0_i32_0 = arith.constant 0 : i32
    %c0_i32_1 = arith.constant 0 : i32
    return %c0_i32, %c0_i32_0 : i32, i32
  }
  func.func @transform_7(%arg0: i32, %arg1: i32) -> (i32, i32, i32) {
    %c0_i32 = arith.constant 0 : i32
    %c0_i32_0 = arith.constant 0 : i32
    return %arg0, %arg1, %c0_i32 : i32, i32, i32
  }
}

</mosaic_0001>

<sc_bundles>
// kernel: kernel.5.cloned.1.call-start
scs
__scs_entry_jumppad:
0x0: {  	(pc) =	sbr.rel $0x88, $3  }
0x1: {  	(tag) =	ssettag $0x0;
	lr =	simm.s32 $0x1  }
0x2: {  	[smem:$0x3F97] =	sst lr;
	_ =	strace $0xD0000000  }
0x3: {  	_ = 	snop  }
0x4: {  	_ = 	snop  }
0x5: {  	_ = 	snop  }
0x6: {  	_ = 	snop  }
0x7: {  	_ = 	snop  }
__scs_overlays_trampoline_lowered:
0x8: {  	[smem:$0x3FA6] =	sst s0  }
0x9: {  	[smem:$0x3FA7] =	sst s1  }
0xa: {  	[smem:$0x3FA8] =	sst s2  }
0xb: {  	[smem:$0x3FA9] =	sst s3  }
0xc: {  	[smem:$0x3FAA] =	sst s4  }
0xd: {  	[smem:$0x3FAB] =	sst s5  }
0xe: {  	[smem:$0x3FAC] =	sst s6  }
0xf: {  	[smem:$0x3FAD] =	sst s7  }
0x10: {  	[smem:$0x3FAE] =	sst s8  }
0x11: {  	[smem:$0x3FAF] =	sst s9;
	s0 =	simm.s32 @!p0 $0x0  }
0x12: {  	s1 =	sld [smem:$0x3F95];
	s0 =	simm.s32 @p0 $0x1  }
0x13: {  	[smem:$0x3FB0] =	sst s0;
	s0 =	simm.s32 @!p1 $0x0  }
0x14: {  	s2 =	sld [smem:$0x3F94];
	s0 =	simm.s32 @p1 $0x1  }
0x15: {  	[smem:$0x3FB1] =	sst s0;
	s0 =	simm.s32 @!p2 $0x0  }
0x16: {  	s3 =	sld [smem:$0x3FDB];
	s0 =	simm.s32 @p2 $0x1  }
0x17: {  	s4 =	simm.s32 $0x1BF5;
	[smem:$0x3FB3] =	sst s0  }
0x18: {  	s0 =	sld [smem:$0x3F96];
	_ =	swait.ge [sflag:s4], $0x0  }
0x19: {  	s7 =	sld [smem:$0x3F97]  }
0x1a: {  	s8 =	sadd.s32 $0xFFFFE003, lr  }
0x1b: {  	s9 =	sadd.s32 $0xFFFFFEF7, lr;
	s5 =	simm.s32 $0xFFFFFFFF;
	p2 =	slt.u32 s8, $0xFFFFF086  }
0x1c: {  	p1 =	slt.u32 s9, $0xF7A;
	s5 =	simm.s32 @!p2 $0x0  }
0x1d: {  	s5 =	simm.s32 @p1 $0x1;
	p0 =	seq.s32 s7, s2  }
0x1e: {  	s7 =	smul.u32 @!p0 $0xF7A, s2;
	p2 =	seq.s32 @!p0 s5, $0x0  }
0x1f: {  	s9 =	smul.u32 $0xF7A, s1;
	s8 =	simm.s32 @!p0 $0x1BF5;
	p2 =	por !p2, p0  }
0x20: {  	[sflag:s8] =	ssyncset.s32 @!p0 $0xFFFFF086;
	s6 =	sadd.s32 @!p0 s3, s7;
	s7 =	simm.s32 @!p0 $0x108  }
0x21: {  	s3 =	sadd.s32 s3, s9;
	s6 =	sadd.s32 @!p0 $0x88, s6;
	s7 =	simm.s32 @p2 $0x1082  }
0x22: {  	[simem:s7], [sflag:s8] =	dma.local @!p0 [hbm:s6], $0xF7A  }
0x23: {  	s9 =	sor.u32 $0xD0000000, s2;
	s6 =	simm.s32 $0x108;
	_ =	swait.ge @!p0 [sflag:s8], $0x0  }
0x24: {  	s3 =	sadd.s32 $0x88, s3;
	s6 =	simm.s32 @!p1 $0x1082;
	[sflag:s4] =	ssyncset.s32 $0xFFFFF086  }
0x25: {  	[simem:s6], [sflag:s4] =	dma.local [hbm:s3], $0xF7A  }
0x26: {  	[smem:$0x3F97] =	sst s1;
	(tag) =	ssettag s2;
	_ =	strace s9  }
0x27: {  	s1 =	sld [smem:$0x3FA7]  }
0x28: {  	s2 =	sld [smem:$0x3FA8]  }
0x29: {  	s4 =	sld [smem:$0x3FAA]  }
0x2a: {  	p0 =	seq.s32 s5, $0x0;
	s5 =	sld [smem:$0x3FAB]  }
0x2b: {  	s6 =	sld [smem:$0x3FAC]  }
0x2c: {  	s7 =	sld [smem:$0x3FAD]  }
0x2d: {  	s3 =	simm.s32 $0x108;
	s8 =	sld [smem:$0x3FAE]  }
0x2e: {  	s3 =	simm.s32 @!p0 $0x1082;
	s9 =	sld [smem:$0x3FAF]  }
0x2f: {  	lr =	sadd.s32 s0, s3;
	s0 =	sld [smem:$0x3FA6]  }
0x30: {  	s3 =	sld [smem:$0x3FA9]  }
0x31: {  	[smem:$0x3FB2] =	sst s10  }
0x32: {  	s10 =	sld [smem:$0x3FB0];
	_ =	sdelay $0x3  }
0x33: {  	p0 =	seq.s32 s10, $0x1;
	s10 =	sld [smem:$0x3FB2];
	_ =	sdelay $0x3  }
0x34: {  	[smem:$0x3FB2] =	sst s10  }
0x35: {  	s10 =	sld [smem:$0x3FB1];
	_ =	sdelay $0x3  }
0x36: {  	p1 =	seq.s32 s10, $0x1;
	s10 =	sld [smem:$0x3FB2];
	_ =	sdelay $0x3  }
0x37: {  	[smem:$0x3FB2] =	sst s10  }
0x38: {  	s10 =	sld [smem:$0x3FB3]  }
0x39: {  	_ = 	snop;
	(pc) =	sbr.ind lr, $3  }
0x3a: {  	_ = 	snop  }
0x3b: {  	_ = 	snop  }
0x3c: {  	p2 =	seq.s32 s10, $0x1;
	s10 =	sld [smem:$0x3FB2]  }
0x3d: {  	_ =	shalt  }
0x3e: {  	_ =	shalt  }
0x3f: {  	_ =	shalt  }
0x40: {  	_ =	shalt  }
0x41: {  	_ =	shalt  }
0x42: {  	_ =	shalt  }
0x43: {  	_ =	shalt  }
0x44: {  	_ =	shalt  }
0x45: {  	_ =	shalt  }
0x46: {  	_ =	shalt  }
0x47: {  	_ =	shalt  }
0x48: {  	_ =	shalt  }
0x49: {  	_ =	shalt  }
0x4a: {  	_ =	shalt  }
0x4b: {  	_ =	shalt  }
0x4c: {  	_ =	shalt  }
0x4d: {  	_ =	shalt  }
0x4e: {  	_ =	shalt  }
0x4f: {  	_ =	shalt  }
0x50: {  	_ =	shalt  }
0x51: {  	_ =	shalt  }
0x52: {  	_ =	shalt  }
0x53: {  	_ =	shalt  }
0x54: {  	_ =	shalt  }
0x55: {  	_ =	shalt  }
0x56: {  	_ =	shalt  }
0x57: {  	_ =	shalt  }
0x58: {  	_ =	shalt  }
0x59: {  	_ =	shalt  }
0x5a: {  	_ =	shalt  }
0x5b: {  	_ =	shalt  }
0x5c: {  	_ =	shalt  }
0x5d: {  	_ =	shalt  }
0x5e: {  	_ =	shalt  }
0x5f: {  	_ =	shalt  }
0x60: {  	_ =	shalt  }
0x61: {  	_ =	shalt  }
0x62: {  	_ =	shalt  }
0x63: {  	_ =	shalt  }
0x64: {  	_ =	shalt  }
0x65: {  	_ =	shalt  }
0x66: {  	_ =	shalt  }
0x67: {  	_ =	shalt  }
0x68: {  	_ =	shalt  }
0x69: {  	_ =	shalt  }
0x6a: {  	_ =	shalt  }
0x6b: {  	_ =	shalt  }
0x6c: {  	_ =	shalt  }
0x6d: {  	_ =	shalt  }
0x6e: {  	_ =	shalt  }
0x6f: {  	_ =	shalt  }
0x70: {  	_ =	shalt  }
0x71: {  	_ =	shalt  }
0x72: {  	_ =	shalt  }
0x73: {  	_ =	shalt  }
0x74: {  	_ =	shalt  }
0x75: {  	_ =	shalt  }
0x76: {  	_ =	shalt  }
0x77: {  	_ =	shalt  }
0x78: {  	_ =	shalt  }
0x79: {  	_ =	shalt  }
0x7a: {  	_ =	shalt  }
0x7b: {  	_ =	shalt  }
0x7c: {  	_ =	shalt  }
0x7d: {  	_ =	shalt  }
0x7e: {  	_ =	shalt  }
0x7f: {  	_ =	shalt  }
0x80: {  	_ =	shalt  }
0x81: {  	_ =	shalt  }
0x82: {  	_ =	shalt  }
0x83: {  	_ =	shalt  }
0x84: {  	_ =	shalt  }
0x85: {  	_ =	shalt  }
0x86: {  	_ =	shalt  }
0x87: {  	_ =	shalt  }
.Lfunc_end0:
.L_simem_size_0:
called_computation_lowered:
.L_overlay_start_0:
0x88: {  	s2 =	sld [smem:$0x3FD9]  }
0x89: {  	s3 =	sld [smem:$0x3FFE];
	_ =	sdelay $0x1  }
0x8a: {  	s1 =	srdreg.scid  }
0x8b: {  	s0 =	sand.u32 $0x1, s1  }
0x8c: {  	s17 =	sshll.u32 s0, $0xA;
	s2 =	sadd.s32 s3, s2  }
0x8d: {  	s2 =	sadd.s32 s2, s17  }
0x8e: {  	[smem:$0x3FBE] =	sst s2  }
0x8f: {  	_ = 	snop  }
0x90: {  	s2 =	sld [smem:$0x3FD0];
	(tm) =	ssettm $0x1  }
0x91: {  	s18 =	sld [smem:$0x3FFB];
	_ =	sdelay $0x3  }
0x92: {  	_ =	strace s18  }
0x93: {  	s3 =	sld [smem:$0x3FFC];
	_ =	sdelay $0x3  }
0x94: {  	_ =	strace s3  }
0x95: {  	s3 =	sld [smem:$0x3FFD];
	_ =	sdelay $0x3  }
0x96: {  	_ =	strace s3  }
0x97: {  	_ =	strace $0x8FFFFFFF  }
0x98: {  	s19 =	sld [smem:$0x3FDB];
	_ =	sdelay $0x1  }
0x99: {  	s4 =	simm.s32 $_scs_section_size  }
0x9a: {  	s5 =	simm.s32 $_size__tile_overlayer_lowered;
	s6 =	simm.s32 $_tile_overlayer_lowered  }
0x9b: {  	s22 =	simm.s32 $0x1BFF;
	s21 =	sshll.u32 s6, $0x1;
	s3 =	sadd.s32 s4, s19  }
0x9c: {  	s7 =	simm.s32 $0x0;
	s20 =	sshll.u32 s5, $0x1;
	s5 =	sadd.s32 s21, s3  }
0x9d: {  	[timem:s7], [sflag:s22] =	dma.local [hbm:s5], s20  }
0x9e: {  	_ =	swait.ge [sflag:s22], s20  }
0x9f: {  	s4 =	ssub.s32 $0x0, s20;
	[sflag:s22] =	ssyncset.done $0x0  }
0xa0: {  	[sflag:s22] =	ssyncadd.s32 s4;
	_ =	sdelay $0x1  }
0xa1: {  	s23 =	simm.s32 $0x1B8B  }
0xa2: {  	_ =	swait.ge [sflag:s23], $0x1  }
0xa3: {  	[sflag:s23] =	ssyncset.done $0x0  }
0xa4: {  	s25 =	simm.s32 $0x1B8E;
	s24 =	sld [smem:$0x3FFE];
	[sflag:s23] =	ssyncadd.s32 $0xFFFFFFFF  }
0xa5: {  	s26 =	simm.s32 $execute0_lowered;
	[smem:$0x3FD2] =	sst s25  }
0xa6: {  	s5 =	sshll.u32 s26, $0x1;
	_ =	strace $0x80000046;
	[dreg:$0x1] =	wrdreg $0xFFFFFFFF  }
0xa7: {  	s28 =	simm.s32 $_size_execute0_lowered;
	s3 =	sadd.s32 s3, s5;
	[dreg:$0x0] =	wrdreg $0x0  }
0xa8: {  	s5 =	sshll.u32 s28, $0x1;
	[dreg:$0x2] =	wrdreg s3  }
0xa9: {  	[dreg:$0x3] =	wrdreg s5  }
0xaa: {  	[dreg:$0x4] =	wrdreg $0xC0  }
0xab: {  	_ =	task [dreg:s7], $0x5FFFF  }
0xac: {  	[dreg:$0x1] =	wrdreg $0xFFFFFFFF  }
0xad: {  	[dreg:$0x0] =	wrdreg $0x60  }
0xae: {  	[dreg:$0x2] =	wrdreg s24  }
0xaf: {  	[dreg:$0x3] =	wrdreg s2  }
0xb0: {  	[dreg:$0x4] =	wrdreg $0x9  }
0xb1: {  	_ =	task.clear_ibuf [dreg:s7], $0x5FFFF;
	_ =	strace $0x90000046  }
0xb2: {  	s29 =	simm.s32 $0x9;
	_ =	strace $0x80000048  }
0xb3: {  	_ =	swait.ge [sflag:s29], $0x1  }
0xb4: {  	[sflag:s29] =	ssyncadd.s32 $0xFFFFFFFF  }
0xb5: {  	_ =	strace $0x90000048  }
0xb6: {  	_ =	sfence  }
0xb7: {  	s30 =	sld [smem:$0x0];
	_ =	sdelay $0x2  }
0xb8: {  	s31 =	sshll.u32 s1, $0xD;
	s1 =	sshrl.u32 s1, $0x2  }
0xb9: {  	s3 =	sand.u32 $0x4000, s31;
	s1 =	sadd.s32 s1, s30  }
0xba: {  	s0 =	sor.u32 s3, s0;
	s1 =	sshll.u32 s1, $0x11  }
0xbb: {  	s0 =	sor.u32 s1, s0  }
0xbc: {  	s0 =	sadd.s32 $0x8F2B, s0  }
0xbd: {  	[sflag:s0] =	ssyncadd.remote.s32 $0x1  }
0xbe: {  	_ =	sfence.sel $0xFFFF  }
0xbf: {  	[dreg:$0x0] =	wrdreg $0xFFFFFFFF;
	(pc) =	sbr.abs _section_cstart, $3  }
0xc0: {  	[dreg:$0x1] =	wrdreg $0xFFFFFFFF  }
0xc1: {  	_ =	task.clear_ibuf [dreg:s7], $0x2FFFF;
	_ =	strace $0x9FFFFFFF  }
0xc2: {  	(tm) =	ssettm $0x7FFFFFFF  }
0xc3: {  	_ =	shalt  }
tec
execute0_lowered:
.L_overlay_start_1:
0x0: {  	(tag) =	ssettag $0x1  }
0x1: {  	s0 =	rddreg [dreg:$0x0]  }
0x2: {  	s1 =	srdreg.scid;
	s2 =	stileid.u32  }
0x3: {  	s6 =	simm.s32 $0x0;
	s1 =	sand.u32 $0x1, s1;
	s2 =	sshll.u32 s2, $0x1  }
0x4: {  	[smem:$0x7FF] =	sst s6;
	s4 =	sadd.s32 $0x1200, s0;
	s13 =	sadd.s32 $0xC36A00, s0  }
0x5: {  	s2 =	sor.u32 s1, s2;
	_ =	strace $0x80000047;
	[dreg:$0x4] =	wrdreg s4  }
0x6: {  	s3 =	sshll.u32 s2, $0x5;
	s14 =	sshll.u32 s2, $0xF;
	s2 =	sshll.u32 s2, $0x8  }
0x7: {  	[dreg:$0x5] =	wrdreg s13;
	s3 =	sadd.s32 s3, s0;
	s2 =	sand.u32 $0x700, s2  }
0x8: {  	s0 =	sadd.s32 s14, s0;
	s3 =	sadd.s32 $0x1400, s3;
	[dreg:$0x3] =	wrdreg s2  }
0x9: {  	s15 =	sadd.s32 $0x1A00, s0;
	[dreg:$0x6] =	wrdreg s3  }
0xa: {  	s16 =	sadd.s32 $0x2200, s0;
	[dreg:$0x7] =	wrdreg s15  }
0xb: {  	s17 =	sadd.s32 $0x2A00, s0;
	[dreg:$0x8] =	wrdreg s16  }
0xc: {  	s18 =	sadd.s32 $0x3200, s0;
	[dreg:$0x9] =	wrdreg s17  }
0xd: {  	s19 =	sadd.s32 $0x3A00, s0;
	[dreg:$0xa] =	wrdreg s18  }
0xe: {  	s20 =	sadd.s32 $0x4200, s0;
	[dreg:$0xb] =	wrdreg s19  }
0xf: {  	s21 =	sadd.s32 $0x4A00, s0;
	[dreg:$0xc] =	wrdreg s20  }
0x10: {  	s22 =	sadd.s32 $0x5200, s0;
	[dreg:$0xd] =	wrdreg s21  }
0x11: {  	v9 =	vlaneseq.u32;
	v0 =	vimm.s32 $0xECA86420;
	s23 =	sadd.s32 $0x5A00, s0;
	[dreg:$0xe] =	wrdreg s22  }
0x12: {  	vm0 =	vcmask $0xB08;
	vm1 =	vcmask $0x1310;
	vm2 =	vcmask $0x1B18;
	s24 =	sadd.s32 $0x6200, s0;
	[dreg:$0xf] =	wrdreg s23  }
0x13: {  	vm3 =	vcmask $0x300;
	vm13 =	vcmask $0x2320;
	vm5 =	vcmask $0x2B28;
	s25 =	sadd.s32 $0x6A00, s0;
	[dreg:$0x10] =	wrdreg s24  }
0x14: {  	vm7 =	vcmask $0x3330;
	vm8 =	vcmask $0x3B38;
	vm6 =	vmmov $0xff;
	s26 =	sadd.s32 $0x7200, s0;
	[dreg:$0x11] =	wrdreg s25  }
0x15: {  	vm12 =	vcmask $0xF0C;
	vm14 =	vcmask $0x1F1C;
	vm15 =	vcmask $0x2724;
	s28 =	sadd.s32 $0x7A00, s0;
	[dreg:$0x12] =	wrdreg s26  }
0x16: {  	vm10 =	vcmask $0x2F2C;
	v0 =	vunpack.c.l.s4.s8 v0;
	v48 =	vmul.u32 $0x8, v9;
	s1 =	ssub.s32 $0x2, s1;
	s29 =	sadd.s32 $0x8200, s0;
	[dreg:$0x13] =	wrdreg s28  }
0x17: {  	v45 =	vadd.s32 $0x8, v9;
	v46 =	vadd.s32 $0x7, v9;
	v47 =	vadd.s32 $0x6, v9;
	s5 =	sshrl.u32 s1, $0x1;
	s30 =	sadd.s32 $0x8A00, s0;
	[dreg:$0x14] =	wrdreg s29  }
0x18: {  	v25 =	vmul.u32 $0x2, v9;
	v24 =	vunpack.c.0.s8.s32 v0;
	v49 =	vor.u32 $0x1, v48;
	s1 =	ssub.s32 s1, s5;
	s0 =	sadd.s32 $0x9200, s0;
	[dreg:$0x15] =	wrdreg s30  }
0x19: {  	v50 =	vor.u32 $0x2, v48;
	v51 =	vor.u32 $0x3, v48;
	v52 =	vor.u32 $0x4, v48;
	s31 =	smax.u32 s1, $0x1;
	s1 =	simm.s32 $0x0;
	[dreg:$0x16] =	wrdreg s0  }
0x1a: {  	v53 =	vor.u32 $0x5, v48;
	v54 =	vor.u32 $0x6, v48;
	v55 =	vor.u32 $0x7, v48;
	[dreg:$0x17] =	wrdreg s31;
	s3 =	simm.s32 $0x80;
	s18 =	simm.s32 $0x180  }
.LBB2_1:
0x1b: {  	[dreg:$0x18] =	wrdreg s1  }
0x1c: {  	s0 =	rddreg [dreg:$0x6];
	s24 =	simm.s32 $0x6  }
0x1d: {  	[tilespmem:s6], [sflag:$0x6] =	stream.linear.gather [hbm4b:s0+s6], $0x108, $0x38;
	[tilespmem:$0x8B80] =	vst v63  }
0x1e: {  	_ =	swait.ge [sflag:s24], $0x108  }
0x1f: {  	[sflag:s24] =	ssyncset.done $0x0  }
0x20: {  	s2 =	simm.s32 $0x300;
	s25 =	rddreg [dreg:$0x4];
	[sflag:s24] =	ssyncadd.s32 $0xFFFFFEF8  }
0x21: {  	[tilespmem:s2], [sflag:$0x6] =	stream.linear.gather [hbm4b:s25+s6], $0x80, $0x38;
	[tilespmem:$0x8B80] =	vst v63  }
0x22: {  	_ =	swait.ge [sflag:s24], $0x80  }
0x23: {  	[sflag:s24] =	ssyncset.done $0x0  }
0x24: {  	[sflag:s24] =	ssyncadd.s32 $0xFFFFFF80  }
0x25: {  	s26 =	rddreg [dreg:$0x1]  }
0x26: {  	[tilespmem:s18], [sflag:$0x1] =	stream.indirect.gather [hbm4b:s26+s3], $0x1, s6, s3, $0xb8;
	[tilespmem:$0x8B80] =	vst v63  }
0x27: {  	s28 =	simm.s32 $0x200;
	s29 =	simm.s32 $0x8  }
0x28: {  	[tilespmem:s28], [sflag:$0x1] =	stream.indirect.gather [hbm4b:s26+s3], $0x1, s3, s3, $0xb8;
	[tilespmem:$0x8B80] =	vst v63  }
0x29: {  	s30 =	simm.s32 $0x100;
	s4 =	simm.s32 $0x280;
	s31 =	simm.s32 $0x1  }
0x2a: {  	[tilespmem:s4], [sflag:$0x1] =	stream.indirect.gather [hbm4b:s26+s29], $0x1, s30, s29, $0xb8;
	[tilespmem:$0x8B80] =	vst v63  }
0x2b: {  	_ =	swait.ge [sflag:s31], $0x80  }
0x2c: {  	[sflag:s31] =	ssyncset.done $0x0  }
0x2d: {  	[sflag:s31] =	ssyncadd.s32 $0xFFFFFF80  }
0x2e: {  	_ =	swait.ge [sflag:s31], $0x80  }
0x2f: {  	v0 =	vimm.s32 $0x8;
	[sflag:s31] =	ssyncset.done $0x0  }
0x30: {  	[sflag:s31] =	ssyncadd.s32 $0xFFFFFF80  }
0x31: {  	_ =	swait.ge [sflag:s31], $0x8  }
0x32: {  	[sflag:s31] =	ssyncset.done $0x0  }
0x33: {  	[sflag:s31] =	ssyncadd.s32 $0xFFFFFFF8  }
0x34: {  	v34 =	vimm.s32 $0x9;
	v0 =	vld.idx.msk [tilespmem:v0+s2+$0x0], $0xffff;
	_ =	sdelay $0x4  }
0x35: {  	v35 =	vimm.s32 $0xB;
	[tilespmem:$0x1FF10] =	vst v0;
	v0 =	vld.idx.msk [tilespmem:v34+s2+$0x0], $0xffff;
	_ =	sdelay $0x4  }
0x36: {  	v36 =	vimm.s32 $0xC;
	[tilespmem:$0x1FF20] =	vst v0;
	v0 =	vld.idx.msk [tilespmem:v35+s2+$0x0], $0xffff;
	_ =	sdelay $0x4  }
0x37: {  	v37 =	vimm.s32 $0xE;
	[tilespmem:$0x1FF30] =	vst v0;
	v0 =	vld.idx.msk [tilespmem:v36+s2+$0x0], $0xffff;
	_ =	sdelay $0x4  }
0x38: {  	v38 =	vimm.s32 $0xF;
	[tilespmem:$0x1FF40] =	vst v0;
	v0 =	vld.idx.msk [tilespmem:v37+s2+$0x0], $0xffff;
	_ =	sdelay $0x4  }
0x39: {  	v39 =	vimm.s32 $0x11;
	[tilespmem:$0x1FF50] =	vst v0;
	v0 =	vld.idx.msk [tilespmem:v38+s2+$0x0], $0xffff;
	_ =	sdelay $0x4  }
0x3a: {  	v40 =	vimm.s32 $0x12;
	[tilespmem:$0x1FF60] =	vst v0;
	v0 =	vld.idx.msk [tilespmem:v39+s2+$0x0], $0xffff;
	_ =	sdelay $0x4  }
0x3b: {  	v41 =	vimm.s32 $0x14;
	[tilespmem:$0x1FF70] =	vst v0;
	v0 =	vld.idx.msk [tilespmem:v40+s2+$0x0], $0xffff;
	_ =	sdelay $0x4  }
0x3c: {  	v42 =	vimm.s32 $0x15;
	[tilespmem:$0x1FF80] =	vst v0;
	v0 =	vld.idx.msk [tilespmem:v41+s2+$0x0], $0xffff;
	_ =	sdelay $0x4  }
0x3d: {  	v43 =	vimm.s32 $0x16;
	[tilespmem:$0x1FF90] =	vst v0;
	v0 =	vld.idx.msk [tilespmem:v42+s2+$0x0], $0xffff;
	_ =	sdelay $0x4  }
0x3e: {  	v44 =	vimm.s32 $0x17;
	[tilespmem:$0x1FFA0] =	vst v0;
	v0 =	vld.idx.msk [tilespmem:v43+s2+$0x0], $0xffff;
	_ =	sdelay $0x4  }
0x3f: {  	v56 =	vimm.s32 $0x18;
	[tilespmem:$0x1FFB0] =	vst v0;
	v0 =	vld.idx.msk [tilespmem:v44+s2+$0x0], $0xffff;
	_ =	sdelay $0x4  }
0x40: {  	v57 =	vimm.s32 $0x19;
	[tilespmem:$0x1FFC0] =	vst v0;
	v0 =	vld.idx.msk [tilespmem:v56+s2+$0x0], $0xffff;
	_ =	sdelay $0x4  }
0x41: {  	v58 =	vimm.s32 $0x1A;
	[tilespmem:$0x1FFD0] =	vst v0;
	v0 =	vld.idx.msk [tilespmem:v57+s2+$0x0], $0xffff  }
0x42: {  	v59 =	vimm.s32 $0x1B  }
0x43: {  	v62 =	vimm.s32 $0x1E  }
0x44: {  	v60 =	vimm.s32 $0x1C  }
0x45: {  	v63 =	vimm.s32 $0x1F  }
0x46: {  	v61 =	vimm.s32 $0x1D;
	[tilespmem:$0x1FFE0] =	vst v0;
	v0 =	vld.idx.msk [tilespmem:v58+s2+$0x0], $0xffff  }
0x47: {  	v56 =	vld.idx.msk [tilespmem:v59+s2+$0x0], $0xffff  }
0x48: {  	v59 =	vld.idx.msk [tilespmem:v62+s2+$0x0], $0xffff  }
0x49: {  	v57 =	vld.idx.msk [tilespmem:v60+s2+$0x0], $0xffff  }
0x4a: {  	v60 =	vld.idx.msk [tilespmem:v63+s2+$0x0], $0xffff  }
0x4b: {  	s19 =	simm.s32 $0x0;
	s0 =	simm.s32 $0x0;
	v58 =	vld.idx.msk [tilespmem:v61+s2+$0x0], $0xffff;
	[tilespmem:$0x1FFF0] =	vst v0  }
.LBB2_2:
0x4c: {  	v0 =	vadd.s32 s0, v46  }
0x4d: {  	v1 =	vadd.s32 s0, v45;
	_ =	sdelay $0x2  }
0x4e: {  	[dreg:$0x19] =	wrdreg s0  }
0x4f: {  	s23 =	rddreg [dreg:$0x3];
	v0 =	vld.idx.msk [tilespmem:v0+s18+$0x0], $0xffff  }
0x50: {  	s1 =	rddreg [dreg:$0x19];
	v1 =	vld.idx.msk [tilespmem:v1+s18+$0x0], $0xffff  }
0x51: {  	s15 =	sor.u32 s23, s1  }
0x52: {  	v2 =	vmov s15  }
0x53: {  	vm9 =	veq.s32 v2, v9  }
0x54: {  	v0 =	vsel vm9, $0x0, v0  }
0x55: {  	v1 =	vcvt.s32.f32 v1;
	v0 =	vcvt.s32.f32 v0  }
0x56: {  	v6 =	vld [tilespmem:$0x1FF10]  }
0x57: {  	v7 =	vld [tilespmem:$0x1FF20];
	v63 =	vshrl.u32 v1, $0x10;
	v3 =	vshrl.u32 v0, $0x10  }
0x58: {  	v2 =	vand.u32 $0x1, v63;
	v3 =	vand.u32 $0x1, v3  }
0x59: {  	v1 =	vadd.s32 v2, v1;
	v0 =	vadd.s32 v3, v0  }
0x5a: {  	v1 =	vadd.s32 $0x7FFF, v1;
	v0 =	vadd.s32 $0x7FFF, v0  }
0x5b: {  	v3 =	vand.u32 $0xFFFF0000, v1;
	v4 =	vand.u32 $0xFFFF0000, v0  }
0x5c: {  	v1 =	vmul.f32 v3, v7;
	v0 =	vmul.f32 v4, v6;
	_ =	sdelay $0x1  }
0x5d: {  	v5 =	vmul.f32 $1.525878910e-05, v1;
	v12 =	vmul.f32 $1.525878910e-05, v0;
	_ =	sdelay $0x1  }
0x5e: {  	v5 =	vtrunc.f32 v5;
	v2 =	vtrunc.f32 v12  }
0x5f: {  	v5 =	vcvt.f32.s32 v5;
	v2 =	vcvt.f32.s32 v2;
	_ =	sdelay $0x1  }
0x60: {  	v7 =	vcvt.s32.f32 v5;
	v6 =	vcvt.s32.f32 v2;
	_ =	sdelay $0x1  }
0x61: {  	v7 =	vmul.f32 $6.553600000e+04, v7;
	v6 =	vmul.f32 $6.553600000e+04, v6;
	_ =	sdelay $0x1  }
0x62: {  	v1 =	vsub.f32 v1, v7;
	v0 =	vsub.f32 v0, v6;
	_ =	sdelay $0x1  }
0x63: {  	v1 =	vtrunc.f32 v1;
	v0 =	vtrunc.f32 v0  }
0x64: {  	v2 =	vadd.s32 v5, v2;
	v1 =	vcvt.f32.s32 v1;
	v0 =	vcvt.f32.s32 v0  }
0x65: {  	v2 =	vcvt.s32.f32 v2  }
0x66: {  	v0 =	vadd.s32 v1, v0  }
0x67: {  	v13 =	vmul.f32 $6.553600000e+04, v2;
	v0 =	vcvt.s32.f32 v0;
	_ =	sdelay $0x1  }
0x68: {  	v0 =	vadd.f32 v0, v13;
	_ =	sdelay $0x1  }
0x69: {  	v1 =	vmul.f32 $5.960464480e-08, v0;
	_ =	sdelay $0x1  }
0x6a: {  	v16 =	vld [tilespmem:$0x1FF40];
	v1 =	vtrunc.f32 v1  }
0x6b: {  	v1 =	vcvt.f32.s32 v1  }
0x6c: {  	v15 =	vld [tilespmem:$0x1FF30]  }
0x6d: {  	v14 =	vcvt.s32.f32 v1;
	_ =	sdelay $0x1  }
0x6e: {  	v5 =	vmul.f32 v3, v16;
	v2 =	vmul.f32 $1.677721600e+07, v14;
	_ =	sdelay $0x1  }
0x6f: {  	v18 =	vmul.f32 $1.525878910e-05, v5;
	v0 =	vsub.f32 v0, v2;
	v2 =	vmul.f32 v4, v15;
	_ =	sdelay $0x1  }
0x70: {  	v7 =	vtrunc.f32 v18;
	v17 =	vmul.f32 $1.525878910e-05, v2  }
0x71: {  	v20 =	vcvt.f32.s32 v7  }
0x72: {  	v0 =	vtrunc.f32 v0;
	v6 =	vtrunc.f32 v17  }
0x73: {  	v1 =	vmul.u32 $0x12BAB, v1;
	v0 =	vcvt.f32.s32 v0;
	v19 =	vcvt.f32.s32 v6  }
0x74: {  	v7 =	vcvt.s32.f32 v20  }
0x75: {  	v61 =	vadd.s32 v0, v1;
	v6 =	vcvt.s32.f32 v19  }
0x76: {  	v7 =	vmul.f32 $6.553600000e+04, v7;
	(v2sf) =	vpush v61, $0xD  }
0x77: {  	(v2sf) =	vpush v61, $0xC;
	v6 =	vmul.f32 $6.553600000e+04, v6  }
0x78: {  	v5 =	vsub.f32 v5, v7  }
0x79: {  	v2 =	vsub.f32 v2, v6  }
0x7a: {  	v5 =	vtrunc.f32 v5;
	(v2sf) =	vpush v61, $0xE  }
0x7b: {  	v5 =	vcvt.f32.s32 v5;
	(v2sf) =	vpush v61, $0xF;
	v2 =	vtrunc.f32 v2  }
0x7c: {  	v0 =	vadd.s32 v20, v19;
	(v2sf) =	vpush v61, $0x9;
	v2 =	vcvt.f32.s32 v2  }
0x7d: {  	v0 =	vcvt.s32.f32 v0  }
0x7e: {  	v21 =	vadd.s32 v5, v2  }
0x7f: {  	v0 =	vmul.f32 $6.553600000e+04, v0;
	(v2sf) =	vpush v61, $0x8;
	v1 =	vcvt.s32.f32 v21  }
0x80: {  	(v2sf) =	vpush v61, $0xA  }
0x81: {  	(v2sf) =	vpush v61, $0xB;
	v0 =	vadd.f32 v1, v0;
	_ =	sdelay $0x1  }
0x82: {  	(v2sf) =	vpush v61, $0x0;
	v1 =	vmul.f32 $5.960464480e-08, v0;
	_ =	sdelay $0x1  }
0x83: {  	s24 =	spop (v2sf);
	v1 =	vtrunc.f32 v1  }
0x84: {  	s26 =	spop (v2sf);
	(v2sf) =	vpush v61, $0x1;
	v1 =	vcvt.f32.s32 v1  }
0x85: {  	s25 =	smulhi.u32 $0xA7C4627, s24;
	s0 =	sshra.s32 s24, $0x1F  }
0x86: {  	s13 =	smul.u32 $0xA7C4627, s0;
	v22 =	vcvt.s32.f32 v1  }
0x87: {  	s28 =	smulhi.u32 $0xA7C4627, s26;
	s0 =	sshra.s32 s26, $0x1F;
	s29 =	spop (v2sf);
	(v2sf) =	vpush v61, $0x2  }
0x88: {  	s7 =	smul.u32 $0xA7C4627, s0;
	s30 =	spop (v2sf);
	(v2sf) =	vpush v61, $0x3;
	v2 =	vmul.f32 $1.677721600e+07, v22  }
0x89: {  	s22 =	smulhi.u32 $0xA7C4627, s29;
	s0 =	sshra.s32 s29, $0x1F;
	s31 =	spop (v2sf);
	(v2sf) =	vpush v61, $0x4  }
0x8a: {  	s11 =	smul.u32 $0xA7C4627, s0;
	v0 =	vsub.f32 v0, v2  }
0x8b: {  	s23 =	smulhi.u32 $0xA7C4627, s30;
	s0 =	sshra.s32 s30, $0x1F;
	(v2sf) =	vpush v61, $0x5  }
0x8c: {  	s26 =	smul.u32 $0xA7C4627, s0;
	s1 =	spop (v2sf);
	v0 =	vtrunc.f32 v0  }
0x8d: {  	s24 =	smulhi.u32 $0xA7C4627, s31;
	s0 =	sshra.s32 s31, $0x1F;
	v1 =	vmul.u32 $0x12BAB, v1;
	s2 =	spop (v2sf);
	(v2sf) =	vpush v61, $0x6;
	v0 =	vcvt.f32.s32 v0  }
0x8e: {  	s9 =	smul.u32 $0xA7C4627, s0;
	s3 =	spop (v2sf);
	(v2sf) =	vpush v61, $0x7  }
0x8f: {  	[smem:$0x759] =	sst s25;
	s25 =	smulhi.u32 $0xA7C4627, s1;
	s0 =	sshra.s32 s1, $0x1F;
	v62 =	vadd.s32 v0, v1  }
0x90: {  	s10 =	smul.u32 $0xA7C4627, s0;
	s4 =	spop (v2sf);
	(v2sf) =	vpush v62, $0xD  }
0x91: {  	[smem:$0x75A] =	sst s28;
	s28 =	smulhi.u32 $0xA7C4627, s2;
	s0 =	sshra.s32 s2, $0x1F  }
0x92: {  	s14 =	smul.u32 $0xA7C4627, s0  }
0x93: {  	s29 =	smulhi.u32 $0xA7C4627, s3;
	s0 =	sshra.s32 s3, $0x1F;
	s5 =	spop (v2sf);
	(v2sf) =	vpush v62, $0xC  }
0x94: {  	s8 =	smul.u32 $0xA7C4627, s0  }
0x95: {  	[dreg:$0x1a] =	wrdreg s19;
	s30 =	smulhi.u32 $0xA7C4627, s4  }
0x96: {  	s31 =	smulhi.u32 $0xA7C4627, s5;
	s2 =	spop (v2sf);
	(v2sf) =	vpush v62, $0xE  }
0x97: {  	s0 =	sshra.s32 s4, $0x1F;
	s3 =	smulhi.u32 $0xA7C4627, s2;
	s6 =	spop (v2sf)  }
0x98: {  	v23 =	vld [tilespmem:$0x1FF50];
	s2 =	sshra.s32 s2, $0x1F;
	s4 =	smulhi.u32 $0xA7C4627, s6;
	s12 =	spop (v2sf)  }
0x99: {  	v28 =	vld [tilespmem:$0x1FF60];
	(v2sf) =	vpush v62, $0xF;
	[smem:$0x75B] =	sst s3;
	s3 =	smul.u32 $0xA7C4627, s2  }
0x9a: {  	s1 =	sshra.s32 s5, $0x1F;
	s5 =	smulhi.u32 $0xA7C4627, s12;
	s16 =	spop (v2sf)  }
0x9b: {  	(v2sf) =	vpush v62, $0x9;
	[smem:$0x75C] =	sst s4;
	s4 =	sshra.s32 s12, $0x1F;
	s17 =	smulhi.u32 $0xA7C4627, s16  }
0x9c: {  	s19 =	spop (v2sf);
	s12 =	smul.u32 $0xA7C4627, s4  }
0x9d: {  	(v2sf) =	vpush v62, $0x8;
	s4 =	sshra.s32 s16, $0x1F;
	s20 =	smulhi.u32 $0xA7C4627, s19;
	s21 =	spop (v2sf)  }
0x9e: {  	v5 =	vmul.f32 v3, v28;
	v2 =	vmul.f32 v4, v23;
	s2 =	sshra.s32 s6, $0x1F;
	[smem:$0x75E] =	sst s17;
	s6 =	smul.u32 $0xA7C4627, s4  }
0x9f: {  	(v2sf) =	vpush v62, $0xA;
	s4 =	sshra.s32 s19, $0x1F;
	s17 =	smulhi.u32 $0xA7C4627, s21;
	s19 =	spop (v2sf)  }
0xa0: {  	v30 =	vmul.f32 $1.525878910e-05, v5;
	v29 =	vmul.f32 $1.525878910e-05, v2;
	[smem:$0x75D] =	sst s5;
	s16 =	smul.u32 $0xA7C4627, s4;
	s5 =	sshra.s32 s19, $0x1F  }
0xa1: {  	[smem:$0x75F] =	sst s20;
	s5 =	smul.u32 $0xA7C4627, s5  }
0xa2: {  	v32 =	vtrunc.f32 v30;
	v31 =	vtrunc.f32 v29;
	(v2sf) =	vpush v62, $0xB;
	[smem:$0x760] =	sst s17;
	s20 =	spop (v2sf)  }
0xa3: {  	v0 =	vcvt.f32.s32 v31;
	v1 =	vcvt.f32.s32 v32;
	s17 =	smulhi.u32 $0xA7C4627, s19;
	[smem:$0x762] =	sst s5;
	s5 =	sshra.s32 s20, $0x1F  }
0xa4: {  	(v2sf) =	vpush v62, $0x0;
	s5 =	smul.u32 $0xA7C4627, s5  }
0xa5: {  	v33 =	vcvt.s32.f32 v0;
	v34 =	vcvt.s32.f32 v1;
	s4 =	sshra.s32 s21, $0x1F;
	(v2sf) =	vpush v62, $0x1;
	s21 =	smulhi.u32 $0xA7C4627, s20;
	s19 =	spop (v2sf)  }
0xa6: {  	s20 =	smulhi.u32 $0xA7C4627, s19;
	[smem:$0x764] =	sst s5;
	s5 =	sshra.s32 s19, $0x1F  }
0xa7: {  	v6 =	vmul.f32 $6.553600000e+04, v33;
	v7 =	vmul.f32 $6.553600000e+04, v34;
	[smem:$0x763] =	sst s21;
	s5 =	smul.u32 $0xA7C4627, s5  }
0xa8: {  	s21 =	spop (v2sf);
	[smem:$0x765] =	sst s20  }
0xa9: {  	v2 =	vsub.f32 v2, v6;
	v5 =	vsub.f32 v5, v7;
	s19 =	smulhi.u32 $0xA7C4627, s21;
	[smem:$0x766] =	sst s5;
	s5 =	sshra.s32 s21, $0x1F  }
0xaa: {  	(v2sf) =	vpush v62, $0x2;
	s20 =	spop (v2sf);
	s5 =	smul.u32 $0xA7C4627, s5  }
0xab: {  	v0 =	vadd.s32 v1, v0;
	v2 =	vtrunc.f32 v2;
	v5 =	vtrunc.f32 v5;
	[smem:$0x767] =	sst s19;
	s21 =	smulhi.u32 $0xA7C4627, s20  }
0xac: {  	v2 =	vcvt.f32.s32 v2;
	v5 =	vcvt.f32.s32 v5;
	(v2sf) =	vpush v62, $0x3;
	s19 =	spop (v2sf);
	[smem:$0x768] =	sst s5;
	s5 =	sshra.s32 s20, $0x1F  }
0xad: {  	v0 =	vcvt.s32.f32 v0;
	[smem:$0x769] =	sst s21;
	s5 =	smul.u32 $0xA7C4627, s5  }
0xae: {  	v35 =	vadd.s32 v5, v2;
	s21 =	spop (v2sf);
	s20 =	smulhi.u32 $0xA7C4627, s19  }
0xaf: {  	v0 =	vmul.f32 $6.553600000e+04, v0;
	v1 =	vcvt.s32.f32 v35;
	[smem:$0x76A] =	sst s5;
	s5 =	sshra.s32 s19, $0x1F;
	s19 =	smulhi.u32 $0xA7C4627, s21  }
0xb0: {  	[smem:$0x76B] =	sst s20;
	s5 =	smul.u32 $0xA7C4627, s5  }
0xb1: {  	v0 =	vadd.f32 v1, v0;
	(v2sf) =	vpush v62, $0x4;
	s20 =	spop (v2sf);
	[smem:$0x76D] =	sst s19  }
0xb2: {  	[smem:$0x76C] =	sst s5;
	s5 =	sshra.s32 s21, $0x1F;
	s21 =	smulhi.u32 $0xA7C4627, s20  }
0xb3: {  	v1 =	vmul.f32 $5.960464480e-08, v0;
	s19 =	spop (v2sf);
	s5 =	smul.u32 $0xA7C4627, s5  }
0xb4: {  	[smem:$0x76F] =	sst s21;
	s21 =	spop (v2sf)  }
0xb5: {  	v1 =	vtrunc.f32 v1;
	(v2sf) =	vpush v62, $0x5;
	[smem:$0x76E] =	sst s5;
	s5 =	sshra.s32 s20, $0x1F;
	s20 =	smulhi.u32 $0xA7C4627, s19  }
0xb6: {  	[smem:$0x761] =	sst s17;
	v1 =	vcvt.f32.s32 v1;
	s17 =	sshra.s32 s21, $0x1F;
	s5 =	smul.u32 $0xA7C4627, s5  }
0xb7: {  	s17 =	smul.u32 $0xA7C4627, s17  }
0xb8: {  	v36 =	vcvt.s32.f32 v1;
	[smem:$0x771] =	sst s20;
	s20 =	smulhi.u32 $0xA7C4627, s21  }
0xb9: {  	(v2sf) =	vpush v62, $0x6;
	s21 =	spop (v2sf);
	[smem:$0x770] =	sst s5  }
0xba: {  	v2 =	vmul.f32 $1.677721600e+07, v36;
	s5 =	sshra.s32 s19, $0x1F;
	[smem:$0x773] =	sst s17;
	s19 =	smulhi.u32 $0xA7C4627, s21  }
0xbb: {  	s17 =	sshra.s32 s21, $0x1F;
	s21 =	spop (v2sf);
	[smem:$0x772] =	sst s20  }
0xbc: {  	v0 =	vsub.f32 v0, v2;
	s20 =	rddreg [dreg:$0x19];
	s17 =	smul.u32 $0xA7C4627, s17  }
0xbd: {  	v8 =	vadd.s32 s20, v47;
	s20 =	smulhi.u32 $0xA7C4627, s21  }
0xbe: {  	v0 =	vtrunc.f32 v0;
	(v2sf) =	vpush v62, $0x7;
	[smem:$0x774] =	sst s17  }
0xbf: {  	v1 =	vmul.u32 $0x12BAB, v1;
	v0 =	vcvt.f32.s32 v0;
	s17 =	sshra.s32 s21, $0x1F;
	[smem:$0x775] =	sst s20  }
0xc0: {  	s20 =	smul.u32 $0xA7C4627, s17;
	s17 =	spop (v2sf)  }
0xc1: {  	v63 =	vadd.s32 v0, v1;
	s21 =	smulhi.u32 $0xA7C4627, s17  }
0xc2: {  	(v2sf) =	vpush v63, $0xD  }
0xc3: {  	s17 =	sshra.s32 s17, $0x1F;
	[smem:$0x776] =	sst s21  }
0xc4: {  	s21 =	smul.u32 $0xA7C4627, s17;
	s17 =	spop (v2sf)  }
0xc5: {  	v43 =	vld.idx.msk [tilespmem:v8+s18+$0x0], $0xffff;
	s18 =	smulhi.u32 $0xA7C4627, s17;
	s17 =	sshra.s32 s17, $0x1F  }
0xc6: {  	(v2sf) =	vpush v63, $0xC;
	s17 =	smul.u32 $0xA7C4627, s17;
	_ =	sdelay $0x1  }
0xc7: {  	[smem:$0x777] =	sst s17;
	s17 =	spop (v2sf)  }
0xc8: {  	v44 =	vor.u32 s15, v9;
	s15 =	smulhi.u32 $0xA7C4627, s17  }
0xc9: {  	s17 =	sshra.s32 s17, $0x1F  }
0xca: {  	(v2sf) =	vpush v63, $0xE;
	[smem:$0x778] =	sst s15;
	s15 =	smul.u32 $0xA7C4627, s17  }
0xcb: {  	_ = 	snop  }
0xcc: {  	[smem:$0x779] =	sst s15;
	s15 =	spop (v2sf)  }
0xcd: {  	s17 =	smulhi.u32 $0xA7C4627, s15;
	s15 =	sshra.s32 s15, $0x1F  }
0xce: {  	(v2sf) =	vpush v63, $0xF;
	s15 =	smul.u32 $0xA7C4627, s15;
	_ =	sdelay $0x1  }
0xcf: {  	[smem:$0x77B] =	sst s15;
	s15 =	spop (v2sf)  }
0xd0: {  	[smem:$0x77A] =	sst s17;
	s17 =	smulhi.u32 $0xA7C4627, s15;
	s15 =	sshra.s32 s15, $0x1F  }
0xd1: {  	(v2sf) =	vpush v63, $0x9;
	s15 =	smul.u32 $0xA7C4627, s15;
	_ =	sdelay $0x1  }
0xd2: {  	(v2sf) =	vpush v63, $0x8;
	[smem:$0x77D] =	sst s15;
	s15 =	spop (v2sf)  }
0xd3: {  	(v2sf) =	vpush v63, $0xA;
	[smem:$0x77C] =	sst s17;
	s17 =	smulhi.u32 $0xA7C4627, s15  }
0xd4: {  	(v2sf) =	vpush v63, $0xB;
	s15 =	sshra.s32 s15, $0x1F  }
0xd5: {  	v37 =	vld [tilespmem:$0x1FF70];
	(v2sf) =	vpush v63, $0x0;
	s15 =	smul.u32 $0xA7C4627, s15;
	[smem:$0x77E] =	sst s17  }
0xd6: {  	v38 =	vld [tilespmem:$0x1FF80];
	(v2sf) =	vpush v63, $0x1  }
0xd7: {  	[smem:$0x77F] =	sst s15;
	s15 =	spop (v2sf)  }
0xd8: {  	s17 =	smulhi.u32 $0xA7C4627, s15;
	s15 =	sshra.s32 s15, $0x1F  }
0xd9: {  	s15 =	smul.u32 $0xA7C4627, s15;
	_ =	sdelay $0x1  }
0xda: {  	[smem:$0x781] =	sst s15;
	s15 =	spop (v2sf)  }
0xdb: {  	v5 =	vmul.f32 v3, v38;
	v2 =	vmul.f32 v4, v37;
	[smem:$0x780] =	sst s17;
	s17 =	smulhi.u32 $0xA7C4627, s15;
	s15 =	sshra.s32 s15, $0x1F  }
0xdc: {  	s15 =	smul.u32 $0xA7C4627, s15  }
0xdd: {  	v40 =	vmul.f32 $1.525878910e-05, v5;
	v39 =	vmul.f32 $1.525878910e-05, v2  }
0xde: {  	[smem:$0x783] =	sst s15;
	s15 =	spop (v2sf)  }
0xdf: {  	v7 =	vtrunc.f32 v40;
	v6 =	vtrunc.f32 v39;
	[smem:$0x782] =	sst s17;
	s17 =	smulhi.u32 $0xA7C4627, s15;
	s15 =	sshra.s32 s15, $0x1F  }
0xe0: {  	v42 =	vcvt.f32.s32 v7;
	v41 =	vcvt.f32.s32 v6;
	s15 =	smul.u32 $0xA7C4627, s15;
	_ =	sdelay $0x1  }
0xe1: {  	v7 =	vcvt.s32.f32 v42;
	v6 =	vcvt.s32.f32 v41;
	[smem:$0x785] =	sst s15;
	s15 =	spop (v2sf)  }
0xe2: {  	[smem:$0x784] =	sst s17;
	s17 =	smulhi.u32 $0xA7C4627, s15;
	s15 =	sshra.s32 s15, $0x1F  }
0xe3: {  	v7 =	vmul.f32 $6.553600000e+04, v7;
	v6 =	vmul.f32 $6.553600000e+04, v6;
	s15 =	smul.u32 $0xA7C4627, s15;
	_ =	sdelay $0x1  }
0xe4: {  	v5 =	vsub.f32 v5, v7;
	v2 =	vsub.f32 v2, v6;
	[smem:$0x787] =	sst s15;
	s15 =	spop (v2sf)  }
0xe5: {  	(v2sf) =	vpush v63, $0x2;
	[smem:$0x786] =	sst s17;
	s17 =	smulhi.u32 $0xA7C4627, s15;
	s15 =	sshra.s32 s15, $0x1F  }
0xe6: {  	v5 =	vtrunc.f32 v5;
	v2 =	vtrunc.f32 v2;
	s15 =	smul.u32 $0xA7C4627, s15  }
0xe7: {  	v5 =	vcvt.f32.s32 v5;
	v0 =	vadd.s32 v42, v41;
	v2 =	vcvt.f32.s32 v2  }
0xe8: {  	v0 =	vcvt.s32.f32 v0;
	[smem:$0x789] =	sst s15;
	s15 =	spop (v2sf)  }
0xe9: {  	v2 =	vadd.s32 v5, v2;
	(v2sf) =	vpush v63, $0x3;
	[smem:$0x788] =	sst s17;
	s17 =	smulhi.u32 $0xA7C4627, s15;
	s15 =	sshra.s32 s15, $0x1F  }
0xea: {  	v0 =	vmul.f32 $6.553600000e+04, v0;
	v2 =	vcvt.s32.f32 v2;
	s15 =	smul.u32 $0xA7C4627, s15;
	_ =	sdelay $0x1  }
0xeb: {  	v0 =	vadd.f32 v2, v0;
	[smem:$0x78B] =	sst s15;
	s15 =	spop (v2sf)  }
0xec: {  	[smem:$0x78A] =	sst s17;
	s17 =	smulhi.u32 $0xA7C4627, s15;
	s15 =	sshra.s32 s15, $0x1F  }
0xed: {  	v2 =	vmul.f32 $5.960464480e-08, v0;
	s15 =	smul.u32 $0xA7C4627, s15  }
0xee: {  	(v2sf) =	vpush v63, $0x4  }
0xef: {  	s11 =	sadd.s32 s11, s22;
	v2 =	vtrunc.f32 v2;
	[smem:$0x78D] =	sst s15;
	s15 =	spop (v2sf)  }
0xf0: {  	v2 =	vcvt.f32.s32 v2;
	(v2sf) =	vpush v63, $0x5;
	[smem:$0x78C] =	sst s17;
	s17 =	smulhi.u32 $0xA7C4627, s15;
	s15 =	sshra.s32 s15, $0x1F  }
0xf1: {  	s22 =	sadd.s32 s26, s23;
	[smem:$0x7AD] =	sst s11;
	s15 =	smul.u32 $0xA7C4627, s15  }
0xf2: {  	v13 =	vcvt.s32.f32 v2;
	[smem:$0x7AE] =	sst s22;
	(v2sf) =	vpush v63, $0x6  }
0xf3: {  	s9 =	sadd.s32 s9, s24;
	[smem:$0x78F] =	sst s15;
	s15 =	spop (v2sf)  }
0xf4: {  	v14 =	vmul.f32 $1.677721600e+07, v13;
	[smem:$0x78E] =	sst s17;
	s17 =	smulhi.u32 $0xA7C4627, s15;
	s15 =	sshra.s32 s15, $0x1F  }
0xf5: {  	s8 =	sadd.s32 s8, s29;
	[smem:$0x7AF] =	sst s9;
	s15 =	smul.u32 $0xA7C4627, s15  }
0xf6: {  	s0 =	smul.u32 $0xA7C4627, s0;
	v0 =	vsub.f32 v0, v14;
	[smem:$0x7B4] =	sst s8  }
0xf7: {  	[smem:$0x791] =	sst s15;
	s15 =	spop (v2sf)  }
0xf8: {  	s0 =	sadd.s32 s0, s30;
	v0 =	vtrunc.f32 v0;
	[smem:$0x790] =	sst s17;
	s17 =	smulhi.u32 $0xA7C4627, s15  }
0xf9: {  	s1 =	smul.u32 $0xA7C4627, s1;
	v2 =	vmul.u32 $0x12BAB, v2;
	v0 =	vcvt.f32.s32 v0;
	[smem:$0x7B2] =	sst s0  }
0xfa: {  	(v2sf) =	vpush v63, $0x7;
	s15 =	sshra.s32 s15, $0x1F;
	[smem:$0x792] =	sst s17  }
0xfb: {  	s1 =	sadd.s32 s1, s31;
	v0 =	vadd.s32 v0, v2;
	s15 =	smul.u32 $0xA7C4627, s15;
	s17 =	sld [smem:$0x759]  }
0xfc: {  	[smem:$0x7B5] =	sst s1;
	(v2sf) =	vpush v0, $0xD  }
0xfd: {  	[smem:$0x793] =	sst s15;
	s15 =	spop (v2sf)  }
0xfe: {  	s30 =	sld [smem:$0x75D];
	s13 =	sadd.s32 s13, s17;
	s17 =	smulhi.u32 $0xA7C4627, s15  }
0xff: {  	(v2sf) =	vpush v0, $0xC;
	[smem:$0x7AB] =	sst s13;
	s13 =	sshra.s32 s15, $0x1F;
	s15 =	spop (v2sf)  }
0x100: {  	[smem:$0x794] =	sst s17;
	s13 =	smul.u32 $0xA7C4627, s13  }
0x101: {  	s17 =	sld [smem:$0x75A];
	s23 =	spop (v2sf)  }
0x102: {  	s26 =	smulhi.u32 $0xA7C4627, s23;
	[smem:$0x795] =	sst s13  }
0x103: {  	s13 =	sadd.s32 s10, s25;
	s10 =	sld [smem:$0x75F]  }
0x104: {  	[smem:$0x797] =	sst s26  }
0x105: {  	[smem:$0x7B0] =	sst s13  }
0x106: {  	s26 =	sld [smem:$0x75B]  }
0x107: {  	(v2sf) =	vpush v0, $0xE;
	s7 =	sadd.s32 s7, s17;
	s17 =	smulhi.u32 $0xA7C4627, s15;
	s13 =	sld [smem:$0x760]  }
0x108: {  	[smem:$0x7AC] =	sst s7  }
0x109: {  	s7 =	sshra.s32 s15, $0x1F;
	s15 =	spop (v2sf);
	[smem:$0x796] =	sst s17  }
0x10a: {  	s11 =	smul.u32 $0xA7C4627, s7;
	s17 =	sadd.s32 s14, s28;
	s28 =	sld [smem:$0x75C]  }
0x10b: {  	s7 =	sshra.s32 s23, $0x1F;
	s22 =	spop (v2sf);
	[smem:$0x7B1] =	sst s17  }
0x10c: {  	s23 =	smulhi.u32 $0xA7C4627, s22;
	s24 =	sshra.s32 s22, $0x1F;
	s22 =	sld [smem:$0x763]  }
0x10d: {  	s7 =	smul.u32 $0xA7C4627, s7;
	s1 =	sadd.s32 s3, s26;
	s26 =	sld [smem:$0x766]  }
0x10e: {  	s25 =	spop (v2sf);
	[smem:$0x7B6] =	sst s1  }
0x10f: {  	s3 =	smulhi.u32 $0xA7C4627, s25;
	s0 =	sshra.s32 s25, $0x1F;
	s25 =	sld [smem:$0x765]  }
0x110: {  	s2 =	smul.u32 $0xA7C4627, s2;
	(v2sf) =	vpush v0, $0xF;
	[smem:$0x798] =	sst s7  }
0x111: {  	[smem:$0x799] =	sst s23  }
0x112: {  	s1 =	sadd.s32 s2, s28;
	s2 =	sld [smem:$0x75E]  }
0x113: {  	(v2sf) =	vpush v0, $0x9;
	s9 =	smulhi.u32 $0xA7C4627, s15;
	s7 =	sshra.s32 s15, $0x1F;
	s15 =	sld [smem:$0x761]  }
0x114: {  	s23 =	sld [smem:$0x764]  }
0x115: {  	s0 =	smul.u32 $0xA7C4627, s0;
	[smem:$0x7B7] =	sst s1  }
0x116: {  	s29 =	spop (v2sf);
	s1 =	sadd.s32 s12, s30;
	s30 =	sld [smem:$0x768]  }
0x117: {  	s31 =	smulhi.u32 $0xA7C4627, s29;
	[smem:$0x79A] =	sst s0  }
0x118: {  	[smem:$0x7B8] =	sst s1  }
0x119: {  	[smem:$0x79B] =	sst s31  }
0x11a: {  	(v2sf) =	vpush v0, $0x8;
	s0 =	sshra.s32 s29, $0x1F;
	s29 =	sld [smem:$0x767]  }
0x11b: {  	s1 =	sadd.s32 s6, s2;
	s2 =	sld [smem:$0x769]  }
0x11c: {  	s0 =	smul.u32 $0xA7C4627, s0;
	[smem:$0x7B9] =	sst s1  }
0x11d: {  	s1 =	sadd.s32 s16, s10;
	s16 =	sld [smem:$0x762]  }
0x11e: {  	s4 =	smul.u32 $0xA7C4627, s4;
	[smem:$0x79C] =	sst s0  }
0x11f: {  	(v2sf) =	vpush v0, $0xA;
	s6 =	spop (v2sf);
	[smem:$0x7BA] =	sst s1  }
0x120: {  	s12 =	smulhi.u32 $0xA7C4627, s6;
	s0 =	sshra.s32 s6, $0x1F;
	s6 =	sld [smem:$0x76A]  }
0x121: {  	s1 =	sadd.s32 s4, s13;
	s13 =	sld [smem:$0x76C]  }
0x122: {  	s14 =	spop (v2sf);
	[smem:$0x79D] =	sst s12  }
0x123: {  	s17 =	smulhi.u32 $0xA7C4627, s14;
	[smem:$0x7B3] =	sst s1  }
0x124: {  	s12 =	sld [smem:$0x76B]  }
0x125: {  	[smem:$0x79E] =	sst s17  }
0x126: {  	s8 =	smul.u32 $0xA7C4627, s7;
	s1 =	sadd.s32 s16, s15;
	s15 =	sld [smem:$0x76D]  }
0x127: {  	s7 =	smul.u32 $0xA7C4627, s24;
	s16 =	sld [smem:$0x76E]  }
0x128: {  	s4 =	smul.u32 $0xA7C4627, s0;
	s0 =	sshra.s32 s14, $0x1F;
	[smem:$0x7BC] =	sst s1  }
0x129: {  	s24 =	spop (v2sf);
	s1 =	sadd.s32 s23, s22;
	s22 =	sld [smem:$0x76F]  }
0x12a: {  	s0 =	smul.u32 $0xA7C4627, s0;
	s23 =	sld [smem:$0x770]  }
0x12b: {  	(v2sf) =	vpush v0, $0xB;
	s28 =	smulhi.u32 $0xA7C4627, s24;
	[smem:$0x7BB] =	sst s1  }
0x12c: {  	[smem:$0x79F] =	sst s0  }
0x12d: {  	[smem:$0x7A0] =	sst s28  }
0x12e: {  	s31 =	spop (v2sf);
	s1 =	sadd.s32 s26, s25;
	s25 =	sld [smem:$0x771]  }
0x12f: {  	s10 =	smulhi.u32 $0xA7C4627, s31;
	s28 =	sld [smem:$0x772]  }
0x130: {  	[smem:$0x7BD] =	sst s1  }
0x131: {  	vm9 =	vgt.u32 v44, $0x1;
	(v2sf) =	vpush v0, $0x0;
	[smem:$0x7A2] =	sst s10  }
0x132: {  	v1 =	vnsel vm9, $0x0, v43;
	s0 =	sshra.s32 s24, $0x1F;
	s1 =	sadd.s32 s30, s29;
	s29 =	sld [smem:$0x773]  }
0x133: {  	v1 =	vcvt.s32.f32 v1;
	s0 =	smul.u32 $0xA7C4627, s0;
	s10 =	sld [smem:$0x776]  }
0x134: {  	v15 =	vld [tilespmem:$0x1FF90];
	(v2sf) =	vpush v0, $0x1;
	[smem:$0x7BE] =	sst s1  }
0x135: {  	v12 =	vshrl.u32 v1, $0x10;
	v17 =	vld [tilespmem:$0x1FFA0];
	s1 =	sadd.s32 s6, s2;
	[smem:$0x7A1] =	sst s0  }
0x136: {  	v5 =	vand.u32 $0x1, v12;
	v8 =	vld [tilespmem:$0x1FFB0];
	[smem:$0x7C0] =	sst s1  }
0x137: {  	v1 =	vadd.s32 v5, v1;
	(v2sf) =	vpush v0, $0x2;
	s0 =	sshra.s32 s31, $0x1F;
	s31 =	sld [smem:$0x774]  }
0x138: {  	v1 =	vadd.s32 $0x7FFF, v1;
	s1 =	sadd.s32 s13, s12;
	s13 =	sld [smem:$0x777]  }
0x139: {  	v5 =	vand.u32 $0xFFFF0000, v1;
	[smem:$0x7BF] =	sst s1  }
0x13a: {  	v6 =	vmul.f32 v5, v15;
	v7 =	vmul.f32 v4, v17;
	s14 =	spop (v2sf);
	s1 =	sadd.s32 s16, s15;
	s15 =	sld [smem:$0x778]  }
0x13b: {  	v8 =	vmul.f32 v3, v8;
	s17 =	smulhi.u32 $0xA7C4627, s14;
	s16 =	sld [smem:$0x779]  }
0x13c: {  	v16 =	vmul.f32 $1.525878910e-05, v6;
	v9 =	vmul.f32 $1.525878910e-05, v7;
	[smem:$0x7C3] =	sst s1  }
0x13d: {  	v10 =	vmul.f32 $1.525878910e-05, v8;
	[smem:$0x7A4] =	sst s17  }
0x13e: {  	v1 =	vtrunc.f32 v16;
	v9 =	vtrunc.f32 v9;
	s17 =	sld [smem:$0x77A]  }
0x13f: {  	v10 =	vtrunc.f32 v10;
	v1 =	vcvt.f32.s32 v1;
	s0 =	smul.u32 $0xA7C4627, s0;
	s1 =	sadd.s32 s23, s22;
	s22 =	sld [smem:$0x77E]  }
0x140: {  	v9 =	vcvt.f32.s32 v9;
	v10 =	vcvt.f32.s32 v10;
	s24 =	spop (v2sf);
	s23 =	sld [smem:$0x77F]  }
0x141: {  	v18 =	vcvt.s32.f32 v1;
	s26 =	smulhi.u32 $0xA7C4627, s24;
	[smem:$0x7A3] =	sst s0  }
0x142: {  	s5 =	smul.u32 $0xA7C4627, s5;
	v11 =	vcvt.s32.f32 v9;
	v12 =	vcvt.s32.f32 v10;
	[smem:$0x7C5] =	sst s1  }
0x143: {  	v2 =	vmul.f32 $6.553600000e+04, v18;
	s30 =	spop (v2sf);
	[smem:$0x7A6] =	sst s26  }
0x144: {  	v11 =	vmul.f32 $6.553600000e+04, v11;
	v12 =	vmul.f32 $6.553600000e+04, v12;
	s2 =	smulhi.u32 $0xA7C4627, s30;
	s1 =	sadd.s32 s5, s25;
	s5 =	sld [smem:$0x775]  }
0x145: {  	v2 =	vsub.f32 v6, v2;
	[smem:$0x7C1] =	sst s1  }
0x146: {  	v19 =	vsub.f32 v7, v11;
	v20 =	vsub.f32 v8, v12;
	s6 =	spop (v2sf);
	[smem:$0x7A8] =	sst s2  }
0x147: {  	v2 =	vtrunc.f32 v2;
	s12 =	smulhi.u32 $0xA7C4627, s6;
	s1 =	sadd.s32 s29, s28;
	s2 =	sld [smem:$0x78C]  }
0x148: {  	v6 =	vtrunc.f32 v19;
	v7 =	vtrunc.f32 v20;
	[smem:$0x7C2] =	sst s1  }
0x149: {  	v8 =	vadd.s32 v10, v9;
	v6 =	vcvt.f32.s32 v6;
	v7 =	vcvt.f32.s32 v7;
	s0 =	sshra.s32 s14, $0x1F;
	[smem:$0x7AA] =	sst s12  }
0x14a: {  	v1 =	vadd.s32 v1, v8;
	v2 =	vcvt.f32.s32 v2;
	s0 =	smul.u32 $0xA7C4627, s0;
	s1 =	sadd.s32 s31, s19;
	s31 =	sld [smem:$0x781]  }
0x14b: {  	v1 =	vcvt.s32.f32 v1;
	v6 =	vadd.s32 v7, v6;
	s12 =	sld [smem:$0x784]  }
0x14c: {  	v2 =	vadd.s32 v2, v6;
	(v2sf) =	vpush v0, $0x3;
	[smem:$0x7A5] =	sst s0  }
0x14d: {  	v1 =	vmul.f32 $6.553600000e+04, v1;
	v2 =	vcvt.s32.f32 v2;
	[smem:$0x7C4] =	sst s1  }
0x14e: {  	(v2sf) =	vpush v0, $0x4;
	s1 =	sadd.s32 s20, s5;
	s20 =	sld [smem:$0x77C]  }
0x14f: {  	v1 =	vadd.f32 v2, v1;
	s5 =	sld [smem:$0x782]  }
0x150: {  	[smem:$0x7C6] =	sst s1  }
0x151: {  	v2 =	vmul.f32 $5.960464480e-08, v1;
	s1 =	sadd.s32 s21, s10;
	s21 =	sld [smem:$0x77D]  }
0x152: {  	(v2sf) =	vpush v0, $0x5;
	s0 =	sshra.s32 s24, $0x1F;
	[smem:$0x7C7] =	sst s1  }
0x153: {  	v2 =	vtrunc.f32 v2;
	s0 =	smul.u32 $0xA7C4627, s0;
	s1 =	sadd.s32 s13, s18;
	s18 =	sld [smem:$0x77B]  }
0x154: {  	v2 =	vcvt.f32.s32 v2;
	s13 =	sld [smem:$0x785]  }
0x155: {  	[smem:$0x7A7] =	sst s0  }
0x156: {  	v21 =	vcvt.s32.f32 v2;
	[smem:$0x7C9] =	sst s1  }
0x157: {  	(v2sf) =	vpush v0, $0x6;
	s0 =	sshra.s32 s30, $0x1F;
	s30 =	sld [smem:$0x780]  }
0x158: {  	v6 =	vmul.f32 $1.677721600e+07, v21;
	s1 =	sadd.s32 s16, s15;
	s15 =	sld [smem:$0x787]  }
0x159: {  	[smem:$0x7CA] =	sst s1  }
0x15a: {  	v1 =	vsub.f32 v1, v6;
	s0 =	smul.u32 $0xA7C4627, s0;
	s1 =	sadd.s32 s18, s17;
	s17 =	sld [smem:$0x788]  }
0x15b: {  	s14 =	spop (v2sf);
	s18 =	sld [smem:$0x789]  }
0x15c: {  	v1 =	vtrunc.f32 v1;
	s26 =	smulhi.u32 $0xA7C4627, s14;
	[smem:$0x7A9] =	sst s0  }
0x15d: {  	v2 =	vmul.u32 $0x12BAB, v2;
	v1 =	vcvt.f32.s32 v1;
	s19 =	spop (v2sf);
	[smem:$0x7C8] =	sst s1  }
0x15e: {  	s0 =	sshra.s32 s6, $0x1F;
	s1 =	sadd.s32 s21, s20;
	s6 =	sld [smem:$0x783]  }
0x15f: {  	v1 =	vadd.s32 v1, v2;
	(v2sf) =	vpush v0, $0x7;
	s28 =	smul.u32 $0xA7C4627, s0;
	[smem:$0x7CC] =	sst s1  }
0x160: {  	(v2sf) =	vpush v1, $0xD;
	s0 =	sshra.s32 s14, $0x1F;
	s1 =	sadd.s32 s23, s22;
	s14 =	sld [smem:$0x786]  }
0x161: {  	(v2sf) =	vpush v1, $0xC;
	s29 =	spop (v2sf);
	[smem:$0x7CB] =	sst s1  }
0x162: {  	s22 =	smulhi.u32 $0xA7C4627, s29;
	s1 =	sadd.s32 s31, s30;
	s30 =	sld [smem:$0x78B]  }
0x163: {  	s25 =	smul.u32 $0xA7C4627, s0;
	s0 =	sshra.s32 s19, $0x1F;
	[smem:$0x7CD] =	sst s1  }
0x164: {  	s23 =	smul.u32 $0xA7C4627, s0;
	s0 =	sshra.s32 s29, $0x1F;
	s29 =	sld [smem:$0x78A]  }
0x165: {  	s1 =	sadd.s32 s6, s5;
	s5 =	sld [smem:$0x78D]  }
0x166: {  	(v2sf) =	vpush v1, $0xE;
	s10 =	spop (v2sf);
	s6 =	sld [smem:$0x78E]  }
0x167: {  	s20 =	smulhi.u32 $0xA7C4627, s10;
	[smem:$0x7CF] =	sst s1  }
0x168: {  	s21 =	smul.u32 $0xA7C4627, s0;
	s0 =	sshra.s32 s10, $0x1F;
	s10 =	sld [smem:$0x78F]  }
0x169: {  	s1 =	sadd.s32 s13, s12;
	s13 =	sld [smem:$0x790]  }
0x16a: {  	[smem:$0x7D0] =	sst s1  }
0x16b: {  	s1 =	sadd.s32 s15, s14;
	s14 =	sld [smem:$0x791]  }
0x16c: {  	[smem:$0x7CE] =	sst s1;
	s1 =	sadd.s32 s18, s17  }
0x16d: {  	s24 =	smulhi.u32 $0xA7C4627, s19;
	[smem:$0x7D3] =	sst s1  }
0x16e: {  	s16 =	spop (v2sf);
	s1 =	sadd.s32 s30, s29;
	s29 =	sld [smem:$0x792]  }
0x16f: {  	s31 =	spop (v2sf);
	s21 =	sadd.s32 s21, s22;
	s30 =	sld [smem:$0x793]  }
0x170: {  	(v2sf) =	vpush v1, $0xF;
	s12 =	spop (v2sf);
	[smem:$0x7E6] =	sst s21  }
0x171: {  	s19 =	smul.u32 $0xA7C4627, s0;
	s0 =	sshra.s32 s16, $0x1F;
	[smem:$0x7D5] =	sst s1  }
0x172: {  	s18 =	smulhi.u32 $0xA7C4627, s16;
	s1 =	sadd.s32 s5, s2;
	s5 =	sld [smem:$0x794]  }
0x173: {  	s17 =	smul.u32 $0xA7C4627, s0;
	s19 =	sadd.s32 s19, s20;
	s2 =	sld [smem:$0x79B]  }
0x174: {  	(v2sf) =	vpush v1, $0x9;
	s16 =	smulhi.u32 $0xA7C4627, s31;
	[smem:$0x7E7] =	sst s19  }
0x175: {  	s0 =	sshra.s32 s31, $0x1F;
	s31 =	spop (v2sf);
	[smem:$0x7D1] =	sst s1  }
0x176: {  	s15 =	smul.u32 $0xA7C4627, s0;
	s1 =	sadd.s32 s10, s6;
	s6 =	sld [smem:$0x795]  }
0x177: {  	(v2sf) =	vpush v1, $0x8;
	s0 =	sshra.s32 s12, $0x1F;
	s17 =	sadd.s32 s17, s18;
	s10 =	sld [smem:$0x796]  }
0x178: {  	v8 =	vld [tilespmem:$0x1FFD0];
	[smem:$0x7D4] =	sst s1;
	s1 =	sadd.s32 s14, s13;
	s14 =	smulhi.u32 $0xA7C4627, s12  }
0x179: {  	v9 =	vld [tilespmem:$0x1FFE0];
	[smem:$0x7E8] =	sst s17;
	s15 =	sadd.s32 s15, s16;
	s13 =	smul.u32 $0xA7C4627, s0  }
0x17a: {  	s12 =	smulhi.u32 $0xA7C4627, s31;
	s0 =	sshra.s32 s31, $0x1F;
	s31 =	sld [smem:$0x798]  }
0x17b: {  	v22 =	vld [tilespmem:$0x1FFC0];
	[dreg:$0x1f] =	wrdreg s15  }
0x17c: {  	[smem:$0x7D6] =	sst s1  }
0x17d: {  	v8 =	vmul.f32 v4, v8;
	s1 =	sadd.s32 s30, s29;
	s30 =	sld [smem:$0x797]  }
0x17e: {  	v9 =	vmul.f32 v3, v9;
	[smem:$0x7D7] =	sst s1;
	s1 =	sadd.s32 s6, s5  }
0x17f: {  	v10 =	vmul.f32 $1.525878910e-05, v8;
	s29 =	spop (v2sf);
	s5 =	sadd.s32 s8, s9;
	[smem:$0x7D8] =	sst s1  }
0x180: {  	v11 =	vmul.f32 $1.525878910e-05, v9;
	v6 =	vmul.f32 v5, v22;
	s1 =	sadd.s32 s11, s10;
	s10 =	smul.u32 $0xA7C4627, s0;
	[smem:$0x7D2] =	sst s5  }
0x181: {  	v28 =	vtrunc.f32 v10;
	s11 =	smulhi.u32 $0xA7C4627, s29;
	s0 =	sshra.s32 s29, $0x1F;
	s29 =	sld [smem:$0x799]  }
0x182: {  	v10 =	vtrunc.f32 v11;
	v23 =	vmul.f32 $1.525878910e-05, v6;
	s13 =	sadd.s32 s13, s14;
	s5 =	sld [smem:$0x79D]  }
0x183: {  	v10 =	vcvt.f32.s32 v10;
	(v2sf) =	vpush v1, $0xA;
	s6 =	spop (v2sf);
	[smem:$0x7E9] =	sst s13  }
0x184: {  	v7 =	vtrunc.f32 v23;
	v2 =	vcvt.f32.s32 v28;
	s9 =	smulhi.u32 $0xA7C4627, s6;
	[smem:$0x7D9] =	sst s1  }
0x185: {  	v13 =	vcvt.s32.f32 v10;
	v7 =	vcvt.f32.s32 v7;
	s1 =	sadd.s32 s31, s30;
	s8 =	smul.u32 $0xA7C4627, s0;
	s30 =	sld [smem:$0x79A]  }
0x186: {  	v29 =	vcvt.s32.f32 v2;
	(v2sf) =	vpush v1, $0xB;
	s0 =	sshra.s32 s6, $0x1F;
	s31 =	spop (v2sf);
	[smem:$0x7DA] =	sst s1  }
0x187: {  	v13 =	vmul.f32 $6.553600000e+04, v13;
	v11 =	vcvt.s32.f32 v7;
	s6 =	smul.u32 $0xA7C4627, s0;
	s0 =	sshra.s32 s31, $0x1F;
	s10 =	sadd.s32 s10, s12  }
0x188: {  	v12 =	vmul.f32 $6.553600000e+04, v29;
	s1 =	sadd.s32 s7, s29;
	s7 =	smulhi.u32 $0xA7C4627, s31;
	s31 =	sld [smem:$0x79F]  }
0x189: {  	v9 =	vsub.f32 v9, v13;
	v11 =	vmul.f32 $6.553600000e+04, v11;
	[smem:$0x7EA] =	sst s10  }
0x18a: {  	v8 =	vsub.f32 v8, v12;
	[smem:$0x7DD] =	sst s1  }
0x18b: {  	v9 =	vtrunc.f32 v9;
	v6 =	vsub.f32 v6, v11;
	s1 =	sadd.s32 s30, s3;
	s3 =	sld [smem:$0x79C]  }
0x18c: {  	v9 =	vcvt.f32.s32 v9;
	v8 =	vtrunc.f32 v8;
	s8 =	sadd.s32 s8, s11;
	s30 =	sld [smem:$0x79E]  }
0x18d: {  	v2 =	vadd.s32 v10, v2;
	v6 =	vtrunc.f32 v6;
	v8 =	vcvt.f32.s32 v8;
	[dreg:$0x1c] =	wrdreg s8  }
0x18e: {  	v2 =	vadd.s32 v7, v2;
	v6 =	vcvt.f32.s32 v6;
	s6 =	sadd.s32 s6, s9;
	[smem:$0x7DB] =	sst s1  }
0x18f: {  	v2 =	vcvt.s32.f32 v2;
	v30 =	vadd.s32 v9, v8;
	[dreg:$0x1d] =	wrdreg s6  }
0x190: {  	v6 =	vadd.s32 v6, v30;
	s1 =	sadd.s32 s3, s2;
	s2 =	sld [smem:$0x7A0]  }
0x191: {  	v2 =	vmul.f32 $6.553600000e+04, v2;
	v6 =	vcvt.s32.f32 v6;
	s3 =	sld [smem:$0x7A1]  }
0x192: {  	s29 =	spop (v2sf);
	[smem:$0x7E0] =	sst s1;
	s1 =	sadd.s32 s4, s5  }
0x193: {  	v2 =	vadd.f32 v6, v2;
	(v2sf) =	vpush v1, $0x0;
	s5 =	smul.u32 $0xA7C4627, s0;
	[smem:$0x7E4] =	sst s1  }
0x194: {  	s4 =	smulhi.u32 $0xA7C4627, s29;
	s1 =	sadd.s32 s31, s30;
	s30 =	sld [smem:$0x7A2]  }
0x195: {  	v6 =	vmul.f32 $5.960464480e-08, v2;
	s0 =	sshra.s32 s29, $0x1F;
	s29 =	spop (v2sf);
	s31 =	sld [smem:$0x7A3]  }
0x196: {  	(v2sf) =	vpush v1, $0x1;
	[smem:$0x7E1] =	sst s1;
	s1 =	sadd.s32 s3, s2;
	s3 =	smul.u32 $0xA7C4627, s0  }
0x197: {  	v6 =	vtrunc.f32 v6;
	s2 =	smulhi.u32 $0xA7C4627, s29;
	s0 =	sshra.s32 s29, $0x1F;
	s29 =	sld [smem:$0x7A4]  }
0x198: {  	v6 =	vcvt.f32.s32 v6;
	(v2sf) =	vpush v1, $0x2;
	[smem:$0x7DE] =	sst s1  }
0x199: {  	s1 =	sadd.s32 s31, s30;
	s30 =	sld [smem:$0x7A5]  }
0x19a: {  	v31 =	vcvt.s32.f32 v6;
	(v2sf) =	vpush v1, $0x3;
	s31 =	sld [smem:$0x7A6]  }
0x19b: {  	[smem:$0x7E3] =	sst s1  }
0x19c: {  	v7 =	vmul.f32 $1.677721600e+07, v31;
	(v2sf) =	vpush v1, $0x4;
	s1 =	sadd.s32 s30, s29;
	s29 =	sld [smem:$0x7A7]  }
0x19d: {  	s5 =	sadd.s32 s5, s7;
	s7 =	sld [smem:$0x7AD]  }
0x19e: {  	v2 =	vsub.f32 v2, v7;
	(v2sf) =	vpush v1, $0x5;
	s30 =	sld [smem:$0x7A8]  }
0x19f: {  	s31 =	sadd.s32 s29, s31;
	s29 =	sld [smem:$0x7A9]  }
0x1a0: {  	v2 =	vtrunc.f32 v2;
	(v2sf) =	vpush v1, $0x6;
	[dreg:$0x1e] =	wrdreg s5  }
0x1a1: {  	v6 =	vmul.u32 $0x12BAB, v6;
	v2 =	vcvt.f32.s32 v2;
	(v2sf) =	vpush v1, $0x7;
	[smem:$0x7E5] =	sst s1;
	s1 =	smul.u32 $0xA7C4627, s0  }
0x1a2: {  	s0 =	spop (v2sf);
	s30 =	sadd.s32 s29, s30;
	s29 =	sld [smem:$0x7AA]  }
0x1a3: {  	v2 =	vadd.s32 v2, v6;
	[smem:$0x7DC] =	sst s31;
	s31 =	smulhi.u32 $0xA7C4627, s0;
	s0 =	sshra.s32 s0, $0x1F  }
0x1a4: {  	s5 =	sld [smem:$0x7AC];
	(v2sf) =	vpush v2, $0xD;
	s0 =	smul.u32 $0xA7C4627, s0  }
0x1a5: {  	[smem:$0x7DF] =	sst s30;
	s30 =	spop (v2sf);
	s28 =	sadd.s32 s28, s29  }
0x1a6: {  	s29 =	sshra.s32 s30, $0x1F;
	[smem:$0x7E2] =	sst s28;
	s28 =	smulhi.u32 $0xA7C4627, s30  }
0x1a7: {  	s30 =	sadd.s32 s25, s26;
	s25 =	smul.u32 $0xA7C4627, s29;
	s26 =	spop (v2sf)  }
0x1a8: {  	s29 =	sadd.s32 s23, s24;
	s23 =	smulhi.u32 $0xA7C4627, s26;
	s26 =	sshra.s32 s26, $0x1F  }
0x1a9: {  	s3 =	sadd.s32 s3, s4;
	s21 =	smul.u32 $0xA7C4627, s26;
	s26 =	spop (v2sf)  }
0x1aa: {  	[dreg:$0x1b] =	wrdreg s3;
	s19 =	smulhi.u32 $0xA7C4627, s26;
	s24 =	sshra.s32 s26, $0x1F  }
0x1ab: {  	s26 =	spop (v2sf);
	s17 =	smul.u32 $0xA7C4627, s24  }
0x1ac: {  	s3 =	sld [smem:$0x7AB];
	s15 =	smulhi.u32 $0xA7C4627, s26;
	s18 =	sshra.s32 s26, $0x1F  }
0x1ad: {  	s1 =	sadd.s32 s1, s2;
	s20 =	spop (v2sf);
	s13 =	smul.u32 $0xA7C4627, s18  }
0x1ae: {  	[smem:$0x7EC] =	sst s1;
	s10 =	smulhi.u32 $0xA7C4627, s20;
	s22 =	sshra.s32 s20, $0x1F  }
0x1af: {  	s4 =	sshrl.u32 s3, $0x1F;
	s24 =	spop (v2sf);
	s8 =	smul.u32 $0xA7C4627, s22  }
0x1b0: {  	s6 =	smulhi.u32 $0xA7C4627, s24;
	s26 =	sshra.s32 s24, $0x1F;
	s11 =	spop (v2sf)  }
0x1b1: {  	s22 =	sadd.s32 s0, s31;
	s31 =	sadd.s32 s25, s28;
	s9 =	smul.u32 $0xA7C4627, s26  }
0x1b2: {  	s28 =	sadd.s32 s17, s19;
	s17 =	sld [smem:$0x7B1];
	s12 =	smulhi.u32 $0xA7C4627, s11  }
0x1b3: {  	s14 =	sshra.s32 s11, $0x1F;
	s18 =	spop (v2sf);
	[smem:$0x7EB] =	sst s31  }
0x1b4: {  	s21 =	sadd.s32 s21, s23;
	s11 =	sld [smem:$0x7AF];
	s16 =	smul.u32 $0xA7C4627, s14  }
0x1b5: {  	s23 =	sadd.s32 s13, s15;
	s31 =	sld [smem:$0x7B4];
	s20 =	smulhi.u32 $0xA7C4627, s18  }
0x1b6: {  	s2 =	sshra.s32 s18, $0x1F;
	s24 =	sadd.s32 s8, s10;
	s14 =	sld [smem:$0x7B0]  }
0x1b7: {  	s8 =	sshrl.u32 s7, $0x1F;
	s18 =	sld [smem:$0x7B2];
	s2 =	smul.u32 $0xA7C4627, s2  }
0x1b8: {  	(v2sf) =	vpush v2, $0xC;
	s25 =	sadd.s32 s9, s6;
	s6 =	sshrl.u32 s5, $0x1F;
	s9 =	sld [smem:$0x7AE]  }
0x1b9: {  	s26 =	sadd.s32 s16, s12;
	v32 =	vmov s6;
	s6 =	sshra.s32 s5, $0xC;
	s16 =	sld [smem:$0x7B3]  }
0x1ba: {  	s0 =	sadd.s32 s2, s20;
	s15 =	sshrl.u32 s14, $0x1F;
	s19 =	sshrl.u32 s18, $0x1F  }
0x1bb: {  	(v2sf) =	vpush v2, $0xE;
	v6 =	vsel vm0, s4, v32;
	s4 =	sshra.s32 s17, $0xC;
	s13 =	sshra.s32 s18, $0xC;
	v33 =	vmov s15;
	s15 =	sld [smem:$0x7B5]  }
0x1bc: {  	[smem:$0x7ED] =	sst s0;
	s10 =	sshrl.u32 s9, $0x1F;
	s0 =	sshra.s32 s9, $0xC  }
0x1bd: {  	(v2sf) =	vpush v2, $0xF;
	v6 =	vsel vm1, s8, v6;
	s8 =	sshra.s32 s14, $0xC;
	s9 =	sshrl.u32 s17, $0x1F;
	s20 =	sshra.s32 s16, $0x1F  }
0x1be: {  	s14 =	sshra.s32 s18, $0x1F;
	v9 =	vmov s20;
	s20 =	sld [smem:$0x7B6];
	s17 =	sshrl.u32 s15, $0x1F  }
0x1bf: {  	(v2sf) =	vpush v2, $0x9;
	v8 =	vmov s19;
	s18 =	sshra.s32 s15, $0xC;
	s19 =	sshra.s32 s15, $0x1F;
	s15 =	sld [smem:$0x7B7]  }
0x1c0: {  	vm9 =	vcmask $0x704;
	s12 =	sshrl.u32 s11, $0x1F;
	s1 =	sshra.s32 s11, $0xC;
	s5 =	sshra.s32 s31, $0xC;
	v7 =	vsel vm2, s10, v6;
	v9 =	vsel vm3, s13, v9  }
0x1c1: {  	s2 =	sshra.s32 s3, $0xC;
	s3 =	sshra.s32 s7, $0xC;
	s7 =	sshrl.u32 s31, $0x1F;
	v6 =	vsel vm0, s12, v33;
	v8 =	vnsel vm3, $0x0, v8;
	v9 =	vsel vm9, s14, v9  }
0x1c2: {  	v6 =	vsel vm1, s9, v6;
	v8 =	vsel vm0, s17, v8;
	s31 =	sshrl.u32 s20, $0x1F;
	v9 =	vsel vm0, s18, v9;
	s18 =	sld [smem:$0x7B8];
	s17 =	sshrl.u32 s15, $0x1F  }
0x1c3: {  	v10 =	vsel vm1, s31, v8;
	v8 =	vsel vm2, s7, v6;
	s7 =	sshra.s32 s15, $0xC;
	s11 =	sshra.s32 s15, $0x1F;
	s15 =	sld [smem:$0x7B9]  }
0x1c4: {  	vm11 =	vmmov vm6;
	(v2sf) =	vpush v2, $0x8  }
0x1c5: {  	vm6 =	vmmov vm5;
	s10 =	sshra.s32 s20, $0xC;
	v9 =	vsel vm12, s19, v9;
	v34 =	vsel vm2, s17, v10;
	s19 =	sshrl.u32 s18, $0x1F  }
0x1c6: {  	s14 =	sshra.s32 s20, $0x1F;
	v9 =	vsel vm1, s10, v9;
	v10 =	vmov s6;
	v6 =	vsel vm13, s19, v34;
	s20 =	sshrl.u32 s15, $0x1F  }
0x1c7: {  	s31 =	spop (v2sf);
	s12 =	sshra.s32 s18, $0xC;
	s6 =	sshra.s32 s18, $0x1F;
	v6 =	vsel vm5, s20, v6;
	vm5 =	vmmov vm13;
	vm13 =	vcmask $0x1714  }
0x1c8: {  	(v2sf) =	vpush v2, $0xA;
	s10 =	smulhi.u32 $0xA7C4627, s31;
	s18 =	sshra.s32 s31, $0x1F;
	v9 =	vsel vm13, s14, v9;
	s14 =	sld [smem:$0x7BA]  }
0x1c9: {  	v10 =	vsel vm0, s2, v10;
	s19 =	sshrl.u32 s16, $0x1F;
	s31 =	sshra.s32 s15, $0x1F;
	s2 =	smul.u32 $0xA7C4627, s18;
	v11 =	vsel vm2, s7, v9  }
0x1ca: {  	v35 =	vsel vm1, s3, v10;
	s20 =	sshra.s32 s15, $0xC;
	s15 =	sshra.s32 s16, $0xC;
	v10 =	vsel vm14, s11, v11;
	s11 =	spop (v2sf)  }
0x1cb: {  	v11 =	vmov s8;
	s17 =	sshrl.u32 s14, $0x1F;
	s8 =	smulhi.u32 $0xA7C4627, s11;
	s7 =	sshra.s32 s11, $0x1F  }
0x1cc: {  	(v2sf) =	vpush v2, $0xB;
	v36 =	vsel vm5, s12, v10;
	s12 =	sshra.s32 s14, $0xC;
	s13 =	sshra.s32 s14, $0x1F;
	s14 =	spop (v2sf)  }
0x1cd: {  	s16 =	sld [smem:$0x7BB];
	v37 =	vsel vm0, s1, v11;
	v6 =	vsel vm7, s17, v6;
	v11 =	vsel vm15, s6, v36;
	s1 =	smul.u32 $0xA7C4627, s7;
	s6 =	sshra.s32 s14, $0x1F  }
0x1ce: {  	s18 =	spop (v2sf);
	v9 =	vsel vm8, s19, v6;
	v6 =	vsel vm1, s4, v37;
	s3 =	smul.u32 $0xA7C4627, s6  }
0x1cf: {  	v12 =	vsel vm6, s20, v11;
	s6 =	sshra.s32 s18, $0x1F;
	v11 =	vsel vm2, s5, v6;
	s5 =	smulhi.u32 $0xA7C4627, s18;
	s18 =	sld [smem:$0x7BC]  }
0x1d0: {  	s2 =	sadd.s32 s2, s10;
	s7 =	smulhi.u32 $0xA7C4627, s14;
	s14 =	sld [smem:$0x7BD]  }
0x1d1: {  	[smem:$0x7EE] =	sst s2;
	s17 =	sshrl.u32 s16, $0x1F  }
0x1d2: {  	v10 =	vsel vm2, s0, v35;
	v40 =	vmov s17;
	s0 =	smul.u32 $0xA7C4627, s6;
	s1 =	sadd.s32 s1, s8;
	s19 =	sshrl.u32 s18, $0x1F  }
0x1d3: {  	vm4 =	vmmov vm3;
	v38 =	vsel vm10, s31, v12;
	s31 =	spop (v2sf);
	s20 =	sshrl.u32 s14, $0x1F;
	[smem:$0x7EF] =	sst s1;
	v12 =	vsel vm0, s19, v40  }
0x1d4: {  	vm3 =	vcmask $0x3734;
	v6 =	vsel vm7, s12, v38;
	s17 =	smulhi.u32 $0xA7C4627, s31;
	v12 =	vsel vm1, s20, v12;
	s20 =	sld [smem:$0x7BE]  }
0x1d5: {  	v39 =	vld [tilespmem:$0x1FFF0];
	(v2sf) =	vpush v2, $0x0;
	s9 =	sshra.s32 s31, $0x1F;
	s3 =	sadd.s32 s3, s7;
	v6 =	vsel vm3, s13, v6;
	s13 =	sld [smem:$0x7C0]  }
0x1d6: {  	s2 =	smul.u32 $0xA7C4627, s9;
	[smem:$0x7F0] =	sst s3  }
0x1d7: {  	s9 =	sld [smem:$0x7C2];
	s19 =	spop (v2sf);
	s6 =	sshrl.u32 s20, $0x1F  }
0x1d8: {  	(v2sf) =	vpush v2, $0x1;
	s1 =	smulhi.u32 $0xA7C4627, s19;
	s31 =	sshra.s32 s19, $0x1F;
	v12 =	vsel vm2, s6, v12;
	s6 =	sld [smem:$0x7C1]  }
0x1d9: {  	s0 =	sadd.s32 s0, s5;
	v13 =	vsel vm8, s15, v6;
	s15 =	sld [smem:$0x7BF];
	s3 =	smul.u32 $0xA7C4627, s31  }
0x1da: {  	v15 =	vmul.f32 v5, v39;
	(v2sf) =	vpush v2, $0x2;
	[smem:$0x7F1] =	sst s0;
	s11 =	sshrl.u32 s13, $0x1F  }
0x1db: {  	v16 =	vmul.f32 v4, v56;
	s31 =	sld [smem:$0x7C4];
	s1 =	sadd.s32 s3, s1;
	s12 =	sshrl.u32 s6, $0x1F  }
0x1dc: {  	v17 =	vmul.f32 v3, v57;
	v14 =	vmul.f32 $1.525878910e-05, v15;
	s19 =	spop (v2sf);
	s10 =	sshrl.u32 s15, $0x1F;
	[smem:$0x7F3] =	sst s1;
	v20 =	vmov s12  }
0x1dd: {  	v18 =	vmul.f32 $1.525878910e-05, v16;
	s8 =	sshrl.u32 s9, $0x1F;
	s0 =	smulhi.u32 $0xA7C4627, s19;
	v42 =	vmov s10;
	s12 =	sld [smem:$0x7C3];
	v20 =	vnsel vm4, $0x0, v20  }
0x1de: {  	v41 =	vtrunc.f32 v14;
	v14 =	vsel vm0, s11, v42;
	s11 =	sshrl.u32 s31, $0x1F;
	v20 =	vsel vm0, s8, v20;
	s8 =	sshra.s32 s19, $0x1F;
	s19 =	sld [smem:$0x7C6]  }
0x1df: {  	v18 =	vtrunc.f32 v18;
	v20 =	vsel vm1, s11, v20;
	s11 =	sld [smem:$0x7C5]  }
0x1e0: {  	v19 =	vmul.f32 $1.525878910e-05, v17;
	(v2sf) =	vpush v2, $0x3;
	v6 =	vcvt.f32.s32 v41;
	s7 =	sadd.s32 s2, s17;
	s1 =	smul.u32 $0xA7C4627, s8;
	s8 =	sld [smem:$0x7C8]  }
0x1e1: {  	v18 =	vcvt.f32.s32 v18;
	[smem:$0x7F2] =	sst s7;
	s17 =	sshrl.u32 s19, $0x1F  }
0x1e2: {  	v19 =	vtrunc.f32 v19;
	v21 =	vcvt.s32.f32 v6;
	s10 =	sshrl.u32 s12, $0x1F;
	v20 =	vsel vm2, s17, v20;
	s17 =	sld [smem:$0x7C7]  }
0x1e3: {  	v19 =	vcvt.f32.s32 v19;
	(v2sf) =	vpush v2, $0x4;
	s3 =	sshra.s32 s6, $0xC;
	v14 =	vsel vm1, s10, v14;
	s10 =	sshrl.u32 s11, $0x1F;
	s7 =	sshra.s32 s8, $0x1F  }
0x1e4: {  	v21 =	vmul.f32 $6.553600000e+04, v21;
	s2 =	sshra.s32 s6, $0x1F;
	s0 =	sadd.s32 s1, s0;
	v14 =	vsel vm2, s10, v14;
	s10 =	spop (v2sf);
	v26 =	vmov s7  }
0x1e5: {  	v22 =	vcvt.s32.f32 v18;
	v23 =	vcvt.s32.f32 v19;
	[smem:$0x7F4] =	sst s0;
	s4 =	smulhi.u32 $0xA7C4627, s10;
	v43 =	vsel vm4, s3, v26;
	s5 =	sshrl.u32 s17, $0x1F  }
0x1e6: {  	v15 =	vsub.f32 v15, v21;
	v21 =	vsel vm9, s2, v43;
	s2 =	sshra.s32 s9, $0xC;
	v20 =	vsel vm5, s5, v20;
	s5 =	sshra.s32 s10, $0x1F;
	s10 =	sld [smem:$0x7C9]  }
0x1e7: {  	s6 =	spop (v2sf);
	v21 =	vsel vm0, s2, v21;
	s2 =	sshra.s32 s9, $0x1F;
	s9 =	smov.u32 s31  }
0x1e8: {  	v22 =	vmul.f32 $6.553600000e+04, v22;
	v23 =	vmul.f32 $6.553600000e+04, v23;
	s3 =	smul.u32 $0xA7C4627, s5;
	s5 =	sshra.s32 s6, $0x1F;
	v44 =	vsel vm12, s2, v21;
	s2 =	sshra.s32 s31, $0xC  }
0x1e9: {  	s0 =	smul.u32 $0xA7C4627, s5;
	s5 =	spop (v2sf);
	s7 =	sshrl.u32 s10, $0x1F  }
0x1ea: {  	v16 =	vsub.f32 v16, v22;
	v17 =	vsub.f32 v17, v23;
	s1 =	sshra.s32 s5, $0x1F;
	s3 =	sadd.s32 s3, s4;
	v20 =	vsel vm6, s7, v20;
	s7 =	smulhi.u32 $0xA7C4627, s6  }
0x1eb: {  	s4 =	sshra.s32 s19, $0x1F;
	s6 =	smulhi.u32 $0xA7C4627, s5;
	[smem:$0x7F5] =	sst s3  }
0x1ec: {  	v18 =	vadd.s32 v19, v18;
	v16 =	vtrunc.f32 v16;
	v17 =	vtrunc.f32 v17;
	s1 =	smul.u32 $0xA7C4627, s1;
	s3 =	sshra.s32 s16, $0xC;
	s5 =	sshra.s32 s9, $0x1F  }
0x1ed: {  	v16 =	vcvt.f32.s32 v16;
	v17 =	vcvt.f32.s32 v17;
	v21 =	vsel vm1, s2, v44;
	s9 =	sshra.s32 s18, $0xC;
	s16 =	sshra.s32 s19, $0xC;
	s18 =	sshra.s32 s14, $0xC  }
0x1ee: {  	v6 =	vadd.s32 v6, v18;
	s14 =	sshra.s32 s13, $0xC;
	s19 =	sshra.s32 s17, $0x1F;
	v18 =	vsel vm13, s5, v21;
	s5 =	sld [smem:$0x7CA]  }
0x1ef: {  	v16 =	vadd.s32 v17, v16;
	v15 =	vtrunc.f32 v15;
	v22 =	vmov s3;
	s3 =	sshra.s32 s12, $0xC;
	s12 =	spop (v2sf);
	s31 =	sadd.s32 s0, s7  }
0x1f0: {  	v6 =	vcvt.s32.f32 v6;
	v15 =	vcvt.f32.s32 v15;
	s7 =	sadd.s32 s1, s6;
	v17 =	vsel vm0, s9, v22;
	s9 =	sshra.s32 s20, $0xC;
	s6 =	sld [smem:$0x7CB]  }
0x1f1: {  	v23 =	vsel vm2, s16, v18;
	s16 =	sshra.s32 s17, $0xC;
	s20 =	sshrl.u32 s8, $0x1F;
	s1 =	sld [smem:$0x7D2]  }
0x1f2: {  	v6 =	vmul.f32 $6.553600000e+04, v6;
	v15 =	vadd.s32 v15, v16;
	s2 =	smulhi.u32 $0xA7C4627, s12;
	[smem:$0x7F6] =	sst s7;
	v17 =	vsel vm1, s18, v17;
	s18 =	sshra.s32 s15, $0xC  }
0x1f3: {  	v15 =	vcvt.s32.f32 v15;
	v16 =	vsel vm14, s4, v23;
	s15 =	spop (v2sf);
	s7 =	sshrl.u32 s5, $0x1F;
	v17 =	vsel vm2, s9, v17;
	s9 =	sshra.s32 s10, $0xC  }
0x1f4: {  	v29 =	vsel vm5, s16, v16;
	v31 =	vmov s18;
	s10 =	sshra.s32 s10, $0x1F;
	s13 =	sshra.s32 s5, $0x1F;
	v28 =	vsel vm7, s7, v20;
	s7 =	sshra.s32 s11, $0xC  }
0x1f5: {  	v30 =	vsel vm15, s19, v29;
	s11 =	sshra.s32 s5, $0xC;
	v18 =	vsel vm0, s14, v31;
	s5 =	sshra.s32 s12, $0x1F;
	s12 =	sld [smem:$0x7CF]  }
0x1f6: {  	v6 =	vadd.f32 v15, v6;
	s14 =	sshrl.u32 s6, $0x1F;
	v15 =	vsel vm6, s9, v30;
	v18 =	vsel vm1, s3, v18;
	s3 =	sshra.s32 s6, $0xC;
	s6 =	sld [smem:$0x7DA]  }
0x1f7: {  	s16 =	sshra.s32 s8, $0xC;
	s8 =	smulhi.u32 $0xA7C4627, s15;
	v15 =	vsel vm10, s10, v15;
	v20 =	vsel vm2, s7, v18;
	s7 =	sld [smem:$0x7CD]  }
0x1f8: {  	v32 =	vmul.f32 $5.960464480e-08, v6;
	s18 =	sshra.s32 s15, $0x1F;
	s0 =	smul.u32 $0xA7C4627, s5;
	v15 =	vsel vm7, s11, v15;
	s11 =	sld [smem:$0x7CC]  }
0x1f9: {  	(v2sf) =	vpush v2, $0x5;
	s9 =	smul.u32 $0xA7C4627, s18;
	s10 =	sld [smem:$0x7CE]  }
0x1fa: {  	v19 =	vtrunc.f32 v32;
	v33 =	vmov s14;
	s18 =	sshra.s32 s1, $0x1F;
	s14 =	sshrl.u32 s12, $0x1F;
	v15 =	vsel vm3, s13, v15;
	s13 =	sld [smem:$0x7D0]  }
0x1fb: {  	v19 =	vcvt.f32.s32 v19;
	s0 =	sadd.s32 s0, s2;
	v27 =	vsel vm8, s16, v15;
	s16 =	sld [smem:$0x7D1];
	s17 =	sshrl.u32 s11, $0x1F  }
0x1fc: {  	v16 =	vsel vm8, s20, v28;
	[smem:$0x7F7] =	sst s0;
	s19 =	sshrl.u32 s7, $0x1F;
	s20 =	sshrl.u32 s10, $0x1F;
	v34 =	vsel vm0, s17, v33  }
0x1fd: {  	(v2sf) =	vpush v2, $0x6;
	v36 =	vcvt.s32.f32 v19;
	s4 =	sshra.s32 s7, $0xC;
	v18 =	vsel vm1, s19, v34;
	s19 =	sadd.s32 s9, s8;
	s9 =	sld [smem:$0x7D3]  }
0x1fe: {  	v39 =	vmov s18;
	s2 =	sshra.s32 s11, $0xC;
	s0 =	sshra.s32 s16, $0xC;
	s8 =	sld [smem:$0x7D4]  }
0x1ff: {  	v22 =	vmul.f32 $1.677721600e+07, v36;
	s15 =	sshrl.u32 s13, $0x1F;
	s7 =	sshra.s32 s13, $0xC;
	v23 =	vsel vm4, s0, v39;
	s0 =	sld [smem:$0x7D5]  }
0x200: {  	v35 =	vmov s20;
	s17 =	sshrl.u32 s16, $0x1F;
	s5 =	sshra.s32 s16, $0x1F;
	s16 =	sld [smem:$0x7D6]  }
0x201: {  	v6 =	vsub.f32 v6, v22;
	s13 =	sld [smem:$0x7DF];
	v37 =	vsel vm0, s15, v35;
	v23 =	vsel vm9, s5, v23;
	s20 =	sshrl.u32 s9, $0x1F;
	s18 =	sshra.s32 s8, $0xC  }
0x202: {  	v15 =	vsel vm2, s14, v18;
	[smem:$0x7F8] =	sst s19;
	s19 =	sshra.s32 s8, $0x1F;
	v18 =	vsel vm1, s20, v37;
	s15 =	sshrl.u32 s0, $0x1F;
	v40 =	vsel vm0, s18, v23  }
0x203: {  	v38 =	vmov s17;
	s5 =	sshra.s32 s12, $0xC;
	s20 =	sld [smem:$0x7D7];
	v18 =	vsel vm2, s15, v18;
	v22 =	vsel vm12, s19, v40;
	s15 =	sshra.s32 s16, $0xC  }
0x204: {  	v21 =	vnsel vm4, $0x0, v38;
	s14 =	sshrl.u32 s8, $0x1F;
	s8 =	sshra.s32 s16, $0x1F;
	v22 =	vsel vm1, s15, v22;
	s15 =	sld [smem:$0x7D8]  }
0x205: {  	s17 =	sshrl.u32 s16, $0x1F;
	v21 =	vsel vm0, s14, v21;
	v22 =	vsel vm13, s8, v22;
	s8 =	sshra.s32 s10, $0xC;
	s10 =	sld [smem:$0x7D9]  }
0x206: {  	s11 =	sshra.s32 s9, $0xC;
	s12 =	sshra.s32 s0, $0xC;
	v21 =	vsel vm1, s17, v21;
	s14 =	sshrl.u32 s20, $0x1F  }
0x207: {  	s0 =	sshrl.u32 s1, $0x1F;
	s18 =	sshra.s32 s20, $0xC;
	v21 =	vsel vm2, s14, v21;
	s16 =	sshrl.u32 s15, $0x1F  }
0x208: {  	(v2sf) =	vpush v2, $0x7;
	v19 =	vmul.u32 $0x12BAB, v19;
	s19 =	sshra.s32 s20, $0x1F;
	s20 =	sshrl.u32 s6, $0x1F;
	v21 =	vsel vm5, s16, v21;
	s17 =	sshrl.u32 s10, $0x1F  }
0x209: {  	v6 =	vtrunc.f32 v6;
	v22 =	vsel vm2, s18, v22;
	s9 =	sshra.s32 s15, $0xC;
	s15 =	sshra.s32 s15, $0x1F;
	v21 =	vsel vm6, s17, v21;
	s17 =	spop (v2sf)  }
0x20a: {  	v6 =	vcvt.f32.s32 v6;
	v44 =	vmov s8;
	v42 =	vsel vm14, s19, v22;
	s16 =	sshra.s32 s10, $0xC;
	s18 =	sshra.s32 s10, $0x1F;
	s8 =	smulhi.u32 $0xA7C4627, s17  }
0x20b: {  	v22 =	vsel vm0, s7, v44;
	v41 =	vsel vm7, s20, v21;
	v21 =	vsel vm5, s9, v42;
	s14 =	sshra.s32 s17, $0x1F;
	s20 =	sshra.s32 s6, $0xC;
	s17 =	sld [smem:$0x7DC]  }
0x20c: {  	v22 =	vsel vm1, s11, v22;
	s9 =	sshra.s32 s6, $0x1F;
	s6 =	sld [smem:$0x7DE];
	v29 =	vsel vm8, s0, v41;
	v21 =	vsel vm15, s15, v21;
	s0 =	spop (v2sf)  }
0x20d: {  	v43 =	vmov s3;
	v39 =	vsel vm2, s12, v22;
	s12 =	sld [smem:$0x7DB];
	s19 =	smul.u32 $0xA7C4627, s14;
	v21 =	vsel vm6, s16, v21;
	s14 =	sshra.s32 s0, $0x1F  }
0x20e: {  	v6 =	vadd.s32 v6, v19;
	v19 =	vsel vm0, s2, v43;
	v21 =	vsel vm10, s18, v21;
	s15 =	smul.u32 $0xA7C4627, s14;
	s14 =	sld [smem:$0x7E2]  }
0x20f: {  	(v2sf) =	vpush v6, $0xD;
	v19 =	vsel vm1, s4, v19;
	s18 =	sshrl.u32 s17, $0x1F;
	s4 =	sshrl.u32 s6, $0x1F;
	v28 =	vsel vm7, s20, v21;
	s20 =	sld [smem:$0x7DD]  }
0x210: {  	v37 =	vsel vm2, s5, v19;
	s5 =	sshrl.u32 s13, $0x1F;
	s16 =	sshrl.u32 s12, $0x1F;
	v31 =	vmov s18;
	v40 =	vmov s4;
	s4 =	sld [smem:$0x7E5]  }
0x211: {  	v19 =	vsel vm3, s9, v28;
	s9 =	sadd.s32 s19, s8;
	s19 =	sshra.s32 s1, $0xC;
	v38 =	vnsel vm4, $0x0, v31;
	s1 =	sld [smem:$0x7E3]  }
0x212: {  	(v2sf) =	vpush v6, $0xC;
	s10 =	smulhi.u32 $0xA7C4627, s0;
	v30 =	vmov s16;
	v21 =	vsel vm0, s5, v38;
	s5 =	sld [smem:$0x7E0];
	s0 =	sshrl.u32 s20, $0x1F  }
0x213: {  	s11 =	sshrl.u32 s14, $0x1F;
	v36 =	vsel vm0, s0, v30;
	s0 =	sld [smem:$0x7E1]  }
0x214: {  	s16 =	sshrl.u32 s30, $0x1F;
	v21 =	vsel vm1, s11, v21;
	s11 =	sld [smem:$0x7E4]  }
0x215: {  	(v2sf) =	vpush v6, $0xE;
	v21 =	vsel vm2, s16, v21;
	s16 =	sld [smem:$0x7E6];
	s7 =	sshrl.u32 s5, $0x1F  }
0x216: {  	v35 =	vsel vm8, s19, v19;
	v19 =	vsel vm1, s7, v36;
	s7 =	sshra.s32 s5, $0xC;
	s5 =	sld [smem:$0x7E8];
	s8 =	sshrl.u32 s0, $0x1F  }
0x217: {  	s10 =	sadd.s32 s15, s10;
	s2 =	sshra.s32 s20, $0xC;
	s15 =	sshrl.u32 s1, $0x1F;
	v22 =	vsel vm0, s8, v40  }
0x218: {  	(v2sf) =	vpush v6, $0xF;
	s20 =	sshrl.u32 s29, $0x1F;
	s18 =	sshrl.u32 s11, $0x1F;
	v22 =	vsel vm1, s15, v22;
	s15 =	sshra.s32 s12, $0xC  }
0x219: {  	v41 =	vsel vm5, s20, v21;
	v31 =	vsel vm2, s18, v19;
	s18 =	sshrl.u32 s16, $0x1F;
	s20 =	sshra.s32 s5, $0x1F;
	v42 =	vmov s15;
	s15 =	sld [smem:$0x7E7]  }
0x21a: {  	(v2sf) =	vpush v6, $0x9;
	s19 =	sshrl.u32 s4, $0x1F;
	s4 =	sshra.s32 s4, $0xC;
	v19 =	vsel vm6, s18, v41;
	s12 =	sshra.s32 s17, $0xC;
	v43 =	vmov s20  }
0x21b: {  	s3 =	sshra.s32 s11, $0xC;
	s0 =	sshra.s32 s0, $0xC;
	s18 =	sshra.s32 s17, $0x1F;
	v33 =	vsel vm2, s19, v22;
	v21 =	vsel vm0, s2, v42;
	v22 =	vsel vm4, s12, v43  }
0x21c: {  	v26 =	vmul.f32 v4, v59;
	s20 =	sshrl.u32 s5, $0x1F;
	s12 =	sshra.s32 s13, $0xC;
	v44 =	vsel vm1, s7, v21;
	v28 =	vsel vm9, s18, v22;
	s19 =	sshrl.u32 s15, $0x1F  }
0x21d: {  	s18 =	sshra.s32 s13, $0x1F;
	v21 =	vsel vm0, s12, v28;
	v4 =	vsel vm2, s3, v44;
	s3 =	sshra.s32 s1, $0xC;
	v19 =	vsel vm7, s19, v19;
	s19 =	spop (v2sf)  }
0x21e: {  	v23 =	vmul.f32 v5, v58;
	v21 =	vsel vm12, s18, v21;
	s18 =	sshra.s32 s30, $0xC;
	s2 =	smulhi.u32 $0xA7C4627, s19;
	s11 =	sshra.s32 s19, $0x1F  }
0x21f: {  	(v2sf) =	vpush v6, $0x8;
	s17 =	spop (v2sf);
	s19 =	sshra.s32 s14, $0xC;
	s7 =	smul.u32 $0xA7C4627, s11  }
0x220: {  	v30 =	vmul.f32 $1.525878910e-05, v23;
	s14 =	sshra.s32 s14, $0x1F;
	s12 =	smulhi.u32 $0xA7C4627, s17;
	s11 =	sshra.s32 s17, $0x1F  }
0x221: {  	(v2sf) =	vpush v6, $0xA;
	v5 =	vsel vm8, s20, v19;
	s20 =	spop (v2sf);
	s17 =	sshra.s32 s6, $0xC;
	s8 =	smul.u32 $0xA7C4627, s11  }
0x222: {  	v3 =	vmul.f32 v3, v60;
	v34 =	vtrunc.f32 v30;
	v32 =	vsel vm1, s19, v21;
	s6 =	sshra.s32 s29, $0x1F;
	s11 =	smulhi.u32 $0xA7C4627, s20;
	s13 =	sshra.s32 s20, $0x1F  }
0x223: {  	v36 =	vmul.f32 $1.525878910e-05, v26;
	v19 =	vsel vm13, s14, v32;
	v30 =	vmov s17;
	s20 =	sshra.s32 s30, $0x1F;
	s17 =	sshra.s32 s16, $0x1F;
	s13 =	smul.u32 $0xA7C4627, s13  }
0x224: {  	v19 =	vsel vm2, s18, v19;
	s14 =	sadd.s32 s7, s2;
	s2 =	sshra.s32 s29, $0xC;
	s18 =	spop (v2sf)  }
0x225: {  	v38 =	vtrunc.f32 v36;
	v28 =	vmul.f32 $1.525878910e-05, v3;
	v42 =	vsel vm0, s0, v30;
	s0 =	sshra.s32 s5, $0xC;
	s5 =	sld [smem:$0x7E9];
	s19 =	sadd.s32 s8, s12  }
0x226: {  	v41 =	vcvt.f32.s32 v38;
	v19 =	vsel vm14, s20, v19;
	s7 =	smulhi.u32 $0xA7C4627, s18;
	v21 =	vsel vm1, s3, v42;
	[smem:$0x7F9] =	sst s19;
	s30 =	sadd.s32 s13, s11  }
0x227: {  	v40 =	vtrunc.f32 v28;
	v19 =	vsel vm5, s2, v19;
	s13 =	sshra.s32 s16, $0xC;
	s19 =	smov.u32 s15;
	v21 =	vsel vm2, s4, v21;
	s4 =	rddreg [dreg:$0x1f]  }
0x228: {  	v32 =	vcvt.f32.s32 v34;
	v34 =	vcvt.s32.f32 v41;
	s15 =	sshra.s32 s15, $0xC;
	[smem:$0x7FA] =	sst s30;
	v19 =	vsel vm15, s6, v19;
	s30 =	spop (v2sf)  }
0x229: {  	v22 =	vcvt.f32.s32 v40;
	s20 =	sshra.s32 s19, $0x1F;
	v19 =	vsel vm6, s13, v19;
	s13 =	sshra.s32 s18, $0x1F;
	s16 =	smulhi.u32 $0xA7C4627, s30  }
0x22a: {  	v34 =	vmul.f32 $6.553600000e+04, v34;
	s1 =	sshrl.u32 s5, $0x1F;
	s2 =	spop (v2sf);
	s29 =	smul.u32 $0xA7C4627, s13  }
0x22b: {  	v36 =	vcvt.s32.f32 v22;
	s6 =	sshrl.u32 s4, $0x1F;
	v19 =	vsel vm10, s17, v19;
	s17 =	smulhi.u32 $0xA7C4627, s2;
	s3 =	sshra.s32 s2, $0x1F  }
0x22c: {  	v43 =	vcvt.s32.f32 v32;
	v26 =	vsub.f32 v26, v34;
	s13 =	sshra.s32 s30, $0x1F;
	v19 =	vsel vm7, s15, v19;
	s18 =	smul.u32 $0xA7C4627, s3;
	s3 =	sshrl.u32 s22, $0x1F  }
0x22d: {  	v44 =	vmov s1;
	s1 =	sshrl.u32 s21, $0x1F;
	s11 =	smul.u32 $0xA7C4627, s13;
	v19 =	vsel vm3, s20, v19;
	v34 =	vmov s3;
	s3 =	rddreg [dreg:$0x1d]  }
0x22e: {  	v30 =	vmul.f32 $6.553600000e+04, v43;
	s20 =	spop (v2sf);
	s29 =	sadd.s32 s29, s7;
	v19 =	vsel vm8, s0, v19;
	s0 =	sld [smem:$0x7EA]  }
0x22f: {  	v36 =	vmul.f32 $6.553600000e+04, v36;
	s7 =	sshrl.u32 s24, $0x1F;
	[smem:$0x7FB] =	sst s29;
	s30 =	smulhi.u32 $0xA7C4627, s20  }
0x230: {  	v23 =	vsub.f32 v23, v30;
	v30 =	vsel vm0, s6, v44;
	s2 =	sshra.s32 s20, $0x1F;
	s6 =	spop (v2sf);
	s12 =	sadd.s32 s11, s16  }
0x231: {  	v3 =	vsub.f32 v3, v36;
	s8 =	sadd.s32 s18, s17;
	s20 =	sld [smem:$0x7EB];
	s15 =	smul.u32 $0xA7C4627, s2  }
0x232: {  	(v2sf) =	vpush v6, $0xB;
	v22 =	vadd.s32 v22, v41;
	v26 =	vtrunc.f32 v26;
	[smem:$0x7FC] =	sst s8;
	s16 =	smulhi.u32 $0xA7C4627, s6;
	s11 =	sshra.s32 s6, $0x1F  }
0x233: {  	v22 =	vadd.s32 v32, v22;
	v3 =	vtrunc.f32 v3;
	v26 =	vcvt.f32.s32 v26;
	s6 =	rddreg [dreg:$0x1e];
	s8 =	sshrl.u32 s3, $0x1F;
	s19 =	sshrl.u32 s0, $0x1F  }
0x234: {  	v23 =	vtrunc.f32 v23;
	v3 =	vcvt.f32.s32 v3;
	v28 =	vnsel vm4, $0x0, v34;
	s29 =	sshrl.u32 s20, $0x1F;
	s13 =	sadd.s32 s15, s30;
	s30 =	smul.u32 $0xA7C4627, s11  }
0x235: {  	v22 =	vcvt.s32.f32 v22;
	v23 =	vcvt.f32.s32 v23;
	s11 =	sshrl.u32 s28, $0x1F;
	s15 =	sshra.s32 s4, $0xC;
	s4 =	sld [smem:$0x7EC];
	v28 =	vsel vm0, s29, v28  }
0x236: {  	v3 =	vadd.s32 v3, v26;
	s0 =	sshra.s32 s0, $0xC;
	v30 =	vsel vm1, s19, v30;
	s19 =	sshrl.u32 s6, $0x1F;
	v28 =	vsel vm1, s1, v28;
	s1 =	rddreg [dreg:$0x1c]  }
0x237: {  	v22 =	vmul.f32 $6.553600000e+04, v22;
	v3 =	vadd.s32 v23, v3;
	s29 =	sshra.s32 s26, $0x1F;
	v26 =	vmov s19;
	s18 =	sadd.s32 s30, s16;
	s2 =	sshrl.u32 s1, $0x1F  }
0x238: {  	s19 =	sshrl.u32 s23, $0x1F;
	v36 =	vmov s29;
	s29 =	sshra.s32 s20, $0xC;
	v28 =	vsel vm2, s11, v28;
	v23 =	vsel vm2, s2, v30;
	s2 =	rddreg [dreg:$0x1b]  }
0x239: {  	v3 =	vcvt.s32.f32 v3;
	v26 =	vsel vm0, s8, v26;
	[smem:$0x7FD] =	sst s18;
	s8 =	sshra.s32 s22, $0xC;
	v28 =	vsel vm5, s19, v28;
	s30 =	sshrl.u32 s2, $0x1F  }
0x23a: {  	s11 =	sshra.s32 s22, $0x1F;
	s18 =	sshrl.u32 s25, $0x1F;
	s22 =	sshrl.u32 s26, $0x1F;
	v40 =	vsel vm4, s8, v36;
	v38 =	vsel vm1, s30, v26;
	v26 =	vsel vm6, s7, v28  }
0x23b: {  	v3 =	vadd.f32 v3, v22;
	s26 =	sshra.s32 s26, $0xC;
	s19 =	sshrl.u32 s4, $0x1F;
	v30 =	vsel vm9, s11, v40;
	s30 =	sshra.s32 s5, $0xC;
	v26 =	vsel vm7, s18, v26  }
0x23c: {  	s8 =	sshra.s32 s1, $0xC;
	s1 =	sshra.s32 s24, $0x1F;
	s7 =	sshra.s32 s20, $0x1F;
	v43 =	vmov s30;
	v22 =	vsel vm8, s22, v26;
	v26 =	vsel vm0, s29, v30  }
0x23d: {  	(v2sf) =	vpush v6, $0x0;
	s11 =	sshra.s32 s3, $0xC;
	s3 =	sshra.s32 s28, $0xC;
	s22 =	sshra.s32 s21, $0xC;
	v40 =	vsel vm0, s15, v43;
	v26 =	vsel vm12, s7, v26  }
0x23e: {  	s5 =	sshra.s32 s23, $0xC;
	v28 =	vsel vm2, s19, v38;
	s19 =	sld [smem:$0x7F0];
	s21 =	sshra.s32 s21, $0x1F;
	v30 =	vsel vm1, s0, v40;
	v26 =	vsel vm1, s22, v26  }
0x23f: {  	v41 =	vmul.f32 $5.960464480e-08, v3;
	s30 =	sshra.s32 s2, $0xC;
	s2 =	sshra.s32 s25, $0xC;
	v30 =	vsel vm2, s8, v30;
	s8 =	sld [smem:$0x7EF];
	v26 =	vsel vm13, s21, v26  }
0x240: {  	s15 =	sshra.s32 s4, $0xC;
	s4 =	sshra.s32 s28, $0x1F;
	v26 =	vsel vm2, s3, v26;
	s3 =	sld [smem:$0x7ED]  }
0x241: {  	v42 =	vtrunc.f32 v41;
	s25 =	sshra.s32 s25, $0x1F;
	s29 =	sshra.s32 s6, $0xC;
	v26 =	vsel vm14, s4, v26;
	s4 =	sld [smem:$0x7EE]  }
0x242: {  	(v2sf) =	vpush v6, $0x1;
	v44 =	vcvt.f32.s32 v42;
	s6 =	sshra.s32 s23, $0x1F;
	s7 =	sshra.s32 s24, $0xC;
	s21 =	sld [smem:$0x7F1];
	v26 =	vsel vm5, s5, v26  }
0x243: {  	s28 =	sshrl.u32 s3, $0x1F;
	s18 =	sshra.s32 s3, $0xC;
	v26 =	vsel vm15, s6, v26;
	s3 =	sld [smem:$0x7F4]  }
0x244: {  	v10 =	vcombine.low v11, v10;
	v42 =	vcvt.s32.f32 v44;
	s5 =	sshrl.u32 s4, $0x1F;
	s22 =	sshra.s32 s4, $0xC;
	v26 =	vsel vm6, s7, v26;
	s4 =	sld [smem:$0x7F5]  }
0x245: {  	(v2sf) =	vpush v6, $0x2;
	v41 =	vmov s29;
	s23 =	sshrl.u32 s19, $0x1F;
	s19 =	sshra.s32 s19, $0xC;
	v26 =	vsel vm10, s1, v26;
	s1 =	sld [smem:$0x7F2]  }
0x246: {  	v32 =	vsel vm0, s11, v41;
	v36 =	vmul.f32 $1.677721600e+07, v42;
	s11 =	sshrl.u32 s8, $0x1F;
	s20 =	sshra.s32 s8, $0xC;
	v43 =	vmov s5;
	s5 =	sld [smem:$0x7F6]  }
0x247: {  	v11 =	vperm.xlane v9, v25;
	(v2sf) =	vpush v6, $0x3;
	s16 =	sshra.s32 s21, $0xC;
	s6 =	sshrl.u32 s21, $0x1F;
	v26 =	vsel vm7, s2, v26;
	s2 =	sld [smem:$0x7F3]  }
0x248: {  	(v2sf) =	vpush v6, $0x4;
	v3 =	vsub.f32 v3, v36;
	s8 =	sshrl.u32 s3, $0x1F;
	s24 =	sshra.s32 s3, $0xC;
	v38 =	vsel vm0, s28, v43;
	s28 =	sshra.s32 s31, $0xC  }
0x249: {  	(v2sf) =	vpush v6, $0x5;
	v32 =	vsel vm1, s30, v32;
	s0 =	sshrl.u32 s4, $0x1F;
	v26 =	vsel vm3, s25, v26;
	s25 =	sshra.s32 s4, $0xC;
	s29 =	sshra.s32 s4, $0x1F  }
0x24a: {  	v34 =	vmul.u32 $0x12BAB, v44;
	v32 =	vsel vm2, s15, v32;
	v3 =	vtrunc.f32 v3;
	s15 =	sshrl.u32 s1, $0x1F;
	s21 =	sshra.s32 s1, $0xC;
	s4 =	sshrl.u32 s5, $0x1F  }
0x24b: {  	v3 =	vcvt.f32.s32 v3;
	v36 =	vsel vm8, s26, v26;
	v26 =	vsel vm1, s11, v38;
	s26 =	sshra.s32 s5, $0xC;
	s30 =	sshra.s32 s5, $0x1F;
	s11 =	sld [smem:$0x7F7]  }
0x24c: {  	v10 =	vperm.xlane v10, v24;
	(v2sf) =	vpush v6, $0x6;
	v44 =	vmov s0;
	s1 =	sshra.s32 s14, $0x1F;
	s0 =	spop (v2sf);
	s7 =	sshrl.u32 s2, $0x1F  }
0x24d: {  	v3 =	vadd.s32 v3, v34;
	s17 =	sshra.s32 s2, $0xC;
	s2 =	sshrl.u32 s31, $0x1F;
	s31 =	sshra.s32 s31, $0x1F;
	v34 =	vmov s15;
	v38 =	vnsel vm4, $0x0, v44  }
0x24e: {  	v40 =	vmov s1;
	s1 =	sld [smem:$0x7F8];
	v38 =	vsel vm0, s2, v38;
	v34 =	vsel vm0, s6, v34;
	s6 =	spop (v2sf);
	s3 =	sshrl.u32 s11, $0x1F  }
0x24f: {  	v13 =	vperm.xlane v13, v25;
	(v2sf) =	vpush v6, $0x7;
	s5 =	sshra.s32 s11, $0xC;
	s15 =	sshra.s32 s11, $0x1F;
	v38 =	vsel vm1, s4, v38;
	s4 =	sshrl.u32 s9, $0x1F  }
0x250: {  	(v2sf) =	vpush v3, $0xD;
	v40 =	vsel vm4, s25, v40;
	v34 =	vsel vm1, s7, v34;
	s7 =	sshra.s32 s9, $0xC;
	s9 =	sshra.s32 s9, $0x1F;
	s2 =	smulhi.u32 $0xA7C4627, s6  }
0x251: {  	v41 =	vmov s22;
	v26 =	vsel vm2, s23, v26;
	v40 =	vsel vm9, s29, v40;
	s29 =	spop (v2sf);
	s23 =	sshrl.u32 s1, $0x1F;
	s11 =	sshra.s32 s1, $0xC  }
0x252: {  	v10 =	vsel vm11, v13, v10;
	v41 =	vsel vm0, s18, v41;
	(v2sf) =	vpush v3, $0xC;
	s25 =	sshra.s32 s1, $0x1F;
	s1 =	smulhi.u32 $0xA7C4627, s0;
	s0 =	sshra.s32 s0, $0x1F  }
0x253: {  	v38 =	vsel vm2, s3, v38;
	v40 =	vsel vm0, s28, v40;
	v34 =	vsel vm2, s8, v34;
	s28 =	sshrl.u32 s10, $0x1F;
	s8 =	sshra.s32 s10, $0xC;
	s3 =	smulhi.u32 $0xA7C4627, s29  }
0x254: {  	v12 =	vcombine.low v14, v12;
	v41 =	vsel vm1, s20, v41;
	s10 =	sshra.s32 s10, $0x1F;
	s20 =	spop (v2sf);
	s0 =	smul.u32 $0xA7C4627, s0;
	v40 =	vsel vm12, s31, v40  }
0x255: {  	(v2sf) =	vpush v3, $0xE;
	v38 =	vsel vm5, s23, v38;
	s23 =	sshra.s32 s6, $0x1F;
	s31 =	sshra.s32 s29, $0x1F;
	s6 =	sshra.s32 s20, $0x1F;
	v40 =	vsel vm1, s26, v40  }
0x256: {  	v12 =	vperm.xlane v12, v24;
	s29 =	sld [smem:$0x7FC];
	v38 =	vsel vm6, s4, v38;
	s22 =	smul.u32 $0xA7C4627, s23;
	s4 =	sshrl.u32 s14, $0x1F;
	v40 =	vsel vm13, s30, v40  }
0x257: {  	v15 =	vcombine.low v18, v15;
	s14 =	sshra.s32 s14, $0xC;
	s18 =	smul.u32 $0xA7C4627, s31;
	s23 =	spop (v2sf);
	v38 =	vsel vm7, s28, v38;
	v42 =	vsel vm2, s5, v40  }
0x258: {  	s28 =	sld [smem:$0x7FB];
	s0 =	sadd.s32 s0, s1;
	v38 =	vsel vm8, s4, v38;
	v40 =	vsel vm2, s19, v41;
	s4 =	smulhi.u32 $0xA7C4627, s20;
	v41 =	vsel vm14, s15, v42  }
0x259: {  	v15 =	vperm.xlane v15, v24;
	v5 =	vperm.xlane v5, v25;
	s20 =	smul.u32 $0xA7C4627, s6;
	s6 =	spop (v2sf);
	s30 =	sshrl.u32 s29, $0x1F;
	v41 =	vsel vm5, s11, v41  }
0x25a: {  	(v2sf) =	vpush v3, $0xF;
	s19 =	sadd.s32 s18, s3;
	v42 =	vmov s21;
	s15 =	sshra.s32 s23, $0x1F;
	v41 =	vsel vm15, s25, v41;
	s25 =	sld [smem:$0x7FA]  }
0x25b: {  	v4 =	vcombine.low v21, v4;
	(v2sf) =	vpush v3, $0x9;
	s18 =	sshrl.u32 s19, $0x1F;
	s11 =	sld [smem:$0x7F9];
	v42 =	vsel vm0, s16, v42;
	s16 =	spop (v2sf)  }
0x25c: {  	v44 =	vcombine.low v8, v7;
	s21 =	sshrl.u32 s28, $0x1F;
	s15 =	smul.u32 $0xA7C4627, s15;
	s20 =	sadd.s32 s20, s4;
	v42 =	vsel vm1, s17, v42;
	v43 =	vsel vm6, s7, v41  }
0x25d: {  	(v2sf) =	vpush v3, $0x8;
	s1 =	spop (v2sf);
	s7 =	smulhi.u32 $0xA7C4627, s23;
	v41 =	vsel vm2, s24, v42;
	v42 =	vsel vm10, s9, v43;
	s31 =	sshrl.u32 s25, $0x1F  }
0x25e: {  	(v2sf) =	vpush v3, $0xA;
	s23 =	spop (v2sf);
	s24 =	sshrl.u32 s12, $0x1F;
	s26 =	sshrl.u32 s11, $0x1F;
	v42 =	vsel vm7, s8, v42;
	v43 =	vmov s31  }
0x25f: {  	(v2sf) =	vpush v3, $0xB;
	s9 =	sadd.s32 s22, s2;
	s5 =	spop (v2sf);
	s31 =	sshrl.u32 s13, $0x1F;
	v42 =	vsel vm3, s10, v42;
	v43 =	vsel vm0, s26, v43  }
0x260: {  	s22 =	sshrl.u32 s9, $0x1F;
	s26 =	sld [smem:$0x7FD];
	v8 =	vsel vm8, s14, v42;
	v42 =	vmov s31;
	v43 =	vsel vm1, s21, v43;
	s21 =	smulhi.u32 $0xA7C4627, s6  }
0x261: {  	v21 =	vperm.xlane v4, v24;
	(v2sf) =	vpush v3, $0x0;
	s17 =	sadd.s32 s15, s7;
	s31 =	sshra.s32 s16, $0x1F;
	v42 =	vsel vm0, s30, v42;
	s30 =	smulhi.u32 $0xA7C4627, s16  }
0x262: {  	v19 =	vperm.xlane v19, v25;
	v22 =	vperm.xlane v22, v25;
	s14 =	spop (v2sf);
	(v2sf) =	vpush v3, $0x1;
	s6 =	sshra.s32 s6, $0x1F;
	s8 =	smul.u32 $0xA7C4627, s31  }
0x263: {  	s13 =	sshra.s32 s13, $0xC;
	(v2sf) =	vpush v3, $0x2;
	v7 =	vsel vm2, s24, v43;
	s24 =	smul.u32 $0xA7C4627, s6;
	v43 =	vperm.xlane v44, v24;
	s10 =	sshrl.u32 s26, $0x1F  }
0x264: {  	s16 =	sshrl.u32 s0, $0x1F;
	v8 =	vperm.xlane v8, v25;
	s6 =	spop (v2sf);
	v9 =	vsel vm1, s10, v42;
	v42 =	vmov s22;
	s22 =	smulhi.u32 $0xA7C4627, s1  }
0x265: {  	s1 =	sshra.s32 s1, $0x1F;
	v11 =	vsel vm11, v11, v43;
	s10 =	sadd.s32 s8, s30;
	s30 =	sshrl.u32 s17, $0x1F;
	v43 =	vperm.xlane v27, v25;
	v27 =	vperm.xlane v35, v25  }
0x266: {  	s8 =	sshra.s32 s25, $0xC;
	v42 =	vnsel vm4, $0x0, v42;
	v9 =	vsel vm2, s16, v9;
	s1 =	smul.u32 $0xA7C4627, s1;
	s16 =	sadd.s32 s24, s21;
	v10 =	vadd.s32 v11, v10  }
0x267: {  	s21 =	smulhi.u32 $0xA7C4627, s23;
	s24 =	sshra.s32 s23, $0x1F;
	v11 =	vcombine.low v20, v17;
	v42 =	vsel vm0, s18, v42;
	s18 =	sshrl.u32 s20, $0x1F;
	v10 =	vmul.u32 $0x186A3, v10  }
0x268: {  	s25 =	sshra.s32 s28, $0xC;
	s15 =	sshrl.u32 s10, $0x1F;
	s7 =	smul.u32 $0xA7C4627, s24;
	v7 =	vcombine.low v9, v7;
	v44 =	vsel vm1, s18, v42;
	v42 =	vperm.xlane v16, v25  }
0x269: {  	s23 =	sshra.s32 s11, $0xC;
	s1 =	sadd.s32 s1, s22;
	s22 =	spop (v2sf);
	(v2sf) =	vpush v3, $0x3;
	v11 =	vperm.xlane v11, v24;
	v14 =	vsel vm2, s30, v44  }
0x26a: {  	s31 =	sshrl.u32 s16, $0x1F;
	s4 =	sadd.s32 s7, s21;
	s21 =	spop (v2sf);
	(v2sf) =	vpush v3, $0x4;
	v44 =	vmov s8;
	v10 =	vsub.s32 v61, v10  }
0x26b: {  	s24 =	sshrl.u32 s1, $0x1F;
	s30 =	sshra.s32 s12, $0xC;
	s8 =	smulhi.u32 $0xA7C4627, s5;
	v61 =	vperm.xlane v29, v25;
	v7 =	vperm.xlane v7, v24;
	v14 =	vsel vm5, s31, v14  }
0x26c: {  	s18 =	spop (v2sf);
	v13 =	vsel vm11, v42, v12;
	v16 =	vsel vm11, v43, v11;
	v12 =	vsel vm0, s23, v44;
	s28 =	sshrl.u32 s4, $0x1F;
	s31 =	sshra.s32 s29, $0xC  }
0x26d: {  	s12 =	sshra.s32 s4, $0x1F;
	s23 =	sshra.s32 s9, $0xC;
	v42 =	vmov s13;
	v11 =	vsel vm6, s15, v14;
	v12 =	vsel vm1, s25, v12;
	s25 =	sshra.s32 s5, $0x1F  }
0x26e: {  	s29 =	sshra.s32 s19, $0x1F;
	v13 =	vadd.s32 v13, v16;
	v20 =	vmov s12;
	v16 =	vsel vm0, s31, v42;
	s31 =	sshra.s32 s26, $0xC;
	s13 =	smul.u32 $0xA7C4627, s25  }
0x26f: {  	(v2sf) =	vpush v3, $0x5;
	s26 =	sshra.s32 s17, $0x1F;
	v11 =	vsel vm7, s24, v11;
	s24 =	sshra.s32 s9, $0x1F;
	v14 =	vsel vm4, s23, v20;
	s23 =	smulhi.u32 $0xA7C4627, s14  }
0x270: {  	v12 =	vsel vm2, s30, v12;
	s30 =	sshra.s32 s14, $0x1F;
	s14 =	smulhi.u32 $0xA7C4627, s6;
	v11 =	vsel vm8, s28, v11;
	v14 =	vsel vm9, s24, v14;
	s28 =	sshra.s32 s19, $0xC  }
0x271: {  	v43 =	vcombine.low v39, v37;
	v44 =	vadd.s32 $0x186A3, v10;
	s6 =	sshra.s32 s6, $0x1F;
	s24 =	smul.u32 $0xA7C4627, s30;
	v14 =	vsel vm0, s28, v14;
	s28 =	sshra.s32 s22, $0x1F  }
0x272: {  	v35 =	vsel vm11, v61, v15;
	v61 =	vimm.s32 $0x18800;
	s25 =	sshra.s32 s17, $0xC;
	s19 =	sshra.s32 s20, $0xC;
	v14 =	vsel vm12, s29, v14;
	s17 =	smul.u32 $0xA7C4627, s28  }
0x273: {  	s0 =	sshra.s32 s0, $0xC;
	s15 =	spop (v2sf);
	v13 =	vmul.u32 $0x186A3, v13;
	v17 =	vperm.xlane v43, v24;
	v14 =	vsel vm1, s19, v14;
	s19 =	smul.u32 $0xA7C4627, s6  }
0x274: {  	s2 =	spop (v2sf);
	v16 =	vsel vm1, s31, v16;
	v43 =	vcombine.low v33, v31;
	vm9 =	vlt.s32 v10, $0x0;
	s20 =	sshra.s32 s20, $0x1F;
	s6 =	smulhi.u32 $0xA7C4627, s22  }
0x275: {  	v31 =	vsel vm11, v19, v21;
	s3 =	spop (v2sf);
	s30 =	sshra.s32 s21, $0x1F;
	v10 =	vsel vm9, v44, v10;
	v14 =	vsel vm13, s20, v14;
	s20 =	smulhi.u32 $0xA7C4627, s21  }
0x276: {  	v18 =	vsub.s32 v62, v13;
	s9 =	spop (v2sf);
	(v2sf) =	vpush v3, $0x6;
	s21 =	smulhi.u32 $0xA7C4627, s18;
	s18 =	sshra.s32 s18, $0x1F;
	v29 =	vsel vm2, s25, v14  }
0x277: {  	v37 =	vsel vm11, v27, v17;
	s29 =	sshra.s32 s16, $0xC;
	(v2sf) =	vpush v3, $0x7;
	s18 =	smul.u32 $0xA7C4627, s18;
	s25 =	sshra.s32 s15, $0x1F;
	v13 =	vsel vm14, s26, v29  }
0x278: {  	v44 =	vcombine.low v28, v23;
	s16 =	sshra.s32 s16, $0x1F;
	v39 =	vsel vm5, s29, v13;
	v13 =	vsel vm2, s0, v16;
	s0 =	sadd.s32 s24, s23;
	s23 =	smul.u32 $0xA7C4627, s25  }
0x279: {  	s31 =	sshra.s32 s10, $0xC;
	v62 =	vcombine.low v32, v30;
	v30 =	vperm.xlane v36, v25;
	s29 =	sshra.s32 s3, $0x1F;
	v42 =	vsel vm15, s16, v39;
	s16 =	smul.u32 $0xA7C4627, s30  }
0x27a: {  	s10 =	sshra.s32 s10, $0x1F;
	v11 =	vperm.xlane v11, v25;
	vm9 =	vlt.s32 v18, $0x0;
	s28 =	sshra.s32 s4, $0xC;
	v15 =	vsel vm6, s31, v42;
	s31 =	smul.u32 $0xA7C4627, s29  }
0x27b: {  	s22 =	sshra.s32 s1, $0xC;
	s1 =	sshra.s32 s1, $0x1F;
	v17 =	vperm.xlane v44, v24;
	v28 =	vperm.xlane v62, v24;
	v15 =	vsel vm10, s10, v15;
	s10 =	smulhi.u32 $0xA7C4627, s2  }
0x27c: {  	v20 =	vsel vm9, $0x30EA3, v61;
	v44 =	vcombine.low v34, v26;
	v61 =	vcombine.low v41, v40;
	s5 =	spop (v2sf);
	s4 =	sadd.s32 s16, s20;
	s16 =	smulhi.u32 $0xA7C4627, s9  }
0x27d: {  	v62 =	vperm.xlane v38, v25;
	v7 =	vsel vm11, v11, v7;
	s26 =	sshrl.u32 s0, $0x1F;
	s2 =	sshra.s32 s2, $0x1F;
	v15 =	vsel vm7, s22, v15;
	s22 =	smulhi.u32 $0xA7C4627, s15  }
0x27e: {  	v4 =	vadd.s32 v18, v20;
	v14 =	vadd.s32 v35, v37;
	v32 =	vsel vm11, v22, v17;
	s0 =	sshra.s32 s0, $0xC;
	s12 =	spop (v2sf);
	s15 =	smul.u32 $0xA7C4627, s2  }
0x27f: {  	v33 =	vsel vm11, v30, v28;
	v18 =	vperm.xlane v44, v24;
	v20 =	vperm.xlane v61, v24;
	s9 =	sshra.s32 s9, $0x1F;
	s2 =	sadd.s32 s19, s14;
	s19 =	smulhi.u32 $0xA7C4627, s3  }
0x280: {  	v61 =	vimm.s32 $0xAB800;
	v14 =	vmul.u32 $0x186A3, v14;
	v29 =	vimm.s32 $0x31000;
	s11 =	spop (v2sf);
	s3 =	sadd.s32 s17, s6;
	s9 =	smul.u32 $0xA7C4627, s9  }
0x281: {  	v16 =	vperm.xlane v43, v24;
	v43 =	vimm.s32 $0x49800;
	v28 =	vsel vm11, v62, v18;
	s6 =	sadd.s32 s18, s21;
	s17 =	smulhi.u32 $0xA7C4627, s5;
	s5 =	sshra.s32 s5, $0x1F  }
0x282: {  	v8 =	vsel vm11, v8, v20;
	v27 =	vmov s26;
	s26 =	sshrl.u32 s4, $0x1F;
	s7 =	spop (v2sf);
	v15 =	vsel vm3, s1, v15;
	s1 =	sadd.s32 s13, s8  }
0x283: {  	v14 =	vsub.s32 v63, v14;
	v8 =	vadd.s32 v28, v8;
	v12 =	vcombine.low v13, v12;
	s24 =	sshrl.u32 s6, $0x1F;
	s20 =	smul.u32 $0xA7C4627, s5;
	s30 =	sshrl.u32 s1, $0x1F  }
0x284: {  	v5 =	vsel vm11, v5, v16;
	s21 =	sshrl.u32 s2, $0x1F;
	s25 =	sshrl.u32 s3, $0x1F;
	v37 =	vmov s24;
	s24 =	smulhi.u32 $0xA7C4627, s11;
	v35 =	vsel vm0, s30, v27  }
0x285: {  	v16 =	vadd.s32 v32, v33;
	vm9 =	vlt.s32 v14, $0x0;
	v36 =	vsel vm1, s21, v35;
	s21 =	smulhi.u32 $0xA7C4627, s12;
	s12 =	sshra.s32 s12, $0x1F;
	s8 =	spop (v2sf)  }
0x286: {  	v42 =	vimm.s32 $0x62000;
	v8 =	vmul.u32 $0x186A3, v8;
	v5 =	vadd.s32 v5, v31;
	s6 =	sshra.s32 s6, $0xC;
	s29 =	smul.u32 $0xA7C4627, s12;
	s30 =	spop (v2sf)  }
0x287: {  	v16 =	vmul.u32 $0x186A3, v16;
	v39 =	vsel vm9, $0x496A3, v29;
	v5 =	vmul.u32 $0x186A3, v5;
	s14 =	sadd.s32 s31, s19;
	s31 =	smulhi.u32 $0xA7C4627, s30;
	s12 =	sshra.s32 s30, $0x1F  }
0x288: {  	v12 =	vperm.xlane v12, v24;
	v14 =	vadd.s32 v14, v39;
	v2 =	vsub.s32 v2, v8;
	s5 =	sadd.s32 s23, s22;
	s11 =	sshra.s32 s11, $0x1F;
	s23 =	smul.u32 $0xA7C4627, s12  }
0x289: {  	v8 =	vimm.s32 $0x7A800;
	v15 =	vsel vm8, s28, v15;
	v0 =	vsub.s32 v0, v5;
	s19 =	rddreg [dreg:$0x1a];
	s1 =	sshra.s32 s1, $0xC;
	s28 =	sshrl.u32 s5, $0x1F  }
0x28a: {  	v1 =	vsub.s32 v1, v16;
	vm9 =	vlt.s32 v0, $0x0;
	v17 =	vsel vm0, s26, v37;
	s22 =	sshrl.u32 s14, $0x1F;
	s12 =	sadd.s32 s15, s10;
	s10 =	sadd.s32 s23, s31  }
0x28b: {  	v15 =	vperm.xlane v15, v25;
	v19 =	vsel vm9, $0x61EA3, v43;
	v5 =	vsel vm2, s25, v36;
	s25 =	sadd.s32 s9, s16;
	s16 =	sadd.s32 s29, s21;
	s29 =	sshra.s32 s10, $0x1F  }
0x28c: {  	s26 =	smul.u32 $0xA7C4627, s11;
	vm9 =	vlt.s32 v1, $0x0;
	v17 =	vsel vm1, s28, v17;
	s28 =	sadd.s32 s20, s17;
	s31 =	sshra.s32 s14, $0xC;
	v30 =	vmov s29  }
0x28d: {  	v23 =	vsel vm9, $0x7A6A3, v42;
	vm9 =	vcmask $0x704;
	s21 =	smulhi.u32 $0xA7C4627, s7;
	s7 =	sshra.s32 s7, $0x1F;
	s14 =	sshra.s32 s14, $0x1F;
	v31 =	vsel vm4, s31, v30  }
0x28e: {  	v63 =	vmov s22;
	v35 =	vmov s0;
	s13 =	sadd.s32 s26, s24;
	s22 =	sshra.s32 s25, $0xC;
	s7 =	smul.u32 $0xA7C4627, s7;
	v32 =	vsel vm9, s14, v31  }
0x28f: {  	v43 =	vimm.s32 $0x93000;
	v29 =	vnsel vm4, $0x0, v63;
	s9 =	sshll.u32 s19, $0x7;
	s24 =	smulhi.u32 $0xA7C4627, s8;
	s15 =	sshra.s32 s25, $0x1F;
	v13 =	vsel vm0, s22, v32  }
0x290: {  	v12 =	vsel vm11, v15, v12;
	v36 =	vmov s6;
	s8 =	sshra.s32 s8, $0x1F;
	s30 =	sshrl.u32 s25, $0x1F;
	s25 =	sshra.s32 s28, $0xC;
	v13 =	vsel vm12, s15, v13  }
0x291: {  	s20 =	sshrl.u32 s28, $0x1F;
	s11 =	sshra.s32 s28, $0x1F;
	v15 =	vsel vm0, s1, v35;
	v33 =	vor.u32 s9, v48;
	s8 =	smul.u32 $0xA7C4627, s8;
	v13 =	vsel vm1, s25, v13  }
0x292: {  	v11 =	vor.u32 s9, v49;
	v9 =	vsel vm0, s30, v29;
	s7 =	sadd.s32 s7, s21;
	s21 =	sshra.s32 s2, $0xC;
	s29 =	sshra.s32 s16, $0xC;
	v13 =	vsel vm13, s11, v13  }
0x293: {  	s17 =	sshra.s32 s4, $0xC;
	v9 =	vsel vm1, s20, v9;
	s26 =	sshrl.u32 s12, $0x1F;
	v15 =	vsel vm1, s21, v15;
	s31 =	sshra.s32 s16, $0x1F;
	v13 =	vsel vm2, s29, v13  }
0x294: {  	s8 =	sadd.s32 s8, s24;
	s24 =	sshra.s32 s3, $0xC;
	v34 =	vsel vm2, s26, v17;
	s15 =	sshra.s32 s13, $0xC;
	vm13 =	vmmov vm5;
	v13 =	vsel vm14, s31, v13  }
0x295: {  	s23 =	sshrl.u32 s16, $0x1F;
	v17 =	vsel vm0, s17, v36;
	v15 =	vsel vm2, s24, v15;
	s16 =	sshra.s32 s13, $0x1F;
	v13 =	vsel vm13, s15, v13  }
0x296: {  	s28 =	sshrl.u32 s13, $0x1F;
	s20 =	sshra.s32 s7, $0xC;
	v9 =	vsel vm2, s23, v9;
	vm5 =	vmmov vm6;
	v13 =	vsel vm15, s16, v13  }
0x297: {  	s30 =	sshrl.u32 s7, $0x1F;
	v5 =	vcombine.low v34, v5;
	s23 =	sshra.s32 s7, $0x1F;
	s22 =	sshra.s32 s5, $0xC;
	v9 =	vsel vm13, s28, v9;
	v13 =	vsel vm5, s20, v13  }
0x298: {  	s26 =	sshra.s32 s8, $0xC;
	s14 =	sshrl.u32 s8, $0x1F;
	v17 =	vsel vm1, s22, v17;
	s25 =	sshra.s32 s12, $0xC;
	v9 =	vsel vm5, s30, v9;
	v13 =	vsel vm10, s23, v13  }
0x299: {  	v17 =	vsel vm2, s25, v17;
	s28 =	sshrl.u32 s10, $0x1F;
	s29 =	sshra.s32 s8, $0x1F;
	v9 =	vsel vm7, s14, v9;
	v13 =	vsel vm7, s26, v13  }
0x29a: {  	v15 =	vcombine.low v17, v15;
	s30 =	sshra.s32 s10, $0xC;
	v9 =	vsel vm8, s28, v9;
	v13 =	vsel vm3, s29, v13  }
0x29b: {  	v5 =	vperm.xlane v5, v24;
	v9 =	vperm.xlane v9, v25;
	v13 =	vsel vm8, s30, v13  }
0x29c: {  	v37 =	vor.u32 s9, v50;
	v15 =	vperm.xlane v15, v24;
	v13 =	vperm.xlane v13, v25  }
0x29d: {  	v0 =	vadd.s32 v0, v19;
	v5 =	vsel vm11, v9, v5;
	v9 =	vor.u32 s9, v51  }
0x29e: {  	v7 =	vadd.s32 v7, v12;
	v39 =	vor.u32 s9, v52;
	s5 =	simm.s32 $0x380;
	v38 =	vsel vm11, v13, v15  }
0x29f: {  	v7 =	vmul.u32 $0x186A3, v7;
	[tilespmem:v33+s5+$0x0] =	vst.idx.msk $0xffff, v10;
	v10 =	vor.u32 s9, v53;
	v5 =	vadd.s32 v5, v38  }
0x2a0: {  	v1 =	vadd.s32 v1, v23;
	v40 =	vor.u32 s9, v54;
	[tilespmem:v11+s5+$0x0] =	vst.idx.msk $0xffff, v4;
	v5 =	vmul.u32 $0x186A3, v5  }
0x2a1: {  	p0 =	sne.s32 s19, $0xF;
	v41 =	vor.u32 s9, v55;
	v6 =	vsub.s32 v6, v7;
	vm9 =	vlt.s32 v2, $0x0;
	[tilespmem:v37+s5+$0x0] =	vst.idx.msk $0xffff, v14  }
.Ltmp0:
0x2a2: {  	v42 =	vsel vm9, $0x92EA3, v8;
	vm9 =	vlt.s32 v6, $0x0;
	[tilespmem:v9+s5+$0x0] =	vst.idx.msk $0xffff, v0;
	v3 =	vsub.s32 v3, v5;
	(pc) =	sbr.rel @p0 .LBB2_2-.Ltmp0, $4  }
0x2a3: {  	v44 =	vsel vm9, $0xAB6A3, v43;
	v0 =	vadd.s32 v2, v42;
	[tilespmem:v39+s5+$0x0] =	vst.idx.msk $0xffff, v1;
	vm9 =	vlt.s32 v3, $0x0  }
0x2a4: {  	v62 =	vadd.s32 v6, v44;
	[tilespmem:v10+s5+$0x0] =	vst.idx.msk $0xffff, v0;
	v2 =	vsel vm9, $0xC3EA3, v61  }
0x2a5: {  	s31 =	rddreg [dreg:$0x19];
	[tilespmem:v40+s5+$0x0] =	vst.idx.msk $0xffff, v62;
	v63 =	vadd.s32 v3, v2  }
0x2a6: {  	s18 =	simm.s32 $0x180;
	s19 =	sadd.s32 $0x1, s19;
	vm6 =	vmmov vm11;
	s0 =	sadd.s32 $0x10, s31;
	vm3 =	vmmov vm4;
	v9 =	vlaneseq.u32;
	[tilespmem:v41+s5+$0x0] =	vst.idx.msk $0xffff, v63  }
0x2a7: {  	s0 =	rddreg [dreg:$0x5];
	s3 =	simm.s32 $0x80;
	s2 =	simm.s32 $0xB80  }
0x2a8: {  	[tilespmem:s2], [sflag:$0x2] =	stream.indirect.gather [hbm4b:s0+s3], $0x80, s5, s3, $0xb8;
	[tilespmem:$0x8B80] =	vst v63  }
0x2a9: {  	s1 =	simm.s32 $0x400;
	s4 =	simm.s32 $0x4B80;
	s5 =	simm.s32 $0x2  }
0x2aa: {  	[tilespmem:s4], [sflag:$0x3] =	stream.indirect.gather [hbm4b:s0+s3], $0x80, s1, s3, $0xb8;
	[tilespmem:$0x8B80] =	vst v63  }
0x2ab: {  	_ =	swait.ge [sflag:s5], $0x4000  }
0x2ac: {  	s6 =	simm.s32 $0x0;
	[sflag:s5] =	ssyncset.done $0x0  }
0x2ad: {  	s7 =	simm.s32 $0x4;
	s19 =	rddreg [dreg:$0x7];
	[sflag:s5] =	ssyncadd.s32 $0xFFFFC000  }
0x2ae: {  	[hbm4b:s19+s6] =	stream.linear.scatter [tilespmem:s2], [sflag:$0x4], $0x4000, $0x38;
	[tilespmem:$0x8B80] =	vst v63  }
0x2af: {  	_ =	swait.ge [sflag:s7], $0x4000  }
0x2b0: {  	[sflag:s7] =	ssyncset.done $0x0  }
0x2b1: {  	s20 =	simm.s32 $0x480;
	s8 =	simm.s32 $0x3;
	[sflag:s7] =	ssyncadd.s32 $0xFFFFC000  }
0x2b2: {  	[tilespmem:s2], [sflag:$0x2] =	stream.indirect.gather [hbm4b:s0+s3], $0x80, s20, s3, $0xb8;
	[tilespmem:$0x8B80] =	vst v63  }
0x2b3: {  	_ =	swait.ge [sflag:s8], $0x4000  }
0x2b4: {  	[sflag:s8] =	ssyncset.done $0x0  }
0x2b5: {  	s9 =	simm.s32 $0x5;
	s21 =	rddreg [dreg:$0x8];
	[sflag:s8] =	ssyncadd.s32 $0xFFFFC000  }
0x2b6: {  	[hbm4b:s21+s6] =	stream.linear.scatter [tilespmem:s4], [sflag:$0x5], $0x4000, $0x38;
	[tilespmem:$0x8B80] =	vst v63  }
0x2b7: {  	_ =	swait.ge [sflag:s9], $0x4000  }
0x2b8: {  	[sflag:s9] =	ssyncset.done $0x0  }
0x2b9: {  	s22 =	simm.s32 $0x500;
	[sflag:s9] =	ssyncadd.s32 $0xFFFFC000  }
0x2ba: {  	[tilespmem:s4], [sflag:$0x3] =	stream.indirect.gather [hbm4b:s0+s3], $0x80, s22, s3, $0xb8;
	[tilespmem:$0x8B80] =	vst v63  }
0x2bb: {  	_ =	swait.ge [sflag:s5], $0x4000  }
0x2bc: {  	[sflag:s5] =	ssyncset.done $0x0  }
0x2bd: {  	s23 =	rddreg [dreg:$0x9];
	[sflag:s5] =	ssyncadd.s32 $0xFFFFC000  }
0x2be: {  	[hbm4b:s23+s6] =	stream.linear.scatter [tilespmem:s2], [sflag:$0x4], $0x4000, $0x38;
	[tilespmem:$0x8B80] =	vst v63  }
0x2bf: {  	_ =	swait.ge [sflag:s7], $0x4000  }
0x2c0: {  	[sflag:s7] =	ssyncset.done $0x0  }
0x2c1: {  	s24 =	simm.s32 $0x580;
	[sflag:s7] =	ssyncadd.s32 $0xFFFFC000  }
0x2c2: {  	[tilespmem:s2], [sflag:$0x2] =	stream.indirect.gather [hbm4b:s0+s3], $0x80, s24, s3, $0xb8;
	[tilespmem:$0x8B80] =	vst v63  }
0x2c3: {  	_ =	swait.ge [sflag:s8], $0x4000  }
0x2c4: {  	[sflag:s8] =	ssyncset.done $0x0  }
0x2c5: {  	s25 =	rddreg [dreg:$0xa];
	[sflag:s8] =	ssyncadd.s32 $0xFFFFC000  }
0x2c6: {  	[hbm4b:s25+s6] =	stream.linear.scatter [tilespmem:s4], [sflag:$0x5], $0x4000, $0x38;
	[tilespmem:$0x8B80] =	vst v63  }
0x2c7: {  	_ =	swait.ge [sflag:s9], $0x4000  }
0x2c8: {  	[sflag:s9] =	ssyncset.done $0x0  }
0x2c9: {  	s26 =	simm.s32 $0x600;
	[sflag:s9] =	ssyncadd.s32 $0xFFFFC000  }
0x2ca: {  	[tilespmem:s4], [sflag:$0x3] =	stream.indirect.gather [hbm4b:s0+s3], $0x80, s26, s3, $0xb8;
	[tilespmem:$0x8B80] =	vst v63  }
0x2cb: {  	_ =	swait.ge [sflag:s5], $0x4000  }
0x2cc: {  	[sflag:s5] =	ssyncset.done $0x0  }
0x2cd: {  	s28 =	rddreg [dreg:$0xb];
	[sflag:s5] =	ssyncadd.s32 $0xFFFFC000  }
0x2ce: {  	[hbm4b:s28+s6] =	stream.linear.scatter [tilespmem:s2], [sflag:$0x4], $0x4000, $0x38;
	[tilespmem:$0x8B80] =	vst v63  }
0x2cf: {  	_ =	swait.ge [sflag:s7], $0x4000  }
0x2d0: {  	[sflag:s7] =	ssyncset.done $0x0  }
0x2d1: {  	s29 =	simm.s32 $0x680;
	[sflag:s7] =	ssyncadd.s32 $0xFFFFC000  }
0x2d2: {  	[tilespmem:s2], [sflag:$0x2] =	stream.indirect.gather [hbm4b:s0+s3], $0x80, s29, s3, $0xb8;
	[tilespmem:$0x8B80] =	vst v63  }
0x2d3: {  	_ =	swait.ge [sflag:s8], $0x4000  }
0x2d4: {  	[sflag:s8] =	ssyncset.done $0x0  }
0x2d5: {  	s30 =	rddreg [dreg:$0xc];
	[sflag:s8] =	ssyncadd.s32 $0xFFFFC000  }
0x2d6: {  	[hbm4b:s30+s6] =	stream.linear.scatter [tilespmem:s4], [sflag:$0x5], $0x4000, $0x38;
	[tilespmem:$0x8B80] =	vst v63  }
0x2d7: {  	_ =	swait.ge [sflag:s9], $0x4000  }
0x2d8: {  	[sflag:s9] =	ssyncset.done $0x0  }
0x2d9: {  	s31 =	simm.s32 $0x700;
	[sflag:s9] =	ssyncadd.s32 $0xFFFFC000  }
0x2da: {  	[tilespmem:s4], [sflag:$0x3] =	stream.indirect.gather [hbm4b:s0+s3], $0x80, s31, s3, $0xb8;
	[tilespmem:$0x8B80] =	vst v63  }
0x2db: {  	_ =	swait.ge [sflag:s5], $0x4000  }
0x2dc: {  	[sflag:s5] =	ssyncset.done $0x0  }
0x2dd: {  	s10 =	rddreg [dreg:$0xd];
	[sflag:s5] =	ssyncadd.s32 $0xFFFFC000  }
0x2de: {  	[hbm4b:s10+s6] =	stream.linear.scatter [tilespmem:s2], [sflag:$0x4], $0x4000, $0x38;
	[tilespmem:$0x8B80] =	vst v63  }
0x2df: {  	_ =	swait.ge [sflag:s7], $0x4000  }
0x2e0: {  	[sflag:s7] =	ssyncset.done $0x0  }
0x2e1: {  	s11 =	simm.s32 $0x780;
	[sflag:s7] =	ssyncadd.s32 $0xFFFFC000  }
0x2e2: {  	[tilespmem:s2], [sflag:$0x2] =	stream.indirect.gather [hbm4b:s0+s3], $0x80, s11, s3, $0xb8;
	[tilespmem:$0x8B80] =	vst v63  }
0x2e3: {  	_ =	swait.ge [sflag:s8], $0x4000  }
0x2e4: {  	[sflag:s8] =	ssyncset.done $0x0  }
0x2e5: {  	s12 =	rddreg [dreg:$0xe];
	[sflag:s8] =	ssyncadd.s32 $0xFFFFC000  }
0x2e6: {  	[hbm4b:s12+s6] =	stream.linear.scatter [tilespmem:s4], [sflag:$0x5], $0x4000, $0x38;
	[tilespmem:$0x8B80] =	vst v63  }
0x2e7: {  	_ =	swait.ge [sflag:s9], $0x4000  }
0x2e8: {  	[sflag:s9] =	ssyncset.done $0x0  }
0x2e9: {  	s13 =	simm.s32 $0x800;
	[sflag:s9] =	ssyncadd.s32 $0xFFFFC000  }
0x2ea: {  	[tilespmem:s4], [sflag:$0x3] =	stream.indirect.gather [hbm4b:s0+s3], $0x80, s13, s3, $0xb8;
	[tilespmem:$0x8B80] =	vst v63  }
0x2eb: {  	_ =	swait.ge [sflag:s5], $0x4000  }
0x2ec: {  	[sflag:s5] =	ssyncset.done $0x0  }
0x2ed: {  	s14 =	rddreg [dreg:$0xf];
	[sflag:s5] =	ssyncadd.s32 $0xFFFFC000  }
0x2ee: {  	[hbm4b:s14+s6] =	stream.linear.scatter [tilespmem:s2], [sflag:$0x4], $0x4000, $0x38;
	[tilespmem:$0x8B80] =	vst v63  }
0x2ef: {  	_ =	swait.ge [sflag:s7], $0x4000  }
0x2f0: {  	[sflag:s7] =	ssyncset.done $0x0  }
0x2f1: {  	s15 =	simm.s32 $0x880;
	[sflag:s7] =	ssyncadd.s32 $0xFFFFC000  }
0x2f2: {  	[tilespmem:s2], [sflag:$0x2] =	stream.indirect.gather [hbm4b:s0+s3], $0x80, s15, s3, $0xb8;
	[tilespmem:$0x8B80] =	vst v63  }
0x2f3: {  	_ =	swait.ge [sflag:s8], $0x4000  }
0x2f4: {  	[sflag:s8] =	ssyncset.done $0x0  }
0x2f5: {  	s16 =	rddreg [dreg:$0x10];
	[sflag:s8] =	ssyncadd.s32 $0xFFFFC000  }
0x2f6: {  	[hbm4b:s16+s6] =	stream.linear.scatter [tilespmem:s4], [sflag:$0x5], $0x4000, $0x38;
	[tilespmem:$0x8B80] =	vst v63  }
0x2f7: {  	_ =	swait.ge [sflag:s9], $0x4000  }
0x2f8: {  	[sflag:s9] =	ssyncset.done $0x0  }
0x2f9: {  	s17 =	simm.s32 $0x900;
	[sflag:s9] =	ssyncadd.s32 $0xFFFFC000  }
0x2fa: {  	[tilespmem:s4], [sflag:$0x3] =	stream.indirect.gather [hbm4b:s0+s3], $0x80, s17, s3, $0xb8;
	[tilespmem:$0x8B80] =	vst v63  }
0x2fb: {  	_ =	swait.ge [sflag:s5], $0x4000  }
0x2fc: {  	[sflag:s5] =	ssyncset.done $0x0  }
0x2fd: {  	s19 =	rddreg [dreg:$0x11];
	[sflag:s5] =	ssyncadd.s32 $0xFFFFC000  }
0x2fe: {  	[hbm4b:s19+s6] =	stream.linear.scatter [tilespmem:s2], [sflag:$0x4], $0x4000, $0x38;
	[tilespmem:$0x8B80] =	vst v63  }
0x2ff: {  	_ =	swait.ge [sflag:s7], $0x4000  }
0x300: {  	[sflag:s7] =	ssyncset.done $0x0  }
0x301: {  	s20 =	simm.s32 $0x980;
	[sflag:s7] =	ssyncadd.s32 $0xFFFFC000  }
0x302: {  	[tilespmem:s2], [sflag:$0x2] =	stream.indirect.gather [hbm4b:s0+s3], $0x80, s20, s3, $0xb8;
	[tilespmem:$0x8B80] =	vst v63  }
0x303: {  	_ =	swait.ge [sflag:s8], $0x4000  }
0x304: {  	[sflag:s8] =	ssyncset.done $0x0  }
0x305: {  	s21 =	rddreg [dreg:$0x12];
	[sflag:s8] =	ssyncadd.s32 $0xFFFFC000  }
0x306: {  	[hbm4b:s21+s6] =	stream.linear.scatter [tilespmem:s4], [sflag:$0x5], $0x4000, $0x38;
	[tilespmem:$0x8B80] =	vst v63  }
0x307: {  	_ =	swait.ge [sflag:s9], $0x4000  }
0x308: {  	[sflag:s9] =	ssyncset.done $0x0  }
0x309: {  	s22 =	simm.s32 $0xA00;
	[sflag:s9] =	ssyncadd.s32 $0xFFFFC000  }
0x30a: {  	[tilespmem:s4], [sflag:$0x3] =	stream.indirect.gather [hbm4b:s0+s3], $0x80, s22, s3, $0xb8;
	[tilespmem:$0x8B80] =	vst v63  }
0x30b: {  	_ =	swait.ge [sflag:s5], $0x4000  }
0x30c: {  	[sflag:s5] =	ssyncset.done $0x0  }
0x30d: {  	s23 =	rddreg [dreg:$0x13];
	[sflag:s5] =	ssyncadd.s32 $0xFFFFC000  }
0x30e: {  	[hbm4b:s23+s6] =	stream.linear.scatter [tilespmem:s2], [sflag:$0x4], $0x4000, $0x38;
	[tilespmem:$0x8B80] =	vst v63  }
0x30f: {  	_ =	swait.ge [sflag:s7], $0x4000  }
0x310: {  	[sflag:s7] =	ssyncset.done $0x0  }
0x311: {  	s24 =	simm.s32 $0xA80;
	[sflag:s7] =	ssyncadd.s32 $0xFFFFC000  }
0x312: {  	[tilespmem:s2], [sflag:$0x2] =	stream.indirect.gather [hbm4b:s0+s3], $0x80, s24, s3, $0xb8;
	[tilespmem:$0x8B80] =	vst v63  }
0x313: {  	_ =	swait.ge [sflag:s8], $0x4000  }
0x314: {  	[sflag:s8] =	ssyncset.done $0x0  }
0x315: {  	s25 =	rddreg [dreg:$0x14];
	[sflag:s8] =	ssyncadd.s32 $0xFFFFC000  }
0x316: {  	[hbm4b:s25+s6] =	stream.linear.scatter [tilespmem:s4], [sflag:$0x5], $0x4000, $0x38;
	[tilespmem:$0x8B80] =	vst v63  }
0x317: {  	_ =	swait.ge [sflag:s9], $0x4000  }
0x318: {  	[sflag:s9] =	ssyncset.done $0x0  }
0x319: {  	s26 =	simm.s32 $0xB00;
	[sflag:s9] =	ssyncadd.s32 $0xFFFFC000  }
0x31a: {  	[tilespmem:s4], [sflag:$0x3] =	stream.indirect.gather [hbm4b:s0+s3], $0x80, s26, s3, $0xb8;
	[tilespmem:$0x8B80] =	vst v63  }
0x31b: {  	_ =	swait.ge [sflag:s5], $0x4000  }
0x31c: {  	[sflag:s5] =	ssyncset.done $0x0  }
0x31d: {  	s28 =	rddreg [dreg:$0x15];
	[sflag:s5] =	ssyncadd.s32 $0xFFFFC000  }
0x31e: {  	[hbm4b:s28+s6] =	stream.linear.scatter [tilespmem:s2], [sflag:$0x4], $0x4000, $0x38;
	[tilespmem:$0x8B80] =	vst v63  }
0x31f: {  	_ =	swait.ge [sflag:s8], $0x4000  }
0x320: {  	[sflag:s8] =	ssyncset.done $0x0  }
0x321: {  	s29 =	rddreg [dreg:$0x16];
	[sflag:s8] =	ssyncadd.s32 $0xFFFFC000  }
0x322: {  	[hbm4b:s29+s6] =	stream.linear.scatter [tilespmem:s4], [sflag:$0x5], $0x4000, $0x38;
	[tilespmem:$0x8B80] =	vst v63  }
0x323: {  	_ =	swait.ge [sflag:s7], $0x4000  }
0x324: {  	[sflag:s7] =	ssyncset.done $0x0  }
0x325: {  	[sflag:s7] =	ssyncadd.s32 $0xFFFFC000  }
0x326: {  	_ =	swait.ge [sflag:s9], $0x4000  }
0x327: {  	s30 =	rddreg [dreg:$0x18]  }
0x328: {  	s31 =	rddreg [dreg:$0x17];
	s1 =	sadd.s32 $0x1, s30  }
0x329: {  	p0 =	sne.s32 s1, s31  }
.Ltmp1:
0x32a: {  	_ = 	snop;
	(pc) =	sbr.rel @p0 .LBB2_1-.Ltmp1, $3  }
0x32b: {  	_ =	sdelay $0x1  }
0x32c: {  	[sflag:s9] =	ssyncset.done $0x0  }
0x32d: {  	[sflag:s9] =	ssyncadd.s32 $0xFFFFC000  }
0x32e: {  	_ =	sfence.sel $0x180000  }
0x32f: {  	[bflag:$0x0] =	sbarrier.arrive $0xFFFF  }
0x330: {  	_ =	strace $0x90000047  }
0x331: {  	s0 =	stileid.u32;
	[bflag:$0x2] =	sbarrier.arrive $0xFFFF  }
0x332: {  	p0 =	sne.s32 s0, $0x0;
	s0 =	rddreg [dreg:$0x2]  }
0x333: {  	s0 =	sadd.s32 @!p0 $0x100000, s0  }
0x334: {  	[sflag:s0] =	ssyncadd.tile.s32 @!p0 $0x1;
	_ =	shalt  }
.Lfunc_end2:
_tile_overlayer_lowered:
.L_overlay_start_2:
0x335: {  	(tag) =	ssettag $0x2  }
0x336: {  	s0 =	rddreg [dreg:$0x0];
	s2 =	stileid.u32  }
0x337: {  	s1 =	rddreg [dreg:$0x1];
	p0 =	sne.s32 s2, $0x0  }
0x338: {  	s3 =	rddreg [dreg:$0x2];
	[bflag:$0x3] =	sbarrier.arrive $0xFFFF;
	s2 =	simm.s32 @!p0 $0x1C06  }
0x339: {  	[timem:s3], [sflag:s2] =	dma.local @!p0 [hbm:s0], s1  }
0x33a: {  	s0 =	simm.s32 @!p0 $0x6  }
0x33b: {  	_ =	swait.ge @!p0 [sflag:s0], s1  }
0x33c: {  	s1 =	ssub.s32 @!p0 $0x0, s1;
	[sflag:s0] =	ssyncset.done @!p0 $0x0  }
0x33d: {  	[sflag:s0] =	ssyncadd.s32 @!p0 s1  }
0x33e: {  	[bflag:$0x3] =	sbarrier.arrive $0xFFFF  }
0x33f: {  	_ =	shalt  }

</sc_bundles>
